<compile_context>
chip_gen: v7x
topology: tpu7x:2x2x1
jax: 0.10.2.dev20260603
libtpu: 0.0.44.dev20260713+nightly
codegen_flags: <defaults>
</compile_context>

<pallas_src>
import functools

import jax
import jax.numpy as jnp
from jax import lax
from jax.experimental import pallas as pl
from jax.experimental.pallas import tpu as pltpu
from jax.experimental.pallas import tpu_sc as plsc

MAXD = 200
N = 100000
D = 64
NC, NS, L = 2, 16, 16
NW = NC * NS
BPW = 3200
C = 1600
NCH = BPW // C
CT = N - (NW - 1) * BPW

BL = 1024
NB = 98
NPAD = NB * BL

_mesh = plsc.VectorSubcoreMesh(core_axis_name="c", subcore_axis_name="s")


@functools.partial(
    pl.kernel,
    out_type=jax.ShapeDtypeStruct((NPAD, D), jnp.float32),
    mesh=_mesh,
    scratch_types=[
        pltpu.VMEM((C,), jnp.int32),
        pltpu.VMEM((C,), jnp.int32),
        pltpu.VMEM((C, D), jnp.float32),
        pltpu.VMEM_SHARED((MAXD + 1, D), jnp.float32),
        pltpu.SemaphoreType.DMA,
        pltpu.SemaphoreType.DMA,
    ],
    compiler_params=pltpu.CompilerParams(use_tc_tiling_on_sc=False),
)
def _encode(tt_hbm, dt_hbm, nt_hbm, dp_hbm, out_hbm,
            nt_v, d_v, rows_t, dt_sp, sem_t, sem_d):
    sid = lax.axis_index("s")
    wid = sid * NC + lax.axis_index("c")
    base_w = wid * BPW

    @pl.when(sid == 0)
    def _():
        pltpu.sync_copy(dt_hbm, dt_sp)
    plsc.subcore_barrier()

    def do_chunk(base, c, nt_vc, d_vc, rows_c):
        base = pl.multiple_of(base, 8)
        pltpu.sync_copy(nt_hbm.at[pl.ds(base, c)], nt_vc)
        pltpu.sync_copy(dp_hbm.at[pl.ds(base, c)], d_vc)
        for i in range(c // L):
            sl = pl.ds(i * L, L)
            d_vc[sl] = jnp.minimum(d_vc[sl], MAXD)
        pltpu.async_copy(tt_hbm.at[nt_vc], rows_c, sem_t).wait()
        pltpu.async_copy(dt_sp.at[d_vc], rows_c, sem_d, add=True).wait()
        pltpu.sync_copy(rows_c, out_hbm.at[pl.ds(base, c)])

    for ch in range(NCH):
        base = base_w + ch * C

        @pl.when(base + C <= N)
        def _():
            do_chunk(base, C, nt_v, d_v, rows_t)

    @pl.when(wid == NW - 1)
    def _():
        do_chunk((NW - 1) * BPW, CT,
                 nt_v.at[pl.ds(0, CT)], d_v.at[pl.ds(0, CT)],
                 rows_t.at[pl.ds(0, CT)])


def _eye():
    r = lax.broadcasted_iota(jnp.int32, (D, D), 0)
    c = lax.broadcasted_iota(jnp.int32, (D, D), 1)
    return (r == c).astype(jnp.float32)


def _t_in_body(x_ref, o_ref):
    x = x_ref[...]
    o_ref[...] = lax.dot_general(
        x, _eye(), (((0,), (0,)), ((), ())),
        precision=lax.Precision.HIGHEST,
        preferred_element_type=jnp.float32)[None]


def _t_out_body(x_ref, o_ref):
    x = x_ref[0]
    o_ref[...] = lax.dot_general(
        _eye(), x, (((1,), (1,)), ((), ())),
        precision=lax.Precision.HIGHEST,
        preferred_element_type=jnp.float32)


_t_in = pl.pallas_call(
    _t_in_body,
    grid=(NB,),
    in_specs=[pl.BlockSpec((D, BL), lambda i: (0, i))],
    out_specs=pl.BlockSpec((1, BL, D), lambda i: (i, 0, 0)),
    out_shape=jax.ShapeDtypeStruct((NB, BL, D), jnp.float32),
)

_t_out = pl.pallas_call(
    _t_out_body,
    grid=(NB,),
    in_specs=[pl.BlockSpec((1, BL, D), lambda i: (i, 0, 0))],
    out_specs=pl.BlockSpec((D, BL), lambda i: (0, i)),
    out_shape=jax.ShapeDtypeStruct((D, N), jnp.float32),
)


@jax.jit
def kernel(node_type, depth, type_table, depth_table):
    tt = _t_in(type_table.T).reshape(NPAD, D)
    out = _encode(tt, depth_table,
                  node_type.astype(jnp.int32), depth.astype(jnp.int32))
    return _t_out(out.reshape(NB, BL, D)).T

# --- scband reference (transcript-rebuilt; emitter-appended) ---
"""Pipeline reference for scband-ojfeature-encoder-38568806318319 (READ-ONLY COPY).

The authoritative reference and input builder live on the scoring server;
editing this copy changes nothing except your own understanding.
"""

import jax, jax.numpy as jnp
import numpy as np

MAX_DEPTH = 200
NUM_NODETYPES = 100000
EMB_DIM = 64
N = 100000

def setup_inputs(seed: int = 0) -> dict:
    key = jax.random.key(seed)
    k1, k2, k3, k4 = jax.random.split(key, 4)
    node_type = jax.random.randint(k1, (N,), 0, NUM_NODETYPES)
    depth = jax.random.randint(k2, (N,), 0, 300)
    type_table = jax.random.normal(k3, (NUM_NODETYPES, EMB_DIM), dtype=jnp.float32)
    depth_table = jax.random.normal(k4, (MAX_DEPTH + 1, EMB_DIM), dtype=jnp.float32)
    return {"node_type": node_type, "depth": depth, "type_table": type_table, "depth_table": depth_table}

def reference(node_type, depth, type_table, depth_table):
    # torch code clamps depth in-place: depth[depth > max_depth] = max_depth
    depth_clamped = jnp.minimum(depth, MAX_DEPTH)
    return jnp.take(type_table, node_type, axis=0) + jnp.take(depth_table, depth_clamped, axis=0)

if __name__ == "__main__":
    import jax
    _d = setup_inputs()
    print(jax.jit(kernel)(*tuple(_d.values())))

</pallas_src>

<mosaic_0001>
#map = affine_map<(d0, d1) -> (0, 0)>
#map1 = affine_map<(d0, d1) -> (0)>
module attributes {stable_mosaic.version = 14 : i64} {
  func.func @_encode(%arg0: i32, %arg1: i32, %arg2: memref<100352x64xf32, #tpu.memory_space<hbm>>, %arg3: memref<201x64xf32, #tpu.memory_space<hbm>>, %arg4: memref<100000xi32, #tpu.memory_space<hbm>>, %arg5: memref<100000xi32, #tpu.memory_space<hbm>>, %arg6: memref<100352x64xf32, #tpu.memory_space<hbm>>, %arg7: memref<1600xi32, #tpu.memory_space<vmem>>, %arg8: memref<1600xi32, #tpu.memory_space<vmem>>, %arg9: memref<1600x64xf32, #tpu.memory_space<vmem>>, %arg10: memref<201x64xf32, #tpu.memory_space<vmem_shared>>, %arg11: memref<!tpu.dma_semaphore, #tpu.memory_space<semaphore_mem>>, %arg12: memref<!tpu.dma_semaphore, #tpu.memory_space<semaphore_mem>>) attributes {dimension_semantics = [#tpu.dimension_semantics<core_parallel>, #tpu.dimension_semantics<subcore_parallel>], iteration_bounds = array<i64: 2, 16>, scalar_prefetch = 0 : i64, scratch_operands = 6 : i64, tpu.core_type = #tpu.core_type<sc_vector_subcore>, window_params = [{transform_indices = #map}, {transform_indices = #map}, {transform_indices = #map1}, {transform_indices = #map1}, {transform_indices = #map}]} {
    %mul3A = arith.constant 2 : i32
    %mul3A_0 = arith.muli %arg1, %mul3A : i32
    %add3A = arith.addi %mul3A_0, %arg0 : i32
    %mul3A_1 = arith.constant 3200 : i32
    %mul3A_2 = arith.muli %add3A, %mul3A_1 : i32
    %eq3A = arith.constant 0 : i32
    %eq3A_3 = arith.cmpi eq, %arg1, %eq3A : i32
    %convert_element_type3A = arith.extui %eq3A_3 : i1 to i32
    %cond3A = arith.constant 0 : i32
    %cond3A_4 = arith.cmpi ne, %convert_element_type3A, %cond3A : i32
    scf.if %cond3A_4 {
      "tpu.region"() ({
        %run_scoped3A = tpu.sem_alloc : memref<!tpu.dma_semaphore, #tpu.memory_space<semaphore_mem>>
        tpu.enqueue_dma source(%arg3 : memref<201x64xf32, #tpu.memory_space<hbm>>) target(%arg10 : memref<201x64xf32, #tpu.memory_space<vmem_shared>>) target_semaphore(%run_scoped3A : memref<!tpu.dma_semaphore, #tpu.memory_space<semaphore_mem>>)
        tpu.wait_dma2 semaphore(%run_scoped3A : memref<!tpu.dma_semaphore, #tpu.memory_space<semaphore_mem>>) src(%arg3 : memref<201x64xf32, #tpu.memory_space<hbm>>) dst(%arg10 : memref<201x64xf32, #tpu.memory_space<vmem_shared>>)
        tpu.yield
      }) : () -> ()
    } else {
    }
    %barrier3A = arith.constant 0 : index
    tpu.barrier barrier_id(%barrier3A)
    %add3A_5 = arith.constant 0 : i32
    %add3A_6 = arith.addi %mul3A_2, %add3A_5 : i32
    %add3A_7 = arith.constant 1600 : i32
    %add3A_8 = arith.addi %add3A_6, %add3A_7 : i32
    %le3A = arith.constant 100000 : i32
    %le3A_9 = arith.cmpi sle, %add3A_8, %le3A : i32
    %convert_element_type3A_10 = arith.extui %le3A_9 : i1 to i32
    %cond3A_11 = arith.constant 0 : i32
    %cond3A_12 = arith.cmpi ne, %convert_element_type3A_10, %cond3A_11 : i32
    scf.if %cond3A_12 {
      %multiple_of3A = tpu.assume_multiple %add3A_6, 8 : i32
      "tpu.region"() ({
        %run_scoped3A = tpu.sem_alloc : memref<!tpu.dma_semaphore, #tpu.memory_space<semaphore_mem>>
        %dma_start3A_1034 = tpu.memref_slice %arg4[%multiple_of3A] : memref<100000xi32, #tpu.memory_space<hbm>> -> memref<1600xi32, #tpu.memory_space<hbm>>
        %dma_start3A_1035 = tpu.memref_slice %arg4[%multiple_of3A] : memref<100000xi32, #tpu.memory_space<hbm>> -> memref<1600xi32, #tpu.memory_space<hbm>>
        tpu.enqueue_dma source(%dma_start3A_1035 : memref<1600xi32, #tpu.memory_space<hbm>>) target(%arg7 : memref<1600xi32, #tpu.memory_space<vmem>>) target_semaphore(%run_scoped3A : memref<!tpu.dma_semaphore, #tpu.memory_space<semaphore_mem>>)
        %dma_wait3A_1036 = tpu.memref_slice %arg4[%multiple_of3A] : memref<100000xi32, #tpu.memory_space<hbm>> -> memref<1600xi32, #tpu.memory_space<hbm>>
        %dma_wait3A_1037 = tpu.memref_slice %arg4[%multiple_of3A] : memref<100000xi32, #tpu.memory_space<hbm>> -> memref<1600xi32, #tpu.memory_space<hbm>>
        tpu.wait_dma2 semaphore(%run_scoped3A : memref<!tpu.dma_semaphore, #tpu.memory_space<semaphore_mem>>) src(%dma_wait3A_1037 : memref<1600xi32, #tpu.memory_space<hbm>>) dst(%arg7 : memref<1600xi32, #tpu.memory_space<vmem>>)
        tpu.yield
      }) : () -> ()
      "tpu.region"() ({
        %run_scoped3A = tpu.sem_alloc : memref<!tpu.dma_semaphore, #tpu.memory_space<semaphore_mem>>
        %dma_start3A_1034 = tpu.memref_slice %arg5[%multiple_of3A] : memref<100000xi32, #tpu.memory_space<hbm>> -> memref<1600xi32, #tpu.memory_space<hbm>>
        %dma_start3A_1035 = tpu.memref_slice %arg5[%multiple_of3A] : memref<100000xi32, #tpu.memory_space<hbm>> -> memref<1600xi32, #tpu.memory_space<hbm>>
        tpu.enqueue_dma source(%dma_start3A_1035 : memref<1600xi32, #tpu.memory_space<hbm>>) target(%arg8 : memref<1600xi32, #tpu.memory_space<vmem>>) target_semaphore(%run_scoped3A : memref<!tpu.dma_semaphore, #tpu.memory_space<semaphore_mem>>)
        %dma_wait3A_1036 = tpu.memref_slice %arg5[%multiple_of3A] : memref<100000xi32, #tpu.memory_space<hbm>> -> memref<1600xi32, #tpu.memory_space<hbm>>
        %dma_wait3A_1037 = tpu.memref_slice %arg5[%multiple_of3A] : memref<100000xi32, #tpu.memory_space<hbm>> -> memref<1600xi32, #tpu.memory_space<hbm>>
        tpu.wait_dma2 semaphore(%run_scoped3A : memref<!tpu.dma_semaphore, #tpu.memory_space<semaphore_mem>>) src(%dma_wait3A_1037 : memref<1600xi32, #tpu.memory_space<hbm>>) dst(%arg8 : memref<1600xi32, #tpu.memory_space<vmem>>)
        tpu.yield
      }) : () -> ()
      %get3A = arith.constant 0 : index
      %get3A_27 = tpu.vector_load %arg8[%get3A] {strides = array<i32>} : memref<1600xi32, #tpu.memory_space<vmem>>, vector<16xi32>,
      %get3A_28 = vector.shape_cast %get3A_27 : vector<16xi32> to vector<16xi32>
      %min3A = arith.constant 200 : i32
      %min3A_29 = vector.broadcast %min3A : i32 to vector<16xi32>
      %min3A_30 = arith.minsi %get3A_28, %min3A_29 : vector<16xi32>
      %swap3A = arith.constant 0 : index
      %swap3A_31 = tpu.vector_load %arg8[%swap3A] {strides = array<i32>} : memref<1600xi32, #tpu.memory_space<vmem>>, vector<16xi32>,
      %swap3A_32 = vector.shape_cast %swap3A_31 : vector<16xi32> to vector<16xi32>
      %swap3A_33 = vector.shape_cast %min3A_30 : vector<16xi32> to vector<16xi32>
      tpu.vector_store %arg8[%swap3A], %swap3A_33 {strides = array<i32>} : memref<1600xi32, #tpu.memory_space<vmem>>, vector<16xi32>,
      %get3A_34 = arith.constant 16 : index
      %get3A_35 = tpu.vector_load %arg8[%get3A_34] {strides = array<i32>} : memref<1600xi32, #tpu.memory_space<vmem>>, vector<16xi32>,
      %get3A_36 = vector.shape_cast %get3A_35 : vector<16xi32> to vector<16xi32>
      %min3A_37 = arith.constant 200 : i32
      %min3A_38 = vector.broadcast %min3A_37 : i32 to vector<16xi32>
      %min3A_39 = arith.minsi %get3A_36, %min3A_38 : vector<16xi32>
      %swap3A_40 = arith.constant 16 : index
      %swap3A_41 = tpu.vector_load %arg8[%swap3A_40] {strides = array<i32>} : memref<1600xi32, #tpu.memory_space<vmem>>, vector<16xi32>,
      %swap3A_42 = vector.shape_cast %swap3A_41 : vector<16xi32> to vector<16xi32>
      %swap3A_43 = vector.shape_cast %min3A_39 : vector<16xi32> to vector<16xi32>
      tpu.vector_store %arg8[%swap3A_40], %swap3A_43 {strides = array<i32>} : memref<1600xi32, #tpu.memory_space<vmem>>, vector<16xi32>,
      %get3A_44 = arith.constant 32 : index
      %get3A_45 = tpu.vector_load %arg8[%get3A_44] {strides = array<i32>} : memref<1600xi32, #tpu.memory_space<vmem>>, vector<16xi32>,
      %get3A_46 = vector.shape_cast %get3A_45 : vector<16xi32> to vector<16xi32>
      %min3A_47 = arith.constant 200 : i32
      %min3A_48 = vector.broadcast %min3A_47 : i32 to vector<16xi32>
      %min3A_49 = arith.minsi %get3A_46, %min3A_48 : vector<16xi32>
      %swap3A_50 = arith.constant 32 : index
      %swap3A_51 = tpu.vector_load %arg8[%swap3A_50] {strides = array<i32>} : memref<1600xi32, #tpu.memory_space<vmem>>, vector<16xi32>,
      %swap3A_52 = vector.shape_cast %swap3A_51 : vector<16xi32> to vector<16xi32>
      %swap3A_53 = vector.shape_cast %min3A_49 : vector<16xi32> to vector<16xi32>
      tpu.vector_store %arg8[%swap3A_50], %swap3A_53 {strides = array<i32>} : memref<1600xi32, #tpu.memory_space<vmem>>, vector<16xi32>,
      %get3A_54 = arith.constant 48 : index
      %get3A_55 = tpu.vector_load %arg8[%get3A_54] {strides = array<i32>} : memref<1600xi32, #tpu.memory_space<vmem>>, vector<16xi32>,
      %get3A_56 = vector.shape_cast %get3A_55 : vector<16xi32> to vector<16xi32>
      %min3A_57 = arith.constant 200 : i32
      %min3A_58 = vector.broadcast %min3A_57 : i32 to vector<16xi32>
      %min3A_59 = arith.minsi %get3A_56, %min3A_58 : vector<16xi32>
      %swap3A_60 = arith.constant 48 : index
      %swap3A_61 = tpu.vector_load %arg8[%swap3A_60] {strides = array<i32>} : memref<1600xi32, #tpu.memory_space<vmem>>, vector<16xi32>,
      %swap3A_62 = vector.shape_cast %swap3A_61 : vector<16xi32> to vector<16xi32>
      %swap3A_63 = vector.shape_cast %min3A_59 : vector<16xi32> to vector<16xi32>
      tpu.vector_store %arg8[%swap3A_60], %swap3A_63 {strides = array<i32>} : memref<1600xi32, #tpu.memory_space<vmem>>, vector<16xi32>,
      %get3A_64 = arith.constant 64 : index
      %get3A_65 = tpu.vector_load %arg8[%get3A_64] {strides = array<i32>} : memref<1600xi32, #tpu.memory_space<vmem>>, vector<16xi32>,
      %get3A_66 = vector.shape_cast %get3A_65 : vector<16xi32> to vector<16xi32>
      %min3A_67 = arith.constant 200 : i32
      %min3A_68 = vector.broadcast %min3A_67 : i32 to vector<16xi32>
      %min3A_69 = arith.minsi %get3A_66, %min3A_68 : vector<16xi32>
      %swap3A_70 = arith.constant 64 : index
      %swap3A_71 = tpu.vector_load %arg8[%swap3A_70] {strides = array<i32>} : memref<1600xi32, #tpu.memory_space<vmem>>, vector<16xi32>,
      %swap3A_72 = vector.shape_cast %swap3A_71 : vector<16xi32> to vector<16xi32>
      %swap3A_73 = vector.shape_cast %min3A_69 : vector<16xi32> to vector<16xi32>
      tpu.vector_store %arg8[%swap3A_70], %swap3A_73 {strides = array<i32>} : memref<1600xi32, #tpu.memory_space<vmem>>, vector<16xi32>,
      %get3A_74 = arith.constant 80 : index
      %get3A_75 = tpu.vector_load %arg8[%get3A_74] {strides = array<i32>} : memref<1600xi32, #tpu.memory_space<vmem>>, vector<16xi32>,
      %get3A_76 = vector.shape_cast %get3A_75 : vector<16xi32> to vector<16xi32>
      %min3A_77 = arith.constant 200 : i32
      %min3A_78 = vector.broadcast %min3A_77 : i32 to vector<16xi32>
      %min3A_79 = arith.minsi %get3A_76, %min3A_78 : vector<16xi32>
      %swap3A_80 = arith.constant 80 : index
      %swap3A_81 = tpu.vector_load %arg8[%swap3A_80] {strides = array<i32>} : memref<1600xi32, #tpu.memory_space<vmem>>, vector<16xi32>,
      %swap3A_82 = vector.shape_cast %swap3A_81 : vector<16xi32> to vector<16xi32>
      %swap3A_83 = vector.shape_cast %min3A_79 : vector<16xi32> to vector<16xi32>
      tpu.vector_store %arg8[%swap3A_80], %swap3A_83 {strides = array<i32>} : memref<1600xi32, #tpu.memory_space<vmem>>, vector<16xi32>,
      %get3A_84 = arith.constant 96 : index
      %get3A_85 = tpu.vector_load %arg8[%get3A_84] {strides = array<i32>} : memref<1600xi32, #tpu.memory_space<vmem>>, vector<16xi32>,
      %get3A_86 = vector.shape_cast %get3A_85 : vector<16xi32> to vector<16xi32>
      %min3A_87 = arith.constant 200 : i32
      %min3A_88 = vector.broadcast %min3A_87 : i32 to vector<16xi32>
      %min3A_89 = arith.minsi %get3A_86, %min3A_88 : vector<16xi32>
      %swap3A_90 = arith.constant 96 : index
      %swap3A_91 = tpu.vector_load %arg8[%swap3A_90] {strides = array<i32>} : memref<1600xi32, #tpu.memory_space<vmem>>, vector<16xi32>,
      %swap3A_92 = vector.shape_cast %swap3A_91 : vector<16xi32> to vector<16xi32>
      %swap3A_93 = vector.shape_cast %min3A_89 : vector<16xi32> to vector<16xi32>
      tpu.vector_store %arg8[%swap3A_90], %swap3A_93 {strides = array<i32>} : memref<1600xi32, #tpu.memory_space<vmem>>, vector<16xi32>,
      %get3A_94 = arith.constant 112 : index
      %get3A_95 = tpu.vector_load %arg8[%get3A_94] {strides = array<i32>} : memref<1600xi32, #tpu.memory_space<vmem>>, vector<16xi32>,
      %get3A_96 = vector.shape_cast %get3A_95 : vector<16xi32> to vector<16xi32>
      %min3A_97 = arith.constant 200 : i32
      %min3A_98 = vector.broadcast %min3A_97 : i32 to vector<16xi32>
      %min3A_99 = arith.minsi %get3A_96, %min3A_98 : vector<16xi32>
      %swap3A_100 = arith.constant 112 : index
      %swap3A_101 = tpu.vector_load %arg8[%swap3A_100] {strides = array<i32>} : memref<1600xi32, #tpu.memory_space<vmem>>, vector<16xi32>,
      %swap3A_102 = vector.shape_cast %swap3A_101 : vector<16xi32> to vector<16xi32>
      %swap3A_103 = vector.shape_cast %min3A_99 : vector<16xi32> to vector<16xi32>
      tpu.vector_store %arg8[%swap3A_100], %swap3A_103 {strides = array<i32>} : memref<1600xi32, #tpu.memory_space<vmem>>, vector<16xi32>,
      %get3A_104 = arith.constant 128 : index
      %get3A_105 = tpu.vector_load %arg8[%get3A_104] {strides = array<i32>} : memref<1600xi32, #tpu.memory_space<vmem>>, vector<16xi32>,
      %get3A_106 = vector.shape_cast %get3A_105 : vector<16xi32> to vector<16xi32>
      %min3A_107 = arith.constant 200 : i32
      %min3A_108 = vector.broadcast %min3A_107 : i32 to vector<16xi32>
      %min3A_109 = arith.minsi %get3A_106, %min3A_108 : vector<16xi32>
      %swap3A_110 = arith.constant 128 : index
      %swap3A_111 = tpu.vector_load %arg8[%swap3A_110] {strides = array<i32>} : memref<1600xi32, #tpu.memory_space<vmem>>, vector<16xi32>,
      %swap3A_112 = vector.shape_cast %swap3A_111 : vector<16xi32> to vector<16xi32>
      %swap3A_113 = vector.shape_cast %min3A_109 : vector<16xi32> to vector<16xi32>
      tpu.vector_store %arg8[%swap3A_110], %swap3A_113 {strides = array<i32>} : memref<1600xi32, #tpu.memory_space<vmem>>, vector<16xi32>,
      %get3A_114 = arith.constant 144 : index
      %get3A_115 = tpu.vector_load %arg8[%get3A_114] {strides = array<i32>} : memref<1600xi32, #tpu.memory_space<vmem>>, vector<16xi32>,
      %get3A_116 = vector.shape_cast %get3A_115 : vector<16xi32> to vector<16xi32>
      %min3A_117 = arith.constant 200 : i32
      %min3A_118 = vector.broadcast %min3A_117 : i32 to vector<16xi32>
      %min3A_119 = arith.minsi %get3A_116, %min3A_118 : vector<16xi32>
      %swap3A_120 = arith.constant 144 : index
      %swap3A_121 = tpu.vector_load %arg8[%swap3A_120] {strides = array<i32>} : memref<1600xi32, #tpu.memory_space<vmem>>, vector<16xi32>,
      %swap3A_122 = vector.shape_cast %swap3A_121 : vector<16xi32> to vector<16xi32>
      %swap3A_123 = vector.shape_cast %min3A_119 : vector<16xi32> to vector<16xi32>
      tpu.vector_store %arg8[%swap3A_120], %swap3A_123 {strides = array<i32>} : memref<1600xi32, #tpu.memory_space<vmem>>, vector<16xi32>,
      %get3A_124 = arith.constant 160 : index
      %get3A_125 = tpu.vector_load %arg8[%get3A_124] {strides = array<i32>} : memref<1600xi32, #tpu.memory_space<vmem>>, vector<16xi32>,
      %get3A_126 = vector.shape_cast %get3A_125 : vector<16xi32> to vector<16xi32>
      %min3A_127 = arith.constant 200 : i32
      %min3A_128 = vector.broadcast %min3A_127 : i32 to vector<16xi32>
      %min3A_129 = arith.minsi %get3A_126, %min3A_128 : vector<16xi32>
      %swap3A_130 = arith.constant 160 : index
      %swap3A_131 = tpu.vector_load %arg8[%swap3A_130] {strides = array<i32>} : memref<1600xi32, #tpu.memory_space<vmem>>, vector<16xi32>,
      %swap3A_132 = vector.shape_cast %swap3A_131 : vector<16xi32> to vector<16xi32>
      %swap3A_133 = vector.shape_cast %min3A_129 : vector<16xi32> to vector<16xi32>
      tpu.vector_store %arg8[%swap3A_130], %swap3A_133 {strides = array<i32>} : memref<1600xi32, #tpu.memory_space<vmem>>, vector<16xi32>,
      %get3A_134 = arith.constant 176 : index
      %get3A_135 = tpu.vector_load %arg8[%get3A_134] {strides = array<i32>} : memref<1600xi32, #tpu.memory_space<vmem>>, vector<16xi32>,
      %get3A_136 = vector.shape_cast %get3A_135 : vector<16xi32> to vector<16xi32>
      %min3A_137 = arith.constant 200 : i32
      %min3A_138 = vector.broadcast %min3A_137 : i32 to vector<16xi32>
      %min3A_139 = arith.minsi %get3A_136, %min3A_138 : vector<16xi32>
      %swap3A_140 = arith.constant 176 : index
      %swap3A_141 = tpu.vector_load %arg8[%swap3A_140] {strides = array<i32>} : memref<1600xi32, #tpu.memory_space<vmem>>, vector<16xi32>,
      %swap3A_142 = vector.shape_cast %swap3A_141 : vector<16xi32> to vector<16xi32>
      %swap3A_143 = vector.shape_cast %min3A_139 : vector<16xi32> to vector<16xi32>
      tpu.vector_store %arg8[%swap3A_140], %swap3A_143 {strides = array<i32>} : memref<1600xi32, #tpu.memory_space<vmem>>, vector<16xi32>,
      %get3A_144 = arith.constant 192 : index
      %get3A_145 = tpu.vector_load %arg8[%get3A_144] {strides = array<i32>} : memref<1600xi32, #tpu.memory_space<vmem>>, vector<16xi32>,
      %get3A_146 = vector.shape_cast %get3A_145 : vector<16xi32> to vector<16xi32>
      %min3A_147 = arith.constant 200 : i32
      %min3A_148 = vector.broadcast %min3A_147 : i32 to vector<16xi32>
      %min3A_149 = arith.minsi %get3A_146, %min3A_148 : vector<16xi32>
      %swap3A_150 = arith.constant 192 : index
      %swap3A_151 = tpu.vector_load %arg8[%swap3A_150] {strides = array<i32>} : memref<1600xi32, #tpu.memory_space<vmem>>, vector<16xi32>,
      %swap3A_152 = vector.shape_cast %swap3A_151 : vector<16xi32> to vector<16xi32>
      %swap3A_153 = vector.shape_cast %min3A_149 : vector<16xi32> to vector<16xi32>
      tpu.vector_store %arg8[%swap3A_150], %swap3A_153 {strides = array<i32>} : memref<1600xi32, #tpu.memory_space<vmem>>, vector<16xi32>,
      %get3A_154 = arith.constant 208 : index
      %get3A_155 = tpu.vector_load %arg8[%get3A_154] {strides = array<i32>} : memref<1600xi32, #tpu.memory_space<vmem>>, vector<16xi32>,
      %get3A_156 = vector.shape_cast %get3A_155 : vector<16xi32> to vector<16xi32>
      %min3A_157 = arith.constant 200 : i32
      %min3A_158 = vector.broadcast %min3A_157 : i32 to vector<16xi32>
      %min3A_159 = arith.minsi %get3A_156, %min3A_158 : vector<16xi32>
      %swap3A_160 = arith.constant 208 : index
      %swap3A_161 = tpu.vector_load %arg8[%swap3A_160] {strides = array<i32>} : memref<1600xi32, #tpu.memory_space<vmem>>, vector<16xi32>,
      %swap3A_162 = vector.shape_cast %swap3A_161 : vector<16xi32> to vector<16xi32>
      %swap3A_163 = vector.shape_cast %min3A_159 : vector<16xi32> to vector<16xi32>
      tpu.vector_store %arg8[%swap3A_160], %swap3A_163 {strides = array<i32>} : memref<1600xi32, #tpu.memory_space<vmem>>, vector<16xi32>,
      %get3A_164 = arith.constant 224 : index
      %get3A_165 = tpu.vector_load %arg8[%get3A_164] {strides = array<i32>} : memref<1600xi32, #tpu.memory_space<vmem>>, vector<16xi32>,
      %get3A_166 = vector.shape_cast %get3A_165 : vector<16xi32> to vector<16xi32>
      %min3A_167 = arith.constant 200 : i32
      %min3A_168 = vector.broadcast %min3A_167 : i32 to vector<16xi32>
      %min3A_169 = arith.minsi %get3A_166, %min3A_168 : vector<16xi32>
      %swap3A_170 = arith.constant 224 : index
      %swap3A_171 = tpu.vector_load %arg8[%swap3A_170] {strides = array<i32>} : memref<1600xi32, #tpu.memory_space<vmem>>, vector<16xi32>,
      %swap3A_172 = vector.shape_cast %swap3A_171 : vector<16xi32> to vector<16xi32>
      %swap3A_173 = vector.shape_cast %min3A_169 : vector<16xi32> to vector<16xi32>
      tpu.vector_store %arg8[%swap3A_170], %swap3A_173 {strides = array<i32>} : memref<1600xi32, #tpu.memory_space<vmem>>, vector<16xi32>,
      %get3A_174 = arith.constant 240 : index
      %get3A_175 = tpu.vector_load %arg8[%get3A_174] {strides = array<i32>} : memref<1600xi32, #tpu.memory_space<vmem>>, vector<16xi32>,
      %get3A_176 = vector.shape_cast %get3A_175 : vector<16xi32> to vector<16xi32>
      %min3A_177 = arith.constant 200 : i32
      %min3A_178 = vector.broadcast %min3A_177 : i32 to vector<16xi32>
      %min3A_179 = arith.minsi %get3A_176, %min3A_178 : vector<16xi32>
      %swap3A_180 = arith.constant 240 : index
      %swap3A_181 = tpu.vector_load %arg8[%swap3A_180] {strides = array<i32>} : memref<1600xi32, #tpu.memory_space<vmem>>, vector<16xi32>,
      %swap3A_182 = vector.shape_cast %swap3A_181 : vector<16xi32> to vector<16xi32>
      %swap3A_183 = vector.shape_cast %min3A_179 : vector<16xi32> to vector<16xi32>
      tpu.vector_store %arg8[%swap3A_180], %swap3A_183 {strides = array<i32>} : memref<1600xi32, #tpu.memory_space<vmem>>, vector<16xi32>,
      %get3A_184 = arith.constant 256 : index
      %get3A_185 = tpu.vector_load %arg8[%get3A_184] {strides = array<i32>} : memref<1600xi32, #tpu.memory_space<vmem>>, vector<16xi32>,
      %get3A_186 = vector.shape_cast %get3A_185 : vector<16xi32> to vector<16xi32>
      %min3A_187 = arith.constant 200 : i32
      %min3A_188 = vector.broadcast %min3A_187 : i32 to vector<16xi32>
      %min3A_189 = arith.minsi %get3A_186, %min3A_188 : vector<16xi32>
      %swap3A_190 = arith.constant 256 : index
      %swap3A_191 = tpu.vector_load %arg8[%swap3A_190] {strides = array<i32>} : memref<1600xi32, #tpu.memory_space<vmem>>, vector<16xi32>,
      %swap3A_192 = vector.shape_cast %swap3A_191 : vector<16xi32> to vector<16xi32>
      %swap3A_193 = vector.shape_cast %min3A_189 : vector<16xi32> to vector<16xi32>
      tpu.vector_store %arg8[%swap3A_190], %swap3A_193 {strides = array<i32>} : memref<1600xi32, #tpu.memory_space<vmem>>, vector<16xi32>,
      %get3A_194 = arith.constant 272 : index
      %get3A_195 = tpu.vector_load %arg8[%get3A_194] {strides = array<i32>} : memref<1600xi32, #tpu.memory_space<vmem>>, vector<16xi32>,
      %get3A_196 = vector.shape_cast %get3A_195 : vector<16xi32> to vector<16xi32>
      %min3A_197 = arith.constant 200 : i32
      %min3A_198 = vector.broadcast %min3A_197 : i32 to vector<16xi32>
      %min3A_199 = arith.minsi %get3A_196, %min3A_198 : vector<16xi32>
      %swap3A_200 = arith.constant 272 : index
      %swap3A_201 = tpu.vector_load %arg8[%swap3A_200] {strides = array<i32>} : memref<1600xi32, #tpu.memory_space<vmem>>, vector<16xi32>,
      %swap3A_202 = vector.shape_cast %swap3A_201 : vector<16xi32> to vector<16xi32>
      %swap3A_203 = vector.shape_cast %min3A_199 : vector<16xi32> to vector<16xi32>
      tpu.vector_store %arg8[%swap3A_200], %swap3A_203 {strides = array<i32>} : memref<1600xi32, #tpu.memory_space<vmem>>, vector<16xi32>,
      %get3A_204 = arith.constant 288 : index
      %get3A_205 = tpu.vector_load %arg8[%get3A_204] {strides = array<i32>} : memref<1600xi32, #tpu.memory_space<vmem>>, vector<16xi32>,
      %get3A_206 = vector.shape_cast %get3A_205 : vector<16xi32> to vector<16xi32>
      %min3A_207 = arith.constant 200 : i32
      %min3A_208 = vector.broadcast %min3A_207 : i32 to vector<16xi32>
      %min3A_209 = arith.minsi %get3A_206, %min3A_208 : vector<16xi32>
      %swap3A_210 = arith.constant 288 : index
      %swap3A_211 = tpu.vector_load %arg8[%swap3A_210] {strides = array<i32>} : memref<1600xi32, #tpu.memory_space<vmem>>, vector<16xi32>,
      %swap3A_212 = vector.shape_cast %swap3A_211 : vector<16xi32> to vector<16xi32>
      %swap3A_213 = vector.shape_cast %min3A_209 : vector<16xi32> to vector<16xi32>
      tpu.vector_store %arg8[%swap3A_210], %swap3A_213 {strides = array<i32>} : memref<1600xi32, #tpu.memory_space<vmem>>, vector<16xi32>,
      %get3A_214 = arith.constant 304 : index
      %get3A_215 = tpu.vector_load %arg8[%get3A_214] {strides = array<i32>} : memref<1600xi32, #tpu.memory_space<vmem>>, vector<16xi32>,
      %get3A_216 = vector.shape_cast %get3A_215 : vector<16xi32> to vector<16xi32>
      %min3A_217 = arith.constant 200 : i32
      %min3A_218 = vector.broadcast %min3A_217 : i32 to vector<16xi32>
      %min3A_219 = arith.minsi %get3A_216, %min3A_218 : vector<16xi32>
      %swap3A_220 = arith.constant 304 : index
      %swap3A_221 = tpu.vector_load %arg8[%swap3A_220] {strides = array<i32>} : memref<1600xi32, #tpu.memory_space<vmem>>, vector<16xi32>,
      %swap3A_222 = vector.shape_cast %swap3A_221 : vector<16xi32> to vector<16xi32>
      %swap3A_223 = vector.shape_cast %min3A_219 : vector<16xi32> to vector<16xi32>
      tpu.vector_store %arg8[%swap3A_220], %swap3A_223 {strides = array<i32>} : memref<1600xi32, #tpu.memory_space<vmem>>, vector<16xi32>,
      %get3A_224 = arith.constant 320 : index
      %get3A_225 = tpu.vector_load %arg8[%get3A_224] {strides = array<i32>} : memref<1600xi32, #tpu.memory_space<vmem>>, vector<16xi32>,
      %get3A_226 = vector.shape_cast %get3A_225 : vector<16xi32> to vector<16xi32>
      %min3A_227 = arith.constant 200 : i32
      %min3A_228 = vector.broadcast %min3A_227 : i32 to vector<16xi32>
      %min3A_229 = arith.minsi %get3A_226, %min3A_228 : vector<16xi32>
      %swap3A_230 = arith.constant 320 : index
      %swap3A_231 = tpu.vector_load %arg8[%swap3A_230] {strides = array<i32>} : memref<1600xi32, #tpu.memory_space<vmem>>, vector<16xi32>,
      %swap3A_232 = vector.shape_cast %swap3A_231 : vector<16xi32> to vector<16xi32>
      %swap3A_233 = vector.shape_cast %min3A_229 : vector<16xi32> to vector<16xi32>
      tpu.vector_store %arg8[%swap3A_230], %swap3A_233 {strides = array<i32>} : memref<1600xi32, #tpu.memory_space<vmem>>, vector<16xi32>,
      %get3A_234 = arith.constant 336 : index
      %get3A_235 = tpu.vector_load %arg8[%get3A_234] {strides = array<i32>} : memref<1600xi32, #tpu.memory_space<vmem>>, vector<16xi32>,
      %get3A_236 = vector.shape_cast %get3A_235 : vector<16xi32> to vector<16xi32>
      %min3A_237 = arith.constant 200 : i32
      %min3A_238 = vector.broadcast %min3A_237 : i32 to vector<16xi32>
      %min3A_239 = arith.minsi %get3A_236, %min3A_238 : vector<16xi32>
      %swap3A_240 = arith.constant 336 : index
      %swap3A_241 = tpu.vector_load %arg8[%swap3A_240] {strides = array<i32>} : memref<1600xi32, #tpu.memory_space<vmem>>, vector<16xi32>,
      %swap3A_242 = vector.shape_cast %swap3A_241 : vector<16xi32> to vector<16xi32>
      %swap3A_243 = vector.shape_cast %min3A_239 : vector<16xi32> to vector<16xi32>
      tpu.vector_store %arg8[%swap3A_240], %swap3A_243 {strides = array<i32>} : memref<1600xi32, #tpu.memory_space<vmem>>, vector<16xi32>,
      %get3A_244 = arith.constant 352 : index
      %get3A_245 = tpu.vector_load %arg8[%get3A_244] {strides = array<i32>} : memref<1600xi32, #tpu.memory_space<vmem>>, vector<16xi32>,
      %get3A_246 = vector.shape_cast %get3A_245 : vector<16xi32> to vector<16xi32>
      %min3A_247 = arith.constant 200 : i32
      %min3A_248 = vector.broadcast %min3A_247 : i32 to vector<16xi32>
      %min3A_249 = arith.minsi %get3A_246, %min3A_248 : vector<16xi32>
      %swap3A_250 = arith.constant 352 : index
      %swap3A_251 = tpu.vector_load %arg8[%swap3A_250] {strides = array<i32>} : memref<1600xi32, #tpu.memory_space<vmem>>, vector<16xi32>,
      %swap3A_252 = vector.shape_cast %swap3A_251 : vector<16xi32> to vector<16xi32>
      %swap3A_253 = vector.shape_cast %min3A_249 : vector<16xi32> to vector<16xi32>
      tpu.vector_store %arg8[%swap3A_250], %swap3A_253 {strides = array<i32>} : memref<1600xi32, #tpu.memory_space<vmem>>, vector<16xi32>,
      %get3A_254 = arith.constant 368 : index
      %get3A_255 = tpu.vector_load %arg8[%get3A_254] {strides = array<i32>} : memref<1600xi32, #tpu.memory_space<vmem>>, vector<16xi32>,
      %get3A_256 = vector.shape_cast %get3A_255 : vector<16xi32> to vector<16xi32>
      %min3A_257 = arith.constant 200 : i32
      %min3A_258 = vector.broadcast %min3A_257 : i32 to vector<16xi32>
      %min3A_259 = arith.minsi %get3A_256, %min3A_258 : vector<16xi32>
      %swap3A_260 = arith.constant 368 : index
      %swap3A_261 = tpu.vector_load %arg8[%swap3A_260] {strides = array<i32>} : memref<1600xi32, #tpu.memory_space<vmem>>, vector<16xi32>,
      %swap3A_262 = vector.shape_cast %swap3A_261 : vector<16xi32> to vector<16xi32>
      %swap3A_263 = vector.shape_cast %min3A_259 : vector<16xi32> to vector<16xi32>
      tpu.vector_store %arg8[%swap3A_260], %swap3A_263 {strides = array<i32>} : memref<1600xi32, #tpu.memory_space<vmem>>, vector<16xi32>,
      %get3A_264 = arith.constant 384 : index
      %get3A_265 = tpu.vector_load %arg8[%get3A_264] {strides = array<i32>} : memref<1600xi32, #tpu.memory_space<vmem>>, vector<16xi32>,
      %get3A_266 = vector.shape_cast %get3A_265 : vector<16xi32> to vector<16xi32>
      %min3A_267 = arith.constant 200 : i32
      %min3A_268 = vector.broadcast %min3A_267 : i32 to vector<16xi32>
      %min3A_269 = arith.minsi %get3A_266, %min3A_268 : vector<16xi32>
      %swap3A_270 = arith.constant 384 : index
      %swap3A_271 = tpu.vector_load %arg8[%swap3A_270] {strides = array<i32>} : memref<1600xi32, #tpu.memory_space<vmem>>, vector<16xi32>,
      %swap3A_272 = vector.shape_cast %swap3A_271 : vector<16xi32> to vector<16xi32>
      %swap3A_273 = vector.shape_cast %min3A_269 : vector<16xi32> to vector<16xi32>
      tpu.vector_store %arg8[%swap3A_270], %swap3A_273 {strides = array<i32>} : memref<1600xi32, #tpu.memory_space<vmem>>, vector<16xi32>,
      %get3A_274 = arith.constant 400 : index
      %get3A_275 = tpu.vector_load %arg8[%get3A_274] {strides = array<i32>} : memref<1600xi32, #tpu.memory_space<vmem>>, vector<16xi32>,
      %get3A_276 = vector.shape_cast %get3A_275 : vector<16xi32> to vector<16xi32>
      %min3A_277 = arith.constant 200 : i32
      %min3A_278 = vector.broadcast %min3A_277 : i32 to vector<16xi32>
      %min3A_279 = arith.minsi %get3A_276, %min3A_278 : vector<16xi32>
      %swap3A_280 = arith.constant 400 : index
      %swap3A_281 = tpu.vector_load %arg8[%swap3A_280] {strides = array<i32>} : memref<1600xi32, #tpu.memory_space<vmem>>, vector<16xi32>,
      %swap3A_282 = vector.shape_cast %swap3A_281 : vector<16xi32> to vector<16xi32>
      %swap3A_283 = vector.shape_cast %min3A_279 : vector<16xi32> to vector<16xi32>
      tpu.vector_store %arg8[%swap3A_280], %swap3A_283 {strides = array<i32>} : memref<1600xi32, #tpu.memory_space<vmem>>, vector<16xi32>,
      %get3A_284 = arith.constant 416 : index
      %get3A_285 = tpu.vector_load %arg8[%get3A_284] {strides = array<i32>} : memref<1600xi32, #tpu.memory_space<vmem>>, vector<16xi32>,
      %get3A_286 = vector.shape_cast %get3A_285 : vector<16xi32> to vector<16xi32>
      %min3A_287 = arith.constant 200 : i32
      %min3A_288 = vector.broadcast %min3A_287 : i32 to vector<16xi32>
      %min3A_289 = arith.minsi %get3A_286, %min3A_288 : vector<16xi32>
      %swap3A_290 = arith.constant 416 : index
      %swap3A_291 = tpu.vector_load %arg8[%swap3A_290] {strides = array<i32>} : memref<1600xi32, #tpu.memory_space<vmem>>, vector<16xi32>,
      %swap3A_292 = vector.shape_cast %swap3A_291 : vector<16xi32> to vector<16xi32>
      %swap3A_293 = vector.shape_cast %min3A_289 : vector<16xi32> to vector<16xi32>
      tpu.vector_store %arg8[%swap3A_290], %swap3A_293 {strides = array<i32>} : memref<1600xi32, #tpu.memory_space<vmem>>, vector<16xi32>,
      %get3A_294 = arith.constant 432 : index
      %get3A_295 = tpu.vector_load %arg8[%get3A_294] {strides = array<i32>} : memref<1600xi32, #tpu.memory_space<vmem>>, vector<16xi32>,
      %get3A_296 = vector.shape_cast %get3A_295 : vector<16xi32> to vector<16xi32>
      %min3A_297 = arith.constant 200 : i32
      %min3A_298 = vector.broadcast %min3A_297 : i32 to vector<16xi32>
      %min3A_299 = arith.minsi %get3A_296, %min3A_298 : vector<16xi32>
      %swap3A_300 = arith.constant 432 : index
      %swap3A_301 = tpu.vector_load %arg8[%swap3A_300] {strides = array<i32>} : memref<1600xi32, #tpu.memory_space<vmem>>, vector<16xi32>,
      %swap3A_302 = vector.shape_cast %swap3A_301 : vector<16xi32> to vector<16xi32>
      %swap3A_303 = vector.shape_cast %min3A_299 : vector<16xi32> to vector<16xi32>
      tpu.vector_store %arg8[%swap3A_300], %swap3A_303 {strides = array<i32>} : memref<1600xi32, #tpu.memory_space<vmem>>, vector<16xi32>,
      %get3A_304 = arith.constant 448 : index
      %get3A_305 = tpu.vector_load %arg8[%get3A_304] {strides = array<i32>} : memref<1600xi32, #tpu.memory_space<vmem>>, vector<16xi32>,
      %get3A_306 = vector.shape_cast %get3A_305 : vector<16xi32> to vector<16xi32>
      %min3A_307 = arith.constant 200 : i32
      %min3A_308 = vector.broadcast %min3A_307 : i32 to vector<16xi32>
      %min3A_309 = arith.minsi %get3A_306, %min3A_308 : vector<16xi32>
      %swap3A_310 = arith.constant 448 : index
      %swap3A_311 = tpu.vector_load %arg8[%swap3A_310] {strides = array<i32>} : memref<1600xi32, #tpu.memory_space<vmem>>, vector<16xi32>,
      %swap3A_312 = vector.shape_cast %swap3A_311 : vector<16xi32> to vector<16xi32>
      %swap3A_313 = vector.shape_cast %min3A_309 : vector<16xi32> to vector<16xi32>
      tpu.vector_store %arg8[%swap3A_310], %swap3A_313 {strides = array<i32>} : memref<1600xi32, #tpu.memory_space<vmem>>, vector<16xi32>,
      %get3A_314 = arith.constant 464 : index
      %get3A_315 = tpu.vector_load %arg8[%get3A_314] {strides = array<i32>} : memref<1600xi32, #tpu.memory_space<vmem>>, vector<16xi32>,
      %get3A_316 = vector.shape_cast %get3A_315 : vector<16xi32> to vector<16xi32>
      %min3A_317 = arith.constant 200 : i32
      %min3A_318 = vector.broadcast %min3A_317 : i32 to vector<16xi32>
      %min3A_319 = arith.minsi %get3A_316, %min3A_318 : vector<16xi32>
      %swap3A_320 = arith.constant 464 : index
      %swap3A_321 = tpu.vector_load %arg8[%swap3A_320] {strides = array<i32>} : memref<1600xi32, #tpu.memory_space<vmem>>, vector<16xi32>,
      %swap3A_322 = vector.shape_cast %swap3A_321 : vector<16xi32> to vector<16xi32>
      %swap3A_323 = vector.shape_cast %min3A_319 : vector<16xi32> to vector<16xi32>
      tpu.vector_store %arg8[%swap3A_320], %swap3A_323 {strides = array<i32>} : memref<1600xi32, #tpu.memory_space<vmem>>, vector<16xi32>,
      %get3A_324 = arith.constant 480 : index
      %get3A_325 = tpu.vector_load %arg8[%get3A_324] {strides = array<i32>} : memref<1600xi32, #tpu.memory_space<vmem>>, vector<16xi32>,
      %get3A_326 = vector.shape_cast %get3A_325 : vector<16xi32> to vector<16xi32>
      %min3A_327 = arith.constant 200 : i32
      %min3A_328 = vector.broadcast %min3A_327 : i32 to vector<16xi32>
      %min3A_329 = arith.minsi %get3A_326, %min3A_328 : vector<16xi32>
      %swap3A_330 = arith.constant 480 : index
      %swap3A_331 = tpu.vector_load %arg8[%swap3A_330] {strides = array<i32>} : memref<1600xi32, #tpu.memory_space<vmem>>, vector<16xi32>,
      %swap3A_332 = vector.shape_cast %swap3A_331 : vector<16xi32> to vector<16xi32>
      %swap3A_333 = vector.shape_cast %min3A_329 : vector<16xi32> to vector<16xi32>
      tpu.vector_store %arg8[%swap3A_330], %swap3A_333 {strides = array<i32>} : memref<1600xi32, #tpu.memory_space<vmem>>, vector<16xi32>,
      %get3A_334 = arith.constant 496 : index
      %get3A_335 = tpu.vector_load %arg8[%get3A_334] {strides = array<i32>} : memref<1600xi32, #tpu.memory_space<vmem>>, vector<16xi32>,
      %get3A_336 = vector.shape_cast %get3A_335 : vector<16xi32> to vector<16xi32>
      %min3A_337 = arith.constant 200 : i32
      %min3A_338 = vector.broadcast %min3A_337 : i32 to vector<16xi32>
      %min3A_339 = arith.minsi %get3A_336, %min3A_338 : vector<16xi32>
      %swap3A_340 = arith.constant 496 : index
      %swap3A_341 = tpu.vector_load %arg8[%swap3A_340] {strides = array<i32>} : memref<1600xi32, #tpu.memory_space<vmem>>, vector<16xi32>,
      %swap3A_342 = vector.shape_cast %swap3A_341 : vector<16xi32> to vector<16xi32>
      %swap3A_343 = vector.shape_cast %min3A_339 : vector<16xi32> to vector<16xi32>
      tpu.vector_store %arg8[%swap3A_340], %swap3A_343 {strides = array<i32>} : memref<1600xi32, #tpu.memory_space<vmem>>, vector<16xi32>,
      %get3A_344 = arith.constant 512 : index
      %get3A_345 = tpu.vector_load %arg8[%get3A_344] {strides = array<i32>} : memref<1600xi32, #tpu.memory_space<vmem>>, vector<16xi32>,
      %get3A_346 = vector.shape_cast %get3A_345 : vector<16xi32> to vector<16xi32>
      %min3A_347 = arith.constant 200 : i32
      %min3A_348 = vector.broadcast %min3A_347 : i32 to vector<16xi32>
      %min3A_349 = arith.minsi %get3A_346, %min3A_348 : vector<16xi32>
      %swap3A_350 = arith.constant 512 : index
      %swap3A_351 = tpu.vector_load %arg8[%swap3A_350] {strides = array<i32>} : memref<1600xi32, #tpu.memory_space<vmem>>, vector<16xi32>,
      %swap3A_352 = vector.shape_cast %swap3A_351 : vector<16xi32> to vector<16xi32>
      %swap3A_353 = vector.shape_cast %min3A_349 : vector<16xi32> to vector<16xi32>
      tpu.vector_store %arg8[%swap3A_350], %swap3A_353 {strides = array<i32>} : memref<1600xi32, #tpu.memory_space<vmem>>, vector<16xi32>,
      %get3A_354 = arith.constant 528 : index
      %get3A_355 = tpu.vector_load %arg8[%get3A_354] {strides = array<i32>} : memref<1600xi32, #tpu.memory_space<vmem>>, vector<16xi32>,
      %get3A_356 = vector.shape_cast %get3A_355 : vector<16xi32> to vector<16xi32>
      %min3A_357 = arith.constant 200 : i32
      %min3A_358 = vector.broadcast %min3A_357 : i32 to vector<16xi32>
      %min3A_359 = arith.minsi %get3A_356, %min3A_358 : vector<16xi32>
      %swap3A_360 = arith.constant 528 : index
      %swap3A_361 = tpu.vector_load %arg8[%swap3A_360] {strides = array<i32>} : memref<1600xi32, #tpu.memory_space<vmem>>, vector<16xi32>,
      %swap3A_362 = vector.shape_cast %swap3A_361 : vector<16xi32> to vector<16xi32>
      %swap3A_363 = vector.shape_cast %min3A_359 : vector<16xi32> to vector<16xi32>
      tpu.vector_store %arg8[%swap3A_360], %swap3A_363 {strides = array<i32>} : memref<1600xi32, #tpu.memory_space<vmem>>, vector<16xi32>,
      %get3A_364 = arith.constant 544 : index
      %get3A_365 = tpu.vector_load %arg8[%get3A_364] {strides = array<i32>} : memref<1600xi32, #tpu.memory_space<vmem>>, vector<16xi32>,
      %get3A_366 = vector.shape_cast %get3A_365 : vector<16xi32> to vector<16xi32>
      %min3A_367 = arith.constant 200 : i32
      %min3A_368 = vector.broadcast %min3A_367 : i32 to vector<16xi32>
      %min3A_369 = arith.minsi %get3A_366, %min3A_368 : vector<16xi32>
      %swap3A_370 = arith.constant 544 : index
      %swap3A_371 = tpu.vector_load %arg8[%swap3A_370] {strides = array<i32>} : memref<1600xi32, #tpu.memory_space<vmem>>, vector<16xi32>,
      %swap3A_372 = vector.shape_cast %swap3A_371 : vector<16xi32> to vector<16xi32>
      %swap3A_373 = vector.shape_cast %min3A_369 : vector<16xi32> to vector<16xi32>
      tpu.vector_store %arg8[%swap3A_370], %swap3A_373 {strides = array<i32>} : memref<1600xi32, #tpu.memory_space<vmem>>, vector<16xi32>,
      %get3A_374 = arith.constant 560 : index
      %get3A_375 = tpu.vector_load %arg8[%get3A_374] {strides = array<i32>} : memref<1600xi32, #tpu.memory_space<vmem>>, vector<16xi32>,
      %get3A_376 = vector.shape_cast %get3A_375 : vector<16xi32> to vector<16xi32>
      %min3A_377 = arith.constant 200 : i32
      %min3A_378 = vector.broadcast %min3A_377 : i32 to vector<16xi32>
      %min3A_379 = arith.minsi %get3A_376, %min3A_378 : vector<16xi32>
      %swap3A_380 = arith.constant 560 : index
      %swap3A_381 = tpu.vector_load %arg8[%swap3A_380] {strides = array<i32>} : memref<1600xi32, #tpu.memory_space<vmem>>, vector<16xi32>,
      %swap3A_382 = vector.shape_cast %swap3A_381 : vector<16xi32> to vector<16xi32>
      %swap3A_383 = vector.shape_cast %min3A_379 : vector<16xi32> to vector<16xi32>
      tpu.vector_store %arg8[%swap3A_380], %swap3A_383 {strides = array<i32>} : memref<1600xi32, #tpu.memory_space<vmem>>, vector<16xi32>,
      %get3A_384 = arith.constant 576 : index
      %get3A_385 = tpu.vector_load %arg8[%get3A_384] {strides = array<i32>} : memref<1600xi32, #tpu.memory_space<vmem>>, vector<16xi32>,
      %get3A_386 = vector.shape_cast %get3A_385 : vector<16xi32> to vector<16xi32>
      %min3A_387 = arith.constant 200 : i32
      %min3A_388 = vector.broadcast %min3A_387 : i32 to vector<16xi32>
      %min3A_389 = arith.minsi %get3A_386, %min3A_388 : vector<16xi32>
      %swap3A_390 = arith.constant 576 : index
      %swap3A_391 = tpu.vector_load %arg8[%swap3A_390] {strides = array<i32>} : memref<1600xi32, #tpu.memory_space<vmem>>, vector<16xi32>,
      %swap3A_392 = vector.shape_cast %swap3A_391 : vector<16xi32> to vector<16xi32>
      %swap3A_393 = vector.shape_cast %min3A_389 : vector<16xi32> to vector<16xi32>
      tpu.vector_store %arg8[%swap3A_390], %swap3A_393 {strides = array<i32>} : memref<1600xi32, #tpu.memory_space<vmem>>, vector<16xi32>,
      %get3A_394 = arith.constant 592 : index
      %get3A_395 = tpu.vector_load %arg8[%get3A_394] {strides = array<i32>} : memref<1600xi32, #tpu.memory_space<vmem>>, vector<16xi32>,
      %get3A_396 = vector.shape_cast %get3A_395 : vector<16xi32> to vector<16xi32>
      %min3A_397 = arith.constant 200 : i32
      %min3A_398 = vector.broadcast %min3A_397 : i32 to vector<16xi32>
      %min3A_399 = arith.minsi %get3A_396, %min3A_398 : vector<16xi32>
      %swap3A_400 = arith.constant 592 : index
      %swap3A_401 = tpu.vector_load %arg8[%swap3A_400] {strides = array<i32>} : memref<1600xi32, #tpu.memory_space<vmem>>, vector<16xi32>,
      %swap3A_402 = vector.shape_cast %swap3A_401 : vector<16xi32> to vector<16xi32>
      %swap3A_403 = vector.shape_cast %min3A_399 : vector<16xi32> to vector<16xi32>
      tpu.vector_store %arg8[%swap3A_400], %swap3A_403 {strides = array<i32>} : memref<1600xi32, #tpu.memory_space<vmem>>, vector<16xi32>,
      %get3A_404 = arith.constant 608 : index
      %get3A_405 = tpu.vector_load %arg8[%get3A_404] {strides = array<i32>} : memref<1600xi32, #tpu.memory_space<vmem>>, vector<16xi32>,
      %get3A_406 = vector.shape_cast %get3A_405 : vector<16xi32> to vector<16xi32>
      %min3A_407 = arith.constant 200 : i32
      %min3A_408 = vector.broadcast %min3A_407 : i32 to vector<16xi32>
      %min3A_409 = arith.minsi %get3A_406, %min3A_408 : vector<16xi32>
      %swap3A_410 = arith.constant 608 : index
      %swap3A_411 = tpu.vector_load %arg8[%swap3A_410] {strides = array<i32>} : memref<1600xi32, #tpu.memory_space<vmem>>, vector<16xi32>,
      %swap3A_412 = vector.shape_cast %swap3A_411 : vector<16xi32> to vector<16xi32>
      %swap3A_413 = vector.shape_cast %min3A_409 : vector<16xi32> to vector<16xi32>
      tpu.vector_store %arg8[%swap3A_410], %swap3A_413 {strides = array<i32>} : memref<1600xi32, #tpu.memory_space<vmem>>, vector<16xi32>,
      %get3A_414 = arith.constant 624 : index
      %get3A_415 = tpu.vector_load %arg8[%get3A_414] {strides = array<i32>} : memref<1600xi32, #tpu.memory_space<vmem>>, vector<16xi32>,
      %get3A_416 = vector.shape_cast %get3A_415 : vector<16xi32> to vector<16xi32>
      %min3A_417 = arith.constant 200 : i32
      %min3A_418 = vector.broadcast %min3A_417 : i32 to vector<16xi32>
      %min3A_419 = arith.minsi %get3A_416, %min3A_418 : vector<16xi32>
      %swap3A_420 = arith.constant 624 : index
      %swap3A_421 = tpu.vector_load %arg8[%swap3A_420] {strides = array<i32>} : memref<1600xi32, #tpu.memory_space<vmem>>, vector<16xi32>,
      %swap3A_422 = vector.shape_cast %swap3A_421 : vector<16xi32> to vector<16xi32>
      %swap3A_423 = vector.shape_cast %min3A_419 : vector<16xi32> to vector<16xi32>
      tpu.vector_store %arg8[%swap3A_420], %swap3A_423 {strides = array<i32>} : memref<1600xi32, #tpu.memory_space<vmem>>, vector<16xi32>,
      %get3A_424 = arith.constant 640 : index
      %get3A_425 = tpu.vector_load %arg8[%get3A_424] {strides = array<i32>} : memref<1600xi32, #tpu.memory_space<vmem>>, vector<16xi32>,
      %get3A_426 = vector.shape_cast %get3A_425 : vector<16xi32> to vector<16xi32>
      %min3A_427 = arith.constant 200 : i32
      %min3A_428 = vector.broadcast %min3A_427 : i32 to vector<16xi32>
      %min3A_429 = arith.minsi %get3A_426, %min3A_428 : vector<16xi32>
      %swap3A_430 = arith.constant 640 : index
      %swap3A_431 = tpu.vector_load %arg8[%swap3A_430] {strides = array<i32>} : memref<1600xi32, #tpu.memory_space<vmem>>, vector<16xi32>,
      %swap3A_432 = vector.shape_cast %swap3A_431 : vector<16xi32> to vector<16xi32>
      %swap3A_433 = vector.shape_cast %min3A_429 : vector<16xi32> to vector<16xi32>
      tpu.vector_store %arg8[%swap3A_430], %swap3A_433 {strides = array<i32>} : memref<1600xi32, #tpu.memory_space<vmem>>, vector<16xi32>,
      %get3A_434 = arith.constant 656 : index
      %get3A_435 = tpu.vector_load %arg8[%get3A_434] {strides = array<i32>} : memref<1600xi32, #tpu.memory_space<vmem>>, vector<16xi32>,
      %get3A_436 = vector.shape_cast %get3A_435 : vector<16xi32> to vector<16xi32>
      %min3A_437 = arith.constant 200 : i32
      %min3A_438 = vector.broadcast %min3A_437 : i32 to vector<16xi32>
      %min3A_439 = arith.minsi %get3A_436, %min3A_438 : vector<16xi32>
      %swap3A_440 = arith.constant 656 : index
      %swap3A_441 = tpu.vector_load %arg8[%swap3A_440] {strides = array<i32>} : memref<1600xi32, #tpu.memory_space<vmem>>, vector<16xi32>,
      %swap3A_442 = vector.shape_cast %swap3A_441 : vector<16xi32> to vector<16xi32>
      %swap3A_443 = vector.shape_cast %min3A_439 : vector<16xi32> to vector<16xi32>
      tpu.vector_store %arg8[%swap3A_440], %swap3A_443 {strides = array<i32>} : memref<1600xi32, #tpu.memory_space<vmem>>, vector<16xi32>,
      %get3A_444 = arith.constant 672 : index
      %get3A_445 = tpu.vector_load %arg8[%get3A_444] {strides = array<i32>} : memref<1600xi32, #tpu.memory_space<vmem>>, vector<16xi32>,
      %get3A_446 = vector.shape_cast %get3A_445 : vector<16xi32> to vector<16xi32>
      %min3A_447 = arith.constant 200 : i32
      %min3A_448 = vector.broadcast %min3A_447 : i32 to vector<16xi32>
      %min3A_449 = arith.minsi %get3A_446, %min3A_448 : vector<16xi32>
      %swap3A_450 = arith.constant 672 : index
      %swap3A_451 = tpu.vector_load %arg8[%swap3A_450] {strides = array<i32>} : memref<1600xi32, #tpu.memory_space<vmem>>, vector<16xi32>,
      %swap3A_452 = vector.shape_cast %swap3A_451 : vector<16xi32> to vector<16xi32>
      %swap3A_453 = vector.shape_cast %min3A_449 : vector<16xi32> to vector<16xi32>
      tpu.vector_store %arg8[%swap3A_450], %swap3A_453 {strides = array<i32>} : memref<1600xi32, #tpu.memory_space<vmem>>, vector<16xi32>,
      %get3A_454 = arith.constant 688 : index
      %get3A_455 = tpu.vector_load %arg8[%get3A_454] {strides = array<i32>} : memref<1600xi32, #tpu.memory_space<vmem>>, vector<16xi32>,
      %get3A_456 = vector.shape_cast %get3A_455 : vector<16xi32> to vector<16xi32>
      %min3A_457 = arith.constant 200 : i32
      %min3A_458 = vector.broadcast %min3A_457 : i32 to vector<16xi32>
      %min3A_459 = arith.minsi %get3A_456, %min3A_458 : vector<16xi32>
      %swap3A_460 = arith.constant 688 : index
      %swap3A_461 = tpu.vector_load %arg8[%swap3A_460] {strides = array<i32>} : memref<1600xi32, #tpu.memory_space<vmem>>, vector<16xi32>,
      %swap3A_462 = vector.shape_cast %swap3A_461 : vector<16xi32> to vector<16xi32>
      %swap3A_463 = vector.shape_cast %min3A_459 : vector<16xi32> to vector<16xi32>
      tpu.vector_store %arg8[%swap3A_460], %swap3A_463 {strides = array<i32>} : memref<1600xi32, #tpu.memory_space<vmem>>, vector<16xi32>,
      %get3A_464 = arith.constant 704 : index
      %get3A_465 = tpu.vector_load %arg8[%get3A_464] {strides = array<i32>} : memref<1600xi32, #tpu.memory_space<vmem>>, vector<16xi32>,
      %get3A_466 = vector.shape_cast %get3A_465 : vector<16xi32> to vector<16xi32>
      %min3A_467 = arith.constant 200 : i32
      %min3A_468 = vector.broadcast %min3A_467 : i32 to vector<16xi32>
      %min3A_469 = arith.minsi %get3A_466, %min3A_468 : vector<16xi32>
      %swap3A_470 = arith.constant 704 : index
      %swap3A_471 = tpu.vector_load %arg8[%swap3A_470] {strides = array<i32>} : memref<1600xi32, #tpu.memory_space<vmem>>, vector<16xi32>,
      %swap3A_472 = vector.shape_cast %swap3A_471 : vector<16xi32> to vector<16xi32>
      %swap3A_473 = vector.shape_cast %min3A_469 : vector<16xi32> to vector<16xi32>
      tpu.vector_store %arg8[%swap3A_470], %swap3A_473 {strides = array<i32>} : memref<1600xi32, #tpu.memory_space<vmem>>, vector<16xi32>,
      %get3A_474 = arith.constant 720 : index
      %get3A_475 = tpu.vector_load %arg8[%get3A_474] {strides = array<i32>} : memref<1600xi32, #tpu.memory_space<vmem>>, vector<16xi32>,
      %get3A_476 = vector.shape_cast %get3A_475 : vector<16xi32> to vector<16xi32>
      %min3A_477 = arith.constant 200 : i32
      %min3A_478 = vector.broadcast %min3A_477 : i32 to vector<16xi32>
      %min3A_479 = arith.minsi %get3A_476, %min3A_478 : vector<16xi32>
      %swap3A_480 = arith.constant 720 : index
      %swap3A_481 = tpu.vector_load %arg8[%swap3A_480] {strides = array<i32>} : memref<1600xi32, #tpu.memory_space<vmem>>, vector<16xi32>,
      %swap3A_482 = vector.shape_cast %swap3A_481 : vector<16xi32> to vector<16xi32>
      %swap3A_483 = vector.shape_cast %min3A_479 : vector<16xi32> to vector<16xi32>
      tpu.vector_store %arg8[%swap3A_480], %swap3A_483 {strides = array<i32>} : memref<1600xi32, #tpu.memory_space<vmem>>, vector<16xi32>,
      %get3A_484 = arith.constant 736 : index
      %get3A_485 = tpu.vector_load %arg8[%get3A_484] {strides = array<i32>} : memref<1600xi32, #tpu.memory_space<vmem>>, vector<16xi32>,
      %get3A_486 = vector.shape_cast %get3A_485 : vector<16xi32> to vector<16xi32>
      %min3A_487 = arith.constant 200 : i32
      %min3A_488 = vector.broadcast %min3A_487 : i32 to vector<16xi32>
      %min3A_489 = arith.minsi %get3A_486, %min3A_488 : vector<16xi32>
      %swap3A_490 = arith.constant 736 : index
      %swap3A_491 = tpu.vector_load %arg8[%swap3A_490] {strides = array<i32>} : memref<1600xi32, #tpu.memory_space<vmem>>, vector<16xi32>,
      %swap3A_492 = vector.shape_cast %swap3A_491 : vector<16xi32> to vector<16xi32>
      %swap3A_493 = vector.shape_cast %min3A_489 : vector<16xi32> to vector<16xi32>
      tpu.vector_store %arg8[%swap3A_490], %swap3A_493 {strides = array<i32>} : memref<1600xi32, #tpu.memory_space<vmem>>, vector<16xi32>,
      %get3A_494 = arith.constant 752 : index
      %get3A_495 = tpu.vector_load %arg8[%get3A_494] {strides = array<i32>} : memref<1600xi32, #tpu.memory_space<vmem>>, vector<16xi32>,
      %get3A_496 = vector.shape_cast %get3A_495 : vector<16xi32> to vector<16xi32>
      %min3A_497 = arith.constant 200 : i32
      %min3A_498 = vector.broadcast %min3A_497 : i32 to vector<16xi32>
      %min3A_499 = arith.minsi %get3A_496, %min3A_498 : vector<16xi32>
      %swap3A_500 = arith.constant 752 : index
      %swap3A_501 = tpu.vector_load %arg8[%swap3A_500] {strides = array<i32>} : memref<1600xi32, #tpu.memory_space<vmem>>, vector<16xi32>,
      %swap3A_502 = vector.shape_cast %swap3A_501 : vector<16xi32> to vector<16xi32>
      %swap3A_503 = vector.shape_cast %min3A_499 : vector<16xi32> to vector<16xi32>
      tpu.vector_store %arg8[%swap3A_500], %swap3A_503 {strides = array<i32>} : memref<1600xi32, #tpu.memory_space<vmem>>, vector<16xi32>,
      %get3A_504 = arith.constant 768 : index
      %get3A_505 = tpu.vector_load %arg8[%get3A_504] {strides = array<i32>} : memref<1600xi32, #tpu.memory_space<vmem>>, vector<16xi32>,
      %get3A_506 = vector.shape_cast %get3A_505 : vector<16xi32> to vector<16xi32>
      %min3A_507 = arith.constant 200 : i32
      %min3A_508 = vector.broadcast %min3A_507 : i32 to vector<16xi32>
      %min3A_509 = arith.minsi %get3A_506, %min3A_508 : vector<16xi32>
      %swap3A_510 = arith.constant 768 : index
      %swap3A_511 = tpu.vector_load %arg8[%swap3A_510] {strides = array<i32>} : memref<1600xi32, #tpu.memory_space<vmem>>, vector<16xi32>,
      %swap3A_512 = vector.shape_cast %swap3A_511 : vector<16xi32> to vector<16xi32>
      %swap3A_513 = vector.shape_cast %min3A_509 : vector<16xi32> to vector<16xi32>
      tpu.vector_store %arg8[%swap3A_510], %swap3A_513 {strides = array<i32>} : memref<1600xi32, #tpu.memory_space<vmem>>, vector<16xi32>,
      %get3A_514 = arith.constant 784 : index
      %get3A_515 = tpu.vector_load %arg8[%get3A_514] {strides = array<i32>} : memref<1600xi32, #tpu.memory_space<vmem>>, vector<16xi32>,
      %get3A_516 = vector.shape_cast %get3A_515 : vector<16xi32> to vector<16xi32>
      %min3A_517 = arith.constant 200 : i32
      %min3A_518 = vector.broadcast %min3A_517 : i32 to vector<16xi32>
      %min3A_519 = arith.minsi %get3A_516, %min3A_518 : vector<16xi32>
      %swap3A_520 = arith.constant 784 : index
      %swap3A_521 = tpu.vector_load %arg8[%swap3A_520] {strides = array<i32>} : memref<1600xi32, #tpu.memory_space<vmem>>, vector<16xi32>,
      %swap3A_522 = vector.shape_cast %swap3A_521 : vector<16xi32> to vector<16xi32>
      %swap3A_523 = vector.shape_cast %min3A_519 : vector<16xi32> to vector<16xi32>
      tpu.vector_store %arg8[%swap3A_520], %swap3A_523 {strides = array<i32>} : memref<1600xi32, #tpu.memory_space<vmem>>, vector<16xi32>,
      %get3A_524 = arith.constant 800 : index
      %get3A_525 = tpu.vector_load %arg8[%get3A_524] {strides = array<i32>} : memref<1600xi32, #tpu.memory_space<vmem>>, vector<16xi32>,
      %get3A_526 = vector.shape_cast %get3A_525 : vector<16xi32> to vector<16xi32>
      %min3A_527 = arith.constant 200 : i32
      %min3A_528 = vector.broadcast %min3A_527 : i32 to vector<16xi32>
      %min3A_529 = arith.minsi %get3A_526, %min3A_528 : vector<16xi32>
      %swap3A_530 = arith.constant 800 : index
      %swap3A_531 = tpu.vector_load %arg8[%swap3A_530] {strides = array<i32>} : memref<1600xi32, #tpu.memory_space<vmem>>, vector<16xi32>,
      %swap3A_532 = vector.shape_cast %swap3A_531 : vector<16xi32> to vector<16xi32>
      %swap3A_533 = vector.shape_cast %min3A_529 : vector<16xi32> to vector<16xi32>
      tpu.vector_store %arg8[%swap3A_530], %swap3A_533 {strides = array<i32>} : memref<1600xi32, #tpu.memory_space<vmem>>, vector<16xi32>,
      %get3A_534 = arith.constant 816 : index
      %get3A_535 = tpu.vector_load %arg8[%get3A_534] {strides = array<i32>} : memref<1600xi32, #tpu.memory_space<vmem>>, vector<16xi32>,
      %get3A_536 = vector.shape_cast %get3A_535 : vector<16xi32> to vector<16xi32>
      %min3A_537 = arith.constant 200 : i32
      %min3A_538 = vector.broadcast %min3A_537 : i32 to vector<16xi32>
      %min3A_539 = arith.minsi %get3A_536, %min3A_538 : vector<16xi32>
      %swap3A_540 = arith.constant 816 : index
      %swap3A_541 = tpu.vector_load %arg8[%swap3A_540] {strides = array<i32>} : memref<1600xi32, #tpu.memory_space<vmem>>, vector<16xi32>,
      %swap3A_542 = vector.shape_cast %swap3A_541 : vector<16xi32> to vector<16xi32>
      %swap3A_543 = vector.shape_cast %min3A_539 : vector<16xi32> to vector<16xi32>
      tpu.vector_store %arg8[%swap3A_540], %swap3A_543 {strides = array<i32>} : memref<1600xi32, #tpu.memory_space<vmem>>, vector<16xi32>,
      %get3A_544 = arith.constant 832 : index
      %get3A_545 = tpu.vector_load %arg8[%get3A_544] {strides = array<i32>} : memref<1600xi32, #tpu.memory_space<vmem>>, vector<16xi32>,
      %get3A_546 = vector.shape_cast %get3A_545 : vector<16xi32> to vector<16xi32>
      %min3A_547 = arith.constant 200 : i32
      %min3A_548 = vector.broadcast %min3A_547 : i32 to vector<16xi32>
      %min3A_549 = arith.minsi %get3A_546, %min3A_548 : vector<16xi32>
      %swap3A_550 = arith.constant 832 : index
      %swap3A_551 = tpu.vector_load %arg8[%swap3A_550] {strides = array<i32>} : memref<1600xi32, #tpu.memory_space<vmem>>, vector<16xi32>,
      %swap3A_552 = vector.shape_cast %swap3A_551 : vector<16xi32> to vector<16xi32>
      %swap3A_553 = vector.shape_cast %min3A_549 : vector<16xi32> to vector<16xi32>
      tpu.vector_store %arg8[%swap3A_550], %swap3A_553 {strides = array<i32>} : memref<1600xi32, #tpu.memory_space<vmem>>, vector<16xi32>,
      %get3A_554 = arith.constant 848 : index
      %get3A_555 = tpu.vector_load %arg8[%get3A_554] {strides = array<i32>} : memref<1600xi32, #tpu.memory_space<vmem>>, vector<16xi32>,
      %get3A_556 = vector.shape_cast %get3A_555 : vector<16xi32> to vector<16xi32>
      %min3A_557 = arith.constant 200 : i32
      %min3A_558 = vector.broadcast %min3A_557 : i32 to vector<16xi32>
      %min3A_559 = arith.minsi %get3A_556, %min3A_558 : vector<16xi32>
      %swap3A_560 = arith.constant 848 : index
      %swap3A_561 = tpu.vector_load %arg8[%swap3A_560] {strides = array<i32>} : memref<1600xi32, #tpu.memory_space<vmem>>, vector<16xi32>,
      %swap3A_562 = vector.shape_cast %swap3A_561 : vector<16xi32> to vector<16xi32>
      %swap3A_563 = vector.shape_cast %min3A_559 : vector<16xi32> to vector<16xi32>
      tpu.vector_store %arg8[%swap3A_560], %swap3A_563 {strides = array<i32>} : memref<1600xi32, #tpu.memory_space<vmem>>, vector<16xi32>,
      %get3A_564 = arith.constant 864 : index
      %get3A_565 = tpu.vector_load %arg8[%get3A_564] {strides = array<i32>} : memref<1600xi32, #tpu.memory_space<vmem>>, vector<16xi32>,
      %get3A_566 = vector.shape_cast %get3A_565 : vector<16xi32> to vector<16xi32>
      %min3A_567 = arith.constant 200 : i32
      %min3A_568 = vector.broadcast %min3A_567 : i32 to vector<16xi32>
      %min3A_569 = arith.minsi %get3A_566, %min3A_568 : vector<16xi32>
      %swap3A_570 = arith.constant 864 : index
      %swap3A_571 = tpu.vector_load %arg8[%swap3A_570] {strides = array<i32>} : memref<1600xi32, #tpu.memory_space<vmem>>, vector<16xi32>,
      %swap3A_572 = vector.shape_cast %swap3A_571 : vector<16xi32> to vector<16xi32>
      %swap3A_573 = vector.shape_cast %min3A_569 : vector<16xi32> to vector<16xi32>
      tpu.vector_store %arg8[%swap3A_570], %swap3A_573 {strides = array<i32>} : memref<1600xi32, #tpu.memory_space<vmem>>, vector<16xi32>,
      %get3A_574 = arith.constant 880 : index
      %get3A_575 = tpu.vector_load %arg8[%get3A_574] {strides = array<i32>} : memref<1600xi32, #tpu.memory_space<vmem>>, vector<16xi32>,
      %get3A_576 = vector.shape_cast %get3A_575 : vector<16xi32> to vector<16xi32>
      %min3A_577 = arith.constant 200 : i32
      %min3A_578 = vector.broadcast %min3A_577 : i32 to vector<16xi32>
      %min3A_579 = arith.minsi %get3A_576, %min3A_578 : vector<16xi32>
      %swap3A_580 = arith.constant 880 : index
      %swap3A_581 = tpu.vector_load %arg8[%swap3A_580] {strides = array<i32>} : memref<1600xi32, #tpu.memory_space<vmem>>, vector<16xi32>,
      %swap3A_582 = vector.shape_cast %swap3A_581 : vector<16xi32> to vector<16xi32>
      %swap3A_583 = vector.shape_cast %min3A_579 : vector<16xi32> to vector<16xi32>
      tpu.vector_store %arg8[%swap3A_580], %swap3A_583 {strides = array<i32>} : memref<1600xi32, #tpu.memory_space<vmem>>, vector<16xi32>,
      %get3A_584 = arith.constant 896 : index
      %get3A_585 = tpu.vector_load %arg8[%get3A_584] {strides = array<i32>} : memref<1600xi32, #tpu.memory_space<vmem>>, vector<16xi32>,
      %get3A_586 = vector.shape_cast %get3A_585 : vector<16xi32> to vector<16xi32>
      %min3A_587 = arith.constant 200 : i32
      %min3A_588 = vector.broadcast %min3A_587 : i32 to vector<16xi32>
      %min3A_589 = arith.minsi %get3A_586, %min3A_588 : vector<16xi32>
      %swap3A_590 = arith.constant 896 : index
      %swap3A_591 = tpu.vector_load %arg8[%swap3A_590] {strides = array<i32>} : memref<1600xi32, #tpu.memory_space<vmem>>, vector<16xi32>,
      %swap3A_592 = vector.shape_cast %swap3A_591 : vector<16xi32> to vector<16xi32>
      %swap3A_593 = vector.shape_cast %min3A_589 : vector<16xi32> to vector<16xi32>
      tpu.vector_store %arg8[%swap3A_590], %swap3A_593 {strides = array<i32>} : memref<1600xi32, #tpu.memory_space<vmem>>, vector<16xi32>,
      %get3A_594 = arith.constant 912 : index
      %get3A_595 = tpu.vector_load %arg8[%get3A_594] {strides = array<i32>} : memref<1600xi32, #tpu.memory_space<vmem>>, vector<16xi32>,
      %get3A_596 = vector.shape_cast %get3A_595 : vector<16xi32> to vector<16xi32>
      %min3A_597 = arith.constant 200 : i32
      %min3A_598 = vector.broadcast %min3A_597 : i32 to vector<16xi32>
      %min3A_599 = arith.minsi %get3A_596, %min3A_598 : vector<16xi32>
      %swap3A_600 = arith.constant 912 : index
      %swap3A_601 = tpu.vector_load %arg8[%swap3A_600] {strides = array<i32>} : memref<1600xi32, #tpu.memory_space<vmem>>, vector<16xi32>,
      %swap3A_602 = vector.shape_cast %swap3A_601 : vector<16xi32> to vector<16xi32>
      %swap3A_603 = vector.shape_cast %min3A_599 : vector<16xi32> to vector<16xi32>
      tpu.vector_store %arg8[%swap3A_600], %swap3A_603 {strides = array<i32>} : memref<1600xi32, #tpu.memory_space<vmem>>, vector<16xi32>,
      %get3A_604 = arith.constant 928 : index
      %get3A_605 = tpu.vector_load %arg8[%get3A_604] {strides = array<i32>} : memref<1600xi32, #tpu.memory_space<vmem>>, vector<16xi32>,
      %get3A_606 = vector.shape_cast %get3A_605 : vector<16xi32> to vector<16xi32>
      %min3A_607 = arith.constant 200 : i32
      %min3A_608 = vector.broadcast %min3A_607 : i32 to vector<16xi32>
      %min3A_609 = arith.minsi %get3A_606, %min3A_608 : vector<16xi32>
      %swap3A_610 = arith.constant 928 : index
      %swap3A_611 = tpu.vector_load %arg8[%swap3A_610] {strides = array<i32>} : memref<1600xi32, #tpu.memory_space<vmem>>, vector<16xi32>,
      %swap3A_612 = vector.shape_cast %swap3A_611 : vector<16xi32> to vector<16xi32>
      %swap3A_613 = vector.shape_cast %min3A_609 : vector<16xi32> to vector<16xi32>
      tpu.vector_store %arg8[%swap3A_610], %swap3A_613 {strides = array<i32>} : memref<1600xi32, #tpu.memory_space<vmem>>, vector<16xi32>,
      %get3A_614 = arith.constant 944 : index
      %get3A_615 = tpu.vector_load %arg8[%get3A_614] {strides = array<i32>} : memref<1600xi32, #tpu.memory_space<vmem>>, vector<16xi32>,
      %get3A_616 = vector.shape_cast %get3A_615 : vector<16xi32> to vector<16xi32>
      %min3A_617 = arith.constant 200 : i32
      %min3A_618 = vector.broadcast %min3A_617 : i32 to vector<16xi32>
      %min3A_619 = arith.minsi %get3A_616, %min3A_618 : vector<16xi32>
      %swap3A_620 = arith.constant 944 : index
      %swap3A_621 = tpu.vector_load %arg8[%swap3A_620] {strides = array<i32>} : memref<1600xi32, #tpu.memory_space<vmem>>, vector<16xi32>,
      %swap3A_622 = vector.shape_cast %swap3A_621 : vector<16xi32> to vector<16xi32>
      %swap3A_623 = vector.shape_cast %min3A_619 : vector<16xi32> to vector<16xi32>
      tpu.vector_store %arg8[%swap3A_620], %swap3A_623 {strides = array<i32>} : memref<1600xi32, #tpu.memory_space<vmem>>, vector<16xi32>,
      %get3A_624 = arith.constant 960 : index
      %get3A_625 = tpu.vector_load %arg8[%get3A_624] {strides = array<i32>} : memref<1600xi32, #tpu.memory_space<vmem>>, vector<16xi32>,
      %get3A_626 = vector.shape_cast %get3A_625 : vector<16xi32> to vector<16xi32>
      %min3A_627 = arith.constant 200 : i32
      %min3A_628 = vector.broadcast %min3A_627 : i32 to vector<16xi32>
      %min3A_629 = arith.minsi %get3A_626, %min3A_628 : vector<16xi32>
      %swap3A_630 = arith.constant 960 : index
      %swap3A_631 = tpu.vector_load %arg8[%swap3A_630] {strides = array<i32>} : memref<1600xi32, #tpu.memory_space<vmem>>, vector<16xi32>,
      %swap3A_632 = vector.shape_cast %swap3A_631 : vector<16xi32> to vector<16xi32>
      %swap3A_633 = vector.shape_cast %min3A_629 : vector<16xi32> to vector<16xi32>
      tpu.vector_store %arg8[%swap3A_630], %swap3A_633 {strides = array<i32>} : memref<1600xi32, #tpu.memory_space<vmem>>, vector<16xi32>,
      %get3A_634 = arith.constant 976 : index
      %get3A_635 = tpu.vector_load %arg8[%get3A_634] {strides = array<i32>} : memref<1600xi32, #tpu.memory_space<vmem>>, vector<16xi32>,
      %get3A_636 = vector.shape_cast %get3A_635 : vector<16xi32> to vector<16xi32>
      %min3A_637 = arith.constant 200 : i32
      %min3A_638 = vector.broadcast %min3A_637 : i32 to vector<16xi32>
      %min3A_639 = arith.minsi %get3A_636, %min3A_638 : vector<16xi32>
      %swap3A_640 = arith.constant 976 : index
      %swap3A_641 = tpu.vector_load %arg8[%swap3A_640] {strides = array<i32>} : memref<1600xi32, #tpu.memory_space<vmem>>, vector<16xi32>,
      %swap3A_642 = vector.shape_cast %swap3A_641 : vector<16xi32> to vector<16xi32>
      %swap3A_643 = vector.shape_cast %min3A_639 : vector<16xi32> to vector<16xi32>
      tpu.vector_store %arg8[%swap3A_640], %swap3A_643 {strides = array<i32>} : memref<1600xi32, #tpu.memory_space<vmem>>, vector<16xi32>,
      %get3A_644 = arith.constant 992 : index
      %get3A_645 = tpu.vector_load %arg8[%get3A_644] {strides = array<i32>} : memref<1600xi32, #tpu.memory_space<vmem>>, vector<16xi32>,
      %get3A_646 = vector.shape_cast %get3A_645 : vector<16xi32> to vector<16xi32>
      %min3A_647 = arith.constant 200 : i32
      %min3A_648 = vector.broadcast %min3A_647 : i32 to vector<16xi32>
      %min3A_649 = arith.minsi %get3A_646, %min3A_648 : vector<16xi32>
      %swap3A_650 = arith.constant 992 : index
      %swap3A_651 = tpu.vector_load %arg8[%swap3A_650] {strides = array<i32>} : memref<1600xi32, #tpu.memory_space<vmem>>, vector<16xi32>,
      %swap3A_652 = vector.shape_cast %swap3A_651 : vector<16xi32> to vector<16xi32>
      %swap3A_653 = vector.shape_cast %min3A_649 : vector<16xi32> to vector<16xi32>
      tpu.vector_store %arg8[%swap3A_650], %swap3A_653 {strides = array<i32>} : memref<1600xi32, #tpu.memory_space<vmem>>, vector<16xi32>,
      %get3A_654 = arith.constant 1008 : index
      %get3A_655 = tpu.vector_load %arg8[%get3A_654] {strides = array<i32>} : memref<1600xi32, #tpu.memory_space<vmem>>, vector<16xi32>,
      %get3A_656 = vector.shape_cast %get3A_655 : vector<16xi32> to vector<16xi32>
      %min3A_657 = arith.constant 200 : i32
      %min3A_658 = vector.broadcast %min3A_657 : i32 to vector<16xi32>
      %min3A_659 = arith.minsi %get3A_656, %min3A_658 : vector<16xi32>
      %swap3A_660 = arith.constant 1008 : index
      %swap3A_661 = tpu.vector_load %arg8[%swap3A_660] {strides = array<i32>} : memref<1600xi32, #tpu.memory_space<vmem>>, vector<16xi32>,
      %swap3A_662 = vector.shape_cast %swap3A_661 : vector<16xi32> to vector<16xi32>
      %swap3A_663 = vector.shape_cast %min3A_659 : vector<16xi32> to vector<16xi32>
      tpu.vector_store %arg8[%swap3A_660], %swap3A_663 {strides = array<i32>} : memref<1600xi32, #tpu.memory_space<vmem>>, vector<16xi32>,
      %get3A_664 = arith.constant 1024 : index
      %get3A_665 = tpu.vector_load %arg8[%get3A_664] {strides = array<i32>} : memref<1600xi32, #tpu.memory_space<vmem>>, vector<16xi32>,
      %get3A_666 = vector.shape_cast %get3A_665 : vector<16xi32> to vector<16xi32>
      %min3A_667 = arith.constant 200 : i32
      %min3A_668 = vector.broadcast %min3A_667 : i32 to vector<16xi32>
      %min3A_669 = arith.minsi %get3A_666, %min3A_668 : vector<16xi32>
      %swap3A_670 = arith.constant 1024 : index
      %swap3A_671 = tpu.vector_load %arg8[%swap3A_670] {strides = array<i32>} : memref<1600xi32, #tpu.memory_space<vmem>>, vector<16xi32>,
      %swap3A_672 = vector.shape_cast %swap3A_671 : vector<16xi32> to vector<16xi32>
      %swap3A_673 = vector.shape_cast %min3A_669 : vector<16xi32> to vector<16xi32>
      tpu.vector_store %arg8[%swap3A_670], %swap3A_673 {strides = array<i32>} : memref<1600xi32, #tpu.memory_space<vmem>>, vector<16xi32>,
      %get3A_674 = arith.constant 1040 : index
      %get3A_675 = tpu.vector_load %arg8[%get3A_674] {strides = array<i32>} : memref<1600xi32, #tpu.memory_space<vmem>>, vector<16xi32>,
      %get3A_676 = vector.shape_cast %get3A_675 : vector<16xi32> to vector<16xi32>
      %min3A_677 = arith.constant 200 : i32
      %min3A_678 = vector.broadcast %min3A_677 : i32 to vector<16xi32>
      %min3A_679 = arith.minsi %get3A_676, %min3A_678 : vector<16xi32>
      %swap3A_680 = arith.constant 1040 : index
      %swap3A_681 = tpu.vector_load %arg8[%swap3A_680] {strides = array<i32>} : memref<1600xi32, #tpu.memory_space<vmem>>, vector<16xi32>,
      %swap3A_682 = vector.shape_cast %swap3A_681 : vector<16xi32> to vector<16xi32>
      %swap3A_683 = vector.shape_cast %min3A_679 : vector<16xi32> to vector<16xi32>
      tpu.vector_store %arg8[%swap3A_680], %swap3A_683 {strides = array<i32>} : memref<1600xi32, #tpu.memory_space<vmem>>, vector<16xi32>,
      %get3A_684 = arith.constant 1056 : index
      %get3A_685 = tpu.vector_load %arg8[%get3A_684] {strides = array<i32>} : memref<1600xi32, #tpu.memory_space<vmem>>, vector<16xi32>,
      %get3A_686 = vector.shape_cast %get3A_685 : vector<16xi32> to vector<16xi32>
      %min3A_687 = arith.constant 200 : i32
      %min3A_688 = vector.broadcast %min3A_687 : i32 to vector<16xi32>
      %min3A_689 = arith.minsi %get3A_686, %min3A_688 : vector<16xi32>
      %swap3A_690 = arith.constant 1056 : index
      %swap3A_691 = tpu.vector_load %arg8[%swap3A_690] {strides = array<i32>} : memref<1600xi32, #tpu.memory_space<vmem>>, vector<16xi32>,
      %swap3A_692 = vector.shape_cast %swap3A_691 : vector<16xi32> to vector<16xi32>
      %swap3A_693 = vector.shape_cast %min3A_689 : vector<16xi32> to vector<16xi32>
      tpu.vector_store %arg8[%swap3A_690], %swap3A_693 {strides = array<i32>} : memref<1600xi32, #tpu.memory_space<vmem>>, vector<16xi32>,
      %get3A_694 = arith.constant 1072 : index
      %get3A_695 = tpu.vector_load %arg8[%get3A_694] {strides = array<i32>} : memref<1600xi32, #tpu.memory_space<vmem>>, vector<16xi32>,
      %get3A_696 = vector.shape_cast %get3A_695 : vector<16xi32> to vector<16xi32>
      %min3A_697 = arith.constant 200 : i32
      %min3A_698 = vector.broadcast %min3A_697 : i32 to vector<16xi32>
      %min3A_699 = arith.minsi %get3A_696, %min3A_698 : vector<16xi32>
      %swap3A_700 = arith.constant 1072 : index
      %swap3A_701 = tpu.vector_load %arg8[%swap3A_700] {strides = array<i32>} : memref<1600xi32, #tpu.memory_space<vmem>>, vector<16xi32>,
      %swap3A_702 = vector.shape_cast %swap3A_701 : vector<16xi32> to vector<16xi32>
      %swap3A_703 = vector.shape_cast %min3A_699 : vector<16xi32> to vector<16xi32>
      tpu.vector_store %arg8[%swap3A_700], %swap3A_703 {strides = array<i32>} : memref<1600xi32, #tpu.memory_space<vmem>>, vector<16xi32>,
      %get3A_704 = arith.constant 1088 : index
      %get3A_705 = tpu.vector_load %arg8[%get3A_704] {strides = array<i32>} : memref<1600xi32, #tpu.memory_space<vmem>>, vector<16xi32>,
      %get3A_706 = vector.shape_cast %get3A_705 : vector<16xi32> to vector<16xi32>
      %min3A_707 = arith.constant 200 : i32
      %min3A_708 = vector.broadcast %min3A_707 : i32 to vector<16xi32>
      %min3A_709 = arith.minsi %get3A_706, %min3A_708 : vector<16xi32>
      %swap3A_710 = arith.constant 1088 : index
      %swap3A_711 = tpu.vector_load %arg8[%swap3A_710] {strides = array<i32>} : memref<1600xi32, #tpu.memory_space<vmem>>, vector<16xi32>,
      %swap3A_712 = vector.shape_cast %swap3A_711 : vector<16xi32> to vector<16xi32>
      %swap3A_713 = vector.shape_cast %min3A_709 : vector<16xi32> to vector<16xi32>
      tpu.vector_store %arg8[%swap3A_710], %swap3A_713 {strides = array<i32>} : memref<1600xi32, #tpu.memory_space<vmem>>, vector<16xi32>,
      %get3A_714 = arith.constant 1104 : index
      %get3A_715 = tpu.vector_load %arg8[%get3A_714] {strides = array<i32>} : memref<1600xi32, #tpu.memory_space<vmem>>, vector<16xi32>,
      %get3A_716 = vector.shape_cast %get3A_715 : vector<16xi32> to vector<16xi32>
      %min3A_717 = arith.constant 200 : i32
      %min3A_718 = vector.broadcast %min3A_717 : i32 to vector<16xi32>
      %min3A_719 = arith.minsi %get3A_716, %min3A_718 : vector<16xi32>
      %swap3A_720 = arith.constant 1104 : index
      %swap3A_721 = tpu.vector_load %arg8[%swap3A_720] {strides = array<i32>} : memref<1600xi32, #tpu.memory_space<vmem>>, vector<16xi32>,
      %swap3A_722 = vector.shape_cast %swap3A_721 : vector<16xi32> to vector<16xi32>
      %swap3A_723 = vector.shape_cast %min3A_719 : vector<16xi32> to vector<16xi32>
      tpu.vector_store %arg8[%swap3A_720], %swap3A_723 {strides = array<i32>} : memref<1600xi32, #tpu.memory_space<vmem>>, vector<16xi32>,
      %get3A_724 = arith.constant 1120 : index
      %get3A_725 = tpu.vector_load %arg8[%get3A_724] {strides = array<i32>} : memref<1600xi32, #tpu.memory_space<vmem>>, vector<16xi32>,
      %get3A_726 = vector.shape_cast %get3A_725 : vector<16xi32> to vector<16xi32>
      %min3A_727 = arith.constant 200 : i32
      %min3A_728 = vector.broadcast %min3A_727 : i32 to vector<16xi32>
      %min3A_729 = arith.minsi %get3A_726, %min3A_728 : vector<16xi32>
      %swap3A_730 = arith.constant 1120 : index
      %swap3A_731 = tpu.vector_load %arg8[%swap3A_730] {strides = array<i32>} : memref<1600xi32, #tpu.memory_space<vmem>>, vector<16xi32>,
      %swap3A_732 = vector.shape_cast %swap3A_731 : vector<16xi32> to vector<16xi32>
      %swap3A_733 = vector.shape_cast %min3A_729 : vector<16xi32> to vector<16xi32>
      tpu.vector_store %arg8[%swap3A_730], %swap3A_733 {strides = array<i32>} : memref<1600xi32, #tpu.memory_space<vmem>>, vector<16xi32>,
      %get3A_734 = arith.constant 1136 : index
      %get3A_735 = tpu.vector_load %arg8[%get3A_734] {strides = array<i32>} : memref<1600xi32, #tpu.memory_space<vmem>>, vector<16xi32>,
      %get3A_736 = vector.shape_cast %get3A_735 : vector<16xi32> to vector<16xi32>
      %min3A_737 = arith.constant 200 : i32
      %min3A_738 = vector.broadcast %min3A_737 : i32 to vector<16xi32>
      %min3A_739 = arith.minsi %get3A_736, %min3A_738 : vector<16xi32>
      %swap3A_740 = arith.constant 1136 : index
      %swap3A_741 = tpu.vector_load %arg8[%swap3A_740] {strides = array<i32>} : memref<1600xi32, #tpu.memory_space<vmem>>, vector<16xi32>,
      %swap3A_742 = vector.shape_cast %swap3A_741 : vector<16xi32> to vector<16xi32>
      %swap3A_743 = vector.shape_cast %min3A_739 : vector<16xi32> to vector<16xi32>
      tpu.vector_store %arg8[%swap3A_740], %swap3A_743 {strides = array<i32>} : memref<1600xi32, #tpu.memory_space<vmem>>, vector<16xi32>,
      %get3A_744 = arith.constant 1152 : index
      %get3A_745 = tpu.vector_load %arg8[%get3A_744] {strides = array<i32>} : memref<1600xi32, #tpu.memory_space<vmem>>, vector<16xi32>,
      %get3A_746 = vector.shape_cast %get3A_745 : vector<16xi32> to vector<16xi32>
      %min3A_747 = arith.constant 200 : i32
      %min3A_748 = vector.broadcast %min3A_747 : i32 to vector<16xi32>
      %min3A_749 = arith.minsi %get3A_746, %min3A_748 : vector<16xi32>
      %swap3A_750 = arith.constant 1152 : index
      %swap3A_751 = tpu.vector_load %arg8[%swap3A_750] {strides = array<i32>} : memref<1600xi32, #tpu.memory_space<vmem>>, vector<16xi32>,
      %swap3A_752 = vector.shape_cast %swap3A_751 : vector<16xi32> to vector<16xi32>
      %swap3A_753 = vector.shape_cast %min3A_749 : vector<16xi32> to vector<16xi32>
      tpu.vector_store %arg8[%swap3A_750], %swap3A_753 {strides = array<i32>} : memref<1600xi32, #tpu.memory_space<vmem>>, vector<16xi32>,
      %get3A_754 = arith.constant 1168 : index
      %get3A_755 = tpu.vector_load %arg8[%get3A_754] {strides = array<i32>} : memref<1600xi32, #tpu.memory_space<vmem>>, vector<16xi32>,
      %get3A_756 = vector.shape_cast %get3A_755 : vector<16xi32> to vector<16xi32>
      %min3A_757 = arith.constant 200 : i32
      %min3A_758 = vector.broadcast %min3A_757 : i32 to vector<16xi32>
      %min3A_759 = arith.minsi %get3A_756, %min3A_758 : vector<16xi32>
      %swap3A_760 = arith.constant 1168 : index
      %swap3A_761 = tpu.vector_load %arg8[%swap3A_760] {strides = array<i32>} : memref<1600xi32, #tpu.memory_space<vmem>>, vector<16xi32>,
      %swap3A_762 = vector.shape_cast %swap3A_761 : vector<16xi32> to vector<16xi32>
      %swap3A_763 = vector.shape_cast %min3A_759 : vector<16xi32> to vector<16xi32>
      tpu.vector_store %arg8[%swap3A_760], %swap3A_763 {strides = array<i32>} : memref<1600xi32, #tpu.memory_space<vmem>>, vector<16xi32>,
      %get3A_764 = arith.constant 1184 : index
      %get3A_765 = tpu.vector_load %arg8[%get3A_764] {strides = array<i32>} : memref<1600xi32, #tpu.memory_space<vmem>>, vector<16xi32>,
      %get3A_766 = vector.shape_cast %get3A_765 : vector<16xi32> to vector<16xi32>
      %min3A_767 = arith.constant 200 : i32
      %min3A_768 = vector.broadcast %min3A_767 : i32 to vector<16xi32>
      %min3A_769 = arith.minsi %get3A_766, %min3A_768 : vector<16xi32>
      %swap3A_770 = arith.constant 1184 : index
      %swap3A_771 = tpu.vector_load %arg8[%swap3A_770] {strides = array<i32>} : memref<1600xi32, #tpu.memory_space<vmem>>, vector<16xi32>,
      %swap3A_772 = vector.shape_cast %swap3A_771 : vector<16xi32> to vector<16xi32>
      %swap3A_773 = vector.shape_cast %min3A_769 : vector<16xi32> to vector<16xi32>
      tpu.vector_store %arg8[%swap3A_770], %swap3A_773 {strides = array<i32>} : memref<1600xi32, #tpu.memory_space<vmem>>, vector<16xi32>,
      %get3A_774 = arith.constant 1200 : index
      %get3A_775 = tpu.vector_load %arg8[%get3A_774] {strides = array<i32>} : memref<1600xi32, #tpu.memory_space<vmem>>, vector<16xi32>,
      %get3A_776 = vector.shape_cast %get3A_775 : vector<16xi32> to vector<16xi32>
      %min3A_777 = arith.constant 200 : i32
      %min3A_778 = vector.broadcast %min3A_777 : i32 to vector<16xi32>
      %min3A_779 = arith.minsi %get3A_776, %min3A_778 : vector<16xi32>
      %swap3A_780 = arith.constant 1200 : index
      %swap3A_781 = tpu.vector_load %arg8[%swap3A_780] {strides = array<i32>} : memref<1600xi32, #tpu.memory_space<vmem>>, vector<16xi32>,
      %swap3A_782 = vector.shape_cast %swap3A_781 : vector<16xi32> to vector<16xi32>
      %swap3A_783 = vector.shape_cast %min3A_779 : vector<16xi32> to vector<16xi32>
      tpu.vector_store %arg8[%swap3A_780], %swap3A_783 {strides = array<i32>} : memref<1600xi32, #tpu.memory_space<vmem>>, vector<16xi32>,
      %get3A_784 = arith.constant 1216 : index
      %get3A_785 = tpu.vector_load %arg8[%get3A_784] {strides = array<i32>} : memref<1600xi32, #tpu.memory_space<vmem>>, vector<16xi32>,
      %get3A_786 = vector.shape_cast %get3A_785 : vector<16xi32> to vector<16xi32>
      %min3A_787 = arith.constant 200 : i32
      %min3A_788 = vector.broadcast %min3A_787 : i32 to vector<16xi32>
      %min3A_789 = arith.minsi %get3A_786, %min3A_788 : vector<16xi32>
      %swap3A_790 = arith.constant 1216 : index
      %swap3A_791 = tpu.vector_load %arg8[%swap3A_790] {strides = array<i32>} : memref<1600xi32, #tpu.memory_space<vmem>>, vector<16xi32>,
      %swap3A_792 = vector.shape_cast %swap3A_791 : vector<16xi32> to vector<16xi32>
      %swap3A_793 = vector.shape_cast %min3A_789 : vector<16xi32> to vector<16xi32>
      tpu.vector_store %arg8[%swap3A_790], %swap3A_793 {strides = array<i32>} : memref<1600xi32, #tpu.memory_space<vmem>>, vector<16xi32>,
      %get3A_794 = arith.constant 1232 : index
      %get3A_795 = tpu.vector_load %arg8[%get3A_794] {strides = array<i32>} : memref<1600xi32, #tpu.memory_space<vmem>>, vector<16xi32>,
      %get3A_796 = vector.shape_cast %get3A_795 : vector<16xi32> to vector<16xi32>
      %min3A_797 = arith.constant 200 : i32
      %min3A_798 = vector.broadcast %min3A_797 : i32 to vector<16xi32>
      %min3A_799 = arith.minsi %get3A_796, %min3A_798 : vector<16xi32>
      %swap3A_800 = arith.constant 1232 : index
      %swap3A_801 = tpu.vector_load %arg8[%swap3A_800] {strides = array<i32>} : memref<1600xi32, #tpu.memory_space<vmem>>, vector<16xi32>,
      %swap3A_802 = vector.shape_cast %swap3A_801 : vector<16xi32> to vector<16xi32>
      %swap3A_803 = vector.shape_cast %min3A_799 : vector<16xi32> to vector<16xi32>
      tpu.vector_store %arg8[%swap3A_800], %swap3A_803 {strides = array<i32>} : memref<1600xi32, #tpu.memory_space<vmem>>, vector<16xi32>,
      %get3A_804 = arith.constant 1248 : index
      %get3A_805 = tpu.vector_load %arg8[%get3A_804] {strides = array<i32>} : memref<1600xi32, #tpu.memory_space<vmem>>, vector<16xi32>,
      %get3A_806 = vector.shape_cast %get3A_805 : vector<16xi32> to vector<16xi32>
      %min3A_807 = arith.constant 200 : i32
      %min3A_808 = vector.broadcast %min3A_807 : i32 to vector<16xi32>
      %min3A_809 = arith.minsi %get3A_806, %min3A_808 : vector<16xi32>
      %swap3A_810 = arith.constant 1248 : index
      %swap3A_811 = tpu.vector_load %arg8[%swap3A_810] {strides = array<i32>} : memref<1600xi32, #tpu.memory_space<vmem>>, vector<16xi32>,
      %swap3A_812 = vector.shape_cast %swap3A_811 : vector<16xi32> to vector<16xi32>
      %swap3A_813 = vector.shape_cast %min3A_809 : vector<16xi32> to vector<16xi32>
      tpu.vector_store %arg8[%swap3A_810], %swap3A_813 {strides = array<i32>} : memref<1600xi32, #tpu.memory_space<vmem>>, vector<16xi32>,
      %get3A_814 = arith.constant 1264 : index
      %get3A_815 = tpu.vector_load %arg8[%get3A_814] {strides = array<i32>} : memref<1600xi32, #tpu.memory_space<vmem>>, vector<16xi32>,
      %get3A_816 = vector.shape_cast %get3A_815 : vector<16xi32> to vector<16xi32>
      %min3A_817 = arith.constant 200 : i32
      %min3A_818 = vector.broadcast %min3A_817 : i32 to vector<16xi32>
      %min3A_819 = arith.minsi %get3A_816, %min3A_818 : vector<16xi32>
      %swap3A_820 = arith.constant 1264 : index
      %swap3A_821 = tpu.vector_load %arg8[%swap3A_820] {strides = array<i32>} : memref<1600xi32, #tpu.memory_space<vmem>>, vector<16xi32>,
      %swap3A_822 = vector.shape_cast %swap3A_821 : vector<16xi32> to vector<16xi32>
      %swap3A_823 = vector.shape_cast %min3A_819 : vector<16xi32> to vector<16xi32>
      tpu.vector_store %arg8[%swap3A_820], %swap3A_823 {strides = array<i32>} : memref<1600xi32, #tpu.memory_space<vmem>>, vector<16xi32>,
      %get3A_824 = arith.constant 1280 : index
      %get3A_825 = tpu.vector_load %arg8[%get3A_824] {strides = array<i32>} : memref<1600xi32, #tpu.memory_space<vmem>>, vector<16xi32>,
      %get3A_826 = vector.shape_cast %get3A_825 : vector<16xi32> to vector<16xi32>
      %min3A_827 = arith.constant 200 : i32
      %min3A_828 = vector.broadcast %min3A_827 : i32 to vector<16xi32>
      %min3A_829 = arith.minsi %get3A_826, %min3A_828 : vector<16xi32>
      %swap3A_830 = arith.constant 1280 : index
      %swap3A_831 = tpu.vector_load %arg8[%swap3A_830] {strides = array<i32>} : memref<1600xi32, #tpu.memory_space<vmem>>, vector<16xi32>,
      %swap3A_832 = vector.shape_cast %swap3A_831 : vector<16xi32> to vector<16xi32>
      %swap3A_833 = vector.shape_cast %min3A_829 : vector<16xi32> to vector<16xi32>
      tpu.vector_store %arg8[%swap3A_830], %swap3A_833 {strides = array<i32>} : memref<1600xi32, #tpu.memory_space<vmem>>, vector<16xi32>,
      %get3A_834 = arith.constant 1296 : index
      %get3A_835 = tpu.vector_load %arg8[%get3A_834] {strides = array<i32>} : memref<1600xi32, #tpu.memory_space<vmem>>, vector<16xi32>,
      %get3A_836 = vector.shape_cast %get3A_835 : vector<16xi32> to vector<16xi32>
      %min3A_837 = arith.constant 200 : i32
      %min3A_838 = vector.broadcast %min3A_837 : i32 to vector<16xi32>
      %min3A_839 = arith.minsi %get3A_836, %min3A_838 : vector<16xi32>
      %swap3A_840 = arith.constant 1296 : index
      %swap3A_841 = tpu.vector_load %arg8[%swap3A_840] {strides = array<i32>} : memref<1600xi32, #tpu.memory_space<vmem>>, vector<16xi32>,
      %swap3A_842 = vector.shape_cast %swap3A_841 : vector<16xi32> to vector<16xi32>
      %swap3A_843 = vector.shape_cast %min3A_839 : vector<16xi32> to vector<16xi32>
      tpu.vector_store %arg8[%swap3A_840], %swap3A_843 {strides = array<i32>} : memref<1600xi32, #tpu.memory_space<vmem>>, vector<16xi32>,
      %get3A_844 = arith.constant 1312 : index
      %get3A_845 = tpu.vector_load %arg8[%get3A_844] {strides = array<i32>} : memref<1600xi32, #tpu.memory_space<vmem>>, vector<16xi32>,
      %get3A_846 = vector.shape_cast %get3A_845 : vector<16xi32> to vector<16xi32>
      %min3A_847 = arith.constant 200 : i32
      %min3A_848 = vector.broadcast %min3A_847 : i32 to vector<16xi32>
      %min3A_849 = arith.minsi %get3A_846, %min3A_848 : vector<16xi32>
      %swap3A_850 = arith.constant 1312 : index
      %swap3A_851 = tpu.vector_load %arg8[%swap3A_850] {strides = array<i32>} : memref<1600xi32, #tpu.memory_space<vmem>>, vector<16xi32>,
      %swap3A_852 = vector.shape_cast %swap3A_851 : vector<16xi32> to vector<16xi32>
      %swap3A_853 = vector.shape_cast %min3A_849 : vector<16xi32> to vector<16xi32>
      tpu.vector_store %arg8[%swap3A_850], %swap3A_853 {strides = array<i32>} : memref<1600xi32, #tpu.memory_space<vmem>>, vector<16xi32>,
      %get3A_854 = arith.constant 1328 : index
      %get3A_855 = tpu.vector_load %arg8[%get3A_854] {strides = array<i32>} : memref<1600xi32, #tpu.memory_space<vmem>>, vector<16xi32>,
      %get3A_856 = vector.shape_cast %get3A_855 : vector<16xi32> to vector<16xi32>
      %min3A_857 = arith.constant 200 : i32
      %min3A_858 = vector.broadcast %min3A_857 : i32 to vector<16xi32>
      %min3A_859 = arith.minsi %get3A_856, %min3A_858 : vector<16xi32>
      %swap3A_860 = arith.constant 1328 : index
      %swap3A_861 = tpu.vector_load %arg8[%swap3A_860] {strides = array<i32>} : memref<1600xi32, #tpu.memory_space<vmem>>, vector<16xi32>,
      %swap3A_862 = vector.shape_cast %swap3A_861 : vector<16xi32> to vector<16xi32>
      %swap3A_863 = vector.shape_cast %min3A_859 : vector<16xi32> to vector<16xi32>
      tpu.vector_store %arg8[%swap3A_860], %swap3A_863 {strides = array<i32>} : memref<1600xi32, #tpu.memory_space<vmem>>, vector<16xi32>,
      %get3A_864 = arith.constant 1344 : index
      %get3A_865 = tpu.vector_load %arg8[%get3A_864] {strides = array<i32>} : memref<1600xi32, #tpu.memory_space<vmem>>, vector<16xi32>,
      %get3A_866 = vector.shape_cast %get3A_865 : vector<16xi32> to vector<16xi32>
      %min3A_867 = arith.constant 200 : i32
      %min3A_868 = vector.broadcast %min3A_867 : i32 to vector<16xi32>
      %min3A_869 = arith.minsi %get3A_866, %min3A_868 : vector<16xi32>
      %swap3A_870 = arith.constant 1344 : index
      %swap3A_871 = tpu.vector_load %arg8[%swap3A_870] {strides = array<i32>} : memref<1600xi32, #tpu.memory_space<vmem>>, vector<16xi32>,
      %swap3A_872 = vector.shape_cast %swap3A_871 : vector<16xi32> to vector<16xi32>
      %swap3A_873 = vector.shape_cast %min3A_869 : vector<16xi32> to vector<16xi32>
      tpu.vector_store %arg8[%swap3A_870], %swap3A_873 {strides = array<i32>} : memref<1600xi32, #tpu.memory_space<vmem>>, vector<16xi32>,
      %get3A_874 = arith.constant 1360 : index
      %get3A_875 = tpu.vector_load %arg8[%get3A_874] {strides = array<i32>} : memref<1600xi32, #tpu.memory_space<vmem>>, vector<16xi32>,
      %get3A_876 = vector.shape_cast %get3A_875 : vector<16xi32> to vector<16xi32>
      %min3A_877 = arith.constant 200 : i32
      %min3A_878 = vector.broadcast %min3A_877 : i32 to vector<16xi32>
      %min3A_879 = arith.minsi %get3A_876, %min3A_878 : vector<16xi32>
      %swap3A_880 = arith.constant 1360 : index
      %swap3A_881 = tpu.vector_load %arg8[%swap3A_880] {strides = array<i32>} : memref<1600xi32, #tpu.memory_space<vmem>>, vector<16xi32>,
      %swap3A_882 = vector.shape_cast %swap3A_881 : vector<16xi32> to vector<16xi32>
      %swap3A_883 = vector.shape_cast %min3A_879 : vector<16xi32> to vector<16xi32>
      tpu.vector_store %arg8[%swap3A_880], %swap3A_883 {strides = array<i32>} : memref<1600xi32, #tpu.memory_space<vmem>>, vector<16xi32>,
      %get3A_884 = arith.constant 1376 : index
      %get3A_885 = tpu.vector_load %arg8[%get3A_884] {strides = array<i32>} : memref<1600xi32, #tpu.memory_space<vmem>>, vector<16xi32>,
      %get3A_886 = vector.shape_cast %get3A_885 : vector<16xi32> to vector<16xi32>
      %min3A_887 = arith.constant 200 : i32
      %min3A_888 = vector.broadcast %min3A_887 : i32 to vector<16xi32>
      %min3A_889 = arith.minsi %get3A_886, %min3A_888 : vector<16xi32>
      %swap3A_890 = arith.constant 1376 : index
      %swap3A_891 = tpu.vector_load %arg8[%swap3A_890] {strides = array<i32>} : memref<1600xi32, #tpu.memory_space<vmem>>, vector<16xi32>,
      %swap3A_892 = vector.shape_cast %swap3A_891 : vector<16xi32> to vector<16xi32>
      %swap3A_893 = vector.shape_cast %min3A_889 : vector<16xi32> to vector<16xi32>
      tpu.vector_store %arg8[%swap3A_890], %swap3A_893 {strides = array<i32>} : memref<1600xi32, #tpu.memory_space<vmem>>, vector<16xi32>,
      %get3A_894 = arith.constant 1392 : index
      %get3A_895 = tpu.vector_load %arg8[%get3A_894] {strides = array<i32>} : memref<1600xi32, #tpu.memory_space<vmem>>, vector<16xi32>,
      %get3A_896 = vector.shape_cast %get3A_895 : vector<16xi32> to vector<16xi32>
      %min3A_897 = arith.constant 200 : i32
      %min3A_898 = vector.broadcast %min3A_897 : i32 to vector<16xi32>
      %min3A_899 = arith.minsi %get3A_896, %min3A_898 : vector<16xi32>
      %swap3A_900 = arith.constant 1392 : index
      %swap3A_901 = tpu.vector_load %arg8[%swap3A_900] {strides = array<i32>} : memref<1600xi32, #tpu.memory_space<vmem>>, vector<16xi32>,
      %swap3A_902 = vector.shape_cast %swap3A_901 : vector<16xi32> to vector<16xi32>
      %swap3A_903 = vector.shape_cast %min3A_899 : vector<16xi32> to vector<16xi32>
      tpu.vector_store %arg8[%swap3A_900], %swap3A_903 {strides = array<i32>} : memref<1600xi32, #tpu.memory_space<vmem>>, vector<16xi32>,
      %get3A_904 = arith.constant 1408 : index
      %get3A_905 = tpu.vector_load %arg8[%get3A_904] {strides = array<i32>} : memref<1600xi32, #tpu.memory_space<vmem>>, vector<16xi32>,
      %get3A_906 = vector.shape_cast %get3A_905 : vector<16xi32> to vector<16xi32>
      %min3A_907 = arith.constant 200 : i32
      %min3A_908 = vector.broadcast %min3A_907 : i32 to vector<16xi32>
      %min3A_909 = arith.minsi %get3A_906, %min3A_908 : vector<16xi32>
      %swap3A_910 = arith.constant 1408 : index
      %swap3A_911 = tpu.vector_load %arg8[%swap3A_910] {strides = array<i32>} : memref<1600xi32, #tpu.memory_space<vmem>>, vector<16xi32>,
      %swap3A_912 = vector.shape_cast %swap3A_911 : vector<16xi32> to vector<16xi32>
      %swap3A_913 = vector.shape_cast %min3A_909 : vector<16xi32> to vector<16xi32>
      tpu.vector_store %arg8[%swap3A_910], %swap3A_913 {strides = array<i32>} : memref<1600xi32, #tpu.memory_space<vmem>>, vector<16xi32>,
      %get3A_914 = arith.constant 1424 : index
      %get3A_915 = tpu.vector_load %arg8[%get3A_914] {strides = array<i32>} : memref<1600xi32, #tpu.memory_space<vmem>>, vector<16xi32>,
      %get3A_916 = vector.shape_cast %get3A_915 : vector<16xi32> to vector<16xi32>
      %min3A_917 = arith.constant 200 : i32
      %min3A_918 = vector.broadcast %min3A_917 : i32 to vector<16xi32>
      %min3A_919 = arith.minsi %get3A_916, %min3A_918 : vector<16xi32>
      %swap3A_920 = arith.constant 1424 : index
      %swap3A_921 = tpu.vector_load %arg8[%swap3A_920] {strides = array<i32>} : memref<1600xi32, #tpu.memory_space<vmem>>, vector<16xi32>,
      %swap3A_922 = vector.shape_cast %swap3A_921 : vector<16xi32> to vector<16xi32>
      %swap3A_923 = vector.shape_cast %min3A_919 : vector<16xi32> to vector<16xi32>
      tpu.vector_store %arg8[%swap3A_920], %swap3A_923 {strides = array<i32>} : memref<1600xi32, #tpu.memory_space<vmem>>, vector<16xi32>,
      %get3A_924 = arith.constant 1440 : index
      %get3A_925 = tpu.vector_load %arg8[%get3A_924] {strides = array<i32>} : memref<1600xi32, #tpu.memory_space<vmem>>, vector<16xi32>,
      %get3A_926 = vector.shape_cast %get3A_925 : vector<16xi32> to vector<16xi32>
      %min3A_927 = arith.constant 200 : i32
      %min3A_928 = vector.broadcast %min3A_927 : i32 to vector<16xi32>
      %min3A_929 = arith.minsi %get3A_926, %min3A_928 : vector<16xi32>
      %swap3A_930 = arith.constant 1440 : index
      %swap3A_931 = tpu.vector_load %arg8[%swap3A_930] {strides = array<i32>} : memref<1600xi32, #tpu.memory_space<vmem>>, vector<16xi32>,
      %swap3A_932 = vector.shape_cast %swap3A_931 : vector<16xi32> to vector<16xi32>
      %swap3A_933 = vector.shape_cast %min3A_929 : vector<16xi32> to vector<16xi32>
      tpu.vector_store %arg8[%swap3A_930], %swap3A_933 {strides = array<i32>} : memref<1600xi32, #tpu.memory_space<vmem>>, vector<16xi32>,
      %get3A_934 = arith.constant 1456 : index
      %get3A_935 = tpu.vector_load %arg8[%get3A_934] {strides = array<i32>} : memref<1600xi32, #tpu.memory_space<vmem>>, vector<16xi32>,
      %get3A_936 = vector.shape_cast %get3A_935 : vector<16xi32> to vector<16xi32>
      %min3A_937 = arith.constant 200 : i32
      %min3A_938 = vector.broadcast %min3A_937 : i32 to vector<16xi32>
      %min3A_939 = arith.minsi %get3A_936, %min3A_938 : vector<16xi32>
      %swap3A_940 = arith.constant 1456 : index
      %swap3A_941 = tpu.vector_load %arg8[%swap3A_940] {strides = array<i32>} : memref<1600xi32, #tpu.memory_space<vmem>>, vector<16xi32>,
      %swap3A_942 = vector.shape_cast %swap3A_941 : vector<16xi32> to vector<16xi32>
      %swap3A_943 = vector.shape_cast %min3A_939 : vector<16xi32> to vector<16xi32>
      tpu.vector_store %arg8[%swap3A_940], %swap3A_943 {strides = array<i32>} : memref<1600xi32, #tpu.memory_space<vmem>>, vector<16xi32>,
      %get3A_944 = arith.constant 1472 : index
      %get3A_945 = tpu.vector_load %arg8[%get3A_944] {strides = array<i32>} : memref<1600xi32, #tpu.memory_space<vmem>>, vector<16xi32>,
      %get3A_946 = vector.shape_cast %get3A_945 : vector<16xi32> to vector<16xi32>
      %min3A_947 = arith.constant 200 : i32
      %min3A_948 = vector.broadcast %min3A_947 : i32 to vector<16xi32>
      %min3A_949 = arith.minsi %get3A_946, %min3A_948 : vector<16xi32>
      %swap3A_950 = arith.constant 1472 : index
      %swap3A_951 = tpu.vector_load %arg8[%swap3A_950] {strides = array<i32>} : memref<1600xi32, #tpu.memory_space<vmem>>, vector<16xi32>,
      %swap3A_952 = vector.shape_cast %swap3A_951 : vector<16xi32> to vector<16xi32>
      %swap3A_953 = vector.shape_cast %min3A_949 : vector<16xi32> to vector<16xi32>
      tpu.vector_store %arg8[%swap3A_950], %swap3A_953 {strides = array<i32>} : memref<1600xi32, #tpu.memory_space<vmem>>, vector<16xi32>,
      %get3A_954 = arith.constant 1488 : index
      %get3A_955 = tpu.vector_load %arg8[%get3A_954] {strides = array<i32>} : memref<1600xi32, #tpu.memory_space<vmem>>, vector<16xi32>,
      %get3A_956 = vector.shape_cast %get3A_955 : vector<16xi32> to vector<16xi32>
      %min3A_957 = arith.constant 200 : i32
      %min3A_958 = vector.broadcast %min3A_957 : i32 to vector<16xi32>
      %min3A_959 = arith.minsi %get3A_956, %min3A_958 : vector<16xi32>
      %swap3A_960 = arith.constant 1488 : index
      %swap3A_961 = tpu.vector_load %arg8[%swap3A_960] {strides = array<i32>} : memref<1600xi32, #tpu.memory_space<vmem>>, vector<16xi32>,
      %swap3A_962 = vector.shape_cast %swap3A_961 : vector<16xi32> to vector<16xi32>
      %swap3A_963 = vector.shape_cast %min3A_959 : vector<16xi32> to vector<16xi32>
      tpu.vector_store %arg8[%swap3A_960], %swap3A_963 {strides = array<i32>} : memref<1600xi32, #tpu.memory_space<vmem>>, vector<16xi32>,
      %get3A_964 = arith.constant 1504 : index
      %get3A_965 = tpu.vector_load %arg8[%get3A_964] {strides = array<i32>} : memref<1600xi32, #tpu.memory_space<vmem>>, vector<16xi32>,
      %get3A_966 = vector.shape_cast %get3A_965 : vector<16xi32> to vector<16xi32>
      %min3A_967 = arith.constant 200 : i32
      %min3A_968 = vector.broadcast %min3A_967 : i32 to vector<16xi32>
      %min3A_969 = arith.minsi %get3A_966, %min3A_968 : vector<16xi32>
      %swap3A_970 = arith.constant 1504 : index
      %swap3A_971 = tpu.vector_load %arg8[%swap3A_970] {strides = array<i32>} : memref<1600xi32, #tpu.memory_space<vmem>>, vector<16xi32>,
      %swap3A_972 = vector.shape_cast %swap3A_971 : vector<16xi32> to vector<16xi32>
      %swap3A_973 = vector.shape_cast %min3A_969 : vector<16xi32> to vector<16xi32>
      tpu.vector_store %arg8[%swap3A_970], %swap3A_973 {strides = array<i32>} : memref<1600xi32, #tpu.memory_space<vmem>>, vector<16xi32>,
      %get3A_974 = arith.constant 1520 : index
      %get3A_975 = tpu.vector_load %arg8[%get3A_974] {strides = array<i32>} : memref<1600xi32, #tpu.memory_space<vmem>>, vector<16xi32>,
      %get3A_976 = vector.shape_cast %get3A_975 : vector<16xi32> to vector<16xi32>
      %min3A_977 = arith.constant 200 : i32
      %min3A_978 = vector.broadcast %min3A_977 : i32 to vector<16xi32>
      %min3A_979 = arith.minsi %get3A_976, %min3A_978 : vector<16xi32>
      %swap3A_980 = arith.constant 1520 : index
      %swap3A_981 = tpu.vector_load %arg8[%swap3A_980] {strides = array<i32>} : memref<1600xi32, #tpu.memory_space<vmem>>, vector<16xi32>,
      %swap3A_982 = vector.shape_cast %swap3A_981 : vector<16xi32> to vector<16xi32>
      %swap3A_983 = vector.shape_cast %min3A_979 : vector<16xi32> to vector<16xi32>
      tpu.vector_store %arg8[%swap3A_980], %swap3A_983 {strides = array<i32>} : memref<1600xi32, #tpu.memory_space<vmem>>, vector<16xi32>,
      %get3A_984 = arith.constant 1536 : index
      %get3A_985 = tpu.vector_load %arg8[%get3A_984] {strides = array<i32>} : memref<1600xi32, #tpu.memory_space<vmem>>, vector<16xi32>,
      %get3A_986 = vector.shape_cast %get3A_985 : vector<16xi32> to vector<16xi32>
      %min3A_987 = arith.constant 200 : i32
      %min3A_988 = vector.broadcast %min3A_987 : i32 to vector<16xi32>
      %min3A_989 = arith.minsi %get3A_986, %min3A_988 : vector<16xi32>
      %swap3A_990 = arith.constant 1536 : index
      %swap3A_991 = tpu.vector_load %arg8[%swap3A_990] {strides = array<i32>} : memref<1600xi32, #tpu.memory_space<vmem>>, vector<16xi32>,
      %swap3A_992 = vector.shape_cast %swap3A_991 : vector<16xi32> to vector<16xi32>
      %swap3A_993 = vector.shape_cast %min3A_989 : vector<16xi32> to vector<16xi32>
      tpu.vector_store %arg8[%swap3A_990], %swap3A_993 {strides = array<i32>} : memref<1600xi32, #tpu.memory_space<vmem>>, vector<16xi32>,
      %get3A_994 = arith.constant 1552 : index
      %get3A_995 = tpu.vector_load %arg8[%get3A_994] {strides = array<i32>} : memref<1600xi32, #tpu.memory_space<vmem>>, vector<16xi32>,
      %get3A_996 = vector.shape_cast %get3A_995 : vector<16xi32> to vector<16xi32>
      %min3A_997 = arith.constant 200 : i32
      %min3A_998 = vector.broadcast %min3A_997 : i32 to vector<16xi32>
      %min3A_999 = arith.minsi %get3A_996, %min3A_998 : vector<16xi32>
      %swap3A_1000 = arith.constant 1552 : index
      %swap3A_1001 = tpu.vector_load %arg8[%swap3A_1000] {strides = array<i32>} : memref<1600xi32, #tpu.memory_space<vmem>>, vector<16xi32>,
      %swap3A_1002 = vector.shape_cast %swap3A_1001 : vector<16xi32> to vector<16xi32>
      %swap3A_1003 = vector.shape_cast %min3A_999 : vector<16xi32> to vector<16xi32>
      tpu.vector_store %arg8[%swap3A_1000], %swap3A_1003 {strides = array<i32>} : memref<1600xi32, #tpu.memory_space<vmem>>, vector<16xi32>,
      %get3A_1004 = arith.constant 1568 : index
      %get3A_1005 = tpu.vector_load %arg8[%get3A_1004] {strides = array<i32>} : memref<1600xi32, #tpu.memory_space<vmem>>, vector<16xi32>,
      %get3A_1006 = vector.shape_cast %get3A_1005 : vector<16xi32> to vector<16xi32>
      %min3A_1007 = arith.constant 200 : i32
      %min3A_1008 = vector.broadcast %min3A_1007 : i32 to vector<16xi32>
      %min3A_1009 = arith.minsi %get3A_1006, %min3A_1008 : vector<16xi32>
      %swap3A_1010 = arith.constant 1568 : index
      %swap3A_1011 = tpu.vector_load %arg8[%swap3A_1010] {strides = array<i32>} : memref<1600xi32, #tpu.memory_space<vmem>>, vector<16xi32>,
      %swap3A_1012 = vector.shape_cast %swap3A_1011 : vector<16xi32> to vector<16xi32>
      %swap3A_1013 = vector.shape_cast %min3A_1009 : vector<16xi32> to vector<16xi32>
      tpu.vector_store %arg8[%swap3A_1010], %swap3A_1013 {strides = array<i32>} : memref<1600xi32, #tpu.memory_space<vmem>>, vector<16xi32>,
      %get3A_1014 = arith.constant 1584 : index
      %get3A_1015 = tpu.vector_load %arg8[%get3A_1014] {strides = array<i32>} : memref<1600xi32, #tpu.memory_space<vmem>>, vector<16xi32>,
      %get3A_1016 = vector.shape_cast %get3A_1015 : vector<16xi32> to vector<16xi32>
      %min3A_1017 = arith.constant 200 : i32
      %min3A_1018 = vector.broadcast %min3A_1017 : i32 to vector<16xi32>
      %min3A_1019 = arith.minsi %get3A_1016, %min3A_1018 : vector<16xi32>
      %swap3A_1020 = arith.constant 1584 : index
      %swap3A_1021 = tpu.vector_load %arg8[%swap3A_1020] {strides = array<i32>} : memref<1600xi32, #tpu.memory_space<vmem>>, vector<16xi32>,
      %swap3A_1022 = vector.shape_cast %swap3A_1021 : vector<16xi32> to vector<16xi32>
      %swap3A_1023 = vector.shape_cast %min3A_1019 : vector<16xi32> to vector<16xi32>
      tpu.vector_store %arg8[%swap3A_1020], %swap3A_1023 {strides = array<i32>} : memref<1600xi32, #tpu.memory_space<vmem>>, vector<16xi32>,
      %dma_start3A = arith.constant 0 : i32
      %dma_start3A_1024 = arith.constant 0 : i32
      %dma_start3A_1025 = tpu.memref_slice %arg2[%dma_start3A, %dma_start3A_1024] : memref<100352x64xf32, #tpu.memory_space<hbm>> -> memref<100352x64xf32, #tpu.memory_space<hbm>>
      tpu.enqueue_indirect_dma source(%dma_start3A_1025 : memref<100352x64xf32, #tpu.memory_space<hbm>>) target(%arg9 : memref<1600x64xf32, #tpu.memory_space<vmem>>) offsets(%arg7 : memref<1600xi32, #tpu.memory_space<vmem>>) semaphore(%arg11 : memref<!tpu.dma_semaphore, #tpu.memory_space<semaphore_mem>>)
      %dma_wait3A = arith.constant 0 : i32
      %dma_wait3A_1026 = arith.constant 0 : i32
      %dma_wait3A_1027 = tpu.memref_slice %arg2[%dma_wait3A, %dma_wait3A_1026] : memref<100352x64xf32, #tpu.memory_space<hbm>> -> memref<100352x64xf32, #tpu.memory_space<hbm>>
      tpu.wait_indirect_dma semaphore(%arg11 : memref<!tpu.dma_semaphore, #tpu.memory_space<semaphore_mem>>) src(%dma_wait3A_1027 : memref<100352x64xf32, #tpu.memory_space<hbm>>) dst(%arg9 : memref<1600x64xf32, #tpu.memory_space<vmem>>)
      %dma_start3A_1028 = arith.constant 0 : i32
      %dma_start3A_1029 = arith.constant 0 : i32
      %dma_start3A_1030 = tpu.memref_slice %arg10[%dma_start3A_1028, %dma_start3A_1029] : memref<201x64xf32, #tpu.memory_space<vmem_shared>> -> memref<201x64xf32, #tpu.memory_space<vmem_shared>>
      tpu.enqueue_indirect_dma source(%dma_start3A_1030 : memref<201x64xf32, #tpu.memory_space<vmem_shared>>) target(%arg9 : memref<1600x64xf32, #tpu.memory_space<vmem>>) offsets(%arg8 : memref<1600xi32, #tpu.memory_space<vmem>>) semaphore(%arg12 : memref<!tpu.dma_semaphore, #tpu.memory_space<semaphore_mem>>) {add = true}
      %dma_wait3A_1031 = arith.constant 0 : i32
      %dma_wait3A_1032 = arith.constant 0 : i32
      %dma_wait3A_1033 = tpu.memref_slice %arg10[%dma_wait3A_1031, %dma_wait3A_1032] : memref<201x64xf32, #tpu.memory_space<vmem_shared>> -> memref<201x64xf32, #tpu.memory_space<vmem_shared>>
      tpu.wait_indirect_dma semaphore(%arg12 : memref<!tpu.dma_semaphore, #tpu.memory_space<semaphore_mem>>) src(%dma_wait3A_1033 : memref<201x64xf32, #tpu.memory_space<vmem_shared>>) dst(%arg9 : memref<1600x64xf32, #tpu.memory_space<vmem>>)
      "tpu.region"() ({
        %run_scoped3A = tpu.sem_alloc : memref<!tpu.dma_semaphore, #tpu.memory_space<semaphore_mem>>
        %dma_start3A_1034 = arith.constant 0 : i32
        %dma_start3A_1035 = tpu.memref_slice %arg6[%multiple_of3A, %dma_start3A_1034] : memref<100352x64xf32, #tpu.memory_space<hbm>> -> memref<1600x64xf32, #tpu.memory_space<hbm>>
        %dma_start3A_1036 = arith.constant 0 : i32
        %dma_start3A_1037 = tpu.memref_slice %arg6[%multiple_of3A, %dma_start3A_1036] : memref<100352x64xf32, #tpu.memory_space<hbm>> -> memref<1600x64xf32, #tpu.memory_space<hbm>>
        tpu.enqueue_dma source(%arg9 : memref<1600x64xf32, #tpu.memory_space<vmem>>) target(%dma_start3A_1037 : memref<1600x64xf32, #tpu.memory_space<hbm>>) target_semaphore(%run_scoped3A : memref<!tpu.dma_semaphore, #tpu.memory_space<semaphore_mem>>)
        %dma_wait3A_1038 = arith.constant 0 : i32
        %dma_wait3A_1039 = tpu.memref_slice %arg6[%multiple_of3A, %dma_wait3A_1038] : memref<100352x64xf32, #tpu.memory_space<hbm>> -> memref<1600x64xf32, #tpu.memory_space<hbm>>
        %dma_wait3A_1040 = arith.constant 0 : i32
        %dma_wait3A_1041 = tpu.memref_slice %arg6[%multiple_of3A, %dma_wait3A_1040] : memref<100352x64xf32, #tpu.memory_space<hbm>> -> memref<1600x64xf32, #tpu.memory_space<hbm>>
        tpu.wait_dma2 semaphore(%run_scoped3A : memref<!tpu.dma_semaphore, #tpu.memory_space<semaphore_mem>>) src(%arg9 : memref<1600x64xf32, #tpu.memory_space<vmem>>) dst(%dma_wait3A_1041 : memref<1600x64xf32, #tpu.memory_space<hbm>>)
        tpu.yield
      }) : () -> ()
    } else {
    }
    %add3A_13 = arith.constant 1600 : i32
    %add3A_14 = arith.addi %mul3A_2, %add3A_13 : i32
    %add3A_15 = arith.constant 1600 : i32
    %add3A_16 = arith.addi %add3A_14, %add3A_15 : i32
    %le3A_17 = arith.constant 100000 : i32
    %le3A_18 = arith.cmpi sle, %add3A_16, %le3A_17 : i32
    %convert_element_type3A_19 = arith.extui %le3A_18 : i1 to i32
    %cond3A_20 = arith.constant 0 : i32
    %cond3A_21 = arith.cmpi ne, %convert_element_type3A_19, %cond3A_20 : i32
    scf.if %cond3A_21 {
      %multiple_of3A = tpu.assume_multiple %add3A_14, 8 : i32
      "tpu.region"() ({
        %run_scoped3A = tpu.sem_alloc : memref<!tpu.dma_semaphore, #tpu.memory_space<semaphore_mem>>
        %dma_start3A_1034 = tpu.memref_slice %arg4[%multiple_of3A] : memref<100000xi32, #tpu.memory_space<hbm>> -> memref<1600xi32, #tpu.memory_space<hbm>>
        %dma_start3A_1035 = tpu.memref_slice %arg4[%multiple_of3A] : memref<100000xi32, #tpu.memory_space<hbm>> -> memref<1600xi32, #tpu.memory_space<hbm>>
        tpu.enqueue_dma source(%dma_start3A_1035 : memref<1600xi32, #tpu.memory_space<hbm>>) target(%arg7 : memref<1600xi32, #tpu.memory_space<vmem>>) target_semaphore(%run_scoped3A : memref<!tpu.dma_semaphore, #tpu.memory_space<semaphore_mem>>)
        %dma_wait3A_1036 = tpu.memref_slice %arg4[%multiple_of3A] : memref<100000xi32, #tpu.memory_space<hbm>> -> memref<1600xi32, #tpu.memory_space<hbm>>
        %dma_wait3A_1037 = tpu.memref_slice %arg4[%multiple_of3A] : memref<100000xi32, #tpu.memory_space<hbm>> -> memref<1600xi32, #tpu.memory_space<hbm>>
        tpu.wait_dma2 semaphore(%run_scoped3A : memref<!tpu.dma_semaphore, #tpu.memory_space<semaphore_mem>>) src(%dma_wait3A_1037 : memref<1600xi32, #tpu.memory_space<hbm>>) dst(%arg7 : memref<1600xi32, #tpu.memory_space<vmem>>)
        tpu.yield
      }) : () -> ()
      "tpu.region"() ({
        %run_scoped3A = tpu.sem_alloc : memref<!tpu.dma_semaphore, #tpu.memory_space<semaphore_mem>>
        %dma_start3A_1034 = tpu.memref_slice %arg5[%multiple_of3A] : memref<100000xi32, #tpu.memory_space<hbm>> -> memref<1600xi32, #tpu.memory_space<hbm>>
        %dma_start3A_1035 = tpu.memref_slice %arg5[%multiple_of3A] : memref<100000xi32, #tpu.memory_space<hbm>> -> memref<1600xi32, #tpu.memory_space<hbm>>
        tpu.enqueue_dma source(%dma_start3A_1035 : memref<1600xi32, #tpu.memory_space<hbm>>) target(%arg8 : memref<1600xi32, #tpu.memory_space<vmem>>) target_semaphore(%run_scoped3A : memref<!tpu.dma_semaphore, #tpu.memory_space<semaphore_mem>>)
        %dma_wait3A_1036 = tpu.memref_slice %arg5[%multiple_of3A] : memref<100000xi32, #tpu.memory_space<hbm>> -> memref<1600xi32, #tpu.memory_space<hbm>>
        %dma_wait3A_1037 = tpu.memref_slice %arg5[%multiple_of3A] : memref<100000xi32, #tpu.memory_space<hbm>> -> memref<1600xi32, #tpu.memory_space<hbm>>
        tpu.wait_dma2 semaphore(%run_scoped3A : memref<!tpu.dma_semaphore, #tpu.memory_space<semaphore_mem>>) src(%dma_wait3A_1037 : memref<1600xi32, #tpu.memory_space<hbm>>) dst(%arg8 : memref<1600xi32, #tpu.memory_space<vmem>>)
        tpu.yield
      }) : () -> ()
      %get3A = arith.constant 0 : index
      %get3A_27 = tpu.vector_load %arg8[%get3A] {strides = array<i32>} : memref<1600xi32, #tpu.memory_space<vmem>>, vector<16xi32>,
      %get3A_28 = vector.shape_cast %get3A_27 : vector<16xi32> to vector<16xi32>
      %min3A = arith.constant 200 : i32
      %min3A_29 = vector.broadcast %min3A : i32 to vector<16xi32>
      %min3A_30 = arith.minsi %get3A_28, %min3A_29 : vector<16xi32>
      %swap3A = arith.constant 0 : index
      %swap3A_31 = tpu.vector_load %arg8[%swap3A] {strides = array<i32>} : memref<1600xi32, #tpu.memory_space<vmem>>, vector<16xi32>,
      %swap3A_32 = vector.shape_cast %swap3A_31 : vector<16xi32> to vector<16xi32>
      %swap3A_33 = vector.shape_cast %min3A_30 : vector<16xi32> to vector<16xi32>
      tpu.vector_store %arg8[%swap3A], %swap3A_33 {strides = array<i32>} : memref<1600xi32, #tpu.memory_space<vmem>>, vector<16xi32>,
      %get3A_34 = arith.constant 16 : index
      %get3A_35 = tpu.vector_load %arg8[%get3A_34] {strides = array<i32>} : memref<1600xi32, #tpu.memory_space<vmem>>, vector<16xi32>,
      %get3A_36 = vector.shape_cast %get3A_35 : vector<16xi32> to vector<16xi32>
      %min3A_37 = arith.constant 200 : i32
      %min3A_38 = vector.broadcast %min3A_37 : i32 to vector<16xi32>
      %min3A_39 = arith.minsi %get3A_36, %min3A_38 : vector<16xi32>
      %swap3A_40 = arith.constant 16 : index
      %swap3A_41 = tpu.vector_load %arg8[%swap3A_40] {strides = array<i32>} : memref<1600xi32, #tpu.memory_space<vmem>>, vector<16xi32>,
      %swap3A_42 = vector.shape_cast %swap3A_41 : vector<16xi32> to vector<16xi32>
      %swap3A_43 = vector.shape_cast %min3A_39 : vector<16xi32> to vector<16xi32>
      tpu.vector_store %arg8[%swap3A_40], %swap3A_43 {strides = array<i32>} : memref<1600xi32, #tpu.memory_space<vmem>>, vector<16xi32>,
      %get3A_44 = arith.constant 32 : index
      %get3A_45 = tpu.vector_load %arg8[%get3A_44] {strides = array<i32>} : memref<1600xi32, #tpu.memory_space<vmem>>, vector<16xi32>,
      %get3A_46 = vector.shape_cast %get3A_45 : vector<16xi32> to vector<16xi32>
      %min3A_47 = arith.constant 200 : i32
      %min3A_48 = vector.broadcast %min3A_47 : i32 to vector<16xi32>
      %min3A_49 = arith.minsi %get3A_46, %min3A_48 : vector<16xi32>
      %swap3A_50 = arith.constant 32 : index
      %swap3A_51 = tpu.vector_load %arg8[%swap3A_50] {strides = array<i32>} : memref<1600xi32, #tpu.memory_space<vmem>>, vector<16xi32>,
      %swap3A_52 = vector.shape_cast %swap3A_51 : vector<16xi32> to vector<16xi32>
      %swap3A_53 = vector.shape_cast %min3A_49 : vector<16xi32> to vector<16xi32>
      tpu.vector_store %arg8[%swap3A_50], %swap3A_53 {strides = array<i32>} : memref<1600xi32, #tpu.memory_space<vmem>>, vector<16xi32>,
      %get3A_54 = arith.constant 48 : index
      %get3A_55 = tpu.vector_load %arg8[%get3A_54] {strides = array<i32>} : memref<1600xi32, #tpu.memory_space<vmem>>, vector<16xi32>,
      %get3A_56 = vector.shape_cast %get3A_55 : vector<16xi32> to vector<16xi32>
      %min3A_57 = arith.constant 200 : i32
      %min3A_58 = vector.broadcast %min3A_57 : i32 to vector<16xi32>
      %min3A_59 = arith.minsi %get3A_56, %min3A_58 : vector<16xi32>
      %swap3A_60 = arith.constant 48 : index
      %swap3A_61 = tpu.vector_load %arg8[%swap3A_60] {strides = array<i32>} : memref<1600xi32, #tpu.memory_space<vmem>>, vector<16xi32>,
      %swap3A_62 = vector.shape_cast %swap3A_61 : vector<16xi32> to vector<16xi32>
      %swap3A_63 = vector.shape_cast %min3A_59 : vector<16xi32> to vector<16xi32>
      tpu.vector_store %arg8[%swap3A_60], %swap3A_63 {strides = array<i32>} : memref<1600xi32, #tpu.memory_space<vmem>>, vector<16xi32>,
      %get3A_64 = arith.constant 64 : index
      %get3A_65 = tpu.vector_load %arg8[%get3A_64] {strides = array<i32>} : memref<1600xi32, #tpu.memory_space<vmem>>, vector<16xi32>,
      %get3A_66 = vector.shape_cast %get3A_65 : vector<16xi32> to vector<16xi32>
      %min3A_67 = arith.constant 200 : i32
      %min3A_68 = vector.broadcast %min3A_67 : i32 to vector<16xi32>
      %min3A_69 = arith.minsi %get3A_66, %min3A_68 : vector<16xi32>
      %swap3A_70 = arith.constant 64 : index
      %swap3A_71 = tpu.vector_load %arg8[%swap3A_70] {strides = array<i32>} : memref<1600xi32, #tpu.memory_space<vmem>>, vector<16xi32>,
      %swap3A_72 = vector.shape_cast %swap3A_71 : vector<16xi32> to vector<16xi32>
      %swap3A_73 = vector.shape_cast %min3A_69 : vector<16xi32> to vector<16xi32>
      tpu.vector_store %arg8[%swap3A_70], %swap3A_73 {strides = array<i32>} : memref<1600xi32, #tpu.memory_space<vmem>>, vector<16xi32>,
      %get3A_74 = arith.constant 80 : index
      %get3A_75 = tpu.vector_load %arg8[%get3A_74] {strides = array<i32>} : memref<1600xi32, #tpu.memory_space<vmem>>, vector<16xi32>,
      %get3A_76 = vector.shape_cast %get3A_75 : vector<16xi32> to vector<16xi32>
      %min3A_77 = arith.constant 200 : i32
      %min3A_78 = vector.broadcast %min3A_77 : i32 to vector<16xi32>
      %min3A_79 = arith.minsi %get3A_76, %min3A_78 : vector<16xi32>
      %swap3A_80 = arith.constant 80 : index
      %swap3A_81 = tpu.vector_load %arg8[%swap3A_80] {strides = array<i32>} : memref<1600xi32, #tpu.memory_space<vmem>>, vector<16xi32>,
      %swap3A_82 = vector.shape_cast %swap3A_81 : vector<16xi32> to vector<16xi32>
      %swap3A_83 = vector.shape_cast %min3A_79 : vector<16xi32> to vector<16xi32>
      tpu.vector_store %arg8[%swap3A_80], %swap3A_83 {strides = array<i32>} : memref<1600xi32, #tpu.memory_space<vmem>>, vector<16xi32>,
      %get3A_84 = arith.constant 96 : index
      %get3A_85 = tpu.vector_load %arg8[%get3A_84] {strides = array<i32>} : memref<1600xi32, #tpu.memory_space<vmem>>, vector<16xi32>,
      %get3A_86 = vector.shape_cast %get3A_85 : vector<16xi32> to vector<16xi32>
      %min3A_87 = arith.constant 200 : i32
      %min3A_88 = vector.broadcast %min3A_87 : i32 to vector<16xi32>
      %min3A_89 = arith.minsi %get3A_86, %min3A_88 : vector<16xi32>
      %swap3A_90 = arith.constant 96 : index
      %swap3A_91 = tpu.vector_load %arg8[%swap3A_90] {strides = array<i32>} : memref<1600xi32, #tpu.memory_space<vmem>>, vector<16xi32>,
      %swap3A_92 = vector.shape_cast %swap3A_91 : vector<16xi32> to vector<16xi32>
      %swap3A_93 = vector.shape_cast %min3A_89 : vector<16xi32> to vector<16xi32>
      tpu.vector_store %arg8[%swap3A_90], %swap3A_93 {strides = array<i32>} : memref<1600xi32, #tpu.memory_space<vmem>>, vector<16xi32>,
      %get3A_94 = arith.constant 112 : index
      %get3A_95 = tpu.vector_load %arg8[%get3A_94] {strides = array<i32>} : memref<1600xi32, #tpu.memory_space<vmem>>, vector<16xi32>,
      %get3A_96 = vector.shape_cast %get3A_95 : vector<16xi32> to vector<16xi32>
      %min3A_97 = arith.constant 200 : i32
      %min3A_98 = vector.broadcast %min3A_97 : i32 to vector<16xi32>
      %min3A_99 = arith.minsi %get3A_96, %min3A_98 : vector<16xi32>
      %swap3A_100 = arith.constant 112 : index
      %swap3A_101 = tpu.vector_load %arg8[%swap3A_100] {strides = array<i32>} : memref<1600xi32, #tpu.memory_space<vmem>>, vector<16xi32>,
      %swap3A_102 = vector.shape_cast %swap3A_101 : vector<16xi32> to vector<16xi32>
      %swap3A_103 = vector.shape_cast %min3A_99 : vector<16xi32> to vector<16xi32>
      tpu.vector_store %arg8[%swap3A_100], %swap3A_103 {strides = array<i32>} : memref<1600xi32, #tpu.memory_space<vmem>>, vector<16xi32>,
      %get3A_104 = arith.constant 128 : index
      %get3A_105 = tpu.vector_load %arg8[%get3A_104] {strides = array<i32>} : memref<1600xi32, #tpu.memory_space<vmem>>, vector<16xi32>,
      %get3A_106 = vector.shape_cast %get3A_105 : vector<16xi32> to vector<16xi32>
      %min3A_107 = arith.constant 200 : i32
      %min3A_108 = vector.broadcast %min3A_107 : i32 to vector<16xi32>
      %min3A_109 = arith.minsi %get3A_106, %min3A_108 : vector<16xi32>
      %swap3A_110 = arith.constant 128 : index
      %swap3A_111 = tpu.vector_load %arg8[%swap3A_110] {strides = array<i32>} : memref<1600xi32, #tpu.memory_space<vmem>>, vector<16xi32>,
      %swap3A_112 = vector.shape_cast %swap3A_111 : vector<16xi32> to vector<16xi32>
      %swap3A_113 = vector.shape_cast %min3A_109 : vector<16xi32> to vector<16xi32>
      tpu.vector_store %arg8[%swap3A_110], %swap3A_113 {strides = array<i32>} : memref<1600xi32, #tpu.memory_space<vmem>>, vector<16xi32>,
      %get3A_114 = arith.constant 144 : index
      %get3A_115 = tpu.vector_load %arg8[%get3A_114] {strides = array<i32>} : memref<1600xi32, #tpu.memory_space<vmem>>, vector<16xi32>,
      %get3A_116 = vector.shape_cast %get3A_115 : vector<16xi32> to vector<16xi32>
      %min3A_117 = arith.constant 200 : i32
      %min3A_118 = vector.broadcast %min3A_117 : i32 to vector<16xi32>
      %min3A_119 = arith.minsi %get3A_116, %min3A_118 : vector<16xi32>
      %swap3A_120 = arith.constant 144 : index
      %swap3A_121 = tpu.vector_load %arg8[%swap3A_120] {strides = array<i32>} : memref<1600xi32, #tpu.memory_space<vmem>>, vector<16xi32>,
      %swap3A_122 = vector.shape_cast %swap3A_121 : vector<16xi32> to vector<16xi32>
      %swap3A_123 = vector.shape_cast %min3A_119 : vector<16xi32> to vector<16xi32>
      tpu.vector_store %arg8[%swap3A_120], %swap3A_123 {strides = array<i32>} : memref<1600xi32, #tpu.memory_space<vmem>>, vector<16xi32>,
      %get3A_124 = arith.constant 160 : index
      %get3A_125 = tpu.vector_load %arg8[%get3A_124] {strides = array<i32>} : memref<1600xi32, #tpu.memory_space<vmem>>, vector<16xi32>,
      %get3A_126 = vector.shape_cast %get3A_125 : vector<16xi32> to vector<16xi32>
      %min3A_127 = arith.constant 200 : i32
      %min3A_128 = vector.broadcast %min3A_127 : i32 to vector<16xi32>
      %min3A_129 = arith.minsi %get3A_126, %min3A_128 : vector<16xi32>
      %swap3A_130 = arith.constant 160 : index
      %swap3A_131 = tpu.vector_load %arg8[%swap3A_130] {strides = array<i32>} : memref<1600xi32, #tpu.memory_space<vmem>>, vector<16xi32>,
      %swap3A_132 = vector.shape_cast %swap3A_131 : vector<16xi32> to vector<16xi32>
      %swap3A_133 = vector.shape_cast %min3A_129 : vector<16xi32> to vector<16xi32>
      tpu.vector_store %arg8[%swap3A_130], %swap3A_133 {strides = array<i32>} : memref<1600xi32, #tpu.memory_space<vmem>>, vector<16xi32>,
      %get3A_134 = arith.constant 176 : index
      %get3A_135 = tpu.vector_load %arg8[%get3A_134] {strides = array<i32>} : memref<1600xi32, #tpu.memory_space<vmem>>, vector<16xi32>,
      %get3A_136 = vector.shape_cast %get3A_135 : vector<16xi32> to vector<16xi32>
      %min3A_137 = arith.constant 200 : i32
      %min3A_138 = vector.broadcast %min3A_137 : i32 to vector<16xi32>
      %min3A_139 = arith.minsi %get3A_136, %min3A_138 : vector<16xi32>
      %swap3A_140 = arith.constant 176 : index
      %swap3A_141 = tpu.vector_load %arg8[%swap3A_140] {strides = array<i32>} : memref<1600xi32, #tpu.memory_space<vmem>>, vector<16xi32>,
      %swap3A_142 = vector.shape_cast %swap3A_141 : vector<16xi32> to vector<16xi32>
      %swap3A_143 = vector.shape_cast %min3A_139 : vector<16xi32> to vector<16xi32>
      tpu.vector_store %arg8[%swap3A_140], %swap3A_143 {strides = array<i32>} : memref<1600xi32, #tpu.memory_space<vmem>>, vector<16xi32>,
      %get3A_144 = arith.constant 192 : index
      %get3A_145 = tpu.vector_load %arg8[%get3A_144] {strides = array<i32>} : memref<1600xi32, #tpu.memory_space<vmem>>, vector<16xi32>,
      %get3A_146 = vector.shape_cast %get3A_145 : vector<16xi32> to vector<16xi32>
      %min3A_147 = arith.constant 200 : i32
      %min3A_148 = vector.broadcast %min3A_147 : i32 to vector<16xi32>
      %min3A_149 = arith.minsi %get3A_146, %min3A_148 : vector<16xi32>
      %swap3A_150 = arith.constant 192 : index
      %swap3A_151 = tpu.vector_load %arg8[%swap3A_150] {strides = array<i32>} : memref<1600xi32, #tpu.memory_space<vmem>>, vector<16xi32>,
      %swap3A_152 = vector.shape_cast %swap3A_151 : vector<16xi32> to vector<16xi32>
      %swap3A_153 = vector.shape_cast %min3A_149 : vector<16xi32> to vector<16xi32>
      tpu.vector_store %arg8[%swap3A_150], %swap3A_153 {strides = array<i32>} : memref<1600xi32, #tpu.memory_space<vmem>>, vector<16xi32>,
      %get3A_154 = arith.constant 208 : index
      %get3A_155 = tpu.vector_load %arg8[%get3A_154] {strides = array<i32>} : memref<1600xi32, #tpu.memory_space<vmem>>, vector<16xi32>,
      %get3A_156 = vector.shape_cast %get3A_155 : vector<16xi32> to vector<16xi32>
      %min3A_157 = arith.constant 200 : i32
      %min3A_158 = vector.broadcast %min3A_157 : i32 to vector<16xi32>
      %min3A_159 = arith.minsi %get3A_156, %min3A_158 : vector<16xi32>
      %swap3A_160 = arith.constant 208 : index
      %swap3A_161 = tpu.vector_load %arg8[%swap3A_160] {strides = array<i32>} : memref<1600xi32, #tpu.memory_space<vmem>>, vector<16xi32>,
      %swap3A_162 = vector.shape_cast %swap3A_161 : vector<16xi32> to vector<16xi32>
      %swap3A_163 = vector.shape_cast %min3A_159 : vector<16xi32> to vector<16xi32>
      tpu.vector_store %arg8[%swap3A_160], %swap3A_163 {strides = array<i32>} : memref<1600xi32, #tpu.memory_space<vmem>>, vector<16xi32>,
      %get3A_164 = arith.constant 224 : index
      %get3A_165 = tpu.vector_load %arg8[%get3A_164] {strides = array<i32>} : memref<1600xi32, #tpu.memory_space<vmem>>, vector<16xi32>,
      %get3A_166 = vector.shape_cast %get3A_165 : vector<16xi32> to vector<16xi32>
      %min3A_167 = arith.constant 200 : i32
      %min3A_168 = vector.broadcast %min3A_167 : i32 to vector<16xi32>
      %min3A_169 = arith.minsi %get3A_166, %min3A_168 : vector<16xi32>
      %swap3A_170 = arith.constant 224 : index
      %swap3A_171 = tpu.vector_load %arg8[%swap3A_170] {strides = array<i32>} : memref<1600xi32, #tpu.memory_space<vmem>>, vector<16xi32>,
      %swap3A_172 = vector.shape_cast %swap3A_171 : vector<16xi32> to vector<16xi32>
      %swap3A_173 = vector.shape_cast %min3A_169 : vector<16xi32> to vector<16xi32>
      tpu.vector_store %arg8[%swap3A_170], %swap3A_173 {strides = array<i32>} : memref<1600xi32, #tpu.memory_space<vmem>>, vector<16xi32>,
      %get3A_174 = arith.constant 240 : index
      %get3A_175 = tpu.vector_load %arg8[%get3A_174] {strides = array<i32>} : memref<1600xi32, #tpu.memory_space<vmem>>, vector<16xi32>,
      %get3A_176 = vector.shape_cast %get3A_175 : vector<16xi32> to vector<16xi32>
      %min3A_177 = arith.constant 200 : i32
      %min3A_178 = vector.broadcast %min3A_177 : i32 to vector<16xi32>
      %min3A_179 = arith.minsi %get3A_176, %min3A_178 : vector<16xi32>
      %swap3A_180 = arith.constant 240 : index
      %swap3A_181 = tpu.vector_load %arg8[%swap3A_180] {strides = array<i32>} : memref<1600xi32, #tpu.memory_space<vmem>>, vector<16xi32>,
      %swap3A_182 = vector.shape_cast %swap3A_181 : vector<16xi32> to vector<16xi32>
      %swap3A_183 = vector.shape_cast %min3A_179 : vector<16xi32> to vector<16xi32>
      tpu.vector_store %arg8[%swap3A_180], %swap3A_183 {strides = array<i32>} : memref<1600xi32, #tpu.memory_space<vmem>>, vector<16xi32>,
      %get3A_184 = arith.constant 256 : index
      %get3A_185 = tpu.vector_load %arg8[%get3A_184] {strides = array<i32>} : memref<1600xi32, #tpu.memory_space<vmem>>, vector<16xi32>,
      %get3A_186 = vector.shape_cast %get3A_185 : vector<16xi32> to vector<16xi32>
      %min3A_187 = arith.constant 200 : i32
      %min3A_188 = vector.broadcast %min3A_187 : i32 to vector<16xi32>
      %min3A_189 = arith.minsi %get3A_186, %min3A_188 : vector<16xi32>
      %swap3A_190 = arith.constant 256 : index
      %swap3A_191 = tpu.vector_load %arg8[%swap3A_190] {strides = array<i32>} : memref<1600xi32, #tpu.memory_space<vmem>>, vector<16xi32>,
      %swap3A_192 = vector.shape_cast %swap3A_191 : vector<16xi32> to vector<16xi32>
      %swap3A_193 = vector.shape_cast %min3A_189 : vector<16xi32> to vector<16xi32>
      tpu.vector_store %arg8[%swap3A_190], %swap3A_193 {strides = array<i32>} : memref<1600xi32, #tpu.memory_space<vmem>>, vector<16xi32>,
      %get3A_194 = arith.constant 272 : index
      %get3A_195 = tpu.vector_load %arg8[%get3A_194] {strides = array<i32>} : memref<1600xi32, #tpu.memory_space<vmem>>, vector<16xi32>,
      %get3A_196 = vector.shape_cast %get3A_195 : vector<16xi32> to vector<16xi32>
      %min3A_197 = arith.constant 200 : i32
      %min3A_198 = vector.broadcast %min3A_197 : i32 to vector<16xi32>
      %min3A_199 = arith.minsi %get3A_196, %min3A_198 : vector<16xi32>
      %swap3A_200 = arith.constant 272 : index
      %swap3A_201 = tpu.vector_load %arg8[%swap3A_200] {strides = array<i32>} : memref<1600xi32, #tpu.memory_space<vmem>>, vector<16xi32>,
      %swap3A_202 = vector.shape_cast %swap3A_201 : vector<16xi32> to vector<16xi32>
      %swap3A_203 = vector.shape_cast %min3A_199 : vector<16xi32> to vector<16xi32>
      tpu.vector_store %arg8[%swap3A_200], %swap3A_203 {strides = array<i32>} : memref<1600xi32, #tpu.memory_space<vmem>>, vector<16xi32>,
      %get3A_204 = arith.constant 288 : index
      %get3A_205 = tpu.vector_load %arg8[%get3A_204] {strides = array<i32>} : memref<1600xi32, #tpu.memory_space<vmem>>, vector<16xi32>,
      %get3A_206 = vector.shape_cast %get3A_205 : vector<16xi32> to vector<16xi32>
      %min3A_207 = arith.constant 200 : i32
      %min3A_208 = vector.broadcast %min3A_207 : i32 to vector<16xi32>
      %min3A_209 = arith.minsi %get3A_206, %min3A_208 : vector<16xi32>
      %swap3A_210 = arith.constant 288 : index
      %swap3A_211 = tpu.vector_load %arg8[%swap3A_210] {strides = array<i32>} : memref<1600xi32, #tpu.memory_space<vmem>>, vector<16xi32>,
      %swap3A_212 = vector.shape_cast %swap3A_211 : vector<16xi32> to vector<16xi32>
      %swap3A_213 = vector.shape_cast %min3A_209 : vector<16xi32> to vector<16xi32>
      tpu.vector_store %arg8[%swap3A_210], %swap3A_213 {strides = array<i32>} : memref<1600xi32, #tpu.memory_space<vmem>>, vector<16xi32>,
      %get3A_214 = arith.constant 304 : index
      %get3A_215 = tpu.vector_load %arg8[%get3A_214] {strides = array<i32>} : memref<1600xi32, #tpu.memory_space<vmem>>, vector<16xi32>,
      %get3A_216 = vector.shape_cast %get3A_215 : vector<16xi32> to vector<16xi32>
      %min3A_217 = arith.constant 200 : i32
      %min3A_218 = vector.broadcast %min3A_217 : i32 to vector<16xi32>
      %min3A_219 = arith.minsi %get3A_216, %min3A_218 : vector<16xi32>
      %swap3A_220 = arith.constant 304 : index
      %swap3A_221 = tpu.vector_load %arg8[%swap3A_220] {strides = array<i32>} : memref<1600xi32, #tpu.memory_space<vmem>>, vector<16xi32>,
      %swap3A_222 = vector.shape_cast %swap3A_221 : vector<16xi32> to vector<16xi32>
      %swap3A_223 = vector.shape_cast %min3A_219 : vector<16xi32> to vector<16xi32>
      tpu.vector_store %arg8[%swap3A_220], %swap3A_223 {strides = array<i32>} : memref<1600xi32, #tpu.memory_space<vmem>>, vector<16xi32>,
      %get3A_224 = arith.constant 320 : index
      %get3A_225 = tpu.vector_load %arg8[%get3A_224] {strides = array<i32>} : memref<1600xi32, #tpu.memory_space<vmem>>, vector<16xi32>,
      %get3A_226 = vector.shape_cast %get3A_225 : vector<16xi32> to vector<16xi32>
      %min3A_227 = arith.constant 200 : i32
      %min3A_228 = vector.broadcast %min3A_227 : i32 to vector<16xi32>
      %min3A_229 = arith.minsi %get3A_226, %min3A_228 : vector<16xi32>
      %swap3A_230 = arith.constant 320 : index
      %swap3A_231 = tpu.vector_load %arg8[%swap3A_230] {strides = array<i32>} : memref<1600xi32, #tpu.memory_space<vmem>>, vector<16xi32>,
      %swap3A_232 = vector.shape_cast %swap3A_231 : vector<16xi32> to vector<16xi32>
      %swap3A_233 = vector.shape_cast %min3A_229 : vector<16xi32> to vector<16xi32>
      tpu.vector_store %arg8[%swap3A_230], %swap3A_233 {strides = array<i32>} : memref<1600xi32, #tpu.memory_space<vmem>>, vector<16xi32>,
      %get3A_234 = arith.constant 336 : index
      %get3A_235 = tpu.vector_load %arg8[%get3A_234] {strides = array<i32>} : memref<1600xi32, #tpu.memory_space<vmem>>, vector<16xi32>,
      %get3A_236 = vector.shape_cast %get3A_235 : vector<16xi32> to vector<16xi32>
      %min3A_237 = arith.constant 200 : i32
      %min3A_238 = vector.broadcast %min3A_237 : i32 to vector<16xi32>
      %min3A_239 = arith.minsi %get3A_236, %min3A_238 : vector<16xi32>
      %swap3A_240 = arith.constant 336 : index
      %swap3A_241 = tpu.vector_load %arg8[%swap3A_240] {strides = array<i32>} : memref<1600xi32, #tpu.memory_space<vmem>>, vector<16xi32>,
      %swap3A_242 = vector.shape_cast %swap3A_241 : vector<16xi32> to vector<16xi32>
      %swap3A_243 = vector.shape_cast %min3A_239 : vector<16xi32> to vector<16xi32>
      tpu.vector_store %arg8[%swap3A_240], %swap3A_243 {strides = array<i32>} : memref<1600xi32, #tpu.memory_space<vmem>>, vector<16xi32>,
      %get3A_244 = arith.constant 352 : index
      %get3A_245 = tpu.vector_load %arg8[%get3A_244] {strides = array<i32>} : memref<1600xi32, #tpu.memory_space<vmem>>, vector<16xi32>,
      %get3A_246 = vector.shape_cast %get3A_245 : vector<16xi32> to vector<16xi32>
      %min3A_247 = arith.constant 200 : i32
      %min3A_248 = vector.broadcast %min3A_247 : i32 to vector<16xi32>
      %min3A_249 = arith.minsi %get3A_246, %min3A_248 : vector<16xi32>
      %swap3A_250 = arith.constant 352 : index
      %swap3A_251 = tpu.vector_load %arg8[%swap3A_250] {strides = array<i32>} : memref<1600xi32, #tpu.memory_space<vmem>>, vector<16xi32>,
      %swap3A_252 = vector.shape_cast %swap3A_251 : vector<16xi32> to vector<16xi32>
      %swap3A_253 = vector.shape_cast %min3A_249 : vector<16xi32> to vector<16xi32>
      tpu.vector_store %arg8[%swap3A_250], %swap3A_253 {strides = array<i32>} : memref<1600xi32, #tpu.memory_space<vmem>>, vector<16xi32>,
      %get3A_254 = arith.constant 368 : index
      %get3A_255 = tpu.vector_load %arg8[%get3A_254] {strides = array<i32>} : memref<1600xi32, #tpu.memory_space<vmem>>, vector<16xi32>,
      %get3A_256 = vector.shape_cast %get3A_255 : vector<16xi32> to vector<16xi32>
      %min3A_257 = arith.constant 200 : i32
      %min3A_258 = vector.broadcast %min3A_257 : i32 to vector<16xi32>
      %min3A_259 = arith.minsi %get3A_256, %min3A_258 : vector<16xi32>
      %swap3A_260 = arith.constant 368 : index
      %swap3A_261 = tpu.vector_load %arg8[%swap3A_260] {strides = array<i32>} : memref<1600xi32, #tpu.memory_space<vmem>>, vector<16xi32>,
      %swap3A_262 = vector.shape_cast %swap3A_261 : vector<16xi32> to vector<16xi32>
      %swap3A_263 = vector.shape_cast %min3A_259 : vector<16xi32> to vector<16xi32>
      tpu.vector_store %arg8[%swap3A_260], %swap3A_263 {strides = array<i32>} : memref<1600xi32, #tpu.memory_space<vmem>>, vector<16xi32>,
      %get3A_264 = arith.constant 384 : index
      %get3A_265 = tpu.vector_load %arg8[%get3A_264] {strides = array<i32>} : memref<1600xi32, #tpu.memory_space<vmem>>, vector<16xi32>,
      %get3A_266 = vector.shape_cast %get3A_265 : vector<16xi32> to vector<16xi32>
      %min3A_267 = arith.constant 200 : i32
      %min3A_268 = vector.broadcast %min3A_267 : i32 to vector<16xi32>
      %min3A_269 = arith.minsi %get3A_266, %min3A_268 : vector<16xi32>
      %swap3A_270 = arith.constant 384 : index
      %swap3A_271 = tpu.vector_load %arg8[%swap3A_270] {strides = array<i32>} : memref<1600xi32, #tpu.memory_space<vmem>>, vector<16xi32>,
      %swap3A_272 = vector.shape_cast %swap3A_271 : vector<16xi32> to vector<16xi32>
      %swap3A_273 = vector.shape_cast %min3A_269 : vector<16xi32> to vector<16xi32>
      tpu.vector_store %arg8[%swap3A_270], %swap3A_273 {strides = array<i32>} : memref<1600xi32, #tpu.memory_space<vmem>>, vector<16xi32>,
      %get3A_274 = arith.constant 400 : index
      %get3A_275 = tpu.vector_load %arg8[%get3A_274] {strides = array<i32>} : memref<1600xi32, #tpu.memory_space<vmem>>, vector<16xi32>,
      %get3A_276 = vector.shape_cast %get3A_275 : vector<16xi32> to vector<16xi32>
      %min3A_277 = arith.constant 200 : i32
      %min3A_278 = vector.broadcast %min3A_277 : i32 to vector<16xi32>
      %min3A_279 = arith.minsi %get3A_276, %min3A_278 : vector<16xi32>
      %swap3A_280 = arith.constant 400 : index
      %swap3A_281 = tpu.vector_load %arg8[%swap3A_280] {strides = array<i32>} : memref<1600xi32, #tpu.memory_space<vmem>>, vector<16xi32>,
      %swap3A_282 = vector.shape_cast %swap3A_281 : vector<16xi32> to vector<16xi32>
      %swap3A_283 = vector.shape_cast %min3A_279 : vector<16xi32> to vector<16xi32>
      tpu.vector_store %arg8[%swap3A_280], %swap3A_283 {strides = array<i32>} : memref<1600xi32, #tpu.memory_space<vmem>>, vector<16xi32>,
      %get3A_284 = arith.constant 416 : index
      %get3A_285 = tpu.vector_load %arg8[%get3A_284] {strides = array<i32>} : memref<1600xi32, #tpu.memory_space<vmem>>, vector<16xi32>,
      %get3A_286 = vector.shape_cast %get3A_285 : vector<16xi32> to vector<16xi32>
      %min3A_287 = arith.constant 200 : i32
      %min3A_288 = vector.broadcast %min3A_287 : i32 to vector<16xi32>
      %min3A_289 = arith.minsi %get3A_286, %min3A_288 : vector<16xi32>
      %swap3A_290 = arith.constant 416 : index
      %swap3A_291 = tpu.vector_load %arg8[%swap3A_290] {strides = array<i32>} : memref<1600xi32, #tpu.memory_space<vmem>>, vector<16xi32>,
      %swap3A_292 = vector.shape_cast %swap3A_291 : vector<16xi32> to vector<16xi32>
      %swap3A_293 = vector.shape_cast %min3A_289 : vector<16xi32> to vector<16xi32>
      tpu.vector_store %arg8[%swap3A_290], %swap3A_293 {strides = array<i32>} : memref<1600xi32, #tpu.memory_space<vmem>>, vector<16xi32>,
      %get3A_294 = arith.constant 432 : index
      %get3A_295 = tpu.vector_load %arg8[%get3A_294] {strides = array<i32>} : memref<1600xi32, #tpu.memory_space<vmem>>, vector<16xi32>,
      %get3A_296 = vector.shape_cast %get3A_295 : vector<16xi32> to vector<16xi32>
      %min3A_297 = arith.constant 200 : i32
      %min3A_298 = vector.broadcast %min3A_297 : i32 to vector<16xi32>
      %min3A_299 = arith.minsi %get3A_296, %min3A_298 : vector<16xi32>
      %swap3A_300 = arith.constant 432 : index
      %swap3A_301 = tpu.vector_load %arg8[%swap3A_300] {strides = array<i32>} : memref<1600xi32, #tpu.memory_space<vmem>>, vector<16xi32>,
      %swap3A_302 = vector.shape_cast %swap3A_301 : vector<16xi32> to vector<16xi32>
      %swap3A_303 = vector.shape_cast %min3A_299 : vector<16xi32> to vector<16xi32>
      tpu.vector_store %arg8[%swap3A_300], %swap3A_303 {strides = array<i32>} : memref<1600xi32, #tpu.memory_space<vmem>>, vector<16xi32>,
      %get3A_304 = arith.constant 448 : index
      %get3A_305 = tpu.vector_load %arg8[%get3A_304] {strides = array<i32>} : memref<1600xi32, #tpu.memory_space<vmem>>, vector<16xi32>,
      %get3A_306 = vector.shape_cast %get3A_305 : vector<16xi32> to vector<16xi32>
      %min3A_307 = arith.constant 200 : i32
      %min3A_308 = vector.broadcast %min3A_307 : i32 to vector<16xi32>
      %min3A_309 = arith.minsi %get3A_306, %min3A_308 : vector<16xi32>
      %swap3A_310 = arith.constant 448 : index
      %swap3A_311 = tpu.vector_load %arg8[%swap3A_310] {strides = array<i32>} : memref<1600xi32, #tpu.memory_space<vmem>>, vector<16xi32>,
      %swap3A_312 = vector.shape_cast %swap3A_311 : vector<16xi32> to vector<16xi32>
      %swap3A_313 = vector.shape_cast %min3A_309 : vector<16xi32> to vector<16xi32>
      tpu.vector_store %arg8[%swap3A_310], %swap3A_313 {strides = array<i32>} : memref<1600xi32, #tpu.memory_space<vmem>>, vector<16xi32>,
      %get3A_314 = arith.constant 464 : index
      %get3A_315 = tpu.vector_load %arg8[%get3A_314] {strides = array<i32>} : memref<1600xi32, #tpu.memory_space<vmem>>, vector<16xi32>,
      %get3A_316 = vector.shape_cast %get3A_315 : vector<16xi32> to vector<16xi32>
      %min3A_317 = arith.constant 200 : i32
      %min3A_318 = vector.broadcast %min3A_317 : i32 to vector<16xi32>
      %min3A_319 = arith.minsi %get3A_316, %min3A_318 : vector<16xi32>
      %swap3A_320 = arith.constant 464 : index
      %swap3A_321 = tpu.vector_load %arg8[%swap3A_320] {strides = array<i32>} : memref<1600xi32, #tpu.memory_space<vmem>>, vector<16xi32>,
      %swap3A_322 = vector.shape_cast %swap3A_321 : vector<16xi32> to vector<16xi32>
      %swap3A_323 = vector.shape_cast %min3A_319 : vector<16xi32> to vector<16xi32>
      tpu.vector_store %arg8[%swap3A_320], %swap3A_323 {strides = array<i32>} : memref<1600xi32, #tpu.memory_space<vmem>>, vector<16xi32>,
      %get3A_324 = arith.constant 480 : index
      %get3A_325 = tpu.vector_load %arg8[%get3A_324] {strides = array<i32>} : memref<1600xi32, #tpu.memory_space<vmem>>, vector<16xi32>,
      %get3A_326 = vector.shape_cast %get3A_325 : vector<16xi32> to vector<16xi32>
      %min3A_327 = arith.constant 200 : i32
      %min3A_328 = vector.broadcast %min3A_327 : i32 to vector<16xi32>
      %min3A_329 = arith.minsi %get3A_326, %min3A_328 : vector<16xi32>
      %swap3A_330 = arith.constant 480 : index
      %swap3A_331 = tpu.vector_load %arg8[%swap3A_330] {strides = array<i32>} : memref<1600xi32, #tpu.memory_space<vmem>>, vector<16xi32>,
      %swap3A_332 = vector.shape_cast %swap3A_331 : vector<16xi32> to vector<16xi32>
      %swap3A_333 = vector.shape_cast %min3A_329 : vector<16xi32> to vector<16xi32>
      tpu.vector_store %arg8[%swap3A_330], %swap3A_333 {strides = array<i32>} : memref<1600xi32, #tpu.memory_space<vmem>>, vector<16xi32>,
      %get3A_334 = arith.constant 496 : index
      %get3A_335 = tpu.vector_load %arg8[%get3A_334] {strides = array<i32>} : memref<1600xi32, #tpu.memory_space<vmem>>, vector<16xi32>,
      %get3A_336 = vector.shape_cast %get3A_335 : vector<16xi32> to vector<16xi32>
      %min3A_337 = arith.constant 200 : i32
      %min3A_338 = vector.broadcast %min3A_337 : i32 to vector<16xi32>
      %min3A_339 = arith.minsi %get3A_336, %min3A_338 : vector<16xi32>
      %swap3A_340 = arith.constant 496 : index
      %swap3A_341 = tpu.vector_load %arg8[%swap3A_340] {strides = array<i32>} : memref<1600xi32, #tpu.memory_space<vmem>>, vector<16xi32>,
      %swap3A_342 = vector.shape_cast %swap3A_341 : vector<16xi32> to vector<16xi32>
      %swap3A_343 = vector.shape_cast %min3A_339 : vector<16xi32> to vector<16xi32>
      tpu.vector_store %arg8[%swap3A_340], %swap3A_343 {strides = array<i32>} : memref<1600xi32, #tpu.memory_space<vmem>>, vector<16xi32>,
      %get3A_344 = arith.constant 512 : index
      %get3A_345 = tpu.vector_load %arg8[%get3A_344] {strides = array<i32>} : memref<1600xi32, #tpu.memory_space<vmem>>, vector<16xi32>,
      %get3A_346 = vector.shape_cast %get3A_345 : vector<16xi32> to vector<16xi32>
      %min3A_347 = arith.constant 200 : i32
      %min3A_348 = vector.broadcast %min3A_347 : i32 to vector<16xi32>
      %min3A_349 = arith.minsi %get3A_346, %min3A_348 : vector<16xi32>
      %swap3A_350 = arith.constant 512 : index
      %swap3A_351 = tpu.vector_load %arg8[%swap3A_350] {strides = array<i32>} : memref<1600xi32, #tpu.memory_space<vmem>>, vector<16xi32>,
      %swap3A_352 = vector.shape_cast %swap3A_351 : vector<16xi32> to vector<16xi32>
      %swap3A_353 = vector.shape_cast %min3A_349 : vector<16xi32> to vector<16xi32>
      tpu.vector_store %arg8[%swap3A_350], %swap3A_353 {strides = array<i32>} : memref<1600xi32, #tpu.memory_space<vmem>>, vector<16xi32>,
      %get3A_354 = arith.constant 528 : index
      %get3A_355 = tpu.vector_load %arg8[%get3A_354] {strides = array<i32>} : memref<1600xi32, #tpu.memory_space<vmem>>, vector<16xi32>,
      %get3A_356 = vector.shape_cast %get3A_355 : vector<16xi32> to vector<16xi32>
      %min3A_357 = arith.constant 200 : i32
      %min3A_358 = vector.broadcast %min3A_357 : i32 to vector<16xi32>
      %min3A_359 = arith.minsi %get3A_356, %min3A_358 : vector<16xi32>
      %swap3A_360 = arith.constant 528 : index
      %swap3A_361 = tpu.vector_load %arg8[%swap3A_360] {strides = array<i32>} : memref<1600xi32, #tpu.memory_space<vmem>>, vector<16xi32>,
      %swap3A_362 = vector.shape_cast %swap3A_361 : vector<16xi32> to vector<16xi32>
      %swap3A_363 = vector.shape_cast %min3A_359 : vector<16xi32> to vector<16xi32>
      tpu.vector_store %arg8[%swap3A_360], %swap3A_363 {strides = array<i32>} : memref<1600xi32, #tpu.memory_space<vmem>>, vector<16xi32>,
      %get3A_364 = arith.constant 544 : index
      %get3A_365 = tpu.vector_load %arg8[%get3A_364] {strides = array<i32>} : memref<1600xi32, #tpu.memory_space<vmem>>, vector<16xi32>,
      %get3A_366 = vector.shape_cast %get3A_365 : vector<16xi32> to vector<16xi32>
      %min3A_367 = arith.constant 200 : i32
      %min3A_368 = vector.broadcast %min3A_367 : i32 to vector<16xi32>
      %min3A_369 = arith.minsi %get3A_366, %min3A_368 : vector<16xi32>
      %swap3A_370 = arith.constant 544 : index
      %swap3A_371 = tpu.vector_load %arg8[%swap3A_370] {strides = array<i32>} : memref<1600xi32, #tpu.memory_space<vmem>>, vector<16xi32>,
      %swap3A_372 = vector.shape_cast %swap3A_371 : vector<16xi32> to vector<16xi32>
      %swap3A_373 = vector.shape_cast %min3A_369 : vector<16xi32> to vector<16xi32>
      tpu.vector_store %arg8[%swap3A_370], %swap3A_373 {strides = array<i32>} : memref<1600xi32, #tpu.memory_space<vmem>>, vector<16xi32>,
      %get3A_374 = arith.constant 560 : index
      %get3A_375 = tpu.vector_load %arg8[%get3A_374] {strides = array<i32>} : memref<1600xi32, #tpu.memory_space<vmem>>, vector<16xi32>,
      %get3A_376 = vector.shape_cast %get3A_375 : vector<16xi32> to vector<16xi32>
      %min3A_377 = arith.constant 200 : i32
      %min3A_378 = vector.broadcast %min3A_377 : i32 to vector<16xi32>
      %min3A_379 = arith.minsi %get3A_376, %min3A_378 : vector<16xi32>
      %swap3A_380 = arith.constant 560 : index
      %swap3A_381 = tpu.vector_load %arg8[%swap3A_380] {strides = array<i32>} : memref<1600xi32, #tpu.memory_space<vmem>>, vector<16xi32>,
      %swap3A_382 = vector.shape_cast %swap3A_381 : vector<16xi32> to vector<16xi32>
      %swap3A_383 = vector.shape_cast %min3A_379 : vector<16xi32> to vector<16xi32>
      tpu.vector_store %arg8[%swap3A_380], %swap3A_383 {strides = array<i32>} : memref<1600xi32, #tpu.memory_space<vmem>>, vector<16xi32>,
      %get3A_384 = arith.constant 576 : index
      %get3A_385 = tpu.vector_load %arg8[%get3A_384] {strides = array<i32>} : memref<1600xi32, #tpu.memory_space<vmem>>, vector<16xi32>,
      %get3A_386 = vector.shape_cast %get3A_385 : vector<16xi32> to vector<16xi32>
      %min3A_387 = arith.constant 200 : i32
      %min3A_388 = vector.broadcast %min3A_387 : i32 to vector<16xi32>
      %min3A_389 = arith.minsi %get3A_386, %min3A_388 : vector<16xi32>
      %swap3A_390 = arith.constant 576 : index
      %swap3A_391 = tpu.vector_load %arg8[%swap3A_390] {strides = array<i32>} : memref<1600xi32, #tpu.memory_space<vmem>>, vector<16xi32>,
      %swap3A_392 = vector.shape_cast %swap3A_391 : vector<16xi32> to vector<16xi32>
      %swap3A_393 = vector.shape_cast %min3A_389 : vector<16xi32> to vector<16xi32>
      tpu.vector_store %arg8[%swap3A_390], %swap3A_393 {strides = array<i32>} : memref<1600xi32, #tpu.memory_space<vmem>>, vector<16xi32>,
      %get3A_394 = arith.constant 592 : index
      %get3A_395 = tpu.vector_load %arg8[%get3A_394] {strides = array<i32>} : memref<1600xi32, #tpu.memory_space<vmem>>, vector<16xi32>,
      %get3A_396 = vector.shape_cast %get3A_395 : vector<16xi32> to vector<16xi32>
      %min3A_397 = arith.constant 200 : i32
      %min3A_398 = vector.broadcast %min3A_397 : i32 to vector<16xi32>
      %min3A_399 = arith.minsi %get3A_396, %min3A_398 : vector<16xi32>
      %swap3A_400 = arith.constant 592 : index
      %swap3A_401 = tpu.vector_load %arg8[%swap3A_400] {strides = array<i32>} : memref<1600xi32, #tpu.memory_space<vmem>>, vector<16xi32>,
      %swap3A_402 = vector.shape_cast %swap3A_401 : vector<16xi32> to vector<16xi32>
      %swap3A_403 = vector.shape_cast %min3A_399 : vector<16xi32> to vector<16xi32>
      tpu.vector_store %arg8[%swap3A_400], %swap3A_403 {strides = array<i32>} : memref<1600xi32, #tpu.memory_space<vmem>>, vector<16xi32>,
      %get3A_404 = arith.constant 608 : index
      %get3A_405 = tpu.vector_load %arg8[%get3A_404] {strides = array<i32>} : memref<1600xi32, #tpu.memory_space<vmem>>, vector<16xi32>,
      %get3A_406 = vector.shape_cast %get3A_405 : vector<16xi32> to vector<16xi32>
      %min3A_407 = arith.constant 200 : i32
      %min3A_408 = vector.broadcast %min3A_407 : i32 to vector<16xi32>
      %min3A_409 = arith.minsi %get3A_406, %min3A_408 : vector<16xi32>
      %swap3A_410 = arith.constant 608 : index
      %swap3A_411 = tpu.vector_load %arg8[%swap3A_410] {strides = array<i32>} : memref<1600xi32, #tpu.memory_space<vmem>>, vector<16xi32>,
      %swap3A_412 = vector.shape_cast %swap3A_411 : vector<16xi32> to vector<16xi32>
      %swap3A_413 = vector.shape_cast %min3A_409 : vector<16xi32> to vector<16xi32>
      tpu.vector_store %arg8[%swap3A_410], %swap3A_413 {strides = array<i32>} : memref<1600xi32, #tpu.memory_space<vmem>>, vector<16xi32>,
      %get3A_414 = arith.constant 624 : index
      %get3A_415 = tpu.vector_load %arg8[%get3A_414] {strides = array<i32>} : memref<1600xi32, #tpu.memory_space<vmem>>, vector<16xi32>,
      %get3A_416 = vector.shape_cast %get3A_415 : vector<16xi32> to vector<16xi32>
      %min3A_417 = arith.constant 200 : i32
      %min3A_418 = vector.broadcast %min3A_417 : i32 to vector<16xi32>
      %min3A_419 = arith.minsi %get3A_416, %min3A_418 : vector<16xi32>
      %swap3A_420 = arith.constant 624 : index
      %swap3A_421 = tpu.vector_load %arg8[%swap3A_420] {strides = array<i32>} : memref<1600xi32, #tpu.memory_space<vmem>>, vector<16xi32>,
      %swap3A_422 = vector.shape_cast %swap3A_421 : vector<16xi32> to vector<16xi32>
      %swap3A_423 = vector.shape_cast %min3A_419 : vector<16xi32> to vector<16xi32>
      tpu.vector_store %arg8[%swap3A_420], %swap3A_423 {strides = array<i32>} : memref<1600xi32, #tpu.memory_space<vmem>>, vector<16xi32>,
      %get3A_424 = arith.constant 640 : index
      %get3A_425 = tpu.vector_load %arg8[%get3A_424] {strides = array<i32>} : memref<1600xi32, #tpu.memory_space<vmem>>, vector<16xi32>,
      %get3A_426 = vector.shape_cast %get3A_425 : vector<16xi32> to vector<16xi32>
      %min3A_427 = arith.constant 200 : i32
      %min3A_428 = vector.broadcast %min3A_427 : i32 to vector<16xi32>
      %min3A_429 = arith.minsi %get3A_426, %min3A_428 : vector<16xi32>
      %swap3A_430 = arith.constant 640 : index
      %swap3A_431 = tpu.vector_load %arg8[%swap3A_430] {strides = array<i32>} : memref<1600xi32, #tpu.memory_space<vmem>>, vector<16xi32>,
      %swap3A_432 = vector.shape_cast %swap3A_431 : vector<16xi32> to vector<16xi32>
      %swap3A_433 = vector.shape_cast %min3A_429 : vector<16xi32> to vector<16xi32>
      tpu.vector_store %arg8[%swap3A_430], %swap3A_433 {strides = array<i32>} : memref<1600xi32, #tpu.memory_space<vmem>>, vector<16xi32>,
      %get3A_434 = arith.constant 656 : index
      %get3A_435 = tpu.vector_load %arg8[%get3A_434] {strides = array<i32>} : memref<1600xi32, #tpu.memory_space<vmem>>, vector<16xi32>,
      %get3A_436 = vector.shape_cast %get3A_435 : vector<16xi32> to vector<16xi32>
      %min3A_437 = arith.constant 200 : i32
      %min3A_438 = vector.broadcast %min3A_437 : i32 to vector<16xi32>
      %min3A_439 = arith.minsi %get3A_436, %min3A_438 : vector<16xi32>
      %swap3A_440 = arith.constant 656 : index
      %swap3A_441 = tpu.vector_load %arg8[%swap3A_440] {strides = array<i32>} : memref<1600xi32, #tpu.memory_space<vmem>>, vector<16xi32>,
      %swap3A_442 = vector.shape_cast %swap3A_441 : vector<16xi32> to vector<16xi32>
      %swap3A_443 = vector.shape_cast %min3A_439 : vector<16xi32> to vector<16xi32>
      tpu.vector_store %arg8[%swap3A_440], %swap3A_443 {strides = array<i32>} : memref<1600xi32, #tpu.memory_space<vmem>>, vector<16xi32>,
      %get3A_444 = arith.constant 672 : index
      %get3A_445 = tpu.vector_load %arg8[%get3A_444] {strides = array<i32>} : memref<1600xi32, #tpu.memory_space<vmem>>, vector<16xi32>,
      %get3A_446 = vector.shape_cast %get3A_445 : vector<16xi32> to vector<16xi32>
      %min3A_447 = arith.constant 200 : i32
      %min3A_448 = vector.broadcast %min3A_447 : i32 to vector<16xi32>
      %min3A_449 = arith.minsi %get3A_446, %min3A_448 : vector<16xi32>
      %swap3A_450 = arith.constant 672 : index
      %swap3A_451 = tpu.vector_load %arg8[%swap3A_450] {strides = array<i32>} : memref<1600xi32, #tpu.memory_space<vmem>>, vector<16xi32>,
      %swap3A_452 = vector.shape_cast %swap3A_451 : vector<16xi32> to vector<16xi32>
      %swap3A_453 = vector.shape_cast %min3A_449 : vector<16xi32> to vector<16xi32>
      tpu.vector_store %arg8[%swap3A_450], %swap3A_453 {strides = array<i32>} : memref<1600xi32, #tpu.memory_space<vmem>>, vector<16xi32>,
      %get3A_454 = arith.constant 688 : index
      %get3A_455 = tpu.vector_load %arg8[%get3A_454] {strides = array<i32>} : memref<1600xi32, #tpu.memory_space<vmem>>, vector<16xi32>,
      %get3A_456 = vector.shape_cast %get3A_455 : vector<16xi32> to vector<16xi32>
      %min3A_457 = arith.constant 200 : i32
      %min3A_458 = vector.broadcast %min3A_457 : i32 to vector<16xi32>
      %min3A_459 = arith.minsi %get3A_456, %min3A_458 : vector<16xi32>
      %swap3A_460 = arith.constant 688 : index
      %swap3A_461 = tpu.vector_load %arg8[%swap3A_460] {strides = array<i32>} : memref<1600xi32, #tpu.memory_space<vmem>>, vector<16xi32>,
      %swap3A_462 = vector.shape_cast %swap3A_461 : vector<16xi32> to vector<16xi32>
      %swap3A_463 = vector.shape_cast %min3A_459 : vector<16xi32> to vector<16xi32>
      tpu.vector_store %arg8[%swap3A_460], %swap3A_463 {strides = array<i32>} : memref<1600xi32, #tpu.memory_space<vmem>>, vector<16xi32>,
      %get3A_464 = arith.constant 704 : index
      %get3A_465 = tpu.vector_load %arg8[%get3A_464] {strides = array<i32>} : memref<1600xi32, #tpu.memory_space<vmem>>, vector<16xi32>,
      %get3A_466 = vector.shape_cast %get3A_465 : vector<16xi32> to vector<16xi32>
      %min3A_467 = arith.constant 200 : i32
      %min3A_468 = vector.broadcast %min3A_467 : i32 to vector<16xi32>
      %min3A_469 = arith.minsi %get3A_466, %min3A_468 : vector<16xi32>
      %swap3A_470 = arith.constant 704 : index
      %swap3A_471 = tpu.vector_load %arg8[%swap3A_470] {strides = array<i32>} : memref<1600xi32, #tpu.memory_space<vmem>>, vector<16xi32>,
      %swap3A_472 = vector.shape_cast %swap3A_471 : vector<16xi32> to vector<16xi32>
      %swap3A_473 = vector.shape_cast %min3A_469 : vector<16xi32> to vector<16xi32>
      tpu.vector_store %arg8[%swap3A_470], %swap3A_473 {strides = array<i32>} : memref<1600xi32, #tpu.memory_space<vmem>>, vector<16xi32>,
      %get3A_474 = arith.constant 720 : index
      %get3A_475 = tpu.vector_load %arg8[%get3A_474] {strides = array<i32>} : memref<1600xi32, #tpu.memory_space<vmem>>, vector<16xi32>,
      %get3A_476 = vector.shape_cast %get3A_475 : vector<16xi32> to vector<16xi32>
      %min3A_477 = arith.constant 200 : i32
      %min3A_478 = vector.broadcast %min3A_477 : i32 to vector<16xi32>
      %min3A_479 = arith.minsi %get3A_476, %min3A_478 : vector<16xi32>
      %swap3A_480 = arith.constant 720 : index
      %swap3A_481 = tpu.vector_load %arg8[%swap3A_480] {strides = array<i32>} : memref<1600xi32, #tpu.memory_space<vmem>>, vector<16xi32>,
      %swap3A_482 = vector.shape_cast %swap3A_481 : vector<16xi32> to vector<16xi32>
      %swap3A_483 = vector.shape_cast %min3A_479 : vector<16xi32> to vector<16xi32>
      tpu.vector_store %arg8[%swap3A_480], %swap3A_483 {strides = array<i32>} : memref<1600xi32, #tpu.memory_space<vmem>>, vector<16xi32>,
      %get3A_484 = arith.constant 736 : index
      %get3A_485 = tpu.vector_load %arg8[%get3A_484] {strides = array<i32>} : memref<1600xi32, #tpu.memory_space<vmem>>, vector<16xi32>,
      %get3A_486 = vector.shape_cast %get3A_485 : vector<16xi32> to vector<16xi32>
      %min3A_487 = arith.constant 200 : i32
      %min3A_488 = vector.broadcast %min3A_487 : i32 to vector<16xi32>
      %min3A_489 = arith.minsi %get3A_486, %min3A_488 : vector<16xi32>
      %swap3A_490 = arith.constant 736 : index
      %swap3A_491 = tpu.vector_load %arg8[%swap3A_490] {strides = array<i32>} : memref<1600xi32, #tpu.memory_space<vmem>>, vector<16xi32>,
      %swap3A_492 = vector.shape_cast %swap3A_491 : vector<16xi32> to vector<16xi32>
      %swap3A_493 = vector.shape_cast %min3A_489 : vector<16xi32> to vector<16xi32>
      tpu.vector_store %arg8[%swap3A_490], %swap3A_493 {strides = array<i32>} : memref<1600xi32, #tpu.memory_space<vmem>>, vector<16xi32>,
      %get3A_494 = arith.constant 752 : index
      %get3A_495 = tpu.vector_load %arg8[%get3A_494] {strides = array<i32>} : memref<1600xi32, #tpu.memory_space<vmem>>, vector<16xi32>,
      %get3A_496 = vector.shape_cast %get3A_495 : vector<16xi32> to vector<16xi32>
      %min3A_497 = arith.constant 200 : i32
      %min3A_498 = vector.broadcast %min3A_497 : i32 to vector<16xi32>
      %min3A_499 = arith.minsi %get3A_496, %min3A_498 : vector<16xi32>
      %swap3A_500 = arith.constant 752 : index
      %swap3A_501 = tpu.vector_load %arg8[%swap3A_500] {strides = array<i32>} : memref<1600xi32, #tpu.memory_space<vmem>>, vector<16xi32>,
      %swap3A_502 = vector.shape_cast %swap3A_501 : vector<16xi32> to vector<16xi32>
      %swap3A_503 = vector.shape_cast %min3A_499 : vector<16xi32> to vector<16xi32>
      tpu.vector_store %arg8[%swap3A_500], %swap3A_503 {strides = array<i32>} : memref<1600xi32, #tpu.memory_space<vmem>>, vector<16xi32>,
      %get3A_504 = arith.constant 768 : index
      %get3A_505 = tpu.vector_load %arg8[%get3A_504] {strides = array<i32>} : memref<1600xi32, #tpu.memory_space<vmem>>, vector<16xi32>,
      %get3A_506 = vector.shape_cast %get3A_505 : vector<16xi32> to vector<16xi32>
      %min3A_507 = arith.constant 200 : i32
      %min3A_508 = vector.broadcast %min3A_507 : i32 to vector<16xi32>
      %min3A_509 = arith.minsi %get3A_506, %min3A_508 : vector<16xi32>
      %swap3A_510 = arith.constant 768 : index
      %swap3A_511 = tpu.vector_load %arg8[%swap3A_510] {strides = array<i32>} : memref<1600xi32, #tpu.memory_space<vmem>>, vector<16xi32>,
      %swap3A_512 = vector.shape_cast %swap3A_511 : vector<16xi32> to vector<16xi32>
      %swap3A_513 = vector.shape_cast %min3A_509 : vector<16xi32> to vector<16xi32>
      tpu.vector_store %arg8[%swap3A_510], %swap3A_513 {strides = array<i32>} : memref<1600xi32, #tpu.memory_space<vmem>>, vector<16xi32>,
      %get3A_514 = arith.constant 784 : index
      %get3A_515 = tpu.vector_load %arg8[%get3A_514] {strides = array<i32>} : memref<1600xi32, #tpu.memory_space<vmem>>, vector<16xi32>,
      %get3A_516 = vector.shape_cast %get3A_515 : vector<16xi32> to vector<16xi32>
      %min3A_517 = arith.constant 200 : i32
      %min3A_518 = vector.broadcast %min3A_517 : i32 to vector<16xi32>
      %min3A_519 = arith.minsi %get3A_516, %min3A_518 : vector<16xi32>
      %swap3A_520 = arith.constant 784 : index
      %swap3A_521 = tpu.vector_load %arg8[%swap3A_520] {strides = array<i32>} : memref<1600xi32, #tpu.memory_space<vmem>>, vector<16xi32>,
      %swap3A_522 = vector.shape_cast %swap3A_521 : vector<16xi32> to vector<16xi32>
      %swap3A_523 = vector.shape_cast %min3A_519 : vector<16xi32> to vector<16xi32>
      tpu.vector_store %arg8[%swap3A_520], %swap3A_523 {strides = array<i32>} : memref<1600xi32, #tpu.memory_space<vmem>>, vector<16xi32>,
      %get3A_524 = arith.constant 800 : index
      %get3A_525 = tpu.vector_load %arg8[%get3A_524] {strides = array<i32>} : memref<1600xi32, #tpu.memory_space<vmem>>, vector<16xi32>,
      %get3A_526 = vector.shape_cast %get3A_525 : vector<16xi32> to vector<16xi32>
      %min3A_527 = arith.constant 200 : i32
      %min3A_528 = vector.broadcast %min3A_527 : i32 to vector<16xi32>
      %min3A_529 = arith.minsi %get3A_526, %min3A_528 : vector<16xi32>
      %swap3A_530 = arith.constant 800 : index
      %swap3A_531 = tpu.vector_load %arg8[%swap3A_530] {strides = array<i32>} : memref<1600xi32, #tpu.memory_space<vmem>>, vector<16xi32>,
      %swap3A_532 = vector.shape_cast %swap3A_531 : vector<16xi32> to vector<16xi32>
      %swap3A_533 = vector.shape_cast %min3A_529 : vector<16xi32> to vector<16xi32>
      tpu.vector_store %arg8[%swap3A_530], %swap3A_533 {strides = array<i32>} : memref<1600xi32, #tpu.memory_space<vmem>>, vector<16xi32>,
      %get3A_534 = arith.constant 816 : index
      %get3A_535 = tpu.vector_load %arg8[%get3A_534] {strides = array<i32>} : memref<1600xi32, #tpu.memory_space<vmem>>, vector<16xi32>,
      %get3A_536 = vector.shape_cast %get3A_535 : vector<16xi32> to vector<16xi32>
      %min3A_537 = arith.constant 200 : i32
      %min3A_538 = vector.broadcast %min3A_537 : i32 to vector<16xi32>
      %min3A_539 = arith.minsi %get3A_536, %min3A_538 : vector<16xi32>
      %swap3A_540 = arith.constant 816 : index
      %swap3A_541 = tpu.vector_load %arg8[%swap3A_540] {strides = array<i32>} : memref<1600xi32, #tpu.memory_space<vmem>>, vector<16xi32>,
      %swap3A_542 = vector.shape_cast %swap3A_541 : vector<16xi32> to vector<16xi32>
      %swap3A_543 = vector.shape_cast %min3A_539 : vector<16xi32> to vector<16xi32>
      tpu.vector_store %arg8[%swap3A_540], %swap3A_543 {strides = array<i32>} : memref<1600xi32, #tpu.memory_space<vmem>>, vector<16xi32>,
      %get3A_544 = arith.constant 832 : index
      %get3A_545 = tpu.vector_load %arg8[%get3A_544] {strides = array<i32>} : memref<1600xi32, #tpu.memory_space<vmem>>, vector<16xi32>,
      %get3A_546 = vector.shape_cast %get3A_545 : vector<16xi32> to vector<16xi32>
      %min3A_547 = arith.constant 200 : i32
      %min3A_548 = vector.broadcast %min3A_547 : i32 to vector<16xi32>
      %min3A_549 = arith.minsi %get3A_546, %min3A_548 : vector<16xi32>
      %swap3A_550 = arith.constant 832 : index
      %swap3A_551 = tpu.vector_load %arg8[%swap3A_550] {strides = array<i32>} : memref<1600xi32, #tpu.memory_space<vmem>>, vector<16xi32>,
      %swap3A_552 = vector.shape_cast %swap3A_551 : vector<16xi32> to vector<16xi32>
      %swap3A_553 = vector.shape_cast %min3A_549 : vector<16xi32> to vector<16xi32>
      tpu.vector_store %arg8[%swap3A_550], %swap3A_553 {strides = array<i32>} : memref<1600xi32, #tpu.memory_space<vmem>>, vector<16xi32>,
      %get3A_554 = arith.constant 848 : index
      %get3A_555 = tpu.vector_load %arg8[%get3A_554] {strides = array<i32>} : memref<1600xi32, #tpu.memory_space<vmem>>, vector<16xi32>,
      %get3A_556 = vector.shape_cast %get3A_555 : vector<16xi32> to vector<16xi32>
      %min3A_557 = arith.constant 200 : i32
      %min3A_558 = vector.broadcast %min3A_557 : i32 to vector<16xi32>
      %min3A_559 = arith.minsi %get3A_556, %min3A_558 : vector<16xi32>
      %swap3A_560 = arith.constant 848 : index
      %swap3A_561 = tpu.vector_load %arg8[%swap3A_560] {strides = array<i32>} : memref<1600xi32, #tpu.memory_space<vmem>>, vector<16xi32>,
      %swap3A_562 = vector.shape_cast %swap3A_561 : vector<16xi32> to vector<16xi32>
      %swap3A_563 = vector.shape_cast %min3A_559 : vector<16xi32> to vector<16xi32>
      tpu.vector_store %arg8[%swap3A_560], %swap3A_563 {strides = array<i32>} : memref<1600xi32, #tpu.memory_space<vmem>>, vector<16xi32>,
      %get3A_564 = arith.constant 864 : index
      %get3A_565 = tpu.vector_load %arg8[%get3A_564] {strides = array<i32>} : memref<1600xi32, #tpu.memory_space<vmem>>, vector<16xi32>,
      %get3A_566 = vector.shape_cast %get3A_565 : vector<16xi32> to vector<16xi32>
      %min3A_567 = arith.constant 200 : i32
      %min3A_568 = vector.broadcast %min3A_567 : i32 to vector<16xi32>
      %min3A_569 = arith.minsi %get3A_566, %min3A_568 : vector<16xi32>
      %swap3A_570 = arith.constant 864 : index
      %swap3A_571 = tpu.vector_load %arg8[%swap3A_570] {strides = array<i32>} : memref<1600xi32, #tpu.memory_space<vmem>>, vector<16xi32>,
      %swap3A_572 = vector.shape_cast %swap3A_571 : vector<16xi32> to vector<16xi32>
      %swap3A_573 = vector.shape_cast %min3A_569 : vector<16xi32> to vector<16xi32>
      tpu.vector_store %arg8[%swap3A_570], %swap3A_573 {strides = array<i32>} : memref<1600xi32, #tpu.memory_space<vmem>>, vector<16xi32>,
      %get3A_574 = arith.constant 880 : index
      %get3A_575 = tpu.vector_load %arg8[%get3A_574] {strides = array<i32>} : memref<1600xi32, #tpu.memory_space<vmem>>, vector<16xi32>,
      %get3A_576 = vector.shape_cast %get3A_575 : vector<16xi32> to vector<16xi32>
      %min3A_577 = arith.constant 200 : i32
      %min3A_578 = vector.broadcast %min3A_577 : i32 to vector<16xi32>
      %min3A_579 = arith.minsi %get3A_576, %min3A_578 : vector<16xi32>
      %swap3A_580 = arith.constant 880 : index
      %swap3A_581 = tpu.vector_load %arg8[%swap3A_580] {strides = array<i32>} : memref<1600xi32, #tpu.memory_space<vmem>>, vector<16xi32>,
      %swap3A_582 = vector.shape_cast %swap3A_581 : vector<16xi32> to vector<16xi32>
      %swap3A_583 = vector.shape_cast %min3A_579 : vector<16xi32> to vector<16xi32>
      tpu.vector_store %arg8[%swap3A_580], %swap3A_583 {strides = array<i32>} : memref<1600xi32, #tpu.memory_space<vmem>>, vector<16xi32>,
      %get3A_584 = arith.constant 896 : index
      %get3A_585 = tpu.vector_load %arg8[%get3A_584] {strides = array<i32>} : memref<1600xi32, #tpu.memory_space<vmem>>, vector<16xi32>,
      %get3A_586 = vector.shape_cast %get3A_585 : vector<16xi32> to vector<16xi32>
      %min3A_587 = arith.constant 200 : i32
      %min3A_588 = vector.broadcast %min3A_587 : i32 to vector<16xi32>
      %min3A_589 = arith.minsi %get3A_586, %min3A_588 : vector<16xi32>
      %swap3A_590 = arith.constant 896 : index
      %swap3A_591 = tpu.vector_load %arg8[%swap3A_590] {strides = array<i32>} : memref<1600xi32, #tpu.memory_space<vmem>>, vector<16xi32>,
      %swap3A_592 = vector.shape_cast %swap3A_591 : vector<16xi32> to vector<16xi32>
      %swap3A_593 = vector.shape_cast %min3A_589 : vector<16xi32> to vector<16xi32>
      tpu.vector_store %arg8[%swap3A_590], %swap3A_593 {strides = array<i32>} : memref<1600xi32, #tpu.memory_space<vmem>>, vector<16xi32>,
      %get3A_594 = arith.constant 912 : index
      %get3A_595 = tpu.vector_load %arg8[%get3A_594] {strides = array<i32>} : memref<1600xi32, #tpu.memory_space<vmem>>, vector<16xi32>,
      %get3A_596 = vector.shape_cast %get3A_595 : vector<16xi32> to vector<16xi32>
      %min3A_597 = arith.constant 200 : i32
      %min3A_598 = vector.broadcast %min3A_597 : i32 to vector<16xi32>
      %min3A_599 = arith.minsi %get3A_596, %min3A_598 : vector<16xi32>
      %swap3A_600 = arith.constant 912 : index
      %swap3A_601 = tpu.vector_load %arg8[%swap3A_600] {strides = array<i32>} : memref<1600xi32, #tpu.memory_space<vmem>>, vector<16xi32>,
      %swap3A_602 = vector.shape_cast %swap3A_601 : vector<16xi32> to vector<16xi32>
      %swap3A_603 = vector.shape_cast %min3A_599 : vector<16xi32> to vector<16xi32>
      tpu.vector_store %arg8[%swap3A_600], %swap3A_603 {strides = array<i32>} : memref<1600xi32, #tpu.memory_space<vmem>>, vector<16xi32>,
      %get3A_604 = arith.constant 928 : index
      %get3A_605 = tpu.vector_load %arg8[%get3A_604] {strides = array<i32>} : memref<1600xi32, #tpu.memory_space<vmem>>, vector<16xi32>,
      %get3A_606 = vector.shape_cast %get3A_605 : vector<16xi32> to vector<16xi32>
      %min3A_607 = arith.constant 200 : i32
      %min3A_608 = vector.broadcast %min3A_607 : i32 to vector<16xi32>
      %min3A_609 = arith.minsi %get3A_606, %min3A_608 : vector<16xi32>
      %swap3A_610 = arith.constant 928 : index
      %swap3A_611 = tpu.vector_load %arg8[%swap3A_610] {strides = array<i32>} : memref<1600xi32, #tpu.memory_space<vmem>>, vector<16xi32>,
      %swap3A_612 = vector.shape_cast %swap3A_611 : vector<16xi32> to vector<16xi32>
      %swap3A_613 = vector.shape_cast %min3A_609 : vector<16xi32> to vector<16xi32>
      tpu.vector_store %arg8[%swap3A_610], %swap3A_613 {strides = array<i32>} : memref<1600xi32, #tpu.memory_space<vmem>>, vector<16xi32>,
      %get3A_614 = arith.constant 944 : index
      %get3A_615 = tpu.vector_load %arg8[%get3A_614] {strides = array<i32>} : memref<1600xi32, #tpu.memory_space<vmem>>, vector<16xi32>,
      %get3A_616 = vector.shape_cast %get3A_615 : vector<16xi32> to vector<16xi32>
      %min3A_617 = arith.constant 200 : i32
      %min3A_618 = vector.broadcast %min3A_617 : i32 to vector<16xi32>
      %min3A_619 = arith.minsi %get3A_616, %min3A_618 : vector<16xi32>
      %swap3A_620 = arith.constant 944 : index
      %swap3A_621 = tpu.vector_load %arg8[%swap3A_620] {strides = array<i32>} : memref<1600xi32, #tpu.memory_space<vmem>>, vector<16xi32>,
      %swap3A_622 = vector.shape_cast %swap3A_621 : vector<16xi32> to vector<16xi32>
      %swap3A_623 = vector.shape_cast %min3A_619 : vector<16xi32> to vector<16xi32>
      tpu.vector_store %arg8[%swap3A_620], %swap3A_623 {strides = array<i32>} : memref<1600xi32, #tpu.memory_space<vmem>>, vector<16xi32>,
      %get3A_624 = arith.constant 960 : index
      %get3A_625 = tpu.vector_load %arg8[%get3A_624] {strides = array<i32>} : memref<1600xi32, #tpu.memory_space<vmem>>, vector<16xi32>,
      %get3A_626 = vector.shape_cast %get3A_625 : vector<16xi32> to vector<16xi32>
      %min3A_627 = arith.constant 200 : i32
      %min3A_628 = vector.broadcast %min3A_627 : i32 to vector<16xi32>
      %min3A_629 = arith.minsi %get3A_626, %min3A_628 : vector<16xi32>
      %swap3A_630 = arith.constant 960 : index
      %swap3A_631 = tpu.vector_load %arg8[%swap3A_630] {strides = array<i32>} : memref<1600xi32, #tpu.memory_space<vmem>>, vector<16xi32>,
      %swap3A_632 = vector.shape_cast %swap3A_631 : vector<16xi32> to vector<16xi32>
      %swap3A_633 = vector.shape_cast %min3A_629 : vector<16xi32> to vector<16xi32>
      tpu.vector_store %arg8[%swap3A_630], %swap3A_633 {strides = array<i32>} : memref<1600xi32, #tpu.memory_space<vmem>>, vector<16xi32>,
      %get3A_634 = arith.constant 976 : index
      %get3A_635 = tpu.vector_load %arg8[%get3A_634] {strides = array<i32>} : memref<1600xi32, #tpu.memory_space<vmem>>, vector<16xi32>,
      %get3A_636 = vector.shape_cast %get3A_635 : vector<16xi32> to vector<16xi32>
      %min3A_637 = arith.constant 200 : i32
      %min3A_638 = vector.broadcast %min3A_637 : i32 to vector<16xi32>
      %min3A_639 = arith.minsi %get3A_636, %min3A_638 : vector<16xi32>
      %swap3A_640 = arith.constant 976 : index
      %swap3A_641 = tpu.vector_load %arg8[%swap3A_640] {strides = array<i32>} : memref<1600xi32, #tpu.memory_space<vmem>>, vector<16xi32>,
      %swap3A_642 = vector.shape_cast %swap3A_641 : vector<16xi32> to vector<16xi32>
      %swap3A_643 = vector.shape_cast %min3A_639 : vector<16xi32> to vector<16xi32>
      tpu.vector_store %arg8[%swap3A_640], %swap3A_643 {strides = array<i32>} : memref<1600xi32, #tpu.memory_space<vmem>>, vector<16xi32>,
      %get3A_644 = arith.constant 992 : index
      %get3A_645 = tpu.vector_load %arg8[%get3A_644] {strides = array<i32>} : memref<1600xi32, #tpu.memory_space<vmem>>, vector<16xi32>,
      %get3A_646 = vector.shape_cast %get3A_645 : vector<16xi32> to vector<16xi32>
      %min3A_647 = arith.constant 200 : i32
      %min3A_648 = vector.broadcast %min3A_647 : i32 to vector<16xi32>
      %min3A_649 = arith.minsi %get3A_646, %min3A_648 : vector<16xi32>
      %swap3A_650 = arith.constant 992 : index
      %swap3A_651 = tpu.vector_load %arg8[%swap3A_650] {strides = array<i32>} : memref<1600xi32, #tpu.memory_space<vmem>>, vector<16xi32>,
      %swap3A_652 = vector.shape_cast %swap3A_651 : vector<16xi32> to vector<16xi32>
      %swap3A_653 = vector.shape_cast %min3A_649 : vector<16xi32> to vector<16xi32>
      tpu.vector_store %arg8[%swap3A_650], %swap3A_653 {strides = array<i32>} : memref<1600xi32, #tpu.memory_space<vmem>>, vector<16xi32>,
      %get3A_654 = arith.constant 1008 : index
      %get3A_655 = tpu.vector_load %arg8[%get3A_654] {strides = array<i32>} : memref<1600xi32, #tpu.memory_space<vmem>>, vector<16xi32>,
      %get3A_656 = vector.shape_cast %get3A_655 : vector<16xi32> to vector<16xi32>
      %min3A_657 = arith.constant 200 : i32
      %min3A_658 = vector.broadcast %min3A_657 : i32 to vector<16xi32>
      %min3A_659 = arith.minsi %get3A_656, %min3A_658 : vector<16xi32>
      %swap3A_660 = arith.constant 1008 : index
      %swap3A_661 = tpu.vector_load %arg8[%swap3A_660] {strides = array<i32>} : memref<1600xi32, #tpu.memory_space<vmem>>, vector<16xi32>,
      %swap3A_662 = vector.shape_cast %swap3A_661 : vector<16xi32> to vector<16xi32>
      %swap3A_663 = vector.shape_cast %min3A_659 : vector<16xi32> to vector<16xi32>
      tpu.vector_store %arg8[%swap3A_660], %swap3A_663 {strides = array<i32>} : memref<1600xi32, #tpu.memory_space<vmem>>, vector<16xi32>,
      %get3A_664 = arith.constant 1024 : index
      %get3A_665 = tpu.vector_load %arg8[%get3A_664] {strides = array<i32>} : memref<1600xi32, #tpu.memory_space<vmem>>, vector<16xi32>,
      %get3A_666 = vector.shape_cast %get3A_665 : vector<16xi32> to vector<16xi32>
      %min3A_667 = arith.constant 200 : i32
      %min3A_668 = vector.broadcast %min3A_667 : i32 to vector<16xi32>
      %min3A_669 = arith.minsi %get3A_666, %min3A_668 : vector<16xi32>
      %swap3A_670 = arith.constant 1024 : index
      %swap3A_671 = tpu.vector_load %arg8[%swap3A_670] {strides = array<i32>} : memref<1600xi32, #tpu.memory_space<vmem>>, vector<16xi32>,
      %swap3A_672 = vector.shape_cast %swap3A_671 : vector<16xi32> to vector<16xi32>
      %swap3A_673 = vector.shape_cast %min3A_669 : vector<16xi32> to vector<16xi32>
      tpu.vector_store %arg8[%swap3A_670], %swap3A_673 {strides = array<i32>} : memref<1600xi32, #tpu.memory_space<vmem>>, vector<16xi32>,
      %get3A_674 = arith.constant 1040 : index
      %get3A_675 = tpu.vector_load %arg8[%get3A_674] {strides = array<i32>} : memref<1600xi32, #tpu.memory_space<vmem>>, vector<16xi32>,
      %get3A_676 = vector.shape_cast %get3A_675 : vector<16xi32> to vector<16xi32>
      %min3A_677 = arith.constant 200 : i32
      %min3A_678 = vector.broadcast %min3A_677 : i32 to vector<16xi32>
      %min3A_679 = arith.minsi %get3A_676, %min3A_678 : vector<16xi32>
      %swap3A_680 = arith.constant 1040 : index
      %swap3A_681 = tpu.vector_load %arg8[%swap3A_680] {strides = array<i32>} : memref<1600xi32, #tpu.memory_space<vmem>>, vector<16xi32>,
      %swap3A_682 = vector.shape_cast %swap3A_681 : vector<16xi32> to vector<16xi32>
      %swap3A_683 = vector.shape_cast %min3A_679 : vector<16xi32> to vector<16xi32>
      tpu.vector_store %arg8[%swap3A_680], %swap3A_683 {strides = array<i32>} : memref<1600xi32, #tpu.memory_space<vmem>>, vector<16xi32>,
      %get3A_684 = arith.constant 1056 : index
      %get3A_685 = tpu.vector_load %arg8[%get3A_684] {strides = array<i32>} : memref<1600xi32, #tpu.memory_space<vmem>>, vector<16xi32>,
      %get3A_686 = vector.shape_cast %get3A_685 : vector<16xi32> to vector<16xi32>
      %min3A_687 = arith.constant 200 : i32
      %min3A_688 = vector.broadcast %min3A_687 : i32 to vector<16xi32>
      %min3A_689 = arith.minsi %get3A_686, %min3A_688 : vector<16xi32>
      %swap3A_690 = arith.constant 1056 : index
      %swap3A_691 = tpu.vector_load %arg8[%swap3A_690] {strides = array<i32>} : memref<1600xi32, #tpu.memory_space<vmem>>, vector<16xi32>,
      %swap3A_692 = vector.shape_cast %swap3A_691 : vector<16xi32> to vector<16xi32>
      %swap3A_693 = vector.shape_cast %min3A_689 : vector<16xi32> to vector<16xi32>
      tpu.vector_store %arg8[%swap3A_690], %swap3A_693 {strides = array<i32>} : memref<1600xi32, #tpu.memory_space<vmem>>, vector<16xi32>,
      %get3A_694 = arith.constant 1072 : index
      %get3A_695 = tpu.vector_load %arg8[%get3A_694] {strides = array<i32>} : memref<1600xi32, #tpu.memory_space<vmem>>, vector<16xi32>,
      %get3A_696 = vector.shape_cast %get3A_695 : vector<16xi32> to vector<16xi32>
      %min3A_697 = arith.constant 200 : i32
      %min3A_698 = vector.broadcast %min3A_697 : i32 to vector<16xi32>
      %min3A_699 = arith.minsi %get3A_696, %min3A_698 : vector<16xi32>
      %swap3A_700 = arith.constant 1072 : index
      %swap3A_701 = tpu.vector_load %arg8[%swap3A_700] {strides = array<i32>} : memref<1600xi32, #tpu.memory_space<vmem>>, vector<16xi32>,
      %swap3A_702 = vector.shape_cast %swap3A_701 : vector<16xi32> to vector<16xi32>
      %swap3A_703 = vector.shape_cast %min3A_699 : vector<16xi32> to vector<16xi32>
      tpu.vector_store %arg8[%swap3A_700], %swap3A_703 {strides = array<i32>} : memref<1600xi32, #tpu.memory_space<vmem>>, vector<16xi32>,
      %get3A_704 = arith.constant 1088 : index
      %get3A_705 = tpu.vector_load %arg8[%get3A_704] {strides = array<i32>} : memref<1600xi32, #tpu.memory_space<vmem>>, vector<16xi32>,
      %get3A_706 = vector.shape_cast %get3A_705 : vector<16xi32> to vector<16xi32>
      %min3A_707 = arith.constant 200 : i32
      %min3A_708 = vector.broadcast %min3A_707 : i32 to vector<16xi32>
      %min3A_709 = arith.minsi %get3A_706, %min3A_708 : vector<16xi32>
      %swap3A_710 = arith.constant 1088 : index
      %swap3A_711 = tpu.vector_load %arg8[%swap3A_710] {strides = array<i32>} : memref<1600xi32, #tpu.memory_space<vmem>>, vector<16xi32>,
      %swap3A_712 = vector.shape_cast %swap3A_711 : vector<16xi32> to vector<16xi32>
      %swap3A_713 = vector.shape_cast %min3A_709 : vector<16xi32> to vector<16xi32>
      tpu.vector_store %arg8[%swap3A_710], %swap3A_713 {strides = array<i32>} : memref<1600xi32, #tpu.memory_space<vmem>>, vector<16xi32>,
      %get3A_714 = arith.constant 1104 : index
      %get3A_715 = tpu.vector_load %arg8[%get3A_714] {strides = array<i32>} : memref<1600xi32, #tpu.memory_space<vmem>>, vector<16xi32>,
      %get3A_716 = vector.shape_cast %get3A_715 : vector<16xi32> to vector<16xi32>
      %min3A_717 = arith.constant 200 : i32
      %min3A_718 = vector.broadcast %min3A_717 : i32 to vector<16xi32>
      %min3A_719 = arith.minsi %get3A_716, %min3A_718 : vector<16xi32>
      %swap3A_720 = arith.constant 1104 : index
      %swap3A_721 = tpu.vector_load %arg8[%swap3A_720] {strides = array<i32>} : memref<1600xi32, #tpu.memory_space<vmem>>, vector<16xi32>,
      %swap3A_722 = vector.shape_cast %swap3A_721 : vector<16xi32> to vector<16xi32>
      %swap3A_723 = vector.shape_cast %min3A_719 : vector<16xi32> to vector<16xi32>
      tpu.vector_store %arg8[%swap3A_720], %swap3A_723 {strides = array<i32>} : memref<1600xi32, #tpu.memory_space<vmem>>, vector<16xi32>,
      %get3A_724 = arith.constant 1120 : index
      %get3A_725 = tpu.vector_load %arg8[%get3A_724] {strides = array<i32>} : memref<1600xi32, #tpu.memory_space<vmem>>, vector<16xi32>,
      %get3A_726 = vector.shape_cast %get3A_725 : vector<16xi32> to vector<16xi32>
      %min3A_727 = arith.constant 200 : i32
      %min3A_728 = vector.broadcast %min3A_727 : i32 to vector<16xi32>
      %min3A_729 = arith.minsi %get3A_726, %min3A_728 : vector<16xi32>
      %swap3A_730 = arith.constant 1120 : index
      %swap3A_731 = tpu.vector_load %arg8[%swap3A_730] {strides = array<i32>} : memref<1600xi32, #tpu.memory_space<vmem>>, vector<16xi32>,
      %swap3A_732 = vector.shape_cast %swap3A_731 : vector<16xi32> to vector<16xi32>
      %swap3A_733 = vector.shape_cast %min3A_729 : vector<16xi32> to vector<16xi32>
      tpu.vector_store %arg8[%swap3A_730], %swap3A_733 {strides = array<i32>} : memref<1600xi32, #tpu.memory_space<vmem>>, vector<16xi32>,
      %get3A_734 = arith.constant 1136 : index
      %get3A_735 = tpu.vector_load %arg8[%get3A_734] {strides = array<i32>} : memref<1600xi32, #tpu.memory_space<vmem>>, vector<16xi32>,
      %get3A_736 = vector.shape_cast %get3A_735 : vector<16xi32> to vector<16xi32>
      %min3A_737 = arith.constant 200 : i32
      %min3A_738 = vector.broadcast %min3A_737 : i32 to vector<16xi32>
      %min3A_739 = arith.minsi %get3A_736, %min3A_738 : vector<16xi32>
      %swap3A_740 = arith.constant 1136 : index
      %swap3A_741 = tpu.vector_load %arg8[%swap3A_740] {strides = array<i32>} : memref<1600xi32, #tpu.memory_space<vmem>>, vector<16xi32>,
      %swap3A_742 = vector.shape_cast %swap3A_741 : vector<16xi32> to vector<16xi32>
      %swap3A_743 = vector.shape_cast %min3A_739 : vector<16xi32> to vector<16xi32>
      tpu.vector_store %arg8[%swap3A_740], %swap3A_743 {strides = array<i32>} : memref<1600xi32, #tpu.memory_space<vmem>>, vector<16xi32>,
      %get3A_744 = arith.constant 1152 : index
      %get3A_745 = tpu.vector_load %arg8[%get3A_744] {strides = array<i32>} : memref<1600xi32, #tpu.memory_space<vmem>>, vector<16xi32>,
      %get3A_746 = vector.shape_cast %get3A_745 : vector<16xi32> to vector<16xi32>
      %min3A_747 = arith.constant 200 : i32
      %min3A_748 = vector.broadcast %min3A_747 : i32 to vector<16xi32>
      %min3A_749 = arith.minsi %get3A_746, %min3A_748 : vector<16xi32>
      %swap3A_750 = arith.constant 1152 : index
      %swap3A_751 = tpu.vector_load %arg8[%swap3A_750] {strides = array<i32>} : memref<1600xi32, #tpu.memory_space<vmem>>, vector<16xi32>,
      %swap3A_752 = vector.shape_cast %swap3A_751 : vector<16xi32> to vector<16xi32>
      %swap3A_753 = vector.shape_cast %min3A_749 : vector<16xi32> to vector<16xi32>
      tpu.vector_store %arg8[%swap3A_750], %swap3A_753 {strides = array<i32>} : memref<1600xi32, #tpu.memory_space<vmem>>, vector<16xi32>,
      %get3A_754 = arith.constant 1168 : index
      %get3A_755 = tpu.vector_load %arg8[%get3A_754] {strides = array<i32>} : memref<1600xi32, #tpu.memory_space<vmem>>, vector<16xi32>,
      %get3A_756 = vector.shape_cast %get3A_755 : vector<16xi32> to vector<16xi32>
      %min3A_757 = arith.constant 200 : i32
      %min3A_758 = vector.broadcast %min3A_757 : i32 to vector<16xi32>
      %min3A_759 = arith.minsi %get3A_756, %min3A_758 : vector<16xi32>
      %swap3A_760 = arith.constant 1168 : index
      %swap3A_761 = tpu.vector_load %arg8[%swap3A_760] {strides = array<i32>} : memref<1600xi32, #tpu.memory_space<vmem>>, vector<16xi32>,
      %swap3A_762 = vector.shape_cast %swap3A_761 : vector<16xi32> to vector<16xi32>
      %swap3A_763 = vector.shape_cast %min3A_759 : vector<16xi32> to vector<16xi32>
      tpu.vector_store %arg8[%swap3A_760], %swap3A_763 {strides = array<i32>} : memref<1600xi32, #tpu.memory_space<vmem>>, vector<16xi32>,
      %get3A_764 = arith.constant 1184 : index
      %get3A_765 = tpu.vector_load %arg8[%get3A_764] {strides = array<i32>} : memref<1600xi32, #tpu.memory_space<vmem>>, vector<16xi32>,
      %get3A_766 = vector.shape_cast %get3A_765 : vector<16xi32> to vector<16xi32>
      %min3A_767 = arith.constant 200 : i32
      %min3A_768 = vector.broadcast %min3A_767 : i32 to vector<16xi32>
      %min3A_769 = arith.minsi %get3A_766, %min3A_768 : vector<16xi32>
      %swap3A_770 = arith.constant 1184 : index
      %swap3A_771 = tpu.vector_load %arg8[%swap3A_770] {strides = array<i32>} : memref<1600xi32, #tpu.memory_space<vmem>>, vector<16xi32>,
      %swap3A_772 = vector.shape_cast %swap3A_771 : vector<16xi32> to vector<16xi32>
      %swap3A_773 = vector.shape_cast %min3A_769 : vector<16xi32> to vector<16xi32>
      tpu.vector_store %arg8[%swap3A_770], %swap3A_773 {strides = array<i32>} : memref<1600xi32, #tpu.memory_space<vmem>>, vector<16xi32>,
      %get3A_774 = arith.constant 1200 : index
      %get3A_775 = tpu.vector_load %arg8[%get3A_774] {strides = array<i32>} : memref<1600xi32, #tpu.memory_space<vmem>>, vector<16xi32>,
      %get3A_776 = vector.shape_cast %get3A_775 : vector<16xi32> to vector<16xi32>
      %min3A_777 = arith.constant 200 : i32
      %min3A_778 = vector.broadcast %min3A_777 : i32 to vector<16xi32>
      %min3A_779 = arith.minsi %get3A_776, %min3A_778 : vector<16xi32>
      %swap3A_780 = arith.constant 1200 : index
      %swap3A_781 = tpu.vector_load %arg8[%swap3A_780] {strides = array<i32>} : memref<1600xi32, #tpu.memory_space<vmem>>, vector<16xi32>,
      %swap3A_782 = vector.shape_cast %swap3A_781 : vector<16xi32> to vector<16xi32>
      %swap3A_783 = vector.shape_cast %min3A_779 : vector<16xi32> to vector<16xi32>
      tpu.vector_store %arg8[%swap3A_780], %swap3A_783 {strides = array<i32>} : memref<1600xi32, #tpu.memory_space<vmem>>, vector<16xi32>,
      %get3A_784 = arith.constant 1216 : index
      %get3A_785 = tpu.vector_load %arg8[%get3A_784] {strides = array<i32>} : memref<1600xi32, #tpu.memory_space<vmem>>, vector<16xi32>,
      %get3A_786 = vector.shape_cast %get3A_785 : vector<16xi32> to vector<16xi32>
      %min3A_787 = arith.constant 200 : i32
      %min3A_788 = vector.broadcast %min3A_787 : i32 to vector<16xi32>
      %min3A_789 = arith.minsi %get3A_786, %min3A_788 : vector<16xi32>
      %swap3A_790 = arith.constant 1216 : index
      %swap3A_791 = tpu.vector_load %arg8[%swap3A_790] {strides = array<i32>} : memref<1600xi32, #tpu.memory_space<vmem>>, vector<16xi32>,
      %swap3A_792 = vector.shape_cast %swap3A_791 : vector<16xi32> to vector<16xi32>
      %swap3A_793 = vector.shape_cast %min3A_789 : vector<16xi32> to vector<16xi32>
      tpu.vector_store %arg8[%swap3A_790], %swap3A_793 {strides = array<i32>} : memref<1600xi32, #tpu.memory_space<vmem>>, vector<16xi32>,
      %get3A_794 = arith.constant 1232 : index
      %get3A_795 = tpu.vector_load %arg8[%get3A_794] {strides = array<i32>} : memref<1600xi32, #tpu.memory_space<vmem>>, vector<16xi32>,
      %get3A_796 = vector.shape_cast %get3A_795 : vector<16xi32> to vector<16xi32>
      %min3A_797 = arith.constant 200 : i32
      %min3A_798 = vector.broadcast %min3A_797 : i32 to vector<16xi32>
      %min3A_799 = arith.minsi %get3A_796, %min3A_798 : vector<16xi32>
      %swap3A_800 = arith.constant 1232 : index
      %swap3A_801 = tpu.vector_load %arg8[%swap3A_800] {strides = array<i32>} : memref<1600xi32, #tpu.memory_space<vmem>>, vector<16xi32>,
      %swap3A_802 = vector.shape_cast %swap3A_801 : vector<16xi32> to vector<16xi32>
      %swap3A_803 = vector.shape_cast %min3A_799 : vector<16xi32> to vector<16xi32>
      tpu.vector_store %arg8[%swap3A_800], %swap3A_803 {strides = array<i32>} : memref<1600xi32, #tpu.memory_space<vmem>>, vector<16xi32>,
      %get3A_804 = arith.constant 1248 : index
      %get3A_805 = tpu.vector_load %arg8[%get3A_804] {strides = array<i32>} : memref<1600xi32, #tpu.memory_space<vmem>>, vector<16xi32>,
      %get3A_806 = vector.shape_cast %get3A_805 : vector<16xi32> to vector<16xi32>
      %min3A_807 = arith.constant 200 : i32
      %min3A_808 = vector.broadcast %min3A_807 : i32 to vector<16xi32>
      %min3A_809 = arith.minsi %get3A_806, %min3A_808 : vector<16xi32>
      %swap3A_810 = arith.constant 1248 : index
      %swap3A_811 = tpu.vector_load %arg8[%swap3A_810] {strides = array<i32>} : memref<1600xi32, #tpu.memory_space<vmem>>, vector<16xi32>,
      %swap3A_812 = vector.shape_cast %swap3A_811 : vector<16xi32> to vector<16xi32>
      %swap3A_813 = vector.shape_cast %min3A_809 : vector<16xi32> to vector<16xi32>
      tpu.vector_store %arg8[%swap3A_810], %swap3A_813 {strides = array<i32>} : memref<1600xi32, #tpu.memory_space<vmem>>, vector<16xi32>,
      %get3A_814 = arith.constant 1264 : index
      %get3A_815 = tpu.vector_load %arg8[%get3A_814] {strides = array<i32>} : memref<1600xi32, #tpu.memory_space<vmem>>, vector<16xi32>,
      %get3A_816 = vector.shape_cast %get3A_815 : vector<16xi32> to vector<16xi32>
      %min3A_817 = arith.constant 200 : i32
      %min3A_818 = vector.broadcast %min3A_817 : i32 to vector<16xi32>
      %min3A_819 = arith.minsi %get3A_816, %min3A_818 : vector<16xi32>
      %swap3A_820 = arith.constant 1264 : index
      %swap3A_821 = tpu.vector_load %arg8[%swap3A_820] {strides = array<i32>} : memref<1600xi32, #tpu.memory_space<vmem>>, vector<16xi32>,
      %swap3A_822 = vector.shape_cast %swap3A_821 : vector<16xi32> to vector<16xi32>
      %swap3A_823 = vector.shape_cast %min3A_819 : vector<16xi32> to vector<16xi32>
      tpu.vector_store %arg8[%swap3A_820], %swap3A_823 {strides = array<i32>} : memref<1600xi32, #tpu.memory_space<vmem>>, vector<16xi32>,
      %get3A_824 = arith.constant 1280 : index
      %get3A_825 = tpu.vector_load %arg8[%get3A_824] {strides = array<i32>} : memref<1600xi32, #tpu.memory_space<vmem>>, vector<16xi32>,
      %get3A_826 = vector.shape_cast %get3A_825 : vector<16xi32> to vector<16xi32>
      %min3A_827 = arith.constant 200 : i32
      %min3A_828 = vector.broadcast %min3A_827 : i32 to vector<16xi32>
      %min3A_829 = arith.minsi %get3A_826, %min3A_828 : vector<16xi32>
      %swap3A_830 = arith.constant 1280 : index
      %swap3A_831 = tpu.vector_load %arg8[%swap3A_830] {strides = array<i32>} : memref<1600xi32, #tpu.memory_space<vmem>>, vector<16xi32>,
      %swap3A_832 = vector.shape_cast %swap3A_831 : vector<16xi32> to vector<16xi32>
      %swap3A_833 = vector.shape_cast %min3A_829 : vector<16xi32> to vector<16xi32>
      tpu.vector_store %arg8[%swap3A_830], %swap3A_833 {strides = array<i32>} : memref<1600xi32, #tpu.memory_space<vmem>>, vector<16xi32>,
      %get3A_834 = arith.constant 1296 : index
      %get3A_835 = tpu.vector_load %arg8[%get3A_834] {strides = array<i32>} : memref<1600xi32, #tpu.memory_space<vmem>>, vector<16xi32>,
      %get3A_836 = vector.shape_cast %get3A_835 : vector<16xi32> to vector<16xi32>
      %min3A_837 = arith.constant 200 : i32
      %min3A_838 = vector.broadcast %min3A_837 : i32 to vector<16xi32>
      %min3A_839 = arith.minsi %get3A_836, %min3A_838 : vector<16xi32>
      %swap3A_840 = arith.constant 1296 : index
      %swap3A_841 = tpu.vector_load %arg8[%swap3A_840] {strides = array<i32>} : memref<1600xi32, #tpu.memory_space<vmem>>, vector<16xi32>,
      %swap3A_842 = vector.shape_cast %swap3A_841 : vector<16xi32> to vector<16xi32>
      %swap3A_843 = vector.shape_cast %min3A_839 : vector<16xi32> to vector<16xi32>
      tpu.vector_store %arg8[%swap3A_840], %swap3A_843 {strides = array<i32>} : memref<1600xi32, #tpu.memory_space<vmem>>, vector<16xi32>,
      %get3A_844 = arith.constant 1312 : index
      %get3A_845 = tpu.vector_load %arg8[%get3A_844] {strides = array<i32>} : memref<1600xi32, #tpu.memory_space<vmem>>, vector<16xi32>,
      %get3A_846 = vector.shape_cast %get3A_845 : vector<16xi32> to vector<16xi32>
      %min3A_847 = arith.constant 200 : i32
      %min3A_848 = vector.broadcast %min3A_847 : i32 to vector<16xi32>
      %min3A_849 = arith.minsi %get3A_846, %min3A_848 : vector<16xi32>
      %swap3A_850 = arith.constant 1312 : index
      %swap3A_851 = tpu.vector_load %arg8[%swap3A_850] {strides = array<i32>} : memref<1600xi32, #tpu.memory_space<vmem>>, vector<16xi32>,
      %swap3A_852 = vector.shape_cast %swap3A_851 : vector<16xi32> to vector<16xi32>
      %swap3A_853 = vector.shape_cast %min3A_849 : vector<16xi32> to vector<16xi32>
      tpu.vector_store %arg8[%swap3A_850], %swap3A_853 {strides = array<i32>} : memref<1600xi32, #tpu.memory_space<vmem>>, vector<16xi32>,
      %get3A_854 = arith.constant 1328 : index
      %get3A_855 = tpu.vector_load %arg8[%get3A_854] {strides = array<i32>} : memref<1600xi32, #tpu.memory_space<vmem>>, vector<16xi32>,
      %get3A_856 = vector.shape_cast %get3A_855 : vector<16xi32> to vector<16xi32>
      %min3A_857 = arith.constant 200 : i32
      %min3A_858 = vector.broadcast %min3A_857 : i32 to vector<16xi32>
      %min3A_859 = arith.minsi %get3A_856, %min3A_858 : vector<16xi32>
      %swap3A_860 = arith.constant 1328 : index
      %swap3A_861 = tpu.vector_load %arg8[%swap3A_860] {strides = array<i32>} : memref<1600xi32, #tpu.memory_space<vmem>>, vector<16xi32>,
      %swap3A_862 = vector.shape_cast %swap3A_861 : vector<16xi32> to vector<16xi32>
      %swap3A_863 = vector.shape_cast %min3A_859 : vector<16xi32> to vector<16xi32>
      tpu.vector_store %arg8[%swap3A_860], %swap3A_863 {strides = array<i32>} : memref<1600xi32, #tpu.memory_space<vmem>>, vector<16xi32>,
      %get3A_864 = arith.constant 1344 : index
      %get3A_865 = tpu.vector_load %arg8[%get3A_864] {strides = array<i32>} : memref<1600xi32, #tpu.memory_space<vmem>>, vector<16xi32>,
      %get3A_866 = vector.shape_cast %get3A_865 : vector<16xi32> to vector<16xi32>
      %min3A_867 = arith.constant 200 : i32
      %min3A_868 = vector.broadcast %min3A_867 : i32 to vector<16xi32>
      %min3A_869 = arith.minsi %get3A_866, %min3A_868 : vector<16xi32>
      %swap3A_870 = arith.constant 1344 : index
      %swap3A_871 = tpu.vector_load %arg8[%swap3A_870] {strides = array<i32>} : memref<1600xi32, #tpu.memory_space<vmem>>, vector<16xi32>,
      %swap3A_872 = vector.shape_cast %swap3A_871 : vector<16xi32> to vector<16xi32>
      %swap3A_873 = vector.shape_cast %min3A_869 : vector<16xi32> to vector<16xi32>
      tpu.vector_store %arg8[%swap3A_870], %swap3A_873 {strides = array<i32>} : memref<1600xi32, #tpu.memory_space<vmem>>, vector<16xi32>,
      %get3A_874 = arith.constant 1360 : index
      %get3A_875 = tpu.vector_load %arg8[%get3A_874] {strides = array<i32>} : memref<1600xi32, #tpu.memory_space<vmem>>, vector<16xi32>,
      %get3A_876 = vector.shape_cast %get3A_875 : vector<16xi32> to vector<16xi32>
      %min3A_877 = arith.constant 200 : i32
      %min3A_878 = vector.broadcast %min3A_877 : i32 to vector<16xi32>
      %min3A_879 = arith.minsi %get3A_876, %min3A_878 : vector<16xi32>
      %swap3A_880 = arith.constant 1360 : index
      %swap3A_881 = tpu.vector_load %arg8[%swap3A_880] {strides = array<i32>} : memref<1600xi32, #tpu.memory_space<vmem>>, vector<16xi32>,
      %swap3A_882 = vector.shape_cast %swap3A_881 : vector<16xi32> to vector<16xi32>
      %swap3A_883 = vector.shape_cast %min3A_879 : vector<16xi32> to vector<16xi32>
      tpu.vector_store %arg8[%swap3A_880], %swap3A_883 {strides = array<i32>} : memref<1600xi32, #tpu.memory_space<vmem>>, vector<16xi32>,
      %get3A_884 = arith.constant 1376 : index
      %get3A_885 = tpu.vector_load %arg8[%get3A_884] {strides = array<i32>} : memref<1600xi32, #tpu.memory_space<vmem>>, vector<16xi32>,
      %get3A_886 = vector.shape_cast %get3A_885 : vector<16xi32> to vector<16xi32>
      %min3A_887 = arith.constant 200 : i32
      %min3A_888 = vector.broadcast %min3A_887 : i32 to vector<16xi32>
      %min3A_889 = arith.minsi %get3A_886, %min3A_888 : vector<16xi32>
      %swap3A_890 = arith.constant 1376 : index
      %swap3A_891 = tpu.vector_load %arg8[%swap3A_890] {strides = array<i32>} : memref<1600xi32, #tpu.memory_space<vmem>>, vector<16xi32>,
      %swap3A_892 = vector.shape_cast %swap3A_891 : vector<16xi32> to vector<16xi32>
      %swap3A_893 = vector.shape_cast %min3A_889 : vector<16xi32> to vector<16xi32>
      tpu.vector_store %arg8[%swap3A_890], %swap3A_893 {strides = array<i32>} : memref<1600xi32, #tpu.memory_space<vmem>>, vector<16xi32>,
      %get3A_894 = arith.constant 1392 : index
      %get3A_895 = tpu.vector_load %arg8[%get3A_894] {strides = array<i32>} : memref<1600xi32, #tpu.memory_space<vmem>>, vector<16xi32>,
      %get3A_896 = vector.shape_cast %get3A_895 : vector<16xi32> to vector<16xi32>
      %min3A_897 = arith.constant 200 : i32
      %min3A_898 = vector.broadcast %min3A_897 : i32 to vector<16xi32>
      %min3A_899 = arith.minsi %get3A_896, %min3A_898 : vector<16xi32>
      %swap3A_900 = arith.constant 1392 : index
      %swap3A_901 = tpu.vector_load %arg8[%swap3A_900] {strides = array<i32>} : memref<1600xi32, #tpu.memory_space<vmem>>, vector<16xi32>,
      %swap3A_902 = vector.shape_cast %swap3A_901 : vector<16xi32> to vector<16xi32>
      %swap3A_903 = vector.shape_cast %min3A_899 : vector<16xi32> to vector<16xi32>
      tpu.vector_store %arg8[%swap3A_900], %swap3A_903 {strides = array<i32>} : memref<1600xi32, #tpu.memory_space<vmem>>, vector<16xi32>,
      %get3A_904 = arith.constant 1408 : index
      %get3A_905 = tpu.vector_load %arg8[%get3A_904] {strides = array<i32>} : memref<1600xi32, #tpu.memory_space<vmem>>, vector<16xi32>,
      %get3A_906 = vector.shape_cast %get3A_905 : vector<16xi32> to vector<16xi32>
      %min3A_907 = arith.constant 200 : i32
      %min3A_908 = vector.broadcast %min3A_907 : i32 to vector<16xi32>
      %min3A_909 = arith.minsi %get3A_906, %min3A_908 : vector<16xi32>
      %swap3A_910 = arith.constant 1408 : index
      %swap3A_911 = tpu.vector_load %arg8[%swap3A_910] {strides = array<i32>} : memref<1600xi32, #tpu.memory_space<vmem>>, vector<16xi32>,
      %swap3A_912 = vector.shape_cast %swap3A_911 : vector<16xi32> to vector<16xi32>
      %swap3A_913 = vector.shape_cast %min3A_909 : vector<16xi32> to vector<16xi32>
      tpu.vector_store %arg8[%swap3A_910], %swap3A_913 {strides = array<i32>} : memref<1600xi32, #tpu.memory_space<vmem>>, vector<16xi32>,
      %get3A_914 = arith.constant 1424 : index
      %get3A_915 = tpu.vector_load %arg8[%get3A_914] {strides = array<i32>} : memref<1600xi32, #tpu.memory_space<vmem>>, vector<16xi32>,
      %get3A_916 = vector.shape_cast %get3A_915 : vector<16xi32> to vector<16xi32>
      %min3A_917 = arith.constant 200 : i32
      %min3A_918 = vector.broadcast %min3A_917 : i32 to vector<16xi32>
      %min3A_919 = arith.minsi %get3A_916, %min3A_918 : vector<16xi32>
      %swap3A_920 = arith.constant 1424 : index
      %swap3A_921 = tpu.vector_load %arg8[%swap3A_920] {strides = array<i32>} : memref<1600xi32, #tpu.memory_space<vmem>>, vector<16xi32>,
      %swap3A_922 = vector.shape_cast %swap3A_921 : vector<16xi32> to vector<16xi32>
      %swap3A_923 = vector.shape_cast %min3A_919 : vector<16xi32> to vector<16xi32>
      tpu.vector_store %arg8[%swap3A_920], %swap3A_923 {strides = array<i32>} : memref<1600xi32, #tpu.memory_space<vmem>>, vector<16xi32>,
      %get3A_924 = arith.constant 1440 : index
      %get3A_925 = tpu.vector_load %arg8[%get3A_924] {strides = array<i32>} : memref<1600xi32, #tpu.memory_space<vmem>>, vector<16xi32>,
      %get3A_926 = vector.shape_cast %get3A_925 : vector<16xi32> to vector<16xi32>
      %min3A_927 = arith.constant 200 : i32
      %min3A_928 = vector.broadcast %min3A_927 : i32 to vector<16xi32>
      %min3A_929 = arith.minsi %get3A_926, %min3A_928 : vector<16xi32>
      %swap3A_930 = arith.constant 1440 : index
      %swap3A_931 = tpu.vector_load %arg8[%swap3A_930] {strides = array<i32>} : memref<1600xi32, #tpu.memory_space<vmem>>, vector<16xi32>,
      %swap3A_932 = vector.shape_cast %swap3A_931 : vector<16xi32> to vector<16xi32>
      %swap3A_933 = vector.shape_cast %min3A_929 : vector<16xi32> to vector<16xi32>
      tpu.vector_store %arg8[%swap3A_930], %swap3A_933 {strides = array<i32>} : memref<1600xi32, #tpu.memory_space<vmem>>, vector<16xi32>,
      %get3A_934 = arith.constant 1456 : index
      %get3A_935 = tpu.vector_load %arg8[%get3A_934] {strides = array<i32>} : memref<1600xi32, #tpu.memory_space<vmem>>, vector<16xi32>,
      %get3A_936 = vector.shape_cast %get3A_935 : vector<16xi32> to vector<16xi32>
      %min3A_937 = arith.constant 200 : i32
      %min3A_938 = vector.broadcast %min3A_937 : i32 to vector<16xi32>
      %min3A_939 = arith.minsi %get3A_936, %min3A_938 : vector<16xi32>
      %swap3A_940 = arith.constant 1456 : index
      %swap3A_941 = tpu.vector_load %arg8[%swap3A_940] {strides = array<i32>} : memref<1600xi32, #tpu.memory_space<vmem>>, vector<16xi32>,
      %swap3A_942 = vector.shape_cast %swap3A_941 : vector<16xi32> to vector<16xi32>
      %swap3A_943 = vector.shape_cast %min3A_939 : vector<16xi32> to vector<16xi32>
      tpu.vector_store %arg8[%swap3A_940], %swap3A_943 {strides = array<i32>} : memref<1600xi32, #tpu.memory_space<vmem>>, vector<16xi32>,
      %get3A_944 = arith.constant 1472 : index
      %get3A_945 = tpu.vector_load %arg8[%get3A_944] {strides = array<i32>} : memref<1600xi32, #tpu.memory_space<vmem>>, vector<16xi32>,
      %get3A_946 = vector.shape_cast %get3A_945 : vector<16xi32> to vector<16xi32>
      %min3A_947 = arith.constant 200 : i32
      %min3A_948 = vector.broadcast %min3A_947 : i32 to vector<16xi32>
      %min3A_949 = arith.minsi %get3A_946, %min3A_948 : vector<16xi32>
      %swap3A_950 = arith.constant 1472 : index
      %swap3A_951 = tpu.vector_load %arg8[%swap3A_950] {strides = array<i32>} : memref<1600xi32, #tpu.memory_space<vmem>>, vector<16xi32>,
      %swap3A_952 = vector.shape_cast %swap3A_951 : vector<16xi32> to vector<16xi32>
      %swap3A_953 = vector.shape_cast %min3A_949 : vector<16xi32> to vector<16xi32>
      tpu.vector_store %arg8[%swap3A_950], %swap3A_953 {strides = array<i32>} : memref<1600xi32, #tpu.memory_space<vmem>>, vector<16xi32>,
      %get3A_954 = arith.constant 1488 : index
      %get3A_955 = tpu.vector_load %arg8[%get3A_954] {strides = array<i32>} : memref<1600xi32, #tpu.memory_space<vmem>>, vector<16xi32>,
      %get3A_956 = vector.shape_cast %get3A_955 : vector<16xi32> to vector<16xi32>
      %min3A_957 = arith.constant 200 : i32
      %min3A_958 = vector.broadcast %min3A_957 : i32 to vector<16xi32>
      %min3A_959 = arith.minsi %get3A_956, %min3A_958 : vector<16xi32>
      %swap3A_960 = arith.constant 1488 : index
      %swap3A_961 = tpu.vector_load %arg8[%swap3A_960] {strides = array<i32>} : memref<1600xi32, #tpu.memory_space<vmem>>, vector<16xi32>,
      %swap3A_962 = vector.shape_cast %swap3A_961 : vector<16xi32> to vector<16xi32>
      %swap3A_963 = vector.shape_cast %min3A_959 : vector<16xi32> to vector<16xi32>
      tpu.vector_store %arg8[%swap3A_960], %swap3A_963 {strides = array<i32>} : memref<1600xi32, #tpu.memory_space<vmem>>, vector<16xi32>,
      %get3A_964 = arith.constant 1504 : index
      %get3A_965 = tpu.vector_load %arg8[%get3A_964] {strides = array<i32>} : memref<1600xi32, #tpu.memory_space<vmem>>, vector<16xi32>,
      %get3A_966 = vector.shape_cast %get3A_965 : vector<16xi32> to vector<16xi32>
      %min3A_967 = arith.constant 200 : i32
      %min3A_968 = vector.broadcast %min3A_967 : i32 to vector<16xi32>
      %min3A_969 = arith.minsi %get3A_966, %min3A_968 : vector<16xi32>
      %swap3A_970 = arith.constant 1504 : index
      %swap3A_971 = tpu.vector_load %arg8[%swap3A_970] {strides = array<i32>} : memref<1600xi32, #tpu.memory_space<vmem>>, vector<16xi32>,
      %swap3A_972 = vector.shape_cast %swap3A_971 : vector<16xi32> to vector<16xi32>
      %swap3A_973 = vector.shape_cast %min3A_969 : vector<16xi32> to vector<16xi32>
      tpu.vector_store %arg8[%swap3A_970], %swap3A_973 {strides = array<i32>} : memref<1600xi32, #tpu.memory_space<vmem>>, vector<16xi32>,
      %get3A_974 = arith.constant 1520 : index
      %get3A_975 = tpu.vector_load %arg8[%get3A_974] {strides = array<i32>} : memref<1600xi32, #tpu.memory_space<vmem>>, vector<16xi32>,
      %get3A_976 = vector.shape_cast %get3A_975 : vector<16xi32> to vector<16xi32>
      %min3A_977 = arith.constant 200 : i32
      %min3A_978 = vector.broadcast %min3A_977 : i32 to vector<16xi32>
      %min3A_979 = arith.minsi %get3A_976, %min3A_978 : vector<16xi32>
      %swap3A_980 = arith.constant 1520 : index
      %swap3A_981 = tpu.vector_load %arg8[%swap3A_980] {strides = array<i32>} : memref<1600xi32, #tpu.memory_space<vmem>>, vector<16xi32>,
      %swap3A_982 = vector.shape_cast %swap3A_981 : vector<16xi32> to vector<16xi32>
      %swap3A_983 = vector.shape_cast %min3A_979 : vector<16xi32> to vector<16xi32>
      tpu.vector_store %arg8[%swap3A_980], %swap3A_983 {strides = array<i32>} : memref<1600xi32, #tpu.memory_space<vmem>>, vector<16xi32>,
      %get3A_984 = arith.constant 1536 : index
      %get3A_985 = tpu.vector_load %arg8[%get3A_984] {strides = array<i32>} : memref<1600xi32, #tpu.memory_space<vmem>>, vector<16xi32>,
      %get3A_986 = vector.shape_cast %get3A_985 : vector<16xi32> to vector<16xi32>
      %min3A_987 = arith.constant 200 : i32
      %min3A_988 = vector.broadcast %min3A_987 : i32 to vector<16xi32>
      %min3A_989 = arith.minsi %get3A_986, %min3A_988 : vector<16xi32>
      %swap3A_990 = arith.constant 1536 : index
      %swap3A_991 = tpu.vector_load %arg8[%swap3A_990] {strides = array<i32>} : memref<1600xi32, #tpu.memory_space<vmem>>, vector<16xi32>,
      %swap3A_992 = vector.shape_cast %swap3A_991 : vector<16xi32> to vector<16xi32>
      %swap3A_993 = vector.shape_cast %min3A_989 : vector<16xi32> to vector<16xi32>
      tpu.vector_store %arg8[%swap3A_990], %swap3A_993 {strides = array<i32>} : memref<1600xi32, #tpu.memory_space<vmem>>, vector<16xi32>,
      %get3A_994 = arith.constant 1552 : index
      %get3A_995 = tpu.vector_load %arg8[%get3A_994] {strides = array<i32>} : memref<1600xi32, #tpu.memory_space<vmem>>, vector<16xi32>,
      %get3A_996 = vector.shape_cast %get3A_995 : vector<16xi32> to vector<16xi32>
      %min3A_997 = arith.constant 200 : i32
      %min3A_998 = vector.broadcast %min3A_997 : i32 to vector<16xi32>
      %min3A_999 = arith.minsi %get3A_996, %min3A_998 : vector<16xi32>
      %swap3A_1000 = arith.constant 1552 : index
      %swap3A_1001 = tpu.vector_load %arg8[%swap3A_1000] {strides = array<i32>} : memref<1600xi32, #tpu.memory_space<vmem>>, vector<16xi32>,
      %swap3A_1002 = vector.shape_cast %swap3A_1001 : vector<16xi32> to vector<16xi32>
      %swap3A_1003 = vector.shape_cast %min3A_999 : vector<16xi32> to vector<16xi32>
      tpu.vector_store %arg8[%swap3A_1000], %swap3A_1003 {strides = array<i32>} : memref<1600xi32, #tpu.memory_space<vmem>>, vector<16xi32>,
      %get3A_1004 = arith.constant 1568 : index
      %get3A_1005 = tpu.vector_load %arg8[%get3A_1004] {strides = array<i32>} : memref<1600xi32, #tpu.memory_space<vmem>>, vector<16xi32>,
      %get3A_1006 = vector.shape_cast %get3A_1005 : vector<16xi32> to vector<16xi32>
      %min3A_1007 = arith.constant 200 : i32
      %min3A_1008 = vector.broadcast %min3A_1007 : i32 to vector<16xi32>
      %min3A_1009 = arith.minsi %get3A_1006, %min3A_1008 : vector<16xi32>
      %swap3A_1010 = arith.constant 1568 : index
      %swap3A_1011 = tpu.vector_load %arg8[%swap3A_1010] {strides = array<i32>} : memref<1600xi32, #tpu.memory_space<vmem>>, vector<16xi32>,
      %swap3A_1012 = vector.shape_cast %swap3A_1011 : vector<16xi32> to vector<16xi32>
      %swap3A_1013 = vector.shape_cast %min3A_1009 : vector<16xi32> to vector<16xi32>
      tpu.vector_store %arg8[%swap3A_1010], %swap3A_1013 {strides = array<i32>} : memref<1600xi32, #tpu.memory_space<vmem>>, vector<16xi32>,
      %get3A_1014 = arith.constant 1584 : index
      %get3A_1015 = tpu.vector_load %arg8[%get3A_1014] {strides = array<i32>} : memref<1600xi32, #tpu.memory_space<vmem>>, vector<16xi32>,
      %get3A_1016 = vector.shape_cast %get3A_1015 : vector<16xi32> to vector<16xi32>
      %min3A_1017 = arith.constant 200 : i32
      %min3A_1018 = vector.broadcast %min3A_1017 : i32 to vector<16xi32>
      %min3A_1019 = arith.minsi %get3A_1016, %min3A_1018 : vector<16xi32>
      %swap3A_1020 = arith.constant 1584 : index
      %swap3A_1021 = tpu.vector_load %arg8[%swap3A_1020] {strides = array<i32>} : memref<1600xi32, #tpu.memory_space<vmem>>, vector<16xi32>,
      %swap3A_1022 = vector.shape_cast %swap3A_1021 : vector<16xi32> to vector<16xi32>
      %swap3A_1023 = vector.shape_cast %min3A_1019 : vector<16xi32> to vector<16xi32>
      tpu.vector_store %arg8[%swap3A_1020], %swap3A_1023 {strides = array<i32>} : memref<1600xi32, #tpu.memory_space<vmem>>, vector<16xi32>,
      %dma_start3A = arith.constant 0 : i32
      %dma_start3A_1024 = arith.constant 0 : i32
      %dma_start3A_1025 = tpu.memref_slice %arg2[%dma_start3A, %dma_start3A_1024] : memref<100352x64xf32, #tpu.memory_space<hbm>> -> memref<100352x64xf32, #tpu.memory_space<hbm>>
      tpu.enqueue_indirect_dma source(%dma_start3A_1025 : memref<100352x64xf32, #tpu.memory_space<hbm>>) target(%arg9 : memref<1600x64xf32, #tpu.memory_space<vmem>>) offsets(%arg7 : memref<1600xi32, #tpu.memory_space<vmem>>) semaphore(%arg11 : memref<!tpu.dma_semaphore, #tpu.memory_space<semaphore_mem>>)
      %dma_wait3A = arith.constant 0 : i32
      %dma_wait3A_1026 = arith.constant 0 : i32
      %dma_wait3A_1027 = tpu.memref_slice %arg2[%dma_wait3A, %dma_wait3A_1026] : memref<100352x64xf32, #tpu.memory_space<hbm>> -> memref<100352x64xf32, #tpu.memory_space<hbm>>
      tpu.wait_indirect_dma semaphore(%arg11 : memref<!tpu.dma_semaphore, #tpu.memory_space<semaphore_mem>>) src(%dma_wait3A_1027 : memref<100352x64xf32, #tpu.memory_space<hbm>>) dst(%arg9 : memref<1600x64xf32, #tpu.memory_space<vmem>>)
      %dma_start3A_1028 = arith.constant 0 : i32
      %dma_start3A_1029 = arith.constant 0 : i32
      %dma_start3A_1030 = tpu.memref_slice %arg10[%dma_start3A_1028, %dma_start3A_1029] : memref<201x64xf32, #tpu.memory_space<vmem_shared>> -> memref<201x64xf32, #tpu.memory_space<vmem_shared>>
      tpu.enqueue_indirect_dma source(%dma_start3A_1030 : memref<201x64xf32, #tpu.memory_space<vmem_shared>>) target(%arg9 : memref<1600x64xf32, #tpu.memory_space<vmem>>) offsets(%arg8 : memref<1600xi32, #tpu.memory_space<vmem>>) semaphore(%arg12 : memref<!tpu.dma_semaphore, #tpu.memory_space<semaphore_mem>>) {add = true}
      %dma_wait3A_1031 = arith.constant 0 : i32
      %dma_wait3A_1032 = arith.constant 0 : i32
      %dma_wait3A_1033 = tpu.memref_slice %arg10[%dma_wait3A_1031, %dma_wait3A_1032] : memref<201x64xf32, #tpu.memory_space<vmem_shared>> -> memref<201x64xf32, #tpu.memory_space<vmem_shared>>
      tpu.wait_indirect_dma semaphore(%arg12 : memref<!tpu.dma_semaphore, #tpu.memory_space<semaphore_mem>>) src(%dma_wait3A_1033 : memref<201x64xf32, #tpu.memory_space<vmem_shared>>) dst(%arg9 : memref<1600x64xf32, #tpu.memory_space<vmem>>)
      "tpu.region"() ({
        %run_scoped3A = tpu.sem_alloc : memref<!tpu.dma_semaphore, #tpu.memory_space<semaphore_mem>>
        %dma_start3A_1034 = arith.constant 0 : i32
        %dma_start3A_1035 = tpu.memref_slice %arg6[%multiple_of3A, %dma_start3A_1034] : memref<100352x64xf32, #tpu.memory_space<hbm>> -> memref<1600x64xf32, #tpu.memory_space<hbm>>
        %dma_start3A_1036 = arith.constant 0 : i32
        %dma_start3A_1037 = tpu.memref_slice %arg6[%multiple_of3A, %dma_start3A_1036] : memref<100352x64xf32, #tpu.memory_space<hbm>> -> memref<1600x64xf32, #tpu.memory_space<hbm>>
        tpu.enqueue_dma source(%arg9 : memref<1600x64xf32, #tpu.memory_space<vmem>>) target(%dma_start3A_1037 : memref<1600x64xf32, #tpu.memory_space<hbm>>) target_semaphore(%run_scoped3A : memref<!tpu.dma_semaphore, #tpu.memory_space<semaphore_mem>>)
        %dma_wait3A_1038 = arith.constant 0 : i32
        %dma_wait3A_1039 = tpu.memref_slice %arg6[%multiple_of3A, %dma_wait3A_1038] : memref<100352x64xf32, #tpu.memory_space<hbm>> -> memref<1600x64xf32, #tpu.memory_space<hbm>>
        %dma_wait3A_1040 = arith.constant 0 : i32
        %dma_wait3A_1041 = tpu.memref_slice %arg6[%multiple_of3A, %dma_wait3A_1040] : memref<100352x64xf32, #tpu.memory_space<hbm>> -> memref<1600x64xf32, #tpu.memory_space<hbm>>
        tpu.wait_dma2 semaphore(%run_scoped3A : memref<!tpu.dma_semaphore, #tpu.memory_space<semaphore_mem>>) src(%arg9 : memref<1600x64xf32, #tpu.memory_space<vmem>>) dst(%dma_wait3A_1041 : memref<1600x64xf32, #tpu.memory_space<hbm>>)
        tpu.yield
      }) : () -> ()
    } else {
    }
    %eq3A_22 = arith.constant 31 : i32
    %eq3A_23 = arith.cmpi eq, %add3A, %eq3A_22 : i32
    %convert_element_type3A_24 = arith.extui %eq3A_23 : i1 to i32
    %cond3A_25 = arith.constant 0 : i32
    %cond3A_26 = arith.cmpi ne, %convert_element_type3A_24, %cond3A_25 : i32
    scf.if %cond3A_26 {
      %multiple_of3A = arith.constant 99200 : i32
      %multiple_of3A_27 = tpu.assume_multiple %multiple_of3A, 8 : i32
      "tpu.region"() ({
        %run_scoped3A = tpu.sem_alloc : memref<!tpu.dma_semaphore, #tpu.memory_space<semaphore_mem>>
        %dma_start3A_755 = arith.constant 0 : i32
        %dma_start3A_756 = tpu.memref_slice %arg7[%dma_start3A_755] : memref<1600xi32, #tpu.memory_space<vmem>> -> memref<800xi32, #tpu.memory_space<vmem>>
        %dma_start3A_757 = tpu.memref_slice %arg4[%multiple_of3A_27] : memref<100000xi32, #tpu.memory_space<hbm>> -> memref<800xi32, #tpu.memory_space<hbm>>
        %dma_start3A_758 = arith.constant 0 : i32
        %dma_start3A_759 = tpu.memref_slice %arg7[%dma_start3A_758] : memref<1600xi32, #tpu.memory_space<vmem>> -> memref<800xi32, #tpu.memory_space<vmem>>
        %dma_start3A_760 = tpu.memref_slice %arg4[%multiple_of3A_27] : memref<100000xi32, #tpu.memory_space<hbm>> -> memref<800xi32, #tpu.memory_space<hbm>>
        tpu.enqueue_dma source(%dma_start3A_760 : memref<800xi32, #tpu.memory_space<hbm>>) target(%dma_start3A_759 : memref<800xi32, #tpu.memory_space<vmem>>) target_semaphore(%run_scoped3A : memref<!tpu.dma_semaphore, #tpu.memory_space<semaphore_mem>>)
        %dma_wait3A_761 = arith.constant 0 : i32
        %dma_wait3A_762 = tpu.memref_slice %arg7[%dma_wait3A_761] : memref<1600xi32, #tpu.memory_space<vmem>> -> memref<800xi32, #tpu.memory_space<vmem>>
        %dma_wait3A_763 = tpu.memref_slice %arg4[%multiple_of3A_27] : memref<100000xi32, #tpu.memory_space<hbm>> -> memref<800xi32, #tpu.memory_space<hbm>>
        %dma_wait3A_764 = arith.constant 0 : i32
        %dma_wait3A_765 = tpu.memref_slice %arg7[%dma_wait3A_764] : memref<1600xi32, #tpu.memory_space<vmem>> -> memref<800xi32, #tpu.memory_space<vmem>>
        %dma_wait3A_766 = tpu.memref_slice %arg4[%multiple_of3A_27] : memref<100000xi32, #tpu.memory_space<hbm>> -> memref<800xi32, #tpu.memory_space<hbm>>
        tpu.wait_dma2 semaphore(%run_scoped3A : memref<!tpu.dma_semaphore, #tpu.memory_space<semaphore_mem>>) src(%dma_wait3A_766 : memref<800xi32, #tpu.memory_space<hbm>>) dst(%dma_wait3A_765 : memref<800xi32, #tpu.memory_space<vmem>>)
        tpu.yield
      }) : () -> ()
      "tpu.region"() ({
        %run_scoped3A = tpu.sem_alloc : memref<!tpu.dma_semaphore, #tpu.memory_space<semaphore_mem>>
        %dma_start3A_755 = arith.constant 0 : i32
        %dma_start3A_756 = tpu.memref_slice %arg8[%dma_start3A_755] : memref<1600xi32, #tpu.memory_space<vmem>> -> memref<800xi32, #tpu.memory_space<vmem>>
        %dma_start3A_757 = tpu.memref_slice %arg5[%multiple_of3A_27] : memref<100000xi32, #tpu.memory_space<hbm>> -> memref<800xi32, #tpu.memory_space<hbm>>
        %dma_start3A_758 = arith.constant 0 : i32
        %dma_start3A_759 = tpu.memref_slice %arg8[%dma_start3A_758] : memref<1600xi32, #tpu.memory_space<vmem>> -> memref<800xi32, #tpu.memory_space<vmem>>
        %dma_start3A_760 = tpu.memref_slice %arg5[%multiple_of3A_27] : memref<100000xi32, #tpu.memory_space<hbm>> -> memref<800xi32, #tpu.memory_space<hbm>>
        tpu.enqueue_dma source(%dma_start3A_760 : memref<800xi32, #tpu.memory_space<hbm>>) target(%dma_start3A_759 : memref<800xi32, #tpu.memory_space<vmem>>) target_semaphore(%run_scoped3A : memref<!tpu.dma_semaphore, #tpu.memory_space<semaphore_mem>>)
        %dma_wait3A_761 = arith.constant 0 : i32
        %dma_wait3A_762 = tpu.memref_slice %arg8[%dma_wait3A_761] : memref<1600xi32, #tpu.memory_space<vmem>> -> memref<800xi32, #tpu.memory_space<vmem>>
        %dma_wait3A_763 = tpu.memref_slice %arg5[%multiple_of3A_27] : memref<100000xi32, #tpu.memory_space<hbm>> -> memref<800xi32, #tpu.memory_space<hbm>>
        %dma_wait3A_764 = arith.constant 0 : i32
        %dma_wait3A_765 = tpu.memref_slice %arg8[%dma_wait3A_764] : memref<1600xi32, #tpu.memory_space<vmem>> -> memref<800xi32, #tpu.memory_space<vmem>>
        %dma_wait3A_766 = tpu.memref_slice %arg5[%multiple_of3A_27] : memref<100000xi32, #tpu.memory_space<hbm>> -> memref<800xi32, #tpu.memory_space<hbm>>
        tpu.wait_dma2 semaphore(%run_scoped3A : memref<!tpu.dma_semaphore, #tpu.memory_space<semaphore_mem>>) src(%dma_wait3A_766 : memref<800xi32, #tpu.memory_space<hbm>>) dst(%dma_wait3A_765 : memref<800xi32, #tpu.memory_space<vmem>>)
        tpu.yield
      }) : () -> ()
      %get3A = arith.constant 0 : i32
      %get3A_28 = tpu.memref_slice %arg8[%get3A] : memref<1600xi32, #tpu.memory_space<vmem>> -> memref<800xi32, #tpu.memory_space<vmem>>
      %get3A_29 = arith.constant 0 : index
      %get3A_30 = tpu.vector_load %get3A_28[%get3A_29] {strides = array<i32>} : memref<800xi32, #tpu.memory_space<vmem>>, vector<16xi32>,
      %get3A_31 = vector.shape_cast %get3A_30 : vector<16xi32> to vector<16xi32>
      %min3A = arith.constant 200 : i32
      %min3A_32 = vector.broadcast %min3A : i32 to vector<16xi32>
      %min3A_33 = arith.minsi %get3A_31, %min3A_32 : vector<16xi32>
      %swap3A = arith.constant 0 : i32
      %swap3A_34 = tpu.memref_slice %arg8[%swap3A] : memref<1600xi32, #tpu.memory_space<vmem>> -> memref<800xi32, #tpu.memory_space<vmem>>
      %swap3A_35 = arith.constant 0 : index
      %swap3A_36 = tpu.vector_load %swap3A_34[%swap3A_35] {strides = array<i32>} : memref<800xi32, #tpu.memory_space<vmem>>, vector<16xi32>,
      %swap3A_37 = vector.shape_cast %swap3A_36 : vector<16xi32> to vector<16xi32>
      %swap3A_38 = vector.shape_cast %min3A_33 : vector<16xi32> to vector<16xi32>
      tpu.vector_store %swap3A_34[%swap3A_35], %swap3A_38 {strides = array<i32>} : memref<800xi32, #tpu.memory_space<vmem>>, vector<16xi32>,
      %get3A_39 = arith.constant 0 : i32
      %get3A_40 = tpu.memref_slice %arg8[%get3A_39] : memref<1600xi32, #tpu.memory_space<vmem>> -> memref<800xi32, #tpu.memory_space<vmem>>
      %get3A_41 = arith.constant 16 : index
      %get3A_42 = tpu.vector_load %get3A_40[%get3A_41] {strides = array<i32>} : memref<800xi32, #tpu.memory_space<vmem>>, vector<16xi32>,
      %get3A_43 = vector.shape_cast %get3A_42 : vector<16xi32> to vector<16xi32>
      %min3A_44 = arith.constant 200 : i32
      %min3A_45 = vector.broadcast %min3A_44 : i32 to vector<16xi32>
      %min3A_46 = arith.minsi %get3A_43, %min3A_45 : vector<16xi32>
      %swap3A_47 = arith.constant 0 : i32
      %swap3A_48 = tpu.memref_slice %arg8[%swap3A_47] : memref<1600xi32, #tpu.memory_space<vmem>> -> memref<800xi32, #tpu.memory_space<vmem>>
      %swap3A_49 = arith.constant 16 : index
      %swap3A_50 = tpu.vector_load %swap3A_48[%swap3A_49] {strides = array<i32>} : memref<800xi32, #tpu.memory_space<vmem>>, vector<16xi32>,
      %swap3A_51 = vector.shape_cast %swap3A_50 : vector<16xi32> to vector<16xi32>
      %swap3A_52 = vector.shape_cast %min3A_46 : vector<16xi32> to vector<16xi32>
      tpu.vector_store %swap3A_48[%swap3A_49], %swap3A_52 {strides = array<i32>} : memref<800xi32, #tpu.memory_space<vmem>>, vector<16xi32>,
      %get3A_53 = arith.constant 0 : i32
      %get3A_54 = tpu.memref_slice %arg8[%get3A_53] : memref<1600xi32, #tpu.memory_space<vmem>> -> memref<800xi32, #tpu.memory_space<vmem>>
      %get3A_55 = arith.constant 32 : index
      %get3A_56 = tpu.vector_load %get3A_54[%get3A_55] {strides = array<i32>} : memref<800xi32, #tpu.memory_space<vmem>>, vector<16xi32>,
      %get3A_57 = vector.shape_cast %get3A_56 : vector<16xi32> to vector<16xi32>
      %min3A_58 = arith.constant 200 : i32
      %min3A_59 = vector.broadcast %min3A_58 : i32 to vector<16xi32>
      %min3A_60 = arith.minsi %get3A_57, %min3A_59 : vector<16xi32>
      %swap3A_61 = arith.constant 0 : i32
      %swap3A_62 = tpu.memref_slice %arg8[%swap3A_61] : memref<1600xi32, #tpu.memory_space<vmem>> -> memref<800xi32, #tpu.memory_space<vmem>>
      %swap3A_63 = arith.constant 32 : index
      %swap3A_64 = tpu.vector_load %swap3A_62[%swap3A_63] {strides = array<i32>} : memref<800xi32, #tpu.memory_space<vmem>>, vector<16xi32>,
      %swap3A_65 = vector.shape_cast %swap3A_64 : vector<16xi32> to vector<16xi32>
      %swap3A_66 = vector.shape_cast %min3A_60 : vector<16xi32> to vector<16xi32>
      tpu.vector_store %swap3A_62[%swap3A_63], %swap3A_66 {strides = array<i32>} : memref<800xi32, #tpu.memory_space<vmem>>, vector<16xi32>,
      %get3A_67 = arith.constant 0 : i32
      %get3A_68 = tpu.memref_slice %arg8[%get3A_67] : memref<1600xi32, #tpu.memory_space<vmem>> -> memref<800xi32, #tpu.memory_space<vmem>>
      %get3A_69 = arith.constant 48 : index
      %get3A_70 = tpu.vector_load %get3A_68[%get3A_69] {strides = array<i32>} : memref<800xi32, #tpu.memory_space<vmem>>, vector<16xi32>,
      %get3A_71 = vector.shape_cast %get3A_70 : vector<16xi32> to vector<16xi32>
      %min3A_72 = arith.constant 200 : i32
      %min3A_73 = vector.broadcast %min3A_72 : i32 to vector<16xi32>
      %min3A_74 = arith.minsi %get3A_71, %min3A_73 : vector<16xi32>
      %swap3A_75 = arith.constant 0 : i32
      %swap3A_76 = tpu.memref_slice %arg8[%swap3A_75] : memref<1600xi32, #tpu.memory_space<vmem>> -> memref<800xi32, #tpu.memory_space<vmem>>
      %swap3A_77 = arith.constant 48 : index
      %swap3A_78 = tpu.vector_load %swap3A_76[%swap3A_77] {strides = array<i32>} : memref<800xi32, #tpu.memory_space<vmem>>, vector<16xi32>,
      %swap3A_79 = vector.shape_cast %swap3A_78 : vector<16xi32> to vector<16xi32>
      %swap3A_80 = vector.shape_cast %min3A_74 : vector<16xi32> to vector<16xi32>
      tpu.vector_store %swap3A_76[%swap3A_77], %swap3A_80 {strides = array<i32>} : memref<800xi32, #tpu.memory_space<vmem>>, vector<16xi32>,
      %get3A_81 = arith.constant 0 : i32
      %get3A_82 = tpu.memref_slice %arg8[%get3A_81] : memref<1600xi32, #tpu.memory_space<vmem>> -> memref<800xi32, #tpu.memory_space<vmem>>
      %get3A_83 = arith.constant 64 : index
      %get3A_84 = tpu.vector_load %get3A_82[%get3A_83] {strides = array<i32>} : memref<800xi32, #tpu.memory_space<vmem>>, vector<16xi32>,
      %get3A_85 = vector.shape_cast %get3A_84 : vector<16xi32> to vector<16xi32>
      %min3A_86 = arith.constant 200 : i32
      %min3A_87 = vector.broadcast %min3A_86 : i32 to vector<16xi32>
      %min3A_88 = arith.minsi %get3A_85, %min3A_87 : vector<16xi32>
      %swap3A_89 = arith.constant 0 : i32
      %swap3A_90 = tpu.memref_slice %arg8[%swap3A_89] : memref<1600xi32, #tpu.memory_space<vmem>> -> memref<800xi32, #tpu.memory_space<vmem>>
      %swap3A_91 = arith.constant 64 : index
      %swap3A_92 = tpu.vector_load %swap3A_90[%swap3A_91] {strides = array<i32>} : memref<800xi32, #tpu.memory_space<vmem>>, vector<16xi32>,
      %swap3A_93 = vector.shape_cast %swap3A_92 : vector<16xi32> to vector<16xi32>
      %swap3A_94 = vector.shape_cast %min3A_88 : vector<16xi32> to vector<16xi32>
      tpu.vector_store %swap3A_90[%swap3A_91], %swap3A_94 {strides = array<i32>} : memref<800xi32, #tpu.memory_space<vmem>>, vector<16xi32>,
      %get3A_95 = arith.constant 0 : i32
      %get3A_96 = tpu.memref_slice %arg8[%get3A_95] : memref<1600xi32, #tpu.memory_space<vmem>> -> memref<800xi32, #tpu.memory_space<vmem>>
      %get3A_97 = arith.constant 80 : index
      %get3A_98 = tpu.vector_load %get3A_96[%get3A_97] {strides = array<i32>} : memref<800xi32, #tpu.memory_space<vmem>>, vector<16xi32>,
      %get3A_99 = vector.shape_cast %get3A_98 : vector<16xi32> to vector<16xi32>
      %min3A_100 = arith.constant 200 : i32
      %min3A_101 = vector.broadcast %min3A_100 : i32 to vector<16xi32>
      %min3A_102 = arith.minsi %get3A_99, %min3A_101 : vector<16xi32>
      %swap3A_103 = arith.constant 0 : i32
      %swap3A_104 = tpu.memref_slice %arg8[%swap3A_103] : memref<1600xi32, #tpu.memory_space<vmem>> -> memref<800xi32, #tpu.memory_space<vmem>>
      %swap3A_105 = arith.constant 80 : index
      %swap3A_106 = tpu.vector_load %swap3A_104[%swap3A_105] {strides = array<i32>} : memref<800xi32, #tpu.memory_space<vmem>>, vector<16xi32>,
      %swap3A_107 = vector.shape_cast %swap3A_106 : vector<16xi32> to vector<16xi32>
      %swap3A_108 = vector.shape_cast %min3A_102 : vector<16xi32> to vector<16xi32>
      tpu.vector_store %swap3A_104[%swap3A_105], %swap3A_108 {strides = array<i32>} : memref<800xi32, #tpu.memory_space<vmem>>, vector<16xi32>,
      %get3A_109 = arith.constant 0 : i32
      %get3A_110 = tpu.memref_slice %arg8[%get3A_109] : memref<1600xi32, #tpu.memory_space<vmem>> -> memref<800xi32, #tpu.memory_space<vmem>>
      %get3A_111 = arith.constant 96 : index
      %get3A_112 = tpu.vector_load %get3A_110[%get3A_111] {strides = array<i32>} : memref<800xi32, #tpu.memory_space<vmem>>, vector<16xi32>,
      %get3A_113 = vector.shape_cast %get3A_112 : vector<16xi32> to vector<16xi32>
      %min3A_114 = arith.constant 200 : i32
      %min3A_115 = vector.broadcast %min3A_114 : i32 to vector<16xi32>
      %min3A_116 = arith.minsi %get3A_113, %min3A_115 : vector<16xi32>
      %swap3A_117 = arith.constant 0 : i32
      %swap3A_118 = tpu.memref_slice %arg8[%swap3A_117] : memref<1600xi32, #tpu.memory_space<vmem>> -> memref<800xi32, #tpu.memory_space<vmem>>
      %swap3A_119 = arith.constant 96 : index
      %swap3A_120 = tpu.vector_load %swap3A_118[%swap3A_119] {strides = array<i32>} : memref<800xi32, #tpu.memory_space<vmem>>, vector<16xi32>,
      %swap3A_121 = vector.shape_cast %swap3A_120 : vector<16xi32> to vector<16xi32>
      %swap3A_122 = vector.shape_cast %min3A_116 : vector<16xi32> to vector<16xi32>
      tpu.vector_store %swap3A_118[%swap3A_119], %swap3A_122 {strides = array<i32>} : memref<800xi32, #tpu.memory_space<vmem>>, vector<16xi32>,
      %get3A_123 = arith.constant 0 : i32
      %get3A_124 = tpu.memref_slice %arg8[%get3A_123] : memref<1600xi32, #tpu.memory_space<vmem>> -> memref<800xi32, #tpu.memory_space<vmem>>
      %get3A_125 = arith.constant 112 : index
      %get3A_126 = tpu.vector_load %get3A_124[%get3A_125] {strides = array<i32>} : memref<800xi32, #tpu.memory_space<vmem>>, vector<16xi32>,
      %get3A_127 = vector.shape_cast %get3A_126 : vector<16xi32> to vector<16xi32>
      %min3A_128 = arith.constant 200 : i32
      %min3A_129 = vector.broadcast %min3A_128 : i32 to vector<16xi32>
      %min3A_130 = arith.minsi %get3A_127, %min3A_129 : vector<16xi32>
      %swap3A_131 = arith.constant 0 : i32
      %swap3A_132 = tpu.memref_slice %arg8[%swap3A_131] : memref<1600xi32, #tpu.memory_space<vmem>> -> memref<800xi32, #tpu.memory_space<vmem>>
      %swap3A_133 = arith.constant 112 : index
      %swap3A_134 = tpu.vector_load %swap3A_132[%swap3A_133] {strides = array<i32>} : memref<800xi32, #tpu.memory_space<vmem>>, vector<16xi32>,
      %swap3A_135 = vector.shape_cast %swap3A_134 : vector<16xi32> to vector<16xi32>
      %swap3A_136 = vector.shape_cast %min3A_130 : vector<16xi32> to vector<16xi32>
      tpu.vector_store %swap3A_132[%swap3A_133], %swap3A_136 {strides = array<i32>} : memref<800xi32, #tpu.memory_space<vmem>>, vector<16xi32>,
      %get3A_137 = arith.constant 0 : i32
      %get3A_138 = tpu.memref_slice %arg8[%get3A_137] : memref<1600xi32, #tpu.memory_space<vmem>> -> memref<800xi32, #tpu.memory_space<vmem>>
      %get3A_139 = arith.constant 128 : index
      %get3A_140 = tpu.vector_load %get3A_138[%get3A_139] {strides = array<i32>} : memref<800xi32, #tpu.memory_space<vmem>>, vector<16xi32>,
      %get3A_141 = vector.shape_cast %get3A_140 : vector<16xi32> to vector<16xi32>
      %min3A_142 = arith.constant 200 : i32
      %min3A_143 = vector.broadcast %min3A_142 : i32 to vector<16xi32>
      %min3A_144 = arith.minsi %get3A_141, %min3A_143 : vector<16xi32>
      %swap3A_145 = arith.constant 0 : i32
      %swap3A_146 = tpu.memref_slice %arg8[%swap3A_145] : memref<1600xi32, #tpu.memory_space<vmem>> -> memref<800xi32, #tpu.memory_space<vmem>>
      %swap3A_147 = arith.constant 128 : index
      %swap3A_148 = tpu.vector_load %swap3A_146[%swap3A_147] {strides = array<i32>} : memref<800xi32, #tpu.memory_space<vmem>>, vector<16xi32>,
      %swap3A_149 = vector.shape_cast %swap3A_148 : vector<16xi32> to vector<16xi32>
      %swap3A_150 = vector.shape_cast %min3A_144 : vector<16xi32> to vector<16xi32>
      tpu.vector_store %swap3A_146[%swap3A_147], %swap3A_150 {strides = array<i32>} : memref<800xi32, #tpu.memory_space<vmem>>, vector<16xi32>,
      %get3A_151 = arith.constant 0 : i32
      %get3A_152 = tpu.memref_slice %arg8[%get3A_151] : memref<1600xi32, #tpu.memory_space<vmem>> -> memref<800xi32, #tpu.memory_space<vmem>>
      %get3A_153 = arith.constant 144 : index
      %get3A_154 = tpu.vector_load %get3A_152[%get3A_153] {strides = array<i32>} : memref<800xi32, #tpu.memory_space<vmem>>, vector<16xi32>,
      %get3A_155 = vector.shape_cast %get3A_154 : vector<16xi32> to vector<16xi32>
      %min3A_156 = arith.constant 200 : i32
      %min3A_157 = vector.broadcast %min3A_156 : i32 to vector<16xi32>
      %min3A_158 = arith.minsi %get3A_155, %min3A_157 : vector<16xi32>
      %swap3A_159 = arith.constant 0 : i32
      %swap3A_160 = tpu.memref_slice %arg8[%swap3A_159] : memref<1600xi32, #tpu.memory_space<vmem>> -> memref<800xi32, #tpu.memory_space<vmem>>
      %swap3A_161 = arith.constant 144 : index
      %swap3A_162 = tpu.vector_load %swap3A_160[%swap3A_161] {strides = array<i32>} : memref<800xi32, #tpu.memory_space<vmem>>, vector<16xi32>,
      %swap3A_163 = vector.shape_cast %swap3A_162 : vector<16xi32> to vector<16xi32>
      %swap3A_164 = vector.shape_cast %min3A_158 : vector<16xi32> to vector<16xi32>
      tpu.vector_store %swap3A_160[%swap3A_161], %swap3A_164 {strides = array<i32>} : memref<800xi32, #tpu.memory_space<vmem>>, vector<16xi32>,
      %get3A_165 = arith.constant 0 : i32
      %get3A_166 = tpu.memref_slice %arg8[%get3A_165] : memref<1600xi32, #tpu.memory_space<vmem>> -> memref<800xi32, #tpu.memory_space<vmem>>
      %get3A_167 = arith.constant 160 : index
      %get3A_168 = tpu.vector_load %get3A_166[%get3A_167] {strides = array<i32>} : memref<800xi32, #tpu.memory_space<vmem>>, vector<16xi32>,
      %get3A_169 = vector.shape_cast %get3A_168 : vector<16xi32> to vector<16xi32>
      %min3A_170 = arith.constant 200 : i32
      %min3A_171 = vector.broadcast %min3A_170 : i32 to vector<16xi32>
      %min3A_172 = arith.minsi %get3A_169, %min3A_171 : vector<16xi32>
      %swap3A_173 = arith.constant 0 : i32
      %swap3A_174 = tpu.memref_slice %arg8[%swap3A_173] : memref<1600xi32, #tpu.memory_space<vmem>> -> memref<800xi32, #tpu.memory_space<vmem>>
      %swap3A_175 = arith.constant 160 : index
      %swap3A_176 = tpu.vector_load %swap3A_174[%swap3A_175] {strides = array<i32>} : memref<800xi32, #tpu.memory_space<vmem>>, vector<16xi32>,
      %swap3A_177 = vector.shape_cast %swap3A_176 : vector<16xi32> to vector<16xi32>
      %swap3A_178 = vector.shape_cast %min3A_172 : vector<16xi32> to vector<16xi32>
      tpu.vector_store %swap3A_174[%swap3A_175], %swap3A_178 {strides = array<i32>} : memref<800xi32, #tpu.memory_space<vmem>>, vector<16xi32>,
      %get3A_179 = arith.constant 0 : i32
      %get3A_180 = tpu.memref_slice %arg8[%get3A_179] : memref<1600xi32, #tpu.memory_space<vmem>> -> memref<800xi32, #tpu.memory_space<vmem>>
      %get3A_181 = arith.constant 176 : index
      %get3A_182 = tpu.vector_load %get3A_180[%get3A_181] {strides = array<i32>} : memref<800xi32, #tpu.memory_space<vmem>>, vector<16xi32>,
      %get3A_183 = vector.shape_cast %get3A_182 : vector<16xi32> to vector<16xi32>
      %min3A_184 = arith.constant 200 : i32
      %min3A_185 = vector.broadcast %min3A_184 : i32 to vector<16xi32>
      %min3A_186 = arith.minsi %get3A_183, %min3A_185 : vector<16xi32>
      %swap3A_187 = arith.constant 0 : i32
      %swap3A_188 = tpu.memref_slice %arg8[%swap3A_187] : memref<1600xi32, #tpu.memory_space<vmem>> -> memref<800xi32, #tpu.memory_space<vmem>>
      %swap3A_189 = arith.constant 176 : index
      %swap3A_190 = tpu.vector_load %swap3A_188[%swap3A_189] {strides = array<i32>} : memref<800xi32, #tpu.memory_space<vmem>>, vector<16xi32>,
      %swap3A_191 = vector.shape_cast %swap3A_190 : vector<16xi32> to vector<16xi32>
      %swap3A_192 = vector.shape_cast %min3A_186 : vector<16xi32> to vector<16xi32>
      tpu.vector_store %swap3A_188[%swap3A_189], %swap3A_192 {strides = array<i32>} : memref<800xi32, #tpu.memory_space<vmem>>, vector<16xi32>,
      %get3A_193 = arith.constant 0 : i32
      %get3A_194 = tpu.memref_slice %arg8[%get3A_193] : memref<1600xi32, #tpu.memory_space<vmem>> -> memref<800xi32, #tpu.memory_space<vmem>>
      %get3A_195 = arith.constant 192 : index
      %get3A_196 = tpu.vector_load %get3A_194[%get3A_195] {strides = array<i32>} : memref<800xi32, #tpu.memory_space<vmem>>, vector<16xi32>,
      %get3A_197 = vector.shape_cast %get3A_196 : vector<16xi32> to vector<16xi32>
      %min3A_198 = arith.constant 200 : i32
      %min3A_199 = vector.broadcast %min3A_198 : i32 to vector<16xi32>
      %min3A_200 = arith.minsi %get3A_197, %min3A_199 : vector<16xi32>
      %swap3A_201 = arith.constant 0 : i32
      %swap3A_202 = tpu.memref_slice %arg8[%swap3A_201] : memref<1600xi32, #tpu.memory_space<vmem>> -> memref<800xi32, #tpu.memory_space<vmem>>
      %swap3A_203 = arith.constant 192 : index
      %swap3A_204 = tpu.vector_load %swap3A_202[%swap3A_203] {strides = array<i32>} : memref<800xi32, #tpu.memory_space<vmem>>, vector<16xi32>,
      %swap3A_205 = vector.shape_cast %swap3A_204 : vector<16xi32> to vector<16xi32>
      %swap3A_206 = vector.shape_cast %min3A_200 : vector<16xi32> to vector<16xi32>
      tpu.vector_store %swap3A_202[%swap3A_203], %swap3A_206 {strides = array<i32>} : memref<800xi32, #tpu.memory_space<vmem>>, vector<16xi32>,
      %get3A_207 = arith.constant 0 : i32
      %get3A_208 = tpu.memref_slice %arg8[%get3A_207] : memref<1600xi32, #tpu.memory_space<vmem>> -> memref<800xi32, #tpu.memory_space<vmem>>
      %get3A_209 = arith.constant 208 : index
      %get3A_210 = tpu.vector_load %get3A_208[%get3A_209] {strides = array<i32>} : memref<800xi32, #tpu.memory_space<vmem>>, vector<16xi32>,
      %get3A_211 = vector.shape_cast %get3A_210 : vector<16xi32> to vector<16xi32>
      %min3A_212 = arith.constant 200 : i32
      %min3A_213 = vector.broadcast %min3A_212 : i32 to vector<16xi32>
      %min3A_214 = arith.minsi %get3A_211, %min3A_213 : vector<16xi32>
      %swap3A_215 = arith.constant 0 : i32
      %swap3A_216 = tpu.memref_slice %arg8[%swap3A_215] : memref<1600xi32, #tpu.memory_space<vmem>> -> memref<800xi32, #tpu.memory_space<vmem>>
      %swap3A_217 = arith.constant 208 : index
      %swap3A_218 = tpu.vector_load %swap3A_216[%swap3A_217] {strides = array<i32>} : memref<800xi32, #tpu.memory_space<vmem>>, vector<16xi32>,
      %swap3A_219 = vector.shape_cast %swap3A_218 : vector<16xi32> to vector<16xi32>
      %swap3A_220 = vector.shape_cast %min3A_214 : vector<16xi32> to vector<16xi32>
      tpu.vector_store %swap3A_216[%swap3A_217], %swap3A_220 {strides = array<i32>} : memref<800xi32, #tpu.memory_space<vmem>>, vector<16xi32>,
      %get3A_221 = arith.constant 0 : i32
      %get3A_222 = tpu.memref_slice %arg8[%get3A_221] : memref<1600xi32, #tpu.memory_space<vmem>> -> memref<800xi32, #tpu.memory_space<vmem>>
      %get3A_223 = arith.constant 224 : index
      %get3A_224 = tpu.vector_load %get3A_222[%get3A_223] {strides = array<i32>} : memref<800xi32, #tpu.memory_space<vmem>>, vector<16xi32>,
      %get3A_225 = vector.shape_cast %get3A_224 : vector<16xi32> to vector<16xi32>
      %min3A_226 = arith.constant 200 : i32
      %min3A_227 = vector.broadcast %min3A_226 : i32 to vector<16xi32>
      %min3A_228 = arith.minsi %get3A_225, %min3A_227 : vector<16xi32>
      %swap3A_229 = arith.constant 0 : i32
      %swap3A_230 = tpu.memref_slice %arg8[%swap3A_229] : memref<1600xi32, #tpu.memory_space<vmem>> -> memref<800xi32, #tpu.memory_space<vmem>>
      %swap3A_231 = arith.constant 224 : index
      %swap3A_232 = tpu.vector_load %swap3A_230[%swap3A_231] {strides = array<i32>} : memref<800xi32, #tpu.memory_space<vmem>>, vector<16xi32>,
      %swap3A_233 = vector.shape_cast %swap3A_232 : vector<16xi32> to vector<16xi32>
      %swap3A_234 = vector.shape_cast %min3A_228 : vector<16xi32> to vector<16xi32>
      tpu.vector_store %swap3A_230[%swap3A_231], %swap3A_234 {strides = array<i32>} : memref<800xi32, #tpu.memory_space<vmem>>, vector<16xi32>,
      %get3A_235 = arith.constant 0 : i32
      %get3A_236 = tpu.memref_slice %arg8[%get3A_235] : memref<1600xi32, #tpu.memory_space<vmem>> -> memref<800xi32, #tpu.memory_space<vmem>>
      %get3A_237 = arith.constant 240 : index
      %get3A_238 = tpu.vector_load %get3A_236[%get3A_237] {strides = array<i32>} : memref<800xi32, #tpu.memory_space<vmem>>, vector<16xi32>,
      %get3A_239 = vector.shape_cast %get3A_238 : vector<16xi32> to vector<16xi32>
      %min3A_240 = arith.constant 200 : i32
      %min3A_241 = vector.broadcast %min3A_240 : i32 to vector<16xi32>
      %min3A_242 = arith.minsi %get3A_239, %min3A_241 : vector<16xi32>
      %swap3A_243 = arith.constant 0 : i32
      %swap3A_244 = tpu.memref_slice %arg8[%swap3A_243] : memref<1600xi32, #tpu.memory_space<vmem>> -> memref<800xi32, #tpu.memory_space<vmem>>
      %swap3A_245 = arith.constant 240 : index
      %swap3A_246 = tpu.vector_load %swap3A_244[%swap3A_245] {strides = array<i32>} : memref<800xi32, #tpu.memory_space<vmem>>, vector<16xi32>,
      %swap3A_247 = vector.shape_cast %swap3A_246 : vector<16xi32> to vector<16xi32>
      %swap3A_248 = vector.shape_cast %min3A_242 : vector<16xi32> to vector<16xi32>
      tpu.vector_store %swap3A_244[%swap3A_245], %swap3A_248 {strides = array<i32>} : memref<800xi32, #tpu.memory_space<vmem>>, vector<16xi32>,
      %get3A_249 = arith.constant 0 : i32
      %get3A_250 = tpu.memref_slice %arg8[%get3A_249] : memref<1600xi32, #tpu.memory_space<vmem>> -> memref<800xi32, #tpu.memory_space<vmem>>
      %get3A_251 = arith.constant 256 : index
      %get3A_252 = tpu.vector_load %get3A_250[%get3A_251] {strides = array<i32>} : memref<800xi32, #tpu.memory_space<vmem>>, vector<16xi32>,
      %get3A_253 = vector.shape_cast %get3A_252 : vector<16xi32> to vector<16xi32>
      %min3A_254 = arith.constant 200 : i32
      %min3A_255 = vector.broadcast %min3A_254 : i32 to vector<16xi32>
      %min3A_256 = arith.minsi %get3A_253, %min3A_255 : vector<16xi32>
      %swap3A_257 = arith.constant 0 : i32
      %swap3A_258 = tpu.memref_slice %arg8[%swap3A_257] : memref<1600xi32, #tpu.memory_space<vmem>> -> memref<800xi32, #tpu.memory_space<vmem>>
      %swap3A_259 = arith.constant 256 : index
      %swap3A_260 = tpu.vector_load %swap3A_258[%swap3A_259] {strides = array<i32>} : memref<800xi32, #tpu.memory_space<vmem>>, vector<16xi32>,
      %swap3A_261 = vector.shape_cast %swap3A_260 : vector<16xi32> to vector<16xi32>
      %swap3A_262 = vector.shape_cast %min3A_256 : vector<16xi32> to vector<16xi32>
      tpu.vector_store %swap3A_258[%swap3A_259], %swap3A_262 {strides = array<i32>} : memref<800xi32, #tpu.memory_space<vmem>>, vector<16xi32>,
      %get3A_263 = arith.constant 0 : i32
      %get3A_264 = tpu.memref_slice %arg8[%get3A_263] : memref<1600xi32, #tpu.memory_space<vmem>> -> memref<800xi32, #tpu.memory_space<vmem>>
      %get3A_265 = arith.constant 272 : index
      %get3A_266 = tpu.vector_load %get3A_264[%get3A_265] {strides = array<i32>} : memref<800xi32, #tpu.memory_space<vmem>>, vector<16xi32>,
      %get3A_267 = vector.shape_cast %get3A_266 : vector<16xi32> to vector<16xi32>
      %min3A_268 = arith.constant 200 : i32
      %min3A_269 = vector.broadcast %min3A_268 : i32 to vector<16xi32>
      %min3A_270 = arith.minsi %get3A_267, %min3A_269 : vector<16xi32>
      %swap3A_271 = arith.constant 0 : i32
      %swap3A_272 = tpu.memref_slice %arg8[%swap3A_271] : memref<1600xi32, #tpu.memory_space<vmem>> -> memref<800xi32, #tpu.memory_space<vmem>>
      %swap3A_273 = arith.constant 272 : index
      %swap3A_274 = tpu.vector_load %swap3A_272[%swap3A_273] {strides = array<i32>} : memref<800xi32, #tpu.memory_space<vmem>>, vector<16xi32>,
      %swap3A_275 = vector.shape_cast %swap3A_274 : vector<16xi32> to vector<16xi32>
      %swap3A_276 = vector.shape_cast %min3A_270 : vector<16xi32> to vector<16xi32>
      tpu.vector_store %swap3A_272[%swap3A_273], %swap3A_276 {strides = array<i32>} : memref<800xi32, #tpu.memory_space<vmem>>, vector<16xi32>,
      %get3A_277 = arith.constant 0 : i32
      %get3A_278 = tpu.memref_slice %arg8[%get3A_277] : memref<1600xi32, #tpu.memory_space<vmem>> -> memref<800xi32, #tpu.memory_space<vmem>>
      %get3A_279 = arith.constant 288 : index
      %get3A_280 = tpu.vector_load %get3A_278[%get3A_279] {strides = array<i32>} : memref<800xi32, #tpu.memory_space<vmem>>, vector<16xi32>,
      %get3A_281 = vector.shape_cast %get3A_280 : vector<16xi32> to vector<16xi32>
      %min3A_282 = arith.constant 200 : i32
      %min3A_283 = vector.broadcast %min3A_282 : i32 to vector<16xi32>
      %min3A_284 = arith.minsi %get3A_281, %min3A_283 : vector<16xi32>
      %swap3A_285 = arith.constant 0 : i32
      %swap3A_286 = tpu.memref_slice %arg8[%swap3A_285] : memref<1600xi32, #tpu.memory_space<vmem>> -> memref<800xi32, #tpu.memory_space<vmem>>
      %swap3A_287 = arith.constant 288 : index
      %swap3A_288 = tpu.vector_load %swap3A_286[%swap3A_287] {strides = array<i32>} : memref<800xi32, #tpu.memory_space<vmem>>, vector<16xi32>,
      %swap3A_289 = vector.shape_cast %swap3A_288 : vector<16xi32> to vector<16xi32>
      %swap3A_290 = vector.shape_cast %min3A_284 : vector<16xi32> to vector<16xi32>
      tpu.vector_store %swap3A_286[%swap3A_287], %swap3A_290 {strides = array<i32>} : memref<800xi32, #tpu.memory_space<vmem>>, vector<16xi32>,
      %get3A_291 = arith.constant 0 : i32
      %get3A_292 = tpu.memref_slice %arg8[%get3A_291] : memref<1600xi32, #tpu.memory_space<vmem>> -> memref<800xi32, #tpu.memory_space<vmem>>
      %get3A_293 = arith.constant 304 : index
      %get3A_294 = tpu.vector_load %get3A_292[%get3A_293] {strides = array<i32>} : memref<800xi32, #tpu.memory_space<vmem>>, vector<16xi32>,
      %get3A_295 = vector.shape_cast %get3A_294 : vector<16xi32> to vector<16xi32>
      %min3A_296 = arith.constant 200 : i32
      %min3A_297 = vector.broadcast %min3A_296 : i32 to vector<16xi32>
      %min3A_298 = arith.minsi %get3A_295, %min3A_297 : vector<16xi32>
      %swap3A_299 = arith.constant 0 : i32
      %swap3A_300 = tpu.memref_slice %arg8[%swap3A_299] : memref<1600xi32, #tpu.memory_space<vmem>> -> memref<800xi32, #tpu.memory_space<vmem>>
      %swap3A_301 = arith.constant 304 : index
      %swap3A_302 = tpu.vector_load %swap3A_300[%swap3A_301] {strides = array<i32>} : memref<800xi32, #tpu.memory_space<vmem>>, vector<16xi32>,
      %swap3A_303 = vector.shape_cast %swap3A_302 : vector<16xi32> to vector<16xi32>
      %swap3A_304 = vector.shape_cast %min3A_298 : vector<16xi32> to vector<16xi32>
      tpu.vector_store %swap3A_300[%swap3A_301], %swap3A_304 {strides = array<i32>} : memref<800xi32, #tpu.memory_space<vmem>>, vector<16xi32>,
      %get3A_305 = arith.constant 0 : i32
      %get3A_306 = tpu.memref_slice %arg8[%get3A_305] : memref<1600xi32, #tpu.memory_space<vmem>> -> memref<800xi32, #tpu.memory_space<vmem>>
      %get3A_307 = arith.constant 320 : index
      %get3A_308 = tpu.vector_load %get3A_306[%get3A_307] {strides = array<i32>} : memref<800xi32, #tpu.memory_space<vmem>>, vector<16xi32>,
      %get3A_309 = vector.shape_cast %get3A_308 : vector<16xi32> to vector<16xi32>
      %min3A_310 = arith.constant 200 : i32
      %min3A_311 = vector.broadcast %min3A_310 : i32 to vector<16xi32>
      %min3A_312 = arith.minsi %get3A_309, %min3A_311 : vector<16xi32>
      %swap3A_313 = arith.constant 0 : i32
      %swap3A_314 = tpu.memref_slice %arg8[%swap3A_313] : memref<1600xi32, #tpu.memory_space<vmem>> -> memref<800xi32, #tpu.memory_space<vmem>>
      %swap3A_315 = arith.constant 320 : index
      %swap3A_316 = tpu.vector_load %swap3A_314[%swap3A_315] {strides = array<i32>} : memref<800xi32, #tpu.memory_space<vmem>>, vector<16xi32>,
      %swap3A_317 = vector.shape_cast %swap3A_316 : vector<16xi32> to vector<16xi32>
      %swap3A_318 = vector.shape_cast %min3A_312 : vector<16xi32> to vector<16xi32>
      tpu.vector_store %swap3A_314[%swap3A_315], %swap3A_318 {strides = array<i32>} : memref<800xi32, #tpu.memory_space<vmem>>, vector<16xi32>,
      %get3A_319 = arith.constant 0 : i32
      %get3A_320 = tpu.memref_slice %arg8[%get3A_319] : memref<1600xi32, #tpu.memory_space<vmem>> -> memref<800xi32, #tpu.memory_space<vmem>>
      %get3A_321 = arith.constant 336 : index
      %get3A_322 = tpu.vector_load %get3A_320[%get3A_321] {strides = array<i32>} : memref<800xi32, #tpu.memory_space<vmem>>, vector<16xi32>,
      %get3A_323 = vector.shape_cast %get3A_322 : vector<16xi32> to vector<16xi32>
      %min3A_324 = arith.constant 200 : i32
      %min3A_325 = vector.broadcast %min3A_324 : i32 to vector<16xi32>
      %min3A_326 = arith.minsi %get3A_323, %min3A_325 : vector<16xi32>
      %swap3A_327 = arith.constant 0 : i32
      %swap3A_328 = tpu.memref_slice %arg8[%swap3A_327] : memref<1600xi32, #tpu.memory_space<vmem>> -> memref<800xi32, #tpu.memory_space<vmem>>
      %swap3A_329 = arith.constant 336 : index
      %swap3A_330 = tpu.vector_load %swap3A_328[%swap3A_329] {strides = array<i32>} : memref<800xi32, #tpu.memory_space<vmem>>, vector<16xi32>,
      %swap3A_331 = vector.shape_cast %swap3A_330 : vector<16xi32> to vector<16xi32>
      %swap3A_332 = vector.shape_cast %min3A_326 : vector<16xi32> to vector<16xi32>
      tpu.vector_store %swap3A_328[%swap3A_329], %swap3A_332 {strides = array<i32>} : memref<800xi32, #tpu.memory_space<vmem>>, vector<16xi32>,
      %get3A_333 = arith.constant 0 : i32
      %get3A_334 = tpu.memref_slice %arg8[%get3A_333] : memref<1600xi32, #tpu.memory_space<vmem>> -> memref<800xi32, #tpu.memory_space<vmem>>
      %get3A_335 = arith.constant 352 : index
      %get3A_336 = tpu.vector_load %get3A_334[%get3A_335] {strides = array<i32>} : memref<800xi32, #tpu.memory_space<vmem>>, vector<16xi32>,
      %get3A_337 = vector.shape_cast %get3A_336 : vector<16xi32> to vector<16xi32>
      %min3A_338 = arith.constant 200 : i32
      %min3A_339 = vector.broadcast %min3A_338 : i32 to vector<16xi32>
      %min3A_340 = arith.minsi %get3A_337, %min3A_339 : vector<16xi32>
      %swap3A_341 = arith.constant 0 : i32
      %swap3A_342 = tpu.memref_slice %arg8[%swap3A_341] : memref<1600xi32, #tpu.memory_space<vmem>> -> memref<800xi32, #tpu.memory_space<vmem>>
      %swap3A_343 = arith.constant 352 : index
      %swap3A_344 = tpu.vector_load %swap3A_342[%swap3A_343] {strides = array<i32>} : memref<800xi32, #tpu.memory_space<vmem>>, vector<16xi32>,
      %swap3A_345 = vector.shape_cast %swap3A_344 : vector<16xi32> to vector<16xi32>
      %swap3A_346 = vector.shape_cast %min3A_340 : vector<16xi32> to vector<16xi32>
      tpu.vector_store %swap3A_342[%swap3A_343], %swap3A_346 {strides = array<i32>} : memref<800xi32, #tpu.memory_space<vmem>>, vector<16xi32>,
      %get3A_347 = arith.constant 0 : i32
      %get3A_348 = tpu.memref_slice %arg8[%get3A_347] : memref<1600xi32, #tpu.memory_space<vmem>> -> memref<800xi32, #tpu.memory_space<vmem>>
      %get3A_349 = arith.constant 368 : index
      %get3A_350 = tpu.vector_load %get3A_348[%get3A_349] {strides = array<i32>} : memref<800xi32, #tpu.memory_space<vmem>>, vector<16xi32>,
      %get3A_351 = vector.shape_cast %get3A_350 : vector<16xi32> to vector<16xi32>
      %min3A_352 = arith.constant 200 : i32
      %min3A_353 = vector.broadcast %min3A_352 : i32 to vector<16xi32>
      %min3A_354 = arith.minsi %get3A_351, %min3A_353 : vector<16xi32>
      %swap3A_355 = arith.constant 0 : i32
      %swap3A_356 = tpu.memref_slice %arg8[%swap3A_355] : memref<1600xi32, #tpu.memory_space<vmem>> -> memref<800xi32, #tpu.memory_space<vmem>>
      %swap3A_357 = arith.constant 368 : index
      %swap3A_358 = tpu.vector_load %swap3A_356[%swap3A_357] {strides = array<i32>} : memref<800xi32, #tpu.memory_space<vmem>>, vector<16xi32>,
      %swap3A_359 = vector.shape_cast %swap3A_358 : vector<16xi32> to vector<16xi32>
      %swap3A_360 = vector.shape_cast %min3A_354 : vector<16xi32> to vector<16xi32>
      tpu.vector_store %swap3A_356[%swap3A_357], %swap3A_360 {strides = array<i32>} : memref<800xi32, #tpu.memory_space<vmem>>, vector<16xi32>,
      %get3A_361 = arith.constant 0 : i32
      %get3A_362 = tpu.memref_slice %arg8[%get3A_361] : memref<1600xi32, #tpu.memory_space<vmem>> -> memref<800xi32, #tpu.memory_space<vmem>>
      %get3A_363 = arith.constant 384 : index
      %get3A_364 = tpu.vector_load %get3A_362[%get3A_363] {strides = array<i32>} : memref<800xi32, #tpu.memory_space<vmem>>, vector<16xi32>,
      %get3A_365 = vector.shape_cast %get3A_364 : vector<16xi32> to vector<16xi32>
      %min3A_366 = arith.constant 200 : i32
      %min3A_367 = vector.broadcast %min3A_366 : i32 to vector<16xi32>
      %min3A_368 = arith.minsi %get3A_365, %min3A_367 : vector<16xi32>
      %swap3A_369 = arith.constant 0 : i32
      %swap3A_370 = tpu.memref_slice %arg8[%swap3A_369] : memref<1600xi32, #tpu.memory_space<vmem>> -> memref<800xi32, #tpu.memory_space<vmem>>
      %swap3A_371 = arith.constant 384 : index
      %swap3A_372 = tpu.vector_load %swap3A_370[%swap3A_371] {strides = array<i32>} : memref<800xi32, #tpu.memory_space<vmem>>, vector<16xi32>,
      %swap3A_373 = vector.shape_cast %swap3A_372 : vector<16xi32> to vector<16xi32>
      %swap3A_374 = vector.shape_cast %min3A_368 : vector<16xi32> to vector<16xi32>
      tpu.vector_store %swap3A_370[%swap3A_371], %swap3A_374 {strides = array<i32>} : memref<800xi32, #tpu.memory_space<vmem>>, vector<16xi32>,
      %get3A_375 = arith.constant 0 : i32
      %get3A_376 = tpu.memref_slice %arg8[%get3A_375] : memref<1600xi32, #tpu.memory_space<vmem>> -> memref<800xi32, #tpu.memory_space<vmem>>
      %get3A_377 = arith.constant 400 : index
      %get3A_378 = tpu.vector_load %get3A_376[%get3A_377] {strides = array<i32>} : memref<800xi32, #tpu.memory_space<vmem>>, vector<16xi32>,
      %get3A_379 = vector.shape_cast %get3A_378 : vector<16xi32> to vector<16xi32>
      %min3A_380 = arith.constant 200 : i32
      %min3A_381 = vector.broadcast %min3A_380 : i32 to vector<16xi32>
      %min3A_382 = arith.minsi %get3A_379, %min3A_381 : vector<16xi32>
      %swap3A_383 = arith.constant 0 : i32
      %swap3A_384 = tpu.memref_slice %arg8[%swap3A_383] : memref<1600xi32, #tpu.memory_space<vmem>> -> memref<800xi32, #tpu.memory_space<vmem>>
      %swap3A_385 = arith.constant 400 : index
      %swap3A_386 = tpu.vector_load %swap3A_384[%swap3A_385] {strides = array<i32>} : memref<800xi32, #tpu.memory_space<vmem>>, vector<16xi32>,
      %swap3A_387 = vector.shape_cast %swap3A_386 : vector<16xi32> to vector<16xi32>
      %swap3A_388 = vector.shape_cast %min3A_382 : vector<16xi32> to vector<16xi32>
      tpu.vector_store %swap3A_384[%swap3A_385], %swap3A_388 {strides = array<i32>} : memref<800xi32, #tpu.memory_space<vmem>>, vector<16xi32>,
      %get3A_389 = arith.constant 0 : i32
      %get3A_390 = tpu.memref_slice %arg8[%get3A_389] : memref<1600xi32, #tpu.memory_space<vmem>> -> memref<800xi32, #tpu.memory_space<vmem>>
      %get3A_391 = arith.constant 416 : index
      %get3A_392 = tpu.vector_load %get3A_390[%get3A_391] {strides = array<i32>} : memref<800xi32, #tpu.memory_space<vmem>>, vector<16xi32>,
      %get3A_393 = vector.shape_cast %get3A_392 : vector<16xi32> to vector<16xi32>
      %min3A_394 = arith.constant 200 : i32
      %min3A_395 = vector.broadcast %min3A_394 : i32 to vector<16xi32>
      %min3A_396 = arith.minsi %get3A_393, %min3A_395 : vector<16xi32>
      %swap3A_397 = arith.constant 0 : i32
      %swap3A_398 = tpu.memref_slice %arg8[%swap3A_397] : memref<1600xi32, #tpu.memory_space<vmem>> -> memref<800xi32, #tpu.memory_space<vmem>>
      %swap3A_399 = arith.constant 416 : index
      %swap3A_400 = tpu.vector_load %swap3A_398[%swap3A_399] {strides = array<i32>} : memref<800xi32, #tpu.memory_space<vmem>>, vector<16xi32>,
      %swap3A_401 = vector.shape_cast %swap3A_400 : vector<16xi32> to vector<16xi32>
      %swap3A_402 = vector.shape_cast %min3A_396 : vector<16xi32> to vector<16xi32>
      tpu.vector_store %swap3A_398[%swap3A_399], %swap3A_402 {strides = array<i32>} : memref<800xi32, #tpu.memory_space<vmem>>, vector<16xi32>,
      %get3A_403 = arith.constant 0 : i32
      %get3A_404 = tpu.memref_slice %arg8[%get3A_403] : memref<1600xi32, #tpu.memory_space<vmem>> -> memref<800xi32, #tpu.memory_space<vmem>>
      %get3A_405 = arith.constant 432 : index
      %get3A_406 = tpu.vector_load %get3A_404[%get3A_405] {strides = array<i32>} : memref<800xi32, #tpu.memory_space<vmem>>, vector<16xi32>,
      %get3A_407 = vector.shape_cast %get3A_406 : vector<16xi32> to vector<16xi32>
      %min3A_408 = arith.constant 200 : i32
      %min3A_409 = vector.broadcast %min3A_408 : i32 to vector<16xi32>
      %min3A_410 = arith.minsi %get3A_407, %min3A_409 : vector<16xi32>
      %swap3A_411 = arith.constant 0 : i32
      %swap3A_412 = tpu.memref_slice %arg8[%swap3A_411] : memref<1600xi32, #tpu.memory_space<vmem>> -> memref<800xi32, #tpu.memory_space<vmem>>
      %swap3A_413 = arith.constant 432 : index
      %swap3A_414 = tpu.vector_load %swap3A_412[%swap3A_413] {strides = array<i32>} : memref<800xi32, #tpu.memory_space<vmem>>, vector<16xi32>,
      %swap3A_415 = vector.shape_cast %swap3A_414 : vector<16xi32> to vector<16xi32>
      %swap3A_416 = vector.shape_cast %min3A_410 : vector<16xi32> to vector<16xi32>
      tpu.vector_store %swap3A_412[%swap3A_413], %swap3A_416 {strides = array<i32>} : memref<800xi32, #tpu.memory_space<vmem>>, vector<16xi32>,
      %get3A_417 = arith.constant 0 : i32
      %get3A_418 = tpu.memref_slice %arg8[%get3A_417] : memref<1600xi32, #tpu.memory_space<vmem>> -> memref<800xi32, #tpu.memory_space<vmem>>
      %get3A_419 = arith.constant 448 : index
      %get3A_420 = tpu.vector_load %get3A_418[%get3A_419] {strides = array<i32>} : memref<800xi32, #tpu.memory_space<vmem>>, vector<16xi32>,
      %get3A_421 = vector.shape_cast %get3A_420 : vector<16xi32> to vector<16xi32>
      %min3A_422 = arith.constant 200 : i32
      %min3A_423 = vector.broadcast %min3A_422 : i32 to vector<16xi32>
      %min3A_424 = arith.minsi %get3A_421, %min3A_423 : vector<16xi32>
      %swap3A_425 = arith.constant 0 : i32
      %swap3A_426 = tpu.memref_slice %arg8[%swap3A_425] : memref<1600xi32, #tpu.memory_space<vmem>> -> memref<800xi32, #tpu.memory_space<vmem>>
      %swap3A_427 = arith.constant 448 : index
      %swap3A_428 = tpu.vector_load %swap3A_426[%swap3A_427] {strides = array<i32>} : memref<800xi32, #tpu.memory_space<vmem>>, vector<16xi32>,
      %swap3A_429 = vector.shape_cast %swap3A_428 : vector<16xi32> to vector<16xi32>
      %swap3A_430 = vector.shape_cast %min3A_424 : vector<16xi32> to vector<16xi32>
      tpu.vector_store %swap3A_426[%swap3A_427], %swap3A_430 {strides = array<i32>} : memref<800xi32, #tpu.memory_space<vmem>>, vector<16xi32>,
      %get3A_431 = arith.constant 0 : i32
      %get3A_432 = tpu.memref_slice %arg8[%get3A_431] : memref<1600xi32, #tpu.memory_space<vmem>> -> memref<800xi32, #tpu.memory_space<vmem>>
      %get3A_433 = arith.constant 464 : index
      %get3A_434 = tpu.vector_load %get3A_432[%get3A_433] {strides = array<i32>} : memref<800xi32, #tpu.memory_space<vmem>>, vector<16xi32>,
      %get3A_435 = vector.shape_cast %get3A_434 : vector<16xi32> to vector<16xi32>
      %min3A_436 = arith.constant 200 : i32
      %min3A_437 = vector.broadcast %min3A_436 : i32 to vector<16xi32>
      %min3A_438 = arith.minsi %get3A_435, %min3A_437 : vector<16xi32>
      %swap3A_439 = arith.constant 0 : i32
      %swap3A_440 = tpu.memref_slice %arg8[%swap3A_439] : memref<1600xi32, #tpu.memory_space<vmem>> -> memref<800xi32, #tpu.memory_space<vmem>>
      %swap3A_441 = arith.constant 464 : index
      %swap3A_442 = tpu.vector_load %swap3A_440[%swap3A_441] {strides = array<i32>} : memref<800xi32, #tpu.memory_space<vmem>>, vector<16xi32>,
      %swap3A_443 = vector.shape_cast %swap3A_442 : vector<16xi32> to vector<16xi32>
      %swap3A_444 = vector.shape_cast %min3A_438 : vector<16xi32> to vector<16xi32>
      tpu.vector_store %swap3A_440[%swap3A_441], %swap3A_444 {strides = array<i32>} : memref<800xi32, #tpu.memory_space<vmem>>, vector<16xi32>,
      %get3A_445 = arith.constant 0 : i32
      %get3A_446 = tpu.memref_slice %arg8[%get3A_445] : memref<1600xi32, #tpu.memory_space<vmem>> -> memref<800xi32, #tpu.memory_space<vmem>>
      %get3A_447 = arith.constant 480 : index
      %get3A_448 = tpu.vector_load %get3A_446[%get3A_447] {strides = array<i32>} : memref<800xi32, #tpu.memory_space<vmem>>, vector<16xi32>,
      %get3A_449 = vector.shape_cast %get3A_448 : vector<16xi32> to vector<16xi32>
      %min3A_450 = arith.constant 200 : i32
      %min3A_451 = vector.broadcast %min3A_450 : i32 to vector<16xi32>
      %min3A_452 = arith.minsi %get3A_449, %min3A_451 : vector<16xi32>
      %swap3A_453 = arith.constant 0 : i32
      %swap3A_454 = tpu.memref_slice %arg8[%swap3A_453] : memref<1600xi32, #tpu.memory_space<vmem>> -> memref<800xi32, #tpu.memory_space<vmem>>
      %swap3A_455 = arith.constant 480 : index
      %swap3A_456 = tpu.vector_load %swap3A_454[%swap3A_455] {strides = array<i32>} : memref<800xi32, #tpu.memory_space<vmem>>, vector<16xi32>,
      %swap3A_457 = vector.shape_cast %swap3A_456 : vector<16xi32> to vector<16xi32>
      %swap3A_458 = vector.shape_cast %min3A_452 : vector<16xi32> to vector<16xi32>
      tpu.vector_store %swap3A_454[%swap3A_455], %swap3A_458 {strides = array<i32>} : memref<800xi32, #tpu.memory_space<vmem>>, vector<16xi32>,
      %get3A_459 = arith.constant 0 : i32
      %get3A_460 = tpu.memref_slice %arg8[%get3A_459] : memref<1600xi32, #tpu.memory_space<vmem>> -> memref<800xi32, #tpu.memory_space<vmem>>
      %get3A_461 = arith.constant 496 : index
      %get3A_462 = tpu.vector_load %get3A_460[%get3A_461] {strides = array<i32>} : memref<800xi32, #tpu.memory_space<vmem>>, vector<16xi32>,
      %get3A_463 = vector.shape_cast %get3A_462 : vector<16xi32> to vector<16xi32>
      %min3A_464 = arith.constant 200 : i32
      %min3A_465 = vector.broadcast %min3A_464 : i32 to vector<16xi32>
      %min3A_466 = arith.minsi %get3A_463, %min3A_465 : vector<16xi32>
      %swap3A_467 = arith.constant 0 : i32
      %swap3A_468 = tpu.memref_slice %arg8[%swap3A_467] : memref<1600xi32, #tpu.memory_space<vmem>> -> memref<800xi32, #tpu.memory_space<vmem>>
      %swap3A_469 = arith.constant 496 : index
      %swap3A_470 = tpu.vector_load %swap3A_468[%swap3A_469] {strides = array<i32>} : memref<800xi32, #tpu.memory_space<vmem>>, vector<16xi32>,
      %swap3A_471 = vector.shape_cast %swap3A_470 : vector<16xi32> to vector<16xi32>
      %swap3A_472 = vector.shape_cast %min3A_466 : vector<16xi32> to vector<16xi32>
      tpu.vector_store %swap3A_468[%swap3A_469], %swap3A_472 {strides = array<i32>} : memref<800xi32, #tpu.memory_space<vmem>>, vector<16xi32>,
      %get3A_473 = arith.constant 0 : i32
      %get3A_474 = tpu.memref_slice %arg8[%get3A_473] : memref<1600xi32, #tpu.memory_space<vmem>> -> memref<800xi32, #tpu.memory_space<vmem>>
      %get3A_475 = arith.constant 512 : index
      %get3A_476 = tpu.vector_load %get3A_474[%get3A_475] {strides = array<i32>} : memref<800xi32, #tpu.memory_space<vmem>>, vector<16xi32>,
      %get3A_477 = vector.shape_cast %get3A_476 : vector<16xi32> to vector<16xi32>
      %min3A_478 = arith.constant 200 : i32
      %min3A_479 = vector.broadcast %min3A_478 : i32 to vector<16xi32>
      %min3A_480 = arith.minsi %get3A_477, %min3A_479 : vector<16xi32>
      %swap3A_481 = arith.constant 0 : i32
      %swap3A_482 = tpu.memref_slice %arg8[%swap3A_481] : memref<1600xi32, #tpu.memory_space<vmem>> -> memref<800xi32, #tpu.memory_space<vmem>>
      %swap3A_483 = arith.constant 512 : index
      %swap3A_484 = tpu.vector_load %swap3A_482[%swap3A_483] {strides = array<i32>} : memref<800xi32, #tpu.memory_space<vmem>>, vector<16xi32>,
      %swap3A_485 = vector.shape_cast %swap3A_484 : vector<16xi32> to vector<16xi32>
      %swap3A_486 = vector.shape_cast %min3A_480 : vector<16xi32> to vector<16xi32>
      tpu.vector_store %swap3A_482[%swap3A_483], %swap3A_486 {strides = array<i32>} : memref<800xi32, #tpu.memory_space<vmem>>, vector<16xi32>,
      %get3A_487 = arith.constant 0 : i32
      %get3A_488 = tpu.memref_slice %arg8[%get3A_487] : memref<1600xi32, #tpu.memory_space<vmem>> -> memref<800xi32, #tpu.memory_space<vmem>>
      %get3A_489 = arith.constant 528 : index
      %get3A_490 = tpu.vector_load %get3A_488[%get3A_489] {strides = array<i32>} : memref<800xi32, #tpu.memory_space<vmem>>, vector<16xi32>,
      %get3A_491 = vector.shape_cast %get3A_490 : vector<16xi32> to vector<16xi32>
      %min3A_492 = arith.constant 200 : i32
      %min3A_493 = vector.broadcast %min3A_492 : i32 to vector<16xi32>
      %min3A_494 = arith.minsi %get3A_491, %min3A_493 : vector<16xi32>
      %swap3A_495 = arith.constant 0 : i32
      %swap3A_496 = tpu.memref_slice %arg8[%swap3A_495] : memref<1600xi32, #tpu.memory_space<vmem>> -> memref<800xi32, #tpu.memory_space<vmem>>
      %swap3A_497 = arith.constant 528 : index
      %swap3A_498 = tpu.vector_load %swap3A_496[%swap3A_497] {strides = array<i32>} : memref<800xi32, #tpu.memory_space<vmem>>, vector<16xi32>,
      %swap3A_499 = vector.shape_cast %swap3A_498 : vector<16xi32> to vector<16xi32>
      %swap3A_500 = vector.shape_cast %min3A_494 : vector<16xi32> to vector<16xi32>
      tpu.vector_store %swap3A_496[%swap3A_497], %swap3A_500 {strides = array<i32>} : memref<800xi32, #tpu.memory_space<vmem>>, vector<16xi32>,
      %get3A_501 = arith.constant 0 : i32
      %get3A_502 = tpu.memref_slice %arg8[%get3A_501] : memref<1600xi32, #tpu.memory_space<vmem>> -> memref<800xi32, #tpu.memory_space<vmem>>
      %get3A_503 = arith.constant 544 : index
      %get3A_504 = tpu.vector_load %get3A_502[%get3A_503] {strides = array<i32>} : memref<800xi32, #tpu.memory_space<vmem>>, vector<16xi32>,
      %get3A_505 = vector.shape_cast %get3A_504 : vector<16xi32> to vector<16xi32>
      %min3A_506 = arith.constant 200 : i32
      %min3A_507 = vector.broadcast %min3A_506 : i32 to vector<16xi32>
      %min3A_508 = arith.minsi %get3A_505, %min3A_507 : vector<16xi32>
      %swap3A_509 = arith.constant 0 : i32
      %swap3A_510 = tpu.memref_slice %arg8[%swap3A_509] : memref<1600xi32, #tpu.memory_space<vmem>> -> memref<800xi32, #tpu.memory_space<vmem>>
      %swap3A_511 = arith.constant 544 : index
      %swap3A_512 = tpu.vector_load %swap3A_510[%swap3A_511] {strides = array<i32>} : memref<800xi32, #tpu.memory_space<vmem>>, vector<16xi32>,
      %swap3A_513 = vector.shape_cast %swap3A_512 : vector<16xi32> to vector<16xi32>
      %swap3A_514 = vector.shape_cast %min3A_508 : vector<16xi32> to vector<16xi32>
      tpu.vector_store %swap3A_510[%swap3A_511], %swap3A_514 {strides = array<i32>} : memref<800xi32, #tpu.memory_space<vmem>>, vector<16xi32>,
      %get3A_515 = arith.constant 0 : i32
      %get3A_516 = tpu.memref_slice %arg8[%get3A_515] : memref<1600xi32, #tpu.memory_space<vmem>> -> memref<800xi32, #tpu.memory_space<vmem>>
      %get3A_517 = arith.constant 560 : index
      %get3A_518 = tpu.vector_load %get3A_516[%get3A_517] {strides = array<i32>} : memref<800xi32, #tpu.memory_space<vmem>>, vector<16xi32>,
      %get3A_519 = vector.shape_cast %get3A_518 : vector<16xi32> to vector<16xi32>
      %min3A_520 = arith.constant 200 : i32
      %min3A_521 = vector.broadcast %min3A_520 : i32 to vector<16xi32>
      %min3A_522 = arith.minsi %get3A_519, %min3A_521 : vector<16xi32>
      %swap3A_523 = arith.constant 0 : i32
      %swap3A_524 = tpu.memref_slice %arg8[%swap3A_523] : memref<1600xi32, #tpu.memory_space<vmem>> -> memref<800xi32, #tpu.memory_space<vmem>>
      %swap3A_525 = arith.constant 560 : index
      %swap3A_526 = tpu.vector_load %swap3A_524[%swap3A_525] {strides = array<i32>} : memref<800xi32, #tpu.memory_space<vmem>>, vector<16xi32>,
      %swap3A_527 = vector.shape_cast %swap3A_526 : vector<16xi32> to vector<16xi32>
      %swap3A_528 = vector.shape_cast %min3A_522 : vector<16xi32> to vector<16xi32>
      tpu.vector_store %swap3A_524[%swap3A_525], %swap3A_528 {strides = array<i32>} : memref<800xi32, #tpu.memory_space<vmem>>, vector<16xi32>,
      %get3A_529 = arith.constant 0 : i32
      %get3A_530 = tpu.memref_slice %arg8[%get3A_529] : memref<1600xi32, #tpu.memory_space<vmem>> -> memref<800xi32, #tpu.memory_space<vmem>>
      %get3A_531 = arith.constant 576 : index
      %get3A_532 = tpu.vector_load %get3A_530[%get3A_531] {strides = array<i32>} : memref<800xi32, #tpu.memory_space<vmem>>, vector<16xi32>,
      %get3A_533 = vector.shape_cast %get3A_532 : vector<16xi32> to vector<16xi32>
      %min3A_534 = arith.constant 200 : i32
      %min3A_535 = vector.broadcast %min3A_534 : i32 to vector<16xi32>
      %min3A_536 = arith.minsi %get3A_533, %min3A_535 : vector<16xi32>
      %swap3A_537 = arith.constant 0 : i32
      %swap3A_538 = tpu.memref_slice %arg8[%swap3A_537] : memref<1600xi32, #tpu.memory_space<vmem>> -> memref<800xi32, #tpu.memory_space<vmem>>
      %swap3A_539 = arith.constant 576 : index
      %swap3A_540 = tpu.vector_load %swap3A_538[%swap3A_539] {strides = array<i32>} : memref<800xi32, #tpu.memory_space<vmem>>, vector<16xi32>,
      %swap3A_541 = vector.shape_cast %swap3A_540 : vector<16xi32> to vector<16xi32>
      %swap3A_542 = vector.shape_cast %min3A_536 : vector<16xi32> to vector<16xi32>
      tpu.vector_store %swap3A_538[%swap3A_539], %swap3A_542 {strides = array<i32>} : memref<800xi32, #tpu.memory_space<vmem>>, vector<16xi32>,
      %get3A_543 = arith.constant 0 : i32
      %get3A_544 = tpu.memref_slice %arg8[%get3A_543] : memref<1600xi32, #tpu.memory_space<vmem>> -> memref<800xi32, #tpu.memory_space<vmem>>
      %get3A_545 = arith.constant 592 : index
      %get3A_546 = tpu.vector_load %get3A_544[%get3A_545] {strides = array<i32>} : memref<800xi32, #tpu.memory_space<vmem>>, vector<16xi32>,
      %get3A_547 = vector.shape_cast %get3A_546 : vector<16xi32> to vector<16xi32>
      %min3A_548 = arith.constant 200 : i32
      %min3A_549 = vector.broadcast %min3A_548 : i32 to vector<16xi32>
      %min3A_550 = arith.minsi %get3A_547, %min3A_549 : vector<16xi32>
      %swap3A_551 = arith.constant 0 : i32
      %swap3A_552 = tpu.memref_slice %arg8[%swap3A_551] : memref<1600xi32, #tpu.memory_space<vmem>> -> memref<800xi32, #tpu.memory_space<vmem>>
      %swap3A_553 = arith.constant 592 : index
      %swap3A_554 = tpu.vector_load %swap3A_552[%swap3A_553] {strides = array<i32>} : memref<800xi32, #tpu.memory_space<vmem>>, vector<16xi32>,
      %swap3A_555 = vector.shape_cast %swap3A_554 : vector<16xi32> to vector<16xi32>
      %swap3A_556 = vector.shape_cast %min3A_550 : vector<16xi32> to vector<16xi32>
      tpu.vector_store %swap3A_552[%swap3A_553], %swap3A_556 {strides = array<i32>} : memref<800xi32, #tpu.memory_space<vmem>>, vector<16xi32>,
      %get3A_557 = arith.constant 0 : i32
      %get3A_558 = tpu.memref_slice %arg8[%get3A_557] : memref<1600xi32, #tpu.memory_space<vmem>> -> memref<800xi32, #tpu.memory_space<vmem>>
      %get3A_559 = arith.constant 608 : index
      %get3A_560 = tpu.vector_load %get3A_558[%get3A_559] {strides = array<i32>} : memref<800xi32, #tpu.memory_space<vmem>>, vector<16xi32>,
      %get3A_561 = vector.shape_cast %get3A_560 : vector<16xi32> to vector<16xi32>
      %min3A_562 = arith.constant 200 : i32
      %min3A_563 = vector.broadcast %min3A_562 : i32 to vector<16xi32>
      %min3A_564 = arith.minsi %get3A_561, %min3A_563 : vector<16xi32>
      %swap3A_565 = arith.constant 0 : i32
      %swap3A_566 = tpu.memref_slice %arg8[%swap3A_565] : memref<1600xi32, #tpu.memory_space<vmem>> -> memref<800xi32, #tpu.memory_space<vmem>>
      %swap3A_567 = arith.constant 608 : index
      %swap3A_568 = tpu.vector_load %swap3A_566[%swap3A_567] {strides = array<i32>} : memref<800xi32, #tpu.memory_space<vmem>>, vector<16xi32>,
      %swap3A_569 = vector.shape_cast %swap3A_568 : vector<16xi32> to vector<16xi32>
      %swap3A_570 = vector.shape_cast %min3A_564 : vector<16xi32> to vector<16xi32>
      tpu.vector_store %swap3A_566[%swap3A_567], %swap3A_570 {strides = array<i32>} : memref<800xi32, #tpu.memory_space<vmem>>, vector<16xi32>,
      %get3A_571 = arith.constant 0 : i32
      %get3A_572 = tpu.memref_slice %arg8[%get3A_571] : memref<1600xi32, #tpu.memory_space<vmem>> -> memref<800xi32, #tpu.memory_space<vmem>>
      %get3A_573 = arith.constant 624 : index
      %get3A_574 = tpu.vector_load %get3A_572[%get3A_573] {strides = array<i32>} : memref<800xi32, #tpu.memory_space<vmem>>, vector<16xi32>,
      %get3A_575 = vector.shape_cast %get3A_574 : vector<16xi32> to vector<16xi32>
      %min3A_576 = arith.constant 200 : i32
      %min3A_577 = vector.broadcast %min3A_576 : i32 to vector<16xi32>
      %min3A_578 = arith.minsi %get3A_575, %min3A_577 : vector<16xi32>
      %swap3A_579 = arith.constant 0 : i32
      %swap3A_580 = tpu.memref_slice %arg8[%swap3A_579] : memref<1600xi32, #tpu.memory_space<vmem>> -> memref<800xi32, #tpu.memory_space<vmem>>
      %swap3A_581 = arith.constant 624 : index
      %swap3A_582 = tpu.vector_load %swap3A_580[%swap3A_581] {strides = array<i32>} : memref<800xi32, #tpu.memory_space<vmem>>, vector<16xi32>,
      %swap3A_583 = vector.shape_cast %swap3A_582 : vector<16xi32> to vector<16xi32>
      %swap3A_584 = vector.shape_cast %min3A_578 : vector<16xi32> to vector<16xi32>
      tpu.vector_store %swap3A_580[%swap3A_581], %swap3A_584 {strides = array<i32>} : memref<800xi32, #tpu.memory_space<vmem>>, vector<16xi32>,
      %get3A_585 = arith.constant 0 : i32
      %get3A_586 = tpu.memref_slice %arg8[%get3A_585] : memref<1600xi32, #tpu.memory_space<vmem>> -> memref<800xi32, #tpu.memory_space<vmem>>
      %get3A_587 = arith.constant 640 : index
      %get3A_588 = tpu.vector_load %get3A_586[%get3A_587] {strides = array<i32>} : memref<800xi32, #tpu.memory_space<vmem>>, vector<16xi32>,
      %get3A_589 = vector.shape_cast %get3A_588 : vector<16xi32> to vector<16xi32>
      %min3A_590 = arith.constant 200 : i32
      %min3A_591 = vector.broadcast %min3A_590 : i32 to vector<16xi32>
      %min3A_592 = arith.minsi %get3A_589, %min3A_591 : vector<16xi32>
      %swap3A_593 = arith.constant 0 : i32
      %swap3A_594 = tpu.memref_slice %arg8[%swap3A_593] : memref<1600xi32, #tpu.memory_space<vmem>> -> memref<800xi32, #tpu.memory_space<vmem>>
      %swap3A_595 = arith.constant 640 : index
      %swap3A_596 = tpu.vector_load %swap3A_594[%swap3A_595] {strides = array<i32>} : memref<800xi32, #tpu.memory_space<vmem>>, vector<16xi32>,
      %swap3A_597 = vector.shape_cast %swap3A_596 : vector<16xi32> to vector<16xi32>
      %swap3A_598 = vector.shape_cast %min3A_592 : vector<16xi32> to vector<16xi32>
      tpu.vector_store %swap3A_594[%swap3A_595], %swap3A_598 {strides = array<i32>} : memref<800xi32, #tpu.memory_space<vmem>>, vector<16xi32>,
      %get3A_599 = arith.constant 0 : i32
      %get3A_600 = tpu.memref_slice %arg8[%get3A_599] : memref<1600xi32, #tpu.memory_space<vmem>> -> memref<800xi32, #tpu.memory_space<vmem>>
      %get3A_601 = arith.constant 656 : index
      %get3A_602 = tpu.vector_load %get3A_600[%get3A_601] {strides = array<i32>} : memref<800xi32, #tpu.memory_space<vmem>>, vector<16xi32>,
      %get3A_603 = vector.shape_cast %get3A_602 : vector<16xi32> to vector<16xi32>
      %min3A_604 = arith.constant 200 : i32
      %min3A_605 = vector.broadcast %min3A_604 : i32 to vector<16xi32>
      %min3A_606 = arith.minsi %get3A_603, %min3A_605 : vector<16xi32>
      %swap3A_607 = arith.constant 0 : i32
      %swap3A_608 = tpu.memref_slice %arg8[%swap3A_607] : memref<1600xi32, #tpu.memory_space<vmem>> -> memref<800xi32, #tpu.memory_space<vmem>>
      %swap3A_609 = arith.constant 656 : index
      %swap3A_610 = tpu.vector_load %swap3A_608[%swap3A_609] {strides = array<i32>} : memref<800xi32, #tpu.memory_space<vmem>>, vector<16xi32>,
      %swap3A_611 = vector.shape_cast %swap3A_610 : vector<16xi32> to vector<16xi32>
      %swap3A_612 = vector.shape_cast %min3A_606 : vector<16xi32> to vector<16xi32>
      tpu.vector_store %swap3A_608[%swap3A_609], %swap3A_612 {strides = array<i32>} : memref<800xi32, #tpu.memory_space<vmem>>, vector<16xi32>,
      %get3A_613 = arith.constant 0 : i32
      %get3A_614 = tpu.memref_slice %arg8[%get3A_613] : memref<1600xi32, #tpu.memory_space<vmem>> -> memref<800xi32, #tpu.memory_space<vmem>>
      %get3A_615 = arith.constant 672 : index
      %get3A_616 = tpu.vector_load %get3A_614[%get3A_615] {strides = array<i32>} : memref<800xi32, #tpu.memory_space<vmem>>, vector<16xi32>,
      %get3A_617 = vector.shape_cast %get3A_616 : vector<16xi32> to vector<16xi32>
      %min3A_618 = arith.constant 200 : i32
      %min3A_619 = vector.broadcast %min3A_618 : i32 to vector<16xi32>
      %min3A_620 = arith.minsi %get3A_617, %min3A_619 : vector<16xi32>
      %swap3A_621 = arith.constant 0 : i32
      %swap3A_622 = tpu.memref_slice %arg8[%swap3A_621] : memref<1600xi32, #tpu.memory_space<vmem>> -> memref<800xi32, #tpu.memory_space<vmem>>
      %swap3A_623 = arith.constant 672 : index
      %swap3A_624 = tpu.vector_load %swap3A_622[%swap3A_623] {strides = array<i32>} : memref<800xi32, #tpu.memory_space<vmem>>, vector<16xi32>,
      %swap3A_625 = vector.shape_cast %swap3A_624 : vector<16xi32> to vector<16xi32>
      %swap3A_626 = vector.shape_cast %min3A_620 : vector<16xi32> to vector<16xi32>
      tpu.vector_store %swap3A_622[%swap3A_623], %swap3A_626 {strides = array<i32>} : memref<800xi32, #tpu.memory_space<vmem>>, vector<16xi32>,
      %get3A_627 = arith.constant 0 : i32
      %get3A_628 = tpu.memref_slice %arg8[%get3A_627] : memref<1600xi32, #tpu.memory_space<vmem>> -> memref<800xi32, #tpu.memory_space<vmem>>
      %get3A_629 = arith.constant 688 : index
      %get3A_630 = tpu.vector_load %get3A_628[%get3A_629] {strides = array<i32>} : memref<800xi32, #tpu.memory_space<vmem>>, vector<16xi32>,
      %get3A_631 = vector.shape_cast %get3A_630 : vector<16xi32> to vector<16xi32>
      %min3A_632 = arith.constant 200 : i32
      %min3A_633 = vector.broadcast %min3A_632 : i32 to vector<16xi32>
      %min3A_634 = arith.minsi %get3A_631, %min3A_633 : vector<16xi32>
      %swap3A_635 = arith.constant 0 : i32
      %swap3A_636 = tpu.memref_slice %arg8[%swap3A_635] : memref<1600xi32, #tpu.memory_space<vmem>> -> memref<800xi32, #tpu.memory_space<vmem>>
      %swap3A_637 = arith.constant 688 : index
      %swap3A_638 = tpu.vector_load %swap3A_636[%swap3A_637] {strides = array<i32>} : memref<800xi32, #tpu.memory_space<vmem>>, vector<16xi32>,
      %swap3A_639 = vector.shape_cast %swap3A_638 : vector<16xi32> to vector<16xi32>
      %swap3A_640 = vector.shape_cast %min3A_634 : vector<16xi32> to vector<16xi32>
      tpu.vector_store %swap3A_636[%swap3A_637], %swap3A_640 {strides = array<i32>} : memref<800xi32, #tpu.memory_space<vmem>>, vector<16xi32>,
      %get3A_641 = arith.constant 0 : i32
      %get3A_642 = tpu.memref_slice %arg8[%get3A_641] : memref<1600xi32, #tpu.memory_space<vmem>> -> memref<800xi32, #tpu.memory_space<vmem>>
      %get3A_643 = arith.constant 704 : index
      %get3A_644 = tpu.vector_load %get3A_642[%get3A_643] {strides = array<i32>} : memref<800xi32, #tpu.memory_space<vmem>>, vector<16xi32>,
      %get3A_645 = vector.shape_cast %get3A_644 : vector<16xi32> to vector<16xi32>
      %min3A_646 = arith.constant 200 : i32
      %min3A_647 = vector.broadcast %min3A_646 : i32 to vector<16xi32>
      %min3A_648 = arith.minsi %get3A_645, %min3A_647 : vector<16xi32>
      %swap3A_649 = arith.constant 0 : i32
      %swap3A_650 = tpu.memref_slice %arg8[%swap3A_649] : memref<1600xi32, #tpu.memory_space<vmem>> -> memref<800xi32, #tpu.memory_space<vmem>>
      %swap3A_651 = arith.constant 704 : index
      %swap3A_652 = tpu.vector_load %swap3A_650[%swap3A_651] {strides = array<i32>} : memref<800xi32, #tpu.memory_space<vmem>>, vector<16xi32>,
      %swap3A_653 = vector.shape_cast %swap3A_652 : vector<16xi32> to vector<16xi32>
      %swap3A_654 = vector.shape_cast %min3A_648 : vector<16xi32> to vector<16xi32>
      tpu.vector_store %swap3A_650[%swap3A_651], %swap3A_654 {strides = array<i32>} : memref<800xi32, #tpu.memory_space<vmem>>, vector<16xi32>,
      %get3A_655 = arith.constant 0 : i32
      %get3A_656 = tpu.memref_slice %arg8[%get3A_655] : memref<1600xi32, #tpu.memory_space<vmem>> -> memref<800xi32, #tpu.memory_space<vmem>>
      %get3A_657 = arith.constant 720 : index
      %get3A_658 = tpu.vector_load %get3A_656[%get3A_657] {strides = array<i32>} : memref<800xi32, #tpu.memory_space<vmem>>, vector<16xi32>,
      %get3A_659 = vector.shape_cast %get3A_658 : vector<16xi32> to vector<16xi32>
      %min3A_660 = arith.constant 200 : i32
      %min3A_661 = vector.broadcast %min3A_660 : i32 to vector<16xi32>
      %min3A_662 = arith.minsi %get3A_659, %min3A_661 : vector<16xi32>
      %swap3A_663 = arith.constant 0 : i32
      %swap3A_664 = tpu.memref_slice %arg8[%swap3A_663] : memref<1600xi32, #tpu.memory_space<vmem>> -> memref<800xi32, #tpu.memory_space<vmem>>
      %swap3A_665 = arith.constant 720 : index
      %swap3A_666 = tpu.vector_load %swap3A_664[%swap3A_665] {strides = array<i32>} : memref<800xi32, #tpu.memory_space<vmem>>, vector<16xi32>,
      %swap3A_667 = vector.shape_cast %swap3A_666 : vector<16xi32> to vector<16xi32>
      %swap3A_668 = vector.shape_cast %min3A_662 : vector<16xi32> to vector<16xi32>
      tpu.vector_store %swap3A_664[%swap3A_665], %swap3A_668 {strides = array<i32>} : memref<800xi32, #tpu.memory_space<vmem>>, vector<16xi32>,
      %get3A_669 = arith.constant 0 : i32
      %get3A_670 = tpu.memref_slice %arg8[%get3A_669] : memref<1600xi32, #tpu.memory_space<vmem>> -> memref<800xi32, #tpu.memory_space<vmem>>
      %get3A_671 = arith.constant 736 : index
      %get3A_672 = tpu.vector_load %get3A_670[%get3A_671] {strides = array<i32>} : memref<800xi32, #tpu.memory_space<vmem>>, vector<16xi32>,
      %get3A_673 = vector.shape_cast %get3A_672 : vector<16xi32> to vector<16xi32>
      %min3A_674 = arith.constant 200 : i32
      %min3A_675 = vector.broadcast %min3A_674 : i32 to vector<16xi32>
      %min3A_676 = arith.minsi %get3A_673, %min3A_675 : vector<16xi32>
      %swap3A_677 = arith.constant 0 : i32
      %swap3A_678 = tpu.memref_slice %arg8[%swap3A_677] : memref<1600xi32, #tpu.memory_space<vmem>> -> memref<800xi32, #tpu.memory_space<vmem>>
      %swap3A_679 = arith.constant 736 : index
      %swap3A_680 = tpu.vector_load %swap3A_678[%swap3A_679] {strides = array<i32>} : memref<800xi32, #tpu.memory_space<vmem>>, vector<16xi32>,
      %swap3A_681 = vector.shape_cast %swap3A_680 : vector<16xi32> to vector<16xi32>
      %swap3A_682 = vector.shape_cast %min3A_676 : vector<16xi32> to vector<16xi32>
      tpu.vector_store %swap3A_678[%swap3A_679], %swap3A_682 {strides = array<i32>} : memref<800xi32, #tpu.memory_space<vmem>>, vector<16xi32>,
      %get3A_683 = arith.constant 0 : i32
      %get3A_684 = tpu.memref_slice %arg8[%get3A_683] : memref<1600xi32, #tpu.memory_space<vmem>> -> memref<800xi32, #tpu.memory_space<vmem>>
      %get3A_685 = arith.constant 752 : index
      %get3A_686 = tpu.vector_load %get3A_684[%get3A_685] {strides = array<i32>} : memref<800xi32, #tpu.memory_space<vmem>>, vector<16xi32>,
      %get3A_687 = vector.shape_cast %get3A_686 : vector<16xi32> to vector<16xi32>
      %min3A_688 = arith.constant 200 : i32
      %min3A_689 = vector.broadcast %min3A_688 : i32 to vector<16xi32>
      %min3A_690 = arith.minsi %get3A_687, %min3A_689 : vector<16xi32>
      %swap3A_691 = arith.constant 0 : i32
      %swap3A_692 = tpu.memref_slice %arg8[%swap3A_691] : memref<1600xi32, #tpu.memory_space<vmem>> -> memref<800xi32, #tpu.memory_space<vmem>>
      %swap3A_693 = arith.constant 752 : index
      %swap3A_694 = tpu.vector_load %swap3A_692[%swap3A_693] {strides = array<i32>} : memref<800xi32, #tpu.memory_space<vmem>>, vector<16xi32>,
      %swap3A_695 = vector.shape_cast %swap3A_694 : vector<16xi32> to vector<16xi32>
      %swap3A_696 = vector.shape_cast %min3A_690 : vector<16xi32> to vector<16xi32>
      tpu.vector_store %swap3A_692[%swap3A_693], %swap3A_696 {strides = array<i32>} : memref<800xi32, #tpu.memory_space<vmem>>, vector<16xi32>,
      %get3A_697 = arith.constant 0 : i32
      %get3A_698 = tpu.memref_slice %arg8[%get3A_697] : memref<1600xi32, #tpu.memory_space<vmem>> -> memref<800xi32, #tpu.memory_space<vmem>>
      %get3A_699 = arith.constant 768 : index
      %get3A_700 = tpu.vector_load %get3A_698[%get3A_699] {strides = array<i32>} : memref<800xi32, #tpu.memory_space<vmem>>, vector<16xi32>,
      %get3A_701 = vector.shape_cast %get3A_700 : vector<16xi32> to vector<16xi32>
      %min3A_702 = arith.constant 200 : i32
      %min3A_703 = vector.broadcast %min3A_702 : i32 to vector<16xi32>
      %min3A_704 = arith.minsi %get3A_701, %min3A_703 : vector<16xi32>
      %swap3A_705 = arith.constant 0 : i32
      %swap3A_706 = tpu.memref_slice %arg8[%swap3A_705] : memref<1600xi32, #tpu.memory_space<vmem>> -> memref<800xi32, #tpu.memory_space<vmem>>
      %swap3A_707 = arith.constant 768 : index
      %swap3A_708 = tpu.vector_load %swap3A_706[%swap3A_707] {strides = array<i32>} : memref<800xi32, #tpu.memory_space<vmem>>, vector<16xi32>,
      %swap3A_709 = vector.shape_cast %swap3A_708 : vector<16xi32> to vector<16xi32>
      %swap3A_710 = vector.shape_cast %min3A_704 : vector<16xi32> to vector<16xi32>
      tpu.vector_store %swap3A_706[%swap3A_707], %swap3A_710 {strides = array<i32>} : memref<800xi32, #tpu.memory_space<vmem>>, vector<16xi32>,
      %get3A_711 = arith.constant 0 : i32
      %get3A_712 = tpu.memref_slice %arg8[%get3A_711] : memref<1600xi32, #tpu.memory_space<vmem>> -> memref<800xi32, #tpu.memory_space<vmem>>
      %get3A_713 = arith.constant 784 : index
      %get3A_714 = tpu.vector_load %get3A_712[%get3A_713] {strides = array<i32>} : memref<800xi32, #tpu.memory_space<vmem>>, vector<16xi32>,
      %get3A_715 = vector.shape_cast %get3A_714 : vector<16xi32> to vector<16xi32>
      %min3A_716 = arith.constant 200 : i32
      %min3A_717 = vector.broadcast %min3A_716 : i32 to vector<16xi32>
      %min3A_718 = arith.minsi %get3A_715, %min3A_717 : vector<16xi32>
      %swap3A_719 = arith.constant 0 : i32
      %swap3A_720 = tpu.memref_slice %arg8[%swap3A_719] : memref<1600xi32, #tpu.memory_space<vmem>> -> memref<800xi32, #tpu.memory_space<vmem>>
      %swap3A_721 = arith.constant 784 : index
      %swap3A_722 = tpu.vector_load %swap3A_720[%swap3A_721] {strides = array<i32>} : memref<800xi32, #tpu.memory_space<vmem>>, vector<16xi32>,
      %swap3A_723 = vector.shape_cast %swap3A_722 : vector<16xi32> to vector<16xi32>
      %swap3A_724 = vector.shape_cast %min3A_718 : vector<16xi32> to vector<16xi32>
      tpu.vector_store %swap3A_720[%swap3A_721], %swap3A_724 {strides = array<i32>} : memref<800xi32, #tpu.memory_space<vmem>>, vector<16xi32>,
      %dma_start3A = arith.constant 0 : i32
      %dma_start3A_725 = arith.constant 0 : i32
      %dma_start3A_726 = tpu.memref_slice %arg9[%dma_start3A, %dma_start3A_725] : memref<1600x64xf32, #tpu.memory_space<vmem>> -> memref<800x64xf32, #tpu.memory_space<vmem>>
      %dma_start3A_727 = arith.constant 0 : i32
      %dma_start3A_728 = tpu.memref_slice %arg7[%dma_start3A_727] : memref<1600xi32, #tpu.memory_space<vmem>> -> memref<800xi32, #tpu.memory_space<vmem>>
      %dma_start3A_729 = arith.constant 0 : i32
      %dma_start3A_730 = arith.constant 0 : i32
      %dma_start3A_731 = tpu.memref_slice %arg2[%dma_start3A_729, %dma_start3A_730] : memref<100352x64xf32, #tpu.memory_space<hbm>> -> memref<100352x64xf32, #tpu.memory_space<hbm>>
      tpu.enqueue_indirect_dma source(%dma_start3A_731 : memref<100352x64xf32, #tpu.memory_space<hbm>>) target(%dma_start3A_726 : memref<800x64xf32, #tpu.memory_space<vmem>>) offsets(%dma_start3A_728 : memref<800xi32, #tpu.memory_space<vmem>>) semaphore(%arg11 : memref<!tpu.dma_semaphore, #tpu.memory_space<semaphore_mem>>)
      %dma_wait3A = arith.constant 0 : i32
      %dma_wait3A_732 = arith.constant 0 : i32
      %dma_wait3A_733 = tpu.memref_slice %arg9[%dma_wait3A, %dma_wait3A_732] : memref<1600x64xf32, #tpu.memory_space<vmem>> -> memref<800x64xf32, #tpu.memory_space<vmem>>
      %dma_wait3A_734 = arith.constant 0 : i32
      %dma_wait3A_735 = tpu.memref_slice %arg7[%dma_wait3A_734] : memref<1600xi32, #tpu.memory_space<vmem>> -> memref<800xi32, #tpu.memory_space<vmem>>
      %dma_wait3A_736 = arith.constant 0 : i32
      %dma_wait3A_737 = arith.constant 0 : i32
      %dma_wait3A_738 = tpu.memref_slice %arg2[%dma_wait3A_736, %dma_wait3A_737] : memref<100352x64xf32, #tpu.memory_space<hbm>> -> memref<100352x64xf32, #tpu.memory_space<hbm>>
      tpu.wait_indirect_dma semaphore(%arg11 : memref<!tpu.dma_semaphore, #tpu.memory_space<semaphore_mem>>) src(%dma_wait3A_738 : memref<100352x64xf32, #tpu.memory_space<hbm>>) dst(%dma_wait3A_733 : memref<800x64xf32, #tpu.memory_space<vmem>>)
      %dma_start3A_739 = arith.constant 0 : i32
      %dma_start3A_740 = arith.constant 0 : i32
      %dma_start3A_741 = tpu.memref_slice %arg9[%dma_start3A_739, %dma_start3A_740] : memref<1600x64xf32, #tpu.memory_space<vmem>> -> memref<800x64xf32, #tpu.memory_space<vmem>>
      %dma_start3A_742 = arith.constant 0 : i32
      %dma_start3A_743 = tpu.memref_slice %arg8[%dma_start3A_742] : memref<1600xi32, #tpu.memory_space<vmem>> -> memref<800xi32, #tpu.memory_space<vmem>>
      %dma_start3A_744 = arith.constant 0 : i32
      %dma_start3A_745 = arith.constant 0 : i32
      %dma_start3A_746 = tpu.memref_slice %arg10[%dma_start3A_744, %dma_start3A_745] : memref<201x64xf32, #tpu.memory_space<vmem_shared>> -> memref<201x64xf32, #tpu.memory_space<vmem_shared>>
      tpu.enqueue_indirect_dma source(%dma_start3A_746 : memref<201x64xf32, #tpu.memory_space<vmem_shared>>) target(%dma_start3A_741 : memref<800x64xf32, #tpu.memory_space<vmem>>) offsets(%dma_start3A_743 : memref<800xi32, #tpu.memory_space<vmem>>) semaphore(%arg12 : memref<!tpu.dma_semaphore, #tpu.memory_space<semaphore_mem>>) {add = true}
      %dma_wait3A_747 = arith.constant 0 : i32
      %dma_wait3A_748 = arith.constant 0 : i32
      %dma_wait3A_749 = tpu.memref_slice %arg9[%dma_wait3A_747, %dma_wait3A_748] : memref<1600x64xf32, #tpu.memory_space<vmem>> -> memref<800x64xf32, #tpu.memory_space<vmem>>
      %dma_wait3A_750 = arith.constant 0 : i32
      %dma_wait3A_751 = tpu.memref_slice %arg8[%dma_wait3A_750] : memref<1600xi32, #tpu.memory_space<vmem>> -> memref<800xi32, #tpu.memory_space<vmem>>
      %dma_wait3A_752 = arith.constant 0 : i32
      %dma_wait3A_753 = arith.constant 0 : i32
      %dma_wait3A_754 = tpu.memref_slice %arg10[%dma_wait3A_752, %dma_wait3A_753] : memref<201x64xf32, #tpu.memory_space<vmem_shared>> -> memref<201x64xf32, #tpu.memory_space<vmem_shared>>
      tpu.wait_indirect_dma semaphore(%arg12 : memref<!tpu.dma_semaphore, #tpu.memory_space<semaphore_mem>>) src(%dma_wait3A_754 : memref<201x64xf32, #tpu.memory_space<vmem_shared>>) dst(%dma_wait3A_749 : memref<800x64xf32, #tpu.memory_space<vmem>>)
      "tpu.region"() ({
        %run_scoped3A = tpu.sem_alloc : memref<!tpu.dma_semaphore, #tpu.memory_space<semaphore_mem>>
        %dma_start3A_755 = arith.constant 0 : i32
        %dma_start3A_756 = arith.constant 0 : i32
        %dma_start3A_757 = tpu.memref_slice %arg9[%dma_start3A_755, %dma_start3A_756] : memref<1600x64xf32, #tpu.memory_space<vmem>> -> memref<800x64xf32, #tpu.memory_space<vmem>>
        %dma_start3A_758 = arith.constant 0 : i32
        %dma_start3A_759 = tpu.memref_slice %arg6[%multiple_of3A_27, %dma_start3A_758] : memref<100352x64xf32, #tpu.memory_space<hbm>> -> memref<800x64xf32, #tpu.memory_space<hbm>>
        %dma_start3A_760 = arith.constant 0 : i32
        %dma_start3A_761 = tpu.memref_slice %arg6[%multiple_of3A_27, %dma_start3A_760] : memref<100352x64xf32, #tpu.memory_space<hbm>> -> memref<800x64xf32, #tpu.memory_space<hbm>>
        %dma_start3A_762 = arith.constant 0 : i32
        %dma_start3A_763 = arith.constant 0 : i32
        %dma_start3A_764 = tpu.memref_slice %arg9[%dma_start3A_762, %dma_start3A_763] : memref<1600x64xf32, #tpu.memory_space<vmem>> -> memref<800x64xf32, #tpu.memory_space<vmem>>
        tpu.enqueue_dma source(%dma_start3A_764 : memref<800x64xf32, #tpu.memory_space<vmem>>) target(%dma_start3A_761 : memref<800x64xf32, #tpu.memory_space<hbm>>) target_semaphore(%run_scoped3A : memref<!tpu.dma_semaphore, #tpu.memory_space<semaphore_mem>>)
        %dma_wait3A_765 = arith.constant 0 : i32
        %dma_wait3A_766 = arith.constant 0 : i32
        %dma_wait3A_767 = tpu.memref_slice %arg9[%dma_wait3A_765, %dma_wait3A_766] : memref<1600x64xf32, #tpu.memory_space<vmem>> -> memref<800x64xf32, #tpu.memory_space<vmem>>
        %dma_wait3A_768 = arith.constant 0 : i32
        %dma_wait3A_769 = tpu.memref_slice %arg6[%multiple_of3A_27, %dma_wait3A_768] : memref<100352x64xf32, #tpu.memory_space<hbm>> -> memref<800x64xf32, #tpu.memory_space<hbm>>
        %dma_wait3A_770 = arith.constant 0 : i32
        %dma_wait3A_771 = tpu.memref_slice %arg6[%multiple_of3A_27, %dma_wait3A_770] : memref<100352x64xf32, #tpu.memory_space<hbm>> -> memref<800x64xf32, #tpu.memory_space<hbm>>
        %dma_wait3A_772 = arith.constant 0 : i32
        %dma_wait3A_773 = arith.constant 0 : i32
        %dma_wait3A_774 = tpu.memref_slice %arg9[%dma_wait3A_772, %dma_wait3A_773] : memref<1600x64xf32, #tpu.memory_space<vmem>> -> memref<800x64xf32, #tpu.memory_space<vmem>>
        tpu.wait_dma2 semaphore(%run_scoped3A : memref<!tpu.dma_semaphore, #tpu.memory_space<semaphore_mem>>) src(%dma_wait3A_774 : memref<800x64xf32, #tpu.memory_space<vmem>>) dst(%dma_wait3A_771 : memref<800x64xf32, #tpu.memory_space<hbm>>)
        tpu.yield
      }) : () -> ()
    } else {
    }
    return
  }
}

module attributes {stable_mosaic.version = 14 : i64} {
  func.func @_t_out_body(%arg0: i32, %arg1: memref<1x1024x64xf32, #tpu.memory_space<vmem>>, %arg2: memref<64x1024xf32, #tpu.memory_space<vmem>>) attributes {dimension_semantics = [#tpu.dimension_semantics<arbitrary>], iteration_bounds = array<i64: 98>, scalar_prefetch = 0 : i64, scratch_operands = 0 : i64, tpu.core_type = #tpu.core_type<tc>, window_params = [{transform_indices = @transform_0, window_bounds = array<i64: 1, 1024, 64>}, {transform_indices = @transform_1, window_bounds = array<i64: 64, 1024>}]} {
    %get3A = arith.constant 0 : index
    %get3A_0 = arith.constant 0 : index
    %get3A_1 = arith.constant 0 : index
    %get3A_2 = vector.load %arg1[%get3A, %get3A_0, %get3A_1] : memref<1x1024x64xf32, #tpu.memory_space<vmem>>, vector<1x1024x64xf32>
    %get3A_3 = vector.shape_cast %get3A_2 : vector<1x1024x64xf32> to vector<1024x64xf32>
    %iota3A = tpu.iota {dimensions = array<i32: 0>} : vector<64x64xi32>
    %iota3A_4 = tpu.iota {dimensions = array<i32: 1>} : vector<64x64xi32>
    %eq3A = arith.cmpi eq, %iota3A, %iota3A_4 : vector<64x64xi32>
    %convert_element_type3A = arith.extui %eq3A : vector<64x64xi1> to vector<64x64xi32>
    %convert_element_type3A_5 = arith.sitofp %convert_element_type3A : vector<64x64xi32> to vector<64x64xf32>
    %dot_general3A = arith.constant dense<0.000000e+00> : vector<64x1024xf32>
    %dot_general3A_6 = tpu.matmul %convert_element_type3A_5, %get3A_3, %dot_general3A {dimension_numbers = #tpu.dot_dimension_numbers<[1], [1], [0], [0], [0, 0, 1, 0], [], []>, precision = #tpu.contract_precision<fp32>, transpose_lhs_hint = false} : vector<64x64xf32>, vector<1024x64xf32>, vector<64x1024xf32> -> vector<64x1024xf32>
    %swap3A = arith.constant 0 : index
    %swap3A_7 = arith.constant 0 : index
    %swap3A_8 = vector.load %arg2[%swap3A, %swap3A_7] : memref<64x1024xf32, #tpu.memory_space<vmem>>, vector<64x1024xf32>
    tpu.vector_store %arg2[%swap3A, %swap3A_7], %dot_general3A_6 {strides = array<i32>} : memref<64x1024xf32, #tpu.memory_space<vmem>>, vector<64x1024xf32>,
    return
  }
  func.func @transform_0(%arg0: i32) -> (i32, i32, i32) {
    %c0_i32 = arith.constant 0 : i32
    %c0_i32_0 = arith.constant 0 : i32
    %c0_i32_1 = arith.constant 0 : i32
    return %arg0, %c0_i32, %c0_i32_0 : i32, i32, i32
  }
  func.func @transform_1(%arg0: i32) -> (i32, i32) {
    %c0_i32 = arith.constant 0 : i32
    %c0_i32_0 = arith.constant 0 : i32
    return %c0_i32, %arg0 : i32, i32
  }
}

module attributes {stable_mosaic.version = 14 : i64} {
  func.func @_t_in_body(%arg0: i32, %arg1: memref<64x1024xf32, #tpu.memory_space<vmem>>, %arg2: memref<1x1024x64xf32, #tpu.memory_space<vmem>>) attributes {dimension_semantics = [#tpu.dimension_semantics<arbitrary>], iteration_bounds = array<i64: 98>, scalar_prefetch = 0 : i64, scratch_operands = 0 : i64, tpu.core_type = #tpu.core_type<tc>, window_params = [{transform_indices = @transform_0, window_bounds = array<i64: 64, 1024>}, {transform_indices = @transform_1, window_bounds = array<i64: 1, 1024, 64>}]} {
    %get3A = arith.constant 0 : index
    %get3A_0 = arith.constant 0 : index
    %get3A_1 = vector.load %arg1[%get3A, %get3A_0] : memref<64x1024xf32, #tpu.memory_space<vmem>>, vector<64x1024xf32>
    %iota3A = tpu.iota {dimensions = array<i32: 0>} : vector<64x64xi32>
    %iota3A_2 = tpu.iota {dimensions = array<i32: 1>} : vector<64x64xi32>
    %eq3A = arith.cmpi eq, %iota3A, %iota3A_2 : vector<64x64xi32>
    %convert_element_type3A = arith.extui %eq3A : vector<64x64xi1> to vector<64x64xi32>
    %convert_element_type3A_3 = arith.sitofp %convert_element_type3A : vector<64x64xi32> to vector<64x64xf32>
    %dot_general3A = arith.constant dense<0.000000e+00> : vector<1024x64xf32>
    %dot_general3A_4 = tpu.matmul %get3A_1, %convert_element_type3A_3, %dot_general3A {dimension_numbers = #tpu.dot_dimension_numbers<[0], [0], [1], [1], [0, 1, 1, 1], [], []>, precision = #tpu.contract_precision<fp32>, transpose_lhs_hint = false} : vector<64x1024xf32>, vector<64x64xf32>, vector<1024x64xf32> -> vector<1024x64xf32>
    %broadcast_in_dim3A = vector.shape_cast %dot_general3A_4 : vector<1024x64xf32> to vector<1x1024x64xf32>
    %swap3A = arith.constant 0 : index
    %swap3A_5 = arith.constant 0 : index
    %swap3A_6 = arith.constant 0 : index
    %swap3A_7 = vector.load %arg2[%swap3A, %swap3A_5, %swap3A_6] : memref<1x1024x64xf32, #tpu.memory_space<vmem>>, vector<1x1024x64xf32>
    tpu.vector_store %arg2[%swap3A, %swap3A_5, %swap3A_6], %broadcast_in_dim3A {strides = array<i32>} : memref<1x1024x64xf32, #tpu.memory_space<vmem>>, vector<1x1024x64xf32>,
    return
  }
  func.func @transform_0(%arg0: i32) -> (i32, i32) {
    %c0_i32 = arith.constant 0 : i32
    %c0_i32_0 = arith.constant 0 : i32
    return %c0_i32, %arg0 : i32, i32
  }
  func.func @transform_1(%arg0: i32) -> (i32, i32, i32) {
    %c0_i32 = arith.constant 0 : i32
    %c0_i32_0 = arith.constant 0 : i32
    %c0_i32_1 = arith.constant 0 : i32
    return %arg0, %c0_i32, %c0_i32_0 : i32, i32, i32
  }
}

</mosaic_0001>

<sc_bundles>
// kernel: kernel.5.cloned.1.call-start
scs
__scs_entry_jumppad:
0x0: {  	(pc) =	sbr.rel $0x88, $3  }
0x1: {  	(tag) =	ssettag $0x0;
	lr =	simm.s32 $0x1  }
0x2: {  	[smem:$0x3F9D] =	sst lr;
	_ =	strace $0xD0000000  }
0x3: {  	_ = 	snop  }
0x4: {  	_ = 	snop  }
0x5: {  	_ = 	snop  }
0x6: {  	_ = 	snop  }
0x7: {  	_ = 	snop  }
__scs_overlays_trampoline_lowered:
0x8: {  	[smem:$0x3FAC] =	sst s0  }
0x9: {  	[smem:$0x3FAD] =	sst s1  }
0xa: {  	[smem:$0x3FAE] =	sst s2  }
0xb: {  	[smem:$0x3FAF] =	sst s3  }
0xc: {  	[smem:$0x3FB0] =	sst s4  }
0xd: {  	[smem:$0x3FB1] =	sst s5  }
0xe: {  	[smem:$0x3FB2] =	sst s6  }
0xf: {  	[smem:$0x3FB3] =	sst s7  }
0x10: {  	[smem:$0x3FB4] =	sst s8  }
0x11: {  	[smem:$0x3FB5] =	sst s9;
	s0 =	simm.s32 @!p0 $0x0  }
0x12: {  	s1 =	sld [smem:$0x3F9B];
	s0 =	simm.s32 @p0 $0x1  }
0x13: {  	[smem:$0x3FB6] =	sst s0;
	s0 =	simm.s32 @!p1 $0x0  }
0x14: {  	s2 =	sld [smem:$0x3F9A];
	s0 =	simm.s32 @p1 $0x1  }
0x15: {  	[smem:$0x3FB7] =	sst s0;
	s0 =	simm.s32 @!p2 $0x0  }
0x16: {  	s3 =	sld [smem:$0x3FDB];
	s0 =	simm.s32 @p2 $0x1  }
0x17: {  	s4 =	simm.s32 $0x1BF5;
	[smem:$0x3FB9] =	sst s0  }
0x18: {  	s0 =	sld [smem:$0x3F9C];
	_ =	swait.ge [sflag:s4], $0x0  }
0x19: {  	s7 =	sld [smem:$0x3F9D]  }
0x1a: {  	s8 =	sadd.s32 $0xFFFFE003, lr  }
0x1b: {  	s9 =	sadd.s32 $0xFFFFFEF7, lr;
	s5 =	simm.s32 $0xFFFFFFFF;
	p2 =	slt.u32 s8, $0xFFFFF086  }
0x1c: {  	p1 =	slt.u32 s9, $0xF7A;
	s5 =	simm.s32 @!p2 $0x0  }
0x1d: {  	s5 =	simm.s32 @p1 $0x1;
	p0 =	seq.s32 s7, s2  }
0x1e: {  	s7 =	smul.u32 @!p0 $0xF7A, s2;
	p2 =	seq.s32 @!p0 s5, $0x0  }
0x1f: {  	s9 =	smul.u32 $0xF7A, s1;
	s8 =	simm.s32 @!p0 $0x1BF5;
	p2 =	por !p2, p0  }
0x20: {  	[sflag:s8] =	ssyncset.s32 @!p0 $0xFFFFF086;
	s6 =	sadd.s32 @!p0 s3, s7;
	s7 =	simm.s32 @!p0 $0x108  }
0x21: {  	s3 =	sadd.s32 s3, s9;
	s6 =	sadd.s32 @!p0 $0x88, s6;
	s7 =	simm.s32 @p2 $0x1082  }
0x22: {  	[simem:s7], [sflag:s8] =	dma.local @!p0 [hbm:s6], $0xF7A  }
0x23: {  	s9 =	sor.u32 $0xD0000000, s2;
	s6 =	simm.s32 $0x108;
	_ =	swait.ge @!p0 [sflag:s8], $0x0  }
0x24: {  	s3 =	sadd.s32 $0x88, s3;
	s6 =	simm.s32 @!p1 $0x1082;
	[sflag:s4] =	ssyncset.s32 $0xFFFFF086  }
0x25: {  	[simem:s6], [sflag:s4] =	dma.local [hbm:s3], $0xF7A  }
0x26: {  	[smem:$0x3F9D] =	sst s1;
	(tag) =	ssettag s2;
	_ =	strace s9  }
0x27: {  	s1 =	sld [smem:$0x3FAD]  }
0x28: {  	s2 =	sld [smem:$0x3FAE]  }
0x29: {  	s4 =	sld [smem:$0x3FB0]  }
0x2a: {  	p0 =	seq.s32 s5, $0x0;
	s5 =	sld [smem:$0x3FB1]  }
0x2b: {  	s6 =	sld [smem:$0x3FB2]  }
0x2c: {  	s7 =	sld [smem:$0x3FB3]  }
0x2d: {  	s3 =	simm.s32 $0x108;
	s8 =	sld [smem:$0x3FB4]  }
0x2e: {  	s3 =	simm.s32 @!p0 $0x1082;
	s9 =	sld [smem:$0x3FB5]  }
0x2f: {  	lr =	sadd.s32 s0, s3;
	s0 =	sld [smem:$0x3FAC]  }
0x30: {  	s3 =	sld [smem:$0x3FAF]  }
0x31: {  	[smem:$0x3FB8] =	sst s10  }
0x32: {  	s10 =	sld [smem:$0x3FB6];
	_ =	sdelay $0x3  }
0x33: {  	p0 =	seq.s32 s10, $0x1;
	s10 =	sld [smem:$0x3FB8];
	_ =	sdelay $0x3  }
0x34: {  	[smem:$0x3FB8] =	sst s10  }
0x35: {  	s10 =	sld [smem:$0x3FB7];
	_ =	sdelay $0x3  }
0x36: {  	p1 =	seq.s32 s10, $0x1;
	s10 =	sld [smem:$0x3FB8];
	_ =	sdelay $0x3  }
0x37: {  	[smem:$0x3FB8] =	sst s10  }
0x38: {  	s10 =	sld [smem:$0x3FB9]  }
0x39: {  	_ = 	snop;
	(pc) =	sbr.ind lr, $3  }
0x3a: {  	_ = 	snop  }
0x3b: {  	_ = 	snop  }
0x3c: {  	p2 =	seq.s32 s10, $0x1;
	s10 =	sld [smem:$0x3FB8]  }
0x3d: {  	_ =	shalt  }
0x3e: {  	_ =	shalt  }
0x3f: {  	_ =	shalt  }
0x40: {  	_ =	shalt  }
0x41: {  	_ =	shalt  }
0x42: {  	_ =	shalt  }
0x43: {  	_ =	shalt  }
0x44: {  	_ =	shalt  }
0x45: {  	_ =	shalt  }
0x46: {  	_ =	shalt  }
0x47: {  	_ =	shalt  }
0x48: {  	_ =	shalt  }
0x49: {  	_ =	shalt  }
0x4a: {  	_ =	shalt  }
0x4b: {  	_ =	shalt  }
0x4c: {  	_ =	shalt  }
0x4d: {  	_ =	shalt  }
0x4e: {  	_ =	shalt  }
0x4f: {  	_ =	shalt  }
0x50: {  	_ =	shalt  }
0x51: {  	_ =	shalt  }
0x52: {  	_ =	shalt  }
0x53: {  	_ =	shalt  }
0x54: {  	_ =	shalt  }
0x55: {  	_ =	shalt  }
0x56: {  	_ =	shalt  }
0x57: {  	_ =	shalt  }
0x58: {  	_ =	shalt  }
0x59: {  	_ =	shalt  }
0x5a: {  	_ =	shalt  }
0x5b: {  	_ =	shalt  }
0x5c: {  	_ =	shalt  }
0x5d: {  	_ =	shalt  }
0x5e: {  	_ =	shalt  }
0x5f: {  	_ =	shalt  }
0x60: {  	_ =	shalt  }
0x61: {  	_ =	shalt  }
0x62: {  	_ =	shalt  }
0x63: {  	_ =	shalt  }
0x64: {  	_ =	shalt  }
0x65: {  	_ =	shalt  }
0x66: {  	_ =	shalt  }
0x67: {  	_ =	shalt  }
0x68: {  	_ =	shalt  }
0x69: {  	_ =	shalt  }
0x6a: {  	_ =	shalt  }
0x6b: {  	_ =	shalt  }
0x6c: {  	_ =	shalt  }
0x6d: {  	_ =	shalt  }
0x6e: {  	_ =	shalt  }
0x6f: {  	_ =	shalt  }
0x70: {  	_ =	shalt  }
0x71: {  	_ =	shalt  }
0x72: {  	_ =	shalt  }
0x73: {  	_ =	shalt  }
0x74: {  	_ =	shalt  }
0x75: {  	_ =	shalt  }
0x76: {  	_ =	shalt  }
0x77: {  	_ =	shalt  }
0x78: {  	_ =	shalt  }
0x79: {  	_ =	shalt  }
0x7a: {  	_ =	shalt  }
0x7b: {  	_ =	shalt  }
0x7c: {  	_ =	shalt  }
0x7d: {  	_ =	shalt  }
0x7e: {  	_ =	shalt  }
0x7f: {  	_ =	shalt  }
0x80: {  	_ =	shalt  }
0x81: {  	_ =	shalt  }
0x82: {  	_ =	shalt  }
0x83: {  	_ =	shalt  }
0x84: {  	_ =	shalt  }
0x85: {  	_ =	shalt  }
0x86: {  	_ =	shalt  }
0x87: {  	_ =	shalt  }
.Lfunc_end0:
.L_simem_size_0:
called_computation_lowered:
.L_overlay_start_0:
0x88: {  	s2 =	sld [smem:$0x3FD9]  }
0x89: {  	s3 =	sld [smem:$0x3FFE];
	_ =	sdelay $0x1  }
0x8a: {  	s1 =	srdreg.scid  }
0x8b: {  	s0 =	sand.u32 $0x1, s1  }
0x8c: {  	s17 =	sshll.u32 s0, $0xA;
	s2 =	sadd.s32 s3, s2  }
0x8d: {  	s2 =	sadd.s32 s2, s17  }
0x8e: {  	[smem:$0x3FC4] =	sst s2  }
0x8f: {  	_ = 	snop  }
0x90: {  	s2 =	sld [smem:$0x3FC9]  }
0x91: {  	s18 =	sld [smem:$0x3FC8]  }
0x92: {  	s4 =	sld [smem:$0x3FD0];
	(tm) =	ssettm $0x1  }
0x93: {  	s5 =	sld [smem:$0x3FFB];
	_ =	sdelay $0x3  }
0x94: {  	_ =	strace s5  }
0x95: {  	s5 =	sld [smem:$0x3FFC];
	_ =	sdelay $0x3  }
0x96: {  	_ =	strace s5  }
0x97: {  	s5 =	sld [smem:$0x3FFD];
	_ =	sdelay $0x3  }
0x98: {  	_ =	strace s5  }
0x99: {  	_ =	strace $0x8FFFFFFF  }
0x9a: {  	s19 =	sld [smem:$0x3FDB];
	_ =	sdelay $0x1  }
0x9b: {  	s6 =	simm.s32 $_scs_section_size  }
0x9c: {  	s7 =	simm.s32 $_size__tile_overlayer_lowered;
	s8 =	simm.s32 $_tile_overlayer_lowered  }
0x9d: {  	s22 =	simm.s32 $0x1BFF;
	s21 =	sshll.u32 s8, $0x1;
	s5 =	sadd.s32 s6, s19  }
0x9e: {  	s9 =	simm.s32 $0x0;
	s20 =	sshll.u32 s7, $0x1;
	s7 =	sadd.s32 s21, s5  }
0x9f: {  	[timem:s9], [sflag:s22] =	dma.local [hbm:s7], s20  }
0xa0: {  	_ =	swait.ge [sflag:s22], s20  }
0xa1: {  	s6 =	ssub.s32 $0x0, s20;
	[sflag:s22] =	ssyncset.done $0x0  }
0xa2: {  	[sflag:s22] =	ssyncadd.s32 s6;
	_ =	sdelay $0x1  }
0xa3: {  	s23 =	simm.s32 $0x1B8B  }
0xa4: {  	_ =	swait.ge [sflag:s23], $0x1  }
0xa5: {  	[sflag:s23] =	ssyncset.done $0x0  }
0xa6: {  	s25 =	simm.s32 $0x1B8E;
	s24 =	sld [smem:$0x3FFE];
	[sflag:s23] =	ssyncadd.s32 $0xFFFFFFFF  }
0xa7: {  	s26 =	simm.s32 $execute0_lowered;
	[smem:$0x3FD2] =	sst s25  }
0xa8: {  	s7 =	sshll.u32 s26, $0x1;
	_ =	strace $0x80000046;
	[dreg:$0x1] =	wrdreg $0xFFFFFFFF  }
0xa9: {  	s28 =	simm.s32 $_size_execute0_lowered;
	s5 =	sadd.s32 s5, s7;
	[dreg:$0x0] =	wrdreg $0x0  }
0xaa: {  	s7 =	sshll.u32 s28, $0x1;
	[dreg:$0x2] =	wrdreg s5  }
0xab: {  	[dreg:$0x3] =	wrdreg s7  }
0xac: {  	[dreg:$0x4] =	wrdreg $0xC0  }
0xad: {  	_ =	task [dreg:s9], $0x5FFFF  }
0xae: {  	[dreg:$0x1] =	wrdreg $0xFFFFFFFF  }
0xaf: {  	[dreg:$0x0] =	wrdreg $0x60  }
0xb0: {  	[dreg:$0x2] =	wrdreg s24  }
0xb1: {  	[dreg:$0x3] =	wrdreg s4  }
0xb2: {  	[dreg:$0x4] =	wrdreg s2  }
0xb3: {  	[dreg:$0x5] =	wrdreg s18  }
0xb4: {  	[dreg:$0x6] =	wrdreg $0x19C800  }
0xb5: {  	[dreg:$0x7] =	wrdreg $0x9  }
0xb6: {  	_ =	task.clear_ibuf [dreg:s9], $0x8FFFF;
	_ =	strace $0x90000046  }
0xb7: {  	s29 =	simm.s32 $0x9;
	_ =	strace $0x80000048  }
0xb8: {  	_ =	swait.ge [sflag:s29], $0x1  }
0xb9: {  	[sflag:s29] =	ssyncadd.s32 $0xFFFFFFFF  }
0xba: {  	_ =	strace $0x90000048  }
0xbb: {  	_ =	sfence  }
0xbc: {  	s30 =	sld [smem:$0x0];
	_ =	sdelay $0x2  }
0xbd: {  	s31 =	sshll.u32 s1, $0xD;
	s1 =	sshrl.u32 s1, $0x2  }
0xbe: {  	s3 =	sand.u32 $0x4000, s31;
	s1 =	sadd.s32 s1, s30  }
0xbf: {  	s0 =	sor.u32 s3, s0;
	s1 =	sshll.u32 s1, $0x11  }
0xc0: {  	s0 =	sor.u32 s1, s0  }
0xc1: {  	s0 =	sadd.s32 $0x8F2B, s0  }
0xc2: {  	[sflag:s0] =	ssyncadd.remote.s32 $0x1  }
0xc3: {  	_ =	sfence.sel $0xFFFF  }
0xc4: {  	[dreg:$0x0] =	wrdreg $0xFFFFFFFF;
	(pc) =	sbr.abs _section_cstart, $3  }
0xc5: {  	[dreg:$0x1] =	wrdreg $0xFFFFFFFF  }
0xc6: {  	_ =	task.clear_ibuf [dreg:s9], $0x2FFFF;
	_ =	strace $0x9FFFFFFF  }
0xc7: {  	(tm) =	ssettm $0x7FFFFFFF  }
tec
execute0_lowered:
.L_overlay_start_1:
0x0: {  	(tag) =	ssettag $0x1  }
0x1: {  	s13 =	rddreg [dreg:$0x0]  }
0x2: {  	s1 =	rddreg [dreg:$0x1]  }
0x3: {  	s11 =	rddreg [dreg:$0x2]  }
0x4: {  	s12 =	rddreg [dreg:$0x3]  }
0x5: {  	s2 =	rddreg [dreg:$0x4]  }
0x6: {  	s0 =	rddreg [dreg:$0x5]  }
0x7: {  	s4 =	srdreg.scid;
	s14 =	stileid.u32;
	s3 =	simm.s32 $0x0  }
0x8: {  	s19 =	simm.s32 $0xC80;
	s20 =	simm.s32 $0x1;
	s21 =	simm.s32 $0x2  }
0x9: {  	s4 =	sand.u32 $0x1, s4;
	s5 =	sshll.u32 s14, $0x1;
	[smem:$0x7FF] =	sst s3  }
0xa: {  	s10 =	sadd.s32 $0x600, s13;
	p0 =	sne.s32 s14, $0x0;
	s6 =	ssub.s32 $0x2, s4  }
0xb: {  	s16 =	sor.u32 s4, s5;
	_ =	strace $0x80000047;
	s4 =	sadd.s32 $0x188600, s13  }
0xc: {  	s13 =	sadd.s32 $0xC2200, s13;
	s29 =	sshrl.u32 s6, $0x1;
	s7 =	smul.u32 $0xC80, s16  }
0xd: {  	s31 =	smul.u32 $0x6400, s16;
	p1 =	seq.s32 s16, $0x1F;
	s16 =	simm.s32 $0x3  }
0xe: {  	s15 =	ssub.s32 s6, s29;
	s9 =	sadd.s32 $0x640, s7;
	s30 =	sshrl.u32 s7, $0x3  }
.Ltmp0:
0xf: {  	s7 =	sadd.s32 s10, s31;
	s14 =	smax.u32 s15, $0x1;
	(pc) =	sbr.rel .LBB2_1-.Ltmp0, $4  }
0x10: {  	s15 =	sshrl.u32 @!p0 s2, $0x3;
	s5 =	sadd.s32 s11, s30;
	s17 =	sshrl.u32 s9, $0x3  }
0x11: {  	s6 =	sadd.s32 s12, s30;
	s18 =	sshll.u32 s9, $0x3;
	s8 =	sadd.s32 s11, s17  }
0x12: {  	s9 =	sadd.s32 s12, s17;
	s10 =	sadd.s32 s10, s18;
	s11 =	sadd.s32 $0x3070, s11  }
0x13: {  	s12 =	sadd.s32 $0x3070, s12;
	s17 =	simm.s32 $0x640;
	s18 =	simm.s32 $0x320  }
.LBB2_3:
0x14: {  	[tilespmem:s3], [sflag:$0x3] =	stream.linear.gather [hbm4b:s11+s3], $0x320, $0x38;
	[tilespmem:$0x19FA8] =	vst v63  }
0x15: {  	_ =	swait.ge [sflag:s16], $0x320  }
0x16: {  	[sflag:s16] =	ssyncset.done $0x0  }
0x17: {  	[sflag:s16] =	ssyncadd.s32 $0xFFFFFCE0  }
0x18: {  	[tilespmem:s17], [sflag:$0x3] =	stream.linear.gather [hbm4b:s12+s3], $0x320, $0x38;
	[tilespmem:$0x19FA8] =	vst v63  }
0x19: {  	_ =	swait.ge [sflag:s16], $0x320  }
0x1a: {  	[sflag:s16] =	ssyncset.done $0x0  }
0x1b: {  	[sflag:s16] =	ssyncadd.s32 $0xFFFFFCE0  }
0x1c: {  	v0 =	vld [tilespmem:$0x640]  }
0x1d: {  	v1 =	vld [tilespmem:$0x650]  }
0x1e: {  	v2 =	vld [tilespmem:$0x660]  }
0x1f: {  	v3 =	vld [tilespmem:$0x670]  }
0x20: {  	v4 =	vld [tilespmem:$0x680]  }
0x21: {  	v5 =	vld [tilespmem:$0x690];
	vm0 =	vlt.s32 v0, $0xC8  }
0x22: {  	v6 =	vld [tilespmem:$0x6A0];
	vm15 =	vlt.s32 v1, $0xC8;
	v0 =	vnsel vm0, $0xC8, v0  }
0x23: {  	v29 =	vld [tilespmem:$0x6B0];
	vm4 =	vlt.s32 v2, $0xC8;
	v28 =	vnsel vm15, $0xC8, v1;
	[tilespmem:$0x640] =	vst v0  }
0x24: {  	v31 =	vld [tilespmem:$0x6C0];
	vm5 =	vlt.s32 v3, $0xC8;
	v30 =	vnsel vm4, $0xC8, v2;
	[tilespmem:$0x650] =	vst v28  }
0x25: {  	v33 =	vld [tilespmem:$0x6D0];
	vm6 =	vlt.s32 v4, $0xC8;
	v32 =	vnsel vm5, $0xC8, v3;
	[tilespmem:$0x660] =	vst v30  }
0x26: {  	v35 =	vld [tilespmem:$0x6E0];
	vm7 =	vlt.s32 v5, $0xC8;
	v34 =	vnsel vm6, $0xC8, v4;
	[tilespmem:$0x670] =	vst v32  }
0x27: {  	v37 =	vld [tilespmem:$0x6F0];
	vm8 =	vlt.s32 v6, $0xC8;
	v36 =	vnsel vm7, $0xC8, v5;
	[tilespmem:$0x680] =	vst v34  }
0x28: {  	v39 =	vld [tilespmem:$0x700];
	vm9 =	vlt.s32 v29, $0xC8;
	v38 =	vnsel vm8, $0xC8, v6;
	[tilespmem:$0x690] =	vst v36  }
0x29: {  	v41 =	vld [tilespmem:$0x710];
	vm10 =	vlt.s32 v31, $0xC8;
	v40 =	vnsel vm9, $0xC8, v29;
	[tilespmem:$0x6A0] =	vst v38  }
0x2a: {  	v43 =	vld [tilespmem:$0x720];
	vm11 =	vlt.s32 v33, $0xC8;
	v42 =	vnsel vm10, $0xC8, v31;
	[tilespmem:$0x6B0] =	vst v40  }
0x2b: {  	v45 =	vld [tilespmem:$0x730];
	vm12 =	vlt.s32 v35, $0xC8;
	v44 =	vnsel vm11, $0xC8, v33;
	[tilespmem:$0x6C0] =	vst v42  }
0x2c: {  	v47 =	vld [tilespmem:$0x740];
	vm13 =	vlt.s32 v37, $0xC8;
	v46 =	vnsel vm12, $0xC8, v35;
	[tilespmem:$0x6D0] =	vst v44  }
0x2d: {  	v49 =	vld [tilespmem:$0x750];
	vm14 =	vlt.s32 v39, $0xC8;
	v48 =	vnsel vm13, $0xC8, v37;
	[tilespmem:$0x6E0] =	vst v46  }
0x2e: {  	v51 =	vld [tilespmem:$0x760];
	v50 =	vnsel vm14, $0xC8, v39;
	vm15 =	vlt.s32 v41, $0xC8;
	[tilespmem:$0x6F0] =	vst v48  }
0x2f: {  	v53 =	vld [tilespmem:$0x770];
	vm4 =	vlt.s32 v43, $0xC8;
	[tilespmem:$0x700] =	vst v50;
	v52 =	vnsel vm15, $0xC8, v41  }
0x30: {  	v55 =	vld [tilespmem:$0x780];
	vm5 =	vlt.s32 v45, $0xC8;
	v54 =	vnsel vm4, $0xC8, v43;
	[tilespmem:$0x710] =	vst v52  }
0x31: {  	v57 =	vld [tilespmem:$0x790];
	vm6 =	vlt.s32 v47, $0xC8;
	v56 =	vnsel vm5, $0xC8, v45;
	[tilespmem:$0x720] =	vst v54  }
0x32: {  	v59 =	vld [tilespmem:$0x7A0];
	vm7 =	vlt.s32 v49, $0xC8;
	v58 =	vnsel vm6, $0xC8, v47;
	[tilespmem:$0x730] =	vst v56  }
0x33: {  	v61 =	vld [tilespmem:$0x7B0];
	vm8 =	vlt.s32 v51, $0xC8;
	v60 =	vnsel vm7, $0xC8, v49;
	[tilespmem:$0x740] =	vst v58  }
0x34: {  	v63 =	vld [tilespmem:$0x7C0];
	vm9 =	vlt.s32 v53, $0xC8;
	v62 =	vnsel vm8, $0xC8, v51;
	[tilespmem:$0x750] =	vst v60  }
0x35: {  	v9 =	vld [tilespmem:$0x7D0];
	vm10 =	vlt.s32 v55, $0xC8;
	v8 =	vnsel vm9, $0xC8, v53;
	[tilespmem:$0x760] =	vst v62  }
0x36: {  	v11 =	vld [tilespmem:$0x7E0];
	vm11 =	vlt.s32 v57, $0xC8;
	v10 =	vnsel vm10, $0xC8, v55;
	[tilespmem:$0x770] =	vst v8  }
0x37: {  	v13 =	vld [tilespmem:$0x7F0];
	vm12 =	vlt.s32 v59, $0xC8;
	v12 =	vnsel vm11, $0xC8, v57;
	[tilespmem:$0x780] =	vst v10  }
0x38: {  	v15 =	vld [tilespmem:$0x800];
	vm13 =	vlt.s32 v61, $0xC8;
	v14 =	vnsel vm12, $0xC8, v59;
	[tilespmem:$0x790] =	vst v12  }
0x39: {  	v17 =	vld [tilespmem:$0x810];
	vm14 =	vlt.s32 v63, $0xC8;
	v16 =	vnsel vm13, $0xC8, v61;
	[tilespmem:$0x7A0] =	vst v14  }
0x3a: {  	v19 =	vld [tilespmem:$0x820];
	v18 =	vnsel vm14, $0xC8, v63;
	vm15 =	vlt.s32 v9, $0xC8;
	[tilespmem:$0x7B0] =	vst v16  }
0x3b: {  	v21 =	vld [tilespmem:$0x830];
	vm4 =	vlt.s32 v11, $0xC8;
	[tilespmem:$0x7C0] =	vst v18;
	v20 =	vnsel vm15, $0xC8, v9  }
0x3c: {  	v23 =	vld [tilespmem:$0x840];
	vm5 =	vlt.s32 v13, $0xC8;
	v22 =	vnsel vm4, $0xC8, v11;
	[tilespmem:$0x7D0] =	vst v20  }
0x3d: {  	v25 =	vld [tilespmem:$0x850];
	vm6 =	vlt.s32 v15, $0xC8;
	v24 =	vnsel vm5, $0xC8, v13;
	[tilespmem:$0x7E0] =	vst v22  }
0x3e: {  	v27 =	vld [tilespmem:$0x860];
	vm7 =	vlt.s32 v17, $0xC8;
	v26 =	vnsel vm6, $0xC8, v15;
	[tilespmem:$0x7F0] =	vst v24  }
0x3f: {  	v29 =	vld [tilespmem:$0x870];
	vm8 =	vlt.s32 v19, $0xC8;
	v28 =	vnsel vm7, $0xC8, v17;
	[tilespmem:$0x800] =	vst v26  }
0x40: {  	v31 =	vld [tilespmem:$0x880];
	vm9 =	vlt.s32 v21, $0xC8;
	v30 =	vnsel vm8, $0xC8, v19;
	[tilespmem:$0x810] =	vst v28  }
0x41: {  	v33 =	vld [tilespmem:$0x890];
	vm10 =	vlt.s32 v23, $0xC8;
	v32 =	vnsel vm9, $0xC8, v21;
	[tilespmem:$0x820] =	vst v30  }
0x42: {  	v35 =	vld [tilespmem:$0x8A0];
	vm11 =	vlt.s32 v25, $0xC8;
	v34 =	vnsel vm10, $0xC8, v23;
	[tilespmem:$0x830] =	vst v32  }
0x43: {  	v37 =	vld [tilespmem:$0x8B0];
	vm12 =	vlt.s32 v27, $0xC8;
	v36 =	vnsel vm11, $0xC8, v25;
	[tilespmem:$0x840] =	vst v34  }
0x44: {  	v39 =	vld [tilespmem:$0x8C0];
	v38 =	vnsel vm12, $0xC8, v27;
	[tilespmem:$0x850] =	vst v36;
	vm13 =	vlt.s32 v29, $0xC8  }
0x45: {  	v41 =	vld [tilespmem:$0x8D0];
	[tilespmem:$0x860] =	vst v38;
	vm14 =	vlt.s32 v31, $0xC8;
	v40 =	vnsel vm13, $0xC8, v29  }
0x46: {  	v43 =	vld [tilespmem:$0x8E0];
	vm15 =	vlt.s32 v33, $0xC8;
	v42 =	vnsel vm14, $0xC8, v31;
	[tilespmem:$0x870] =	vst v40  }
0x47: {  	v45 =	vld [tilespmem:$0x8F0];
	vm4 =	vlt.s32 v35, $0xC8;
	v44 =	vnsel vm15, $0xC8, v33;
	[tilespmem:$0x880] =	vst v42  }
0x48: {  	v47 =	vld [tilespmem:$0x900];
	vm5 =	vlt.s32 v37, $0xC8;
	v46 =	vnsel vm4, $0xC8, v35;
	[tilespmem:$0x890] =	vst v44  }
0x49: {  	v49 =	vld [tilespmem:$0x910];
	vm6 =	vlt.s32 v39, $0xC8;
	v48 =	vnsel vm5, $0xC8, v37;
	[tilespmem:$0x8A0] =	vst v46  }
0x4a: {  	v51 =	vld [tilespmem:$0x920];
	v50 =	vnsel vm6, $0xC8, v39;
	vm7 =	vlt.s32 v41, $0xC8;
	[tilespmem:$0x8B0] =	vst v48  }
0x4b: {  	v53 =	vld [tilespmem:$0x930];
	vm8 =	vlt.s32 v43, $0xC8;
	[tilespmem:$0x8C0] =	vst v50;
	v52 =	vnsel vm7, $0xC8, v41  }
0x4c: {  	v55 =	vld [tilespmem:$0x940];
	vm9 =	vlt.s32 v45, $0xC8;
	v54 =	vnsel vm8, $0xC8, v43;
	[tilespmem:$0x8D0] =	vst v52  }
0x4d: {  	v57 =	vld [tilespmem:$0x950];
	vm10 =	vlt.s32 v47, $0xC8;
	v56 =	vnsel vm9, $0xC8, v45;
	[tilespmem:$0x8E0] =	vst v54  }
0x4e: {  	vm11 =	vlt.s32 v49, $0xC8;
	v58 =	vnsel vm10, $0xC8, v47;
	[tilespmem:$0x8F0] =	vst v56  }
0x4f: {  	vm12 =	vlt.s32 v51, $0xC8;
	v59 =	vnsel vm11, $0xC8, v49;
	[tilespmem:$0x900] =	vst v58  }
0x50: {  	vm13 =	vlt.s32 v53, $0xC8;
	v60 =	vnsel vm12, $0xC8, v51;
	[tilespmem:$0x910] =	vst v59  }
0x51: {  	vm14 =	vlt.s32 v55, $0xC8;
	v61 =	vnsel vm13, $0xC8, v53;
	[tilespmem:$0x920] =	vst v60  }
0x52: {  	vm15 =	vlt.s32 v57, $0xC8;
	v62 =	vnsel vm14, $0xC8, v55;
	[tilespmem:$0x930] =	vst v61  }
0x53: {  	v63 =	vnsel vm15, $0xC8, v57;
	[tilespmem:$0x940] =	vst v62  }
0x54: {  	[tilespmem:$0x950] =	vst v63  }
0x55: {  	[tilespmem:s19], [sflag:$0x1] =	stream.indirect.gather [hbm4b:s4+s18], $0x40, s3, s18, $0xb8;
	[tilespmem:$0x19FA8] =	vst v63  }
0x56: {  	_ =	swait.ge [sflag:s20], $0xC800  }
0x57: {  	[sflag:s20] =	ssyncset.done $0x0  }
0x58: {  	[sflag:s20] =	ssyncadd.s32 $0xFFFF3800  }
0x59: {  	[tilespmem:s19], [sflag:$0x2] =	stream.indirect.gather.add.f32 [spmem:s2], $0x40, s17, s18, $0xb8;
	[tilespmem:$0x19FA8] =	vst v63  }
0x5a: {  	_ =	swait.ge [sflag:s21], $0xC800  }
0x5b: {  	[sflag:s21] =	ssyncset.done $0x0  }
0x5c: {  	[sflag:s21] =	ssyncadd.s32 $0xFFFF3800  }
0x5d: {  	[hbm4b:s13+s3] =	stream.linear.scatter [tilespmem:s19], [sflag:$0x3], $0xC800, $0x38;
	[tilespmem:$0x19FA8] =	vst v63  }
0x5e: {  	_ =	swait.ge [sflag:s16], $0xC800  }
0x5f: {  	[sflag:s16] =	ssyncset.done $0x0  }
0x60: {  	[sflag:s16] =	ssyncadd.s32 $0xFFFF3800  }
.LBB2_4:
0x61: {  	s14 =	sadd.s32 $0xFFFFFFFF, s14  }
0x62: {  	p2 =	sne.s32 s14, $0x0  }
.Ltmp1:
0x63: {  	_ = 	snop;
	(pc) =	sbr.rel @!p2 .LBB2_5-.Ltmp1, $1  }
0x64: {  	_ =	sdelay $0x3  }
.LBB2_1:
0x65: {  	s22 =	simm.s32 @!p0 $0x1C03  }
0x66: {  	[spmem:s15], [sflag:s22] =	dma.local @!p0 [hbm:s1], $0x648  }
0x67: {  	s22 =	simm.s32 @!p0 $0x3  }
.Ltmp2:
0x68: {  	_ =	swait.ge @!p0 [sflag:s22], $0x648;
	(pc) =	sbr.rel @p1 .LBB2_3-.Ltmp2, $3  }
0x69: {  	[sflag:s22] =	ssyncset.done @!p0 $0x0  }
0x6a: {  	[sflag:s22] =	ssyncadd.s32 @!p0 $0xFFFFF9B8  }
0x6b: {  	[bflag:$0x0] =	sbarrier.arrive $0xFFFF;
	_ =	sdelay $0x1  }
0x6c: {  	[tilespmem:s3], [sflag:$0x3] =	stream.linear.gather [hbm4b:s5+s3], $0x640, $0x38;
	[tilespmem:$0x19FA8] =	vst v63  }
0x6d: {  	_ =	swait.ge [sflag:s16], $0x640  }
0x6e: {  	[sflag:s16] =	ssyncset.done $0x0  }
0x6f: {  	[sflag:s16] =	ssyncadd.s32 $0xFFFFF9C0  }
0x70: {  	[tilespmem:s17], [sflag:$0x3] =	stream.linear.gather [hbm4b:s6+s3], $0x640, $0x38;
	[tilespmem:$0x19FA8] =	vst v63  }
0x71: {  	_ =	swait.ge [sflag:s16], $0x640  }
0x72: {  	[sflag:s16] =	ssyncset.done $0x0  }
0x73: {  	[sflag:s16] =	ssyncadd.s32 $0xFFFFF9C0  }
0x74: {  	v0 =	vld [tilespmem:$0x640]  }
0x75: {  	v1 =	vld [tilespmem:$0x650]  }
0x76: {  	v2 =	vld [tilespmem:$0x660]  }
0x77: {  	v3 =	vld [tilespmem:$0x670]  }
0x78: {  	v4 =	vld [tilespmem:$0x680]  }
0x79: {  	v5 =	vld [tilespmem:$0x690];
	vm0 =	vlt.s32 v0, $0xC8  }
0x7a: {  	v6 =	vld [tilespmem:$0x6A0];
	vm9 =	vlt.s32 v1, $0xC8;
	v0 =	vnsel vm0, $0xC8, v0  }
0x7b: {  	v9 =	vld [tilespmem:$0x6B0];
	vm10 =	vlt.s32 v2, $0xC8;
	v8 =	vnsel vm9, $0xC8, v1;
	[tilespmem:$0x640] =	vst v0  }
0x7c: {  	v11 =	vld [tilespmem:$0x6C0];
	vm11 =	vlt.s32 v3, $0xC8;
	v10 =	vnsel vm10, $0xC8, v2;
	[tilespmem:$0x650] =	vst v8  }
0x7d: {  	v13 =	vld [tilespmem:$0x6D0];
	vm12 =	vlt.s32 v4, $0xC8;
	v12 =	vnsel vm11, $0xC8, v3;
	[tilespmem:$0x660] =	vst v10  }
0x7e: {  	v15 =	vld [tilespmem:$0x6E0];
	vm13 =	vlt.s32 v5, $0xC8;
	v14 =	vnsel vm12, $0xC8, v4;
	[tilespmem:$0x670] =	vst v12  }
0x7f: {  	v17 =	vld [tilespmem:$0x6F0];
	vm14 =	vlt.s32 v6, $0xC8;
	v16 =	vnsel vm13, $0xC8, v5;
	[tilespmem:$0x680] =	vst v14  }
0x80: {  	v19 =	vld [tilespmem:$0x700];
	vm15 =	vlt.s32 v9, $0xC8;
	v18 =	vnsel vm14, $0xC8, v6;
	[tilespmem:$0x690] =	vst v16  }
0x81: {  	v21 =	vld [tilespmem:$0x710];
	vm4 =	vlt.s32 v11, $0xC8;
	v20 =	vnsel vm15, $0xC8, v9;
	[tilespmem:$0x6A0] =	vst v18  }
0x82: {  	v23 =	vld [tilespmem:$0x720];
	vm5 =	vlt.s32 v13, $0xC8;
	v22 =	vnsel vm4, $0xC8, v11;
	[tilespmem:$0x6B0] =	vst v20  }
0x83: {  	v25 =	vld [tilespmem:$0x730];
	vm6 =	vlt.s32 v15, $0xC8;
	v24 =	vnsel vm5, $0xC8, v13;
	[tilespmem:$0x6C0] =	vst v22  }
0x84: {  	v27 =	vld [tilespmem:$0x740];
	vm7 =	vlt.s32 v17, $0xC8;
	v26 =	vnsel vm6, $0xC8, v15;
	[tilespmem:$0x6D0] =	vst v24  }
0x85: {  	v29 =	vld [tilespmem:$0x750];
	vm8 =	vlt.s32 v19, $0xC8;
	v28 =	vnsel vm7, $0xC8, v17;
	[tilespmem:$0x6E0] =	vst v26  }
0x86: {  	v31 =	vld [tilespmem:$0x760];
	v30 =	vnsel vm8, $0xC8, v19;
	vm9 =	vlt.s32 v21, $0xC8;
	[tilespmem:$0x6F0] =	vst v28  }
0x87: {  	v33 =	vld [tilespmem:$0x770];
	vm10 =	vlt.s32 v23, $0xC8;
	[tilespmem:$0x700] =	vst v30;
	v32 =	vnsel vm9, $0xC8, v21  }
0x88: {  	v35 =	vld [tilespmem:$0x780];
	vm11 =	vlt.s32 v25, $0xC8;
	v34 =	vnsel vm10, $0xC8, v23;
	[tilespmem:$0x710] =	vst v32  }
0x89: {  	v37 =	vld [tilespmem:$0x790];
	vm12 =	vlt.s32 v27, $0xC8;
	v36 =	vnsel vm11, $0xC8, v25;
	[tilespmem:$0x720] =	vst v34  }
0x8a: {  	v39 =	vld [tilespmem:$0x7A0];
	vm13 =	vlt.s32 v29, $0xC8;
	v38 =	vnsel vm12, $0xC8, v27;
	[tilespmem:$0x730] =	vst v36  }
0x8b: {  	v41 =	vld [tilespmem:$0x7B0];
	vm14 =	vlt.s32 v31, $0xC8;
	v40 =	vnsel vm13, $0xC8, v29;
	[tilespmem:$0x740] =	vst v38  }
0x8c: {  	v43 =	vld [tilespmem:$0x7C0];
	vm15 =	vlt.s32 v33, $0xC8;
	v42 =	vnsel vm14, $0xC8, v31;
	[tilespmem:$0x750] =	vst v40  }
0x8d: {  	v45 =	vld [tilespmem:$0x7D0];
	vm4 =	vlt.s32 v35, $0xC8;
	v44 =	vnsel vm15, $0xC8, v33;
	[tilespmem:$0x760] =	vst v42  }
0x8e: {  	v47 =	vld [tilespmem:$0x7E0];
	vm5 =	vlt.s32 v37, $0xC8;
	v46 =	vnsel vm4, $0xC8, v35;
	[tilespmem:$0x770] =	vst v44  }
0x8f: {  	v49 =	vld [tilespmem:$0x7F0];
	vm6 =	vlt.s32 v39, $0xC8;
	v48 =	vnsel vm5, $0xC8, v37;
	[tilespmem:$0x780] =	vst v46  }
0x90: {  	v51 =	vld [tilespmem:$0x800];
	vm7 =	vlt.s32 v41, $0xC8;
	v50 =	vnsel vm6, $0xC8, v39;
	[tilespmem:$0x790] =	vst v48  }
0x91: {  	v53 =	vld [tilespmem:$0x810];
	vm8 =	vlt.s32 v43, $0xC8;
	v52 =	vnsel vm7, $0xC8, v41;
	[tilespmem:$0x7A0] =	vst v50  }
0x92: {  	v55 =	vld [tilespmem:$0x820];
	v54 =	vnsel vm8, $0xC8, v43;
	vm9 =	vlt.s32 v45, $0xC8;
	[tilespmem:$0x7B0] =	vst v52  }
0x93: {  	v57 =	vld [tilespmem:$0x830];
	vm10 =	vlt.s32 v47, $0xC8;
	[tilespmem:$0x7C0] =	vst v54;
	v56 =	vnsel vm9, $0xC8, v45  }
0x94: {  	v59 =	vld [tilespmem:$0x840];
	vm11 =	vlt.s32 v49, $0xC8;
	v58 =	vnsel vm10, $0xC8, v47;
	[tilespmem:$0x7D0] =	vst v56  }
0x95: {  	v61 =	vld [tilespmem:$0x850];
	vm12 =	vlt.s32 v51, $0xC8;
	v60 =	vnsel vm11, $0xC8, v49;
	[tilespmem:$0x7E0] =	vst v58  }
0x96: {  	v63 =	vld [tilespmem:$0x860];
	vm13 =	vlt.s32 v53, $0xC8;
	v62 =	vnsel vm12, $0xC8, v51;
	[tilespmem:$0x7F0] =	vst v60  }
0x97: {  	v9 =	vld [tilespmem:$0x870];
	vm14 =	vlt.s32 v55, $0xC8;
	v8 =	vnsel vm13, $0xC8, v53;
	[tilespmem:$0x800] =	vst v62  }
0x98: {  	v11 =	vld [tilespmem:$0x880];
	vm15 =	vlt.s32 v57, $0xC8;
	v10 =	vnsel vm14, $0xC8, v55;
	[tilespmem:$0x810] =	vst v8  }
0x99: {  	v13 =	vld [tilespmem:$0x890];
	vm4 =	vlt.s32 v59, $0xC8;
	v12 =	vnsel vm15, $0xC8, v57;
	[tilespmem:$0x820] =	vst v10  }
0x9a: {  	v15 =	vld [tilespmem:$0x8A0];
	vm5 =	vlt.s32 v61, $0xC8;
	v14 =	vnsel vm4, $0xC8, v59;
	[tilespmem:$0x830] =	vst v12  }
0x9b: {  	v17 =	vld [tilespmem:$0x8B0];
	vm6 =	vlt.s32 v63, $0xC8;
	v16 =	vnsel vm5, $0xC8, v61;
	[tilespmem:$0x840] =	vst v14  }
0x9c: {  	v19 =	vld [tilespmem:$0x8C0];
	v18 =	vnsel vm6, $0xC8, v63;
	[tilespmem:$0x850] =	vst v16;
	vm7 =	vlt.s32 v9, $0xC8  }
0x9d: {  	v21 =	vld [tilespmem:$0x8D0];
	[tilespmem:$0x860] =	vst v18;
	vm8 =	vlt.s32 v11, $0xC8;
	v20 =	vnsel vm7, $0xC8, v9  }
0x9e: {  	v23 =	vld [tilespmem:$0x8E0];
	vm9 =	vlt.s32 v13, $0xC8;
	v22 =	vnsel vm8, $0xC8, v11;
	[tilespmem:$0x870] =	vst v20  }
0x9f: {  	v25 =	vld [tilespmem:$0x8F0];
	vm10 =	vlt.s32 v15, $0xC8;
	v24 =	vnsel vm9, $0xC8, v13;
	[tilespmem:$0x880] =	vst v22  }
0xa0: {  	v27 =	vld [tilespmem:$0x900];
	vm11 =	vlt.s32 v17, $0xC8;
	v26 =	vnsel vm10, $0xC8, v15;
	[tilespmem:$0x890] =	vst v24  }
0xa1: {  	v29 =	vld [tilespmem:$0x910];
	vm12 =	vlt.s32 v19, $0xC8;
	v28 =	vnsel vm11, $0xC8, v17;
	[tilespmem:$0x8A0] =	vst v26  }
0xa2: {  	v31 =	vld [tilespmem:$0x920];
	v30 =	vnsel vm12, $0xC8, v19;
	vm13 =	vlt.s32 v21, $0xC8;
	[tilespmem:$0x8B0] =	vst v28  }
0xa3: {  	v33 =	vld [tilespmem:$0x930];
	vm14 =	vlt.s32 v23, $0xC8;
	[tilespmem:$0x8C0] =	vst v30;
	v32 =	vnsel vm13, $0xC8, v21  }
0xa4: {  	v35 =	vld [tilespmem:$0x940];
	vm15 =	vlt.s32 v25, $0xC8;
	v34 =	vnsel vm14, $0xC8, v23;
	[tilespmem:$0x8D0] =	vst v32  }
0xa5: {  	v37 =	vld [tilespmem:$0x950];
	vm4 =	vlt.s32 v27, $0xC8;
	v36 =	vnsel vm15, $0xC8, v25;
	[tilespmem:$0x8E0] =	vst v34  }
0xa6: {  	v39 =	vld [tilespmem:$0x960];
	vm5 =	vlt.s32 v29, $0xC8;
	v38 =	vnsel vm4, $0xC8, v27;
	[tilespmem:$0x8F0] =	vst v36  }
0xa7: {  	v41 =	vld [tilespmem:$0x970];
	vm6 =	vlt.s32 v31, $0xC8;
	v40 =	vnsel vm5, $0xC8, v29;
	[tilespmem:$0x900] =	vst v38  }
0xa8: {  	v43 =	vld [tilespmem:$0x980];
	vm7 =	vlt.s32 v33, $0xC8;
	v42 =	vnsel vm6, $0xC8, v31;
	[tilespmem:$0x910] =	vst v40  }
0xa9: {  	v45 =	vld [tilespmem:$0x990];
	vm8 =	vlt.s32 v35, $0xC8;
	v44 =	vnsel vm7, $0xC8, v33;
	[tilespmem:$0x920] =	vst v42  }
0xaa: {  	v47 =	vld [tilespmem:$0x9A0];
	vm9 =	vlt.s32 v37, $0xC8;
	v46 =	vnsel vm8, $0xC8, v35;
	[tilespmem:$0x930] =	vst v44  }
0xab: {  	v49 =	vld [tilespmem:$0x9B0];
	vm10 =	vlt.s32 v39, $0xC8;
	v48 =	vnsel vm9, $0xC8, v37;
	[tilespmem:$0x940] =	vst v46  }
0xac: {  	v51 =	vld [tilespmem:$0x9C0];
	vm11 =	vlt.s32 v41, $0xC8;
	v50 =	vnsel vm10, $0xC8, v39;
	[tilespmem:$0x950] =	vst v48  }
0xad: {  	v53 =	vld [tilespmem:$0x9D0];
	vm12 =	vlt.s32 v43, $0xC8;
	v52 =	vnsel vm11, $0xC8, v41;
	[tilespmem:$0x960] =	vst v50  }
0xae: {  	v55 =	vld [tilespmem:$0x9E0];
	v54 =	vnsel vm12, $0xC8, v43;
	vm13 =	vlt.s32 v45, $0xC8;
	[tilespmem:$0x970] =	vst v52  }
0xaf: {  	v57 =	vld [tilespmem:$0x9F0];
	vm14 =	vlt.s32 v47, $0xC8;
	[tilespmem:$0x980] =	vst v54;
	v56 =	vnsel vm13, $0xC8, v45  }
0xb0: {  	v59 =	vld [tilespmem:$0xA00];
	vm15 =	vlt.s32 v49, $0xC8;
	v58 =	vnsel vm14, $0xC8, v47;
	[tilespmem:$0x990] =	vst v56  }
0xb1: {  	v61 =	vld [tilespmem:$0xA10];
	vm4 =	vlt.s32 v51, $0xC8;
	v60 =	vnsel vm15, $0xC8, v49;
	[tilespmem:$0x9A0] =	vst v58  }
0xb2: {  	v63 =	vld [tilespmem:$0xA20];
	vm5 =	vlt.s32 v53, $0xC8;
	v62 =	vnsel vm4, $0xC8, v51;
	[tilespmem:$0x9B0] =	vst v60  }
0xb3: {  	v9 =	vld [tilespmem:$0xA30];
	vm6 =	vlt.s32 v55, $0xC8;
	v8 =	vnsel vm5, $0xC8, v53;
	[tilespmem:$0x9C0] =	vst v62  }
0xb4: {  	v11 =	vld [tilespmem:$0xA40];
	vm7 =	vlt.s32 v57, $0xC8;
	v10 =	vnsel vm6, $0xC8, v55;
	[tilespmem:$0x9D0] =	vst v8  }
0xb5: {  	v13 =	vld [tilespmem:$0xA50];
	vm8 =	vlt.s32 v59, $0xC8;
	v12 =	vnsel vm7, $0xC8, v57;
	[tilespmem:$0x9E0] =	vst v10  }
0xb6: {  	v15 =	vld [tilespmem:$0xA60];
	vm9 =	vlt.s32 v61, $0xC8;
	v14 =	vnsel vm8, $0xC8, v59;
	[tilespmem:$0x9F0] =	vst v12  }
0xb7: {  	v17 =	vld [tilespmem:$0xA70];
	vm10 =	vlt.s32 v63, $0xC8;
	v16 =	vnsel vm9, $0xC8, v61;
	[tilespmem:$0xA00] =	vst v14  }
0xb8: {  	v19 =	vld [tilespmem:$0xA80];
	v18 =	vnsel vm10, $0xC8, v63;
	[tilespmem:$0xA10] =	vst v16;
	vm11 =	vlt.s32 v9, $0xC8  }
0xb9: {  	v21 =	vld [tilespmem:$0xA90];
	[tilespmem:$0xA20] =	vst v18;
	vm12 =	vlt.s32 v11, $0xC8;
	v20 =	vnsel vm11, $0xC8, v9  }
0xba: {  	v23 =	vld [tilespmem:$0xAA0];
	vm13 =	vlt.s32 v13, $0xC8;
	v22 =	vnsel vm12, $0xC8, v11;
	[tilespmem:$0xA30] =	vst v20  }
0xbb: {  	v25 =	vld [tilespmem:$0xAB0];
	vm14 =	vlt.s32 v15, $0xC8;
	v24 =	vnsel vm13, $0xC8, v13;
	[tilespmem:$0xA40] =	vst v22  }
0xbc: {  	v27 =	vld [tilespmem:$0xAC0];
	vm15 =	vlt.s32 v17, $0xC8;
	v26 =	vnsel vm14, $0xC8, v15;
	[tilespmem:$0xA50] =	vst v24  }
0xbd: {  	v29 =	vld [tilespmem:$0xAD0];
	vm4 =	vlt.s32 v19, $0xC8;
	v28 =	vnsel vm15, $0xC8, v17;
	[tilespmem:$0xA60] =	vst v26  }
0xbe: {  	v31 =	vld [tilespmem:$0xAE0];
	v30 =	vnsel vm4, $0xC8, v19;
	vm5 =	vlt.s32 v21, $0xC8;
	[tilespmem:$0xA70] =	vst v28  }
0xbf: {  	v33 =	vld [tilespmem:$0xAF0];
	vm6 =	vlt.s32 v23, $0xC8;
	[tilespmem:$0xA80] =	vst v30;
	v32 =	vnsel vm5, $0xC8, v21  }
0xc0: {  	v35 =	vld [tilespmem:$0xB00];
	vm7 =	vlt.s32 v25, $0xC8;
	v34 =	vnsel vm6, $0xC8, v23;
	[tilespmem:$0xA90] =	vst v32  }
0xc1: {  	v37 =	vld [tilespmem:$0xB10];
	vm8 =	vlt.s32 v27, $0xC8;
	v36 =	vnsel vm7, $0xC8, v25;
	[tilespmem:$0xAA0] =	vst v34  }
0xc2: {  	v39 =	vld [tilespmem:$0xB20];
	vm9 =	vlt.s32 v29, $0xC8;
	v38 =	vnsel vm8, $0xC8, v27;
	[tilespmem:$0xAB0] =	vst v36  }
0xc3: {  	v41 =	vld [tilespmem:$0xB30];
	vm10 =	vlt.s32 v31, $0xC8;
	v40 =	vnsel vm9, $0xC8, v29;
	[tilespmem:$0xAC0] =	vst v38  }
0xc4: {  	v43 =	vld [tilespmem:$0xB40];
	vm11 =	vlt.s32 v33, $0xC8;
	v42 =	vnsel vm10, $0xC8, v31;
	[tilespmem:$0xAD0] =	vst v40  }
0xc5: {  	v45 =	vld [tilespmem:$0xB50];
	vm12 =	vlt.s32 v35, $0xC8;
	v44 =	vnsel vm11, $0xC8, v33;
	[tilespmem:$0xAE0] =	vst v42  }
0xc6: {  	v47 =	vld [tilespmem:$0xB60];
	vm13 =	vlt.s32 v37, $0xC8;
	v46 =	vnsel vm12, $0xC8, v35;
	[tilespmem:$0xAF0] =	vst v44  }
0xc7: {  	v49 =	vld [tilespmem:$0xB70];
	vm14 =	vlt.s32 v39, $0xC8;
	v48 =	vnsel vm13, $0xC8, v37;
	[tilespmem:$0xB00] =	vst v46  }
0xc8: {  	v51 =	vld [tilespmem:$0xB80];
	vm15 =	vlt.s32 v41, $0xC8;
	v50 =	vnsel vm14, $0xC8, v39;
	[tilespmem:$0xB10] =	vst v48  }
0xc9: {  	v53 =	vld [tilespmem:$0xB90];
	vm4 =	vlt.s32 v43, $0xC8;
	v52 =	vnsel vm15, $0xC8, v41;
	[tilespmem:$0xB20] =	vst v50  }
0xca: {  	v55 =	vld [tilespmem:$0xBA0];
	v54 =	vnsel vm4, $0xC8, v43;
	vm5 =	vlt.s32 v45, $0xC8;
	[tilespmem:$0xB30] =	vst v52  }
0xcb: {  	v57 =	vld [tilespmem:$0xBB0];
	vm6 =	vlt.s32 v47, $0xC8;
	[tilespmem:$0xB40] =	vst v54;
	v56 =	vnsel vm5, $0xC8, v45  }
0xcc: {  	v59 =	vld [tilespmem:$0xBC0];
	vm7 =	vlt.s32 v49, $0xC8;
	v58 =	vnsel vm6, $0xC8, v47;
	[tilespmem:$0xB50] =	vst v56  }
0xcd: {  	v61 =	vld [tilespmem:$0xBD0];
	vm8 =	vlt.s32 v51, $0xC8;
	v60 =	vnsel vm7, $0xC8, v49;
	[tilespmem:$0xB60] =	vst v58  }
0xce: {  	v63 =	vld [tilespmem:$0xBE0];
	vm9 =	vlt.s32 v53, $0xC8;
	v62 =	vnsel vm8, $0xC8, v51;
	[tilespmem:$0xB70] =	vst v60  }
0xcf: {  	v10 =	vld [tilespmem:$0xBF0];
	vm10 =	vlt.s32 v55, $0xC8;
	v9 =	vnsel vm9, $0xC8, v53;
	[tilespmem:$0xB80] =	vst v62  }
0xd0: {  	v12 =	vld [tilespmem:$0xC00];
	vm11 =	vlt.s32 v57, $0xC8;
	v11 =	vnsel vm10, $0xC8, v55;
	[tilespmem:$0xB90] =	vst v9  }
0xd1: {  	v14 =	vld [tilespmem:$0xC10];
	vm12 =	vlt.s32 v59, $0xC8;
	v13 =	vnsel vm11, $0xC8, v57;
	[tilespmem:$0xBA0] =	vst v11  }
0xd2: {  	v16 =	vld [tilespmem:$0xC20];
	vm13 =	vlt.s32 v61, $0xC8;
	v15 =	vnsel vm12, $0xC8, v59;
	[tilespmem:$0xBB0] =	vst v13  }
0xd3: {  	v18 =	vld [tilespmem:$0xC30];
	vm14 =	vlt.s32 v63, $0xC8;
	v17 =	vnsel vm13, $0xC8, v61;
	[tilespmem:$0xBC0] =	vst v15  }
0xd4: {  	v20 =	vld [tilespmem:$0xC40];
	v19 =	vnsel vm14, $0xC8, v63;
	vm15 =	vlt.s32 v10, $0xC8;
	[tilespmem:$0xBD0] =	vst v17  }
0xd5: {  	v22 =	vld [tilespmem:$0xC50];
	vm4 =	vlt.s32 v12, $0xC8;
	[tilespmem:$0xBE0] =	vst v19;
	v21 =	vnsel vm15, $0xC8, v10  }
0xd6: {  	v24 =	vld [tilespmem:$0xC60];
	vm5 =	vlt.s32 v14, $0xC8;
	v23 =	vnsel vm4, $0xC8, v12;
	[tilespmem:$0xBF0] =	vst v21  }
0xd7: {  	v26 =	vld [tilespmem:$0xC70];
	vm6 =	vlt.s32 v16, $0xC8;
	v25 =	vnsel vm5, $0xC8, v14;
	[tilespmem:$0xC00] =	vst v23  }
0xd8: {  	vm7 =	vlt.s32 v18, $0xC8;
	v27 =	vnsel vm6, $0xC8, v16;
	[tilespmem:$0xC10] =	vst v25  }
0xd9: {  	v28 =	vnsel vm7, $0xC8, v18;
	[tilespmem:$0xC20] =	vst v27;
	vm8 =	vlt.s32 v20, $0xC8  }
0xda: {  	[tilespmem:$0xC30] =	vst v28;
	vm9 =	vlt.s32 v22, $0xC8;
	v29 =	vnsel vm8, $0xC8, v20  }
0xdb: {  	vm10 =	vlt.s32 v24, $0xC8;
	v30 =	vnsel vm9, $0xC8, v22;
	[tilespmem:$0xC40] =	vst v29  }
0xdc: {  	vm11 =	vlt.s32 v26, $0xC8;
	v31 =	vnsel vm10, $0xC8, v24;
	[tilespmem:$0xC50] =	vst v30  }
0xdd: {  	v32 =	vnsel vm11, $0xC8, v26;
	[tilespmem:$0xC60] =	vst v31  }
0xde: {  	[tilespmem:$0xC70] =	vst v32  }
0xdf: {  	[tilespmem:s19], [sflag:$0x1] =	stream.indirect.gather [hbm4b:s4+s17], $0x40, s3, s17, $0xb8;
	[tilespmem:$0x19FA8] =	vst v63  }
0xe0: {  	_ =	swait.ge [sflag:s20], $0x19000  }
0xe1: {  	[sflag:s20] =	ssyncset.done $0x0  }
0xe2: {  	[sflag:s20] =	ssyncadd.s32 $0xFFFE7000  }
0xe3: {  	[tilespmem:s19], [sflag:$0x2] =	stream.indirect.gather.add.f32 [spmem:s2], $0x40, s17, s17, $0xb8;
	[tilespmem:$0x19FA8] =	vst v63  }
0xe4: {  	_ =	swait.ge [sflag:s21], $0x19000  }
0xe5: {  	[sflag:s21] =	ssyncset.done $0x0  }
0xe6: {  	[sflag:s21] =	ssyncadd.s32 $0xFFFE7000  }
0xe7: {  	[hbm4b:s7+s3] =	stream.linear.scatter [tilespmem:s19], [sflag:$0x3], $0x19000, $0x38;
	[tilespmem:$0x19FA8] =	vst v63  }
0xe8: {  	_ =	swait.ge [sflag:s16], $0x19000  }
0xe9: {  	[sflag:s16] =	ssyncset.done $0x0  }
0xea: {  	[sflag:s16] =	ssyncadd.s32 $0xFFFE7000  }
0xeb: {  	[tilespmem:s3], [sflag:$0x3] =	stream.linear.gather [hbm4b:s8+s3], $0x640, $0x38;
	[tilespmem:$0x19FA8] =	vst v63  }
0xec: {  	_ =	swait.ge [sflag:s16], $0x640  }
0xed: {  	[sflag:s16] =	ssyncset.done $0x0  }
0xee: {  	[sflag:s16] =	ssyncadd.s32 $0xFFFFF9C0  }
0xef: {  	[tilespmem:s17], [sflag:$0x3] =	stream.linear.gather [hbm4b:s9+s3], $0x640, $0x38;
	[tilespmem:$0x19FA8] =	vst v63  }
0xf0: {  	_ =	swait.ge [sflag:s16], $0x640  }
0xf1: {  	[sflag:s16] =	ssyncset.done $0x0  }
0xf2: {  	[sflag:s16] =	ssyncadd.s32 $0xFFFFF9C0  }
0xf3: {  	v33 =	vld [tilespmem:$0x640]  }
0xf4: {  	v34 =	vld [tilespmem:$0x650]  }
0xf5: {  	v35 =	vld [tilespmem:$0x660]  }
0xf6: {  	v36 =	vld [tilespmem:$0x670]  }
0xf7: {  	v37 =	vld [tilespmem:$0x680]  }
0xf8: {  	v38 =	vld [tilespmem:$0x690];
	vm12 =	vlt.s32 v33, $0xC8  }
0xf9: {  	v39 =	vld [tilespmem:$0x6A0];
	vm13 =	vlt.s32 v34, $0xC8;
	v0 =	vnsel vm12, $0xC8, v33  }
0xfa: {  	v41 =	vld [tilespmem:$0x6B0];
	vm14 =	vlt.s32 v35, $0xC8;
	v40 =	vnsel vm13, $0xC8, v34;
	[tilespmem:$0x640] =	vst v0  }
0xfb: {  	v43 =	vld [tilespmem:$0x6C0];
	vm15 =	vlt.s32 v36, $0xC8;
	v42 =	vnsel vm14, $0xC8, v35;
	[tilespmem:$0x650] =	vst v40  }
0xfc: {  	v45 =	vld [tilespmem:$0x6D0];
	vm4 =	vlt.s32 v37, $0xC8;
	v44 =	vnsel vm15, $0xC8, v36;
	[tilespmem:$0x660] =	vst v42  }
0xfd: {  	v47 =	vld [tilespmem:$0x6E0];
	vm5 =	vlt.s32 v38, $0xC8;
	v46 =	vnsel vm4, $0xC8, v37;
	[tilespmem:$0x670] =	vst v44  }
0xfe: {  	v49 =	vld [tilespmem:$0x6F0];
	vm6 =	vlt.s32 v39, $0xC8;
	v48 =	vnsel vm5, $0xC8, v38;
	[tilespmem:$0x680] =	vst v46  }
0xff: {  	v51 =	vld [tilespmem:$0x700];
	vm7 =	vlt.s32 v41, $0xC8;
	v50 =	vnsel vm6, $0xC8, v39;
	[tilespmem:$0x690] =	vst v48  }
0x100: {  	v53 =	vld [tilespmem:$0x710];
	vm8 =	vlt.s32 v43, $0xC8;
	v52 =	vnsel vm7, $0xC8, v41;
	[tilespmem:$0x6A0] =	vst v50  }
0x101: {  	v55 =	vld [tilespmem:$0x720];
	vm9 =	vlt.s32 v45, $0xC8;
	v54 =	vnsel vm8, $0xC8, v43;
	[tilespmem:$0x6B0] =	vst v52  }
0x102: {  	v57 =	vld [tilespmem:$0x730];
	vm10 =	vlt.s32 v47, $0xC8;
	v56 =	vnsel vm9, $0xC8, v45;
	[tilespmem:$0x6C0] =	vst v54  }
0x103: {  	v59 =	vld [tilespmem:$0x740];
	vm11 =	vlt.s32 v49, $0xC8;
	v58 =	vnsel vm10, $0xC8, v47;
	[tilespmem:$0x6D0] =	vst v56  }
0x104: {  	v61 =	vld [tilespmem:$0x750];
	v60 =	vnsel vm11, $0xC8, v49;
	vm12 =	vlt.s32 v51, $0xC8;
	[tilespmem:$0x6E0] =	vst v58  }
0x105: {  	v63 =	vld [tilespmem:$0x760];
	vm13 =	vlt.s32 v53, $0xC8;
	[tilespmem:$0x6F0] =	vst v60;
	v62 =	vnsel vm12, $0xC8, v51  }
0x106: {  	v9 =	vld [tilespmem:$0x770];
	vm14 =	vlt.s32 v55, $0xC8;
	v8 =	vnsel vm13, $0xC8, v53;
	[tilespmem:$0x700] =	vst v62  }
0x107: {  	v11 =	vld [tilespmem:$0x780];
	vm15 =	vlt.s32 v57, $0xC8;
	v10 =	vnsel vm14, $0xC8, v55;
	[tilespmem:$0x710] =	vst v8  }
0x108: {  	v13 =	vld [tilespmem:$0x790];
	vm4 =	vlt.s32 v59, $0xC8;
	v12 =	vnsel vm15, $0xC8, v57;
	[tilespmem:$0x720] =	vst v10  }
0x109: {  	v15 =	vld [tilespmem:$0x7A0];
	vm5 =	vlt.s32 v61, $0xC8;
	v14 =	vnsel vm4, $0xC8, v59;
	[tilespmem:$0x730] =	vst v12  }
0x10a: {  	v17 =	vld [tilespmem:$0x7B0];
	vm6 =	vlt.s32 v63, $0xC8;
	v16 =	vnsel vm5, $0xC8, v61;
	[tilespmem:$0x740] =	vst v14  }
0x10b: {  	v19 =	vld [tilespmem:$0x7C0];
	vm7 =	vlt.s32 v9, $0xC8;
	v18 =	vnsel vm6, $0xC8, v63;
	[tilespmem:$0x750] =	vst v16  }
0x10c: {  	v21 =	vld [tilespmem:$0x7D0];
	vm8 =	vlt.s32 v11, $0xC8;
	v20 =	vnsel vm7, $0xC8, v9;
	[tilespmem:$0x760] =	vst v18  }
0x10d: {  	v23 =	vld [tilespmem:$0x7E0];
	vm9 =	vlt.s32 v13, $0xC8;
	v22 =	vnsel vm8, $0xC8, v11;
	[tilespmem:$0x770] =	vst v20  }
0x10e: {  	v25 =	vld [tilespmem:$0x7F0];
	vm10 =	vlt.s32 v15, $0xC8;
	v24 =	vnsel vm9, $0xC8, v13;
	[tilespmem:$0x780] =	vst v22  }
0x10f: {  	v27 =	vld [tilespmem:$0x800];
	vm11 =	vlt.s32 v17, $0xC8;
	v26 =	vnsel vm10, $0xC8, v15;
	[tilespmem:$0x790] =	vst v24  }
0x110: {  	v29 =	vld [tilespmem:$0x810];
	v28 =	vnsel vm11, $0xC8, v17;
	vm12 =	vlt.s32 v19, $0xC8;
	[tilespmem:$0x7A0] =	vst v26  }
0x111: {  	v31 =	vld [tilespmem:$0x820];
	vm13 =	vlt.s32 v21, $0xC8;
	[tilespmem:$0x7B0] =	vst v28;
	v30 =	vnsel vm12, $0xC8, v19  }
0x112: {  	v33 =	vld [tilespmem:$0x830];
	vm14 =	vlt.s32 v23, $0xC8;
	v32 =	vnsel vm13, $0xC8, v21;
	[tilespmem:$0x7C0] =	vst v30  }
0x113: {  	v35 =	vld [tilespmem:$0x840];
	vm15 =	vlt.s32 v25, $0xC8;
	v34 =	vnsel vm14, $0xC8, v23;
	[tilespmem:$0x7D0] =	vst v32  }
0x114: {  	v37 =	vld [tilespmem:$0x850];
	vm4 =	vlt.s32 v27, $0xC8;
	v36 =	vnsel vm15, $0xC8, v25;
	[tilespmem:$0x7E0] =	vst v34  }
0x115: {  	v39 =	vld [tilespmem:$0x860];
	vm5 =	vlt.s32 v29, $0xC8;
	v38 =	vnsel vm4, $0xC8, v27;
	[tilespmem:$0x7F0] =	vst v36  }
0x116: {  	v41 =	vld [tilespmem:$0x870];
	vm6 =	vlt.s32 v31, $0xC8;
	v40 =	vnsel vm5, $0xC8, v29;
	[tilespmem:$0x800] =	vst v38  }
0x117: {  	v43 =	vld [tilespmem:$0x880];
	v42 =	vnsel vm6, $0xC8, v31;
	[tilespmem:$0x810] =	vst v40;
	vm7 =	vlt.s32 v33, $0xC8  }
0x118: {  	v45 =	vld [tilespmem:$0x890];
	[tilespmem:$0x820] =	vst v42;
	vm8 =	vlt.s32 v35, $0xC8;
	v44 =	vnsel vm7, $0xC8, v33  }
0x119: {  	v47 =	vld [tilespmem:$0x8A0];
	vm9 =	vlt.s32 v37, $0xC8;
	v46 =	vnsel vm8, $0xC8, v35;
	[tilespmem:$0x830] =	vst v44  }
0x11a: {  	v49 =	vld [tilespmem:$0x8B0];
	vm10 =	vlt.s32 v39, $0xC8;
	v48 =	vnsel vm9, $0xC8, v37;
	[tilespmem:$0x840] =	vst v46  }
0x11b: {  	v51 =	vld [tilespmem:$0x8C0];
	vm11 =	vlt.s32 v41, $0xC8;
	v50 =	vnsel vm10, $0xC8, v39;
	[tilespmem:$0x850] =	vst v48  }
0x11c: {  	v53 =	vld [tilespmem:$0x8D0];
	vm12 =	vlt.s32 v43, $0xC8;
	v52 =	vnsel vm11, $0xC8, v41;
	[tilespmem:$0x860] =	vst v50  }
0x11d: {  	v55 =	vld [tilespmem:$0x8E0];
	vm13 =	vlt.s32 v45, $0xC8;
	v54 =	vnsel vm12, $0xC8, v43;
	[tilespmem:$0x870] =	vst v52  }
0x11e: {  	v57 =	vld [tilespmem:$0x8F0];
	vm14 =	vlt.s32 v47, $0xC8;
	v56 =	vnsel vm13, $0xC8, v45;
	[tilespmem:$0x880] =	vst v54  }
0x11f: {  	v59 =	vld [tilespmem:$0x900];
	vm15 =	vlt.s32 v49, $0xC8;
	v58 =	vnsel vm14, $0xC8, v47;
	[tilespmem:$0x890] =	vst v56  }
0x120: {  	v61 =	vld [tilespmem:$0x910];
	v60 =	vnsel vm15, $0xC8, v49;
	vm4 =	vlt.s32 v51, $0xC8;
	[tilespmem:$0x8A0] =	vst v58  }
0x121: {  	v63 =	vld [tilespmem:$0x920];
	vm5 =	vlt.s32 v53, $0xC8;
	[tilespmem:$0x8B0] =	vst v60;
	v62 =	vnsel vm4, $0xC8, v51  }
0x122: {  	v9 =	vld [tilespmem:$0x930];
	vm6 =	vlt.s32 v55, $0xC8;
	v8 =	vnsel vm5, $0xC8, v53;
	[tilespmem:$0x8C0] =	vst v62  }
0x123: {  	v11 =	vld [tilespmem:$0x940];
	vm7 =	vlt.s32 v57, $0xC8;
	v10 =	vnsel vm6, $0xC8, v55;
	[tilespmem:$0x8D0] =	vst v8  }
0x124: {  	v13 =	vld [tilespmem:$0x950];
	vm8 =	vlt.s32 v59, $0xC8;
	v12 =	vnsel vm7, $0xC8, v57;
	[tilespmem:$0x8E0] =	vst v10  }
0x125: {  	v15 =	vld [tilespmem:$0x960];
	vm9 =	vlt.s32 v61, $0xC8;
	v14 =	vnsel vm8, $0xC8, v59;
	[tilespmem:$0x8F0] =	vst v12  }
0x126: {  	v17 =	vld [tilespmem:$0x970];
	vm10 =	vlt.s32 v63, $0xC8;
	v16 =	vnsel vm9, $0xC8, v61;
	[tilespmem:$0x900] =	vst v14  }
0x127: {  	v19 =	vld [tilespmem:$0x980];
	vm11 =	vlt.s32 v9, $0xC8;
	v18 =	vnsel vm10, $0xC8, v63;
	[tilespmem:$0x910] =	vst v16  }
0x128: {  	v21 =	vld [tilespmem:$0x990];
	vm12 =	vlt.s32 v11, $0xC8;
	v20 =	vnsel vm11, $0xC8, v9;
	[tilespmem:$0x920] =	vst v18  }
0x129: {  	v23 =	vld [tilespmem:$0x9A0];
	vm13 =	vlt.s32 v13, $0xC8;
	v22 =	vnsel vm12, $0xC8, v11;
	[tilespmem:$0x930] =	vst v20  }
0x12a: {  	v25 =	vld [tilespmem:$0x9B0];
	vm14 =	vlt.s32 v15, $0xC8;
	v24 =	vnsel vm13, $0xC8, v13;
	[tilespmem:$0x940] =	vst v22  }
0x12b: {  	v27 =	vld [tilespmem:$0x9C0];
	vm15 =	vlt.s32 v17, $0xC8;
	v26 =	vnsel vm14, $0xC8, v15;
	[tilespmem:$0x950] =	vst v24  }
0x12c: {  	v29 =	vld [tilespmem:$0x9D0];
	v28 =	vnsel vm15, $0xC8, v17;
	vm4 =	vlt.s32 v19, $0xC8;
	[tilespmem:$0x960] =	vst v26  }
0x12d: {  	v31 =	vld [tilespmem:$0x9E0];
	vm5 =	vlt.s32 v21, $0xC8;
	[tilespmem:$0x970] =	vst v28;
	v30 =	vnsel vm4, $0xC8, v19  }
0x12e: {  	v33 =	vld [tilespmem:$0x9F0];
	vm6 =	vlt.s32 v23, $0xC8;
	v32 =	vnsel vm5, $0xC8, v21;
	[tilespmem:$0x980] =	vst v30  }
0x12f: {  	v35 =	vld [tilespmem:$0xA00];
	vm7 =	vlt.s32 v25, $0xC8;
	v34 =	vnsel vm6, $0xC8, v23;
	[tilespmem:$0x990] =	vst v32  }
0x130: {  	v37 =	vld [tilespmem:$0xA10];
	vm8 =	vlt.s32 v27, $0xC8;
	v36 =	vnsel vm7, $0xC8, v25;
	[tilespmem:$0x9A0] =	vst v34  }
0x131: {  	v39 =	vld [tilespmem:$0xA20];
	vm9 =	vlt.s32 v29, $0xC8;
	v38 =	vnsel vm8, $0xC8, v27;
	[tilespmem:$0x9B0] =	vst v36  }
0x132: {  	v41 =	vld [tilespmem:$0xA30];
	vm10 =	vlt.s32 v31, $0xC8;
	v40 =	vnsel vm9, $0xC8, v29;
	[tilespmem:$0x9C0] =	vst v38  }
0x133: {  	v43 =	vld [tilespmem:$0xA40];
	v42 =	vnsel vm10, $0xC8, v31;
	[tilespmem:$0x9D0] =	vst v40;
	vm11 =	vlt.s32 v33, $0xC8  }
0x134: {  	v45 =	vld [tilespmem:$0xA50];
	[tilespmem:$0x9E0] =	vst v42;
	vm12 =	vlt.s32 v35, $0xC8;
	v44 =	vnsel vm11, $0xC8, v33  }
0x135: {  	v47 =	vld [tilespmem:$0xA60];
	vm13 =	vlt.s32 v37, $0xC8;
	v46 =	vnsel vm12, $0xC8, v35;
	[tilespmem:$0x9F0] =	vst v44  }
0x136: {  	v49 =	vld [tilespmem:$0xA70];
	vm14 =	vlt.s32 v39, $0xC8;
	v48 =	vnsel vm13, $0xC8, v37;
	[tilespmem:$0xA00] =	vst v46  }
0x137: {  	v51 =	vld [tilespmem:$0xA80];
	vm15 =	vlt.s32 v41, $0xC8;
	v50 =	vnsel vm14, $0xC8, v39;
	[tilespmem:$0xA10] =	vst v48  }
0x138: {  	v53 =	vld [tilespmem:$0xA90];
	vm4 =	vlt.s32 v43, $0xC8;
	v52 =	vnsel vm15, $0xC8, v41;
	[tilespmem:$0xA20] =	vst v50  }
0x139: {  	v55 =	vld [tilespmem:$0xAA0];
	vm5 =	vlt.s32 v45, $0xC8;
	v54 =	vnsel vm4, $0xC8, v43;
	[tilespmem:$0xA30] =	vst v52  }
0x13a: {  	v57 =	vld [tilespmem:$0xAB0];
	vm6 =	vlt.s32 v47, $0xC8;
	v56 =	vnsel vm5, $0xC8, v45;
	[tilespmem:$0xA40] =	vst v54  }
0x13b: {  	v59 =	vld [tilespmem:$0xAC0];
	vm7 =	vlt.s32 v49, $0xC8;
	v58 =	vnsel vm6, $0xC8, v47;
	[tilespmem:$0xA50] =	vst v56  }
0x13c: {  	v61 =	vld [tilespmem:$0xAD0];
	v60 =	vnsel vm7, $0xC8, v49;
	vm8 =	vlt.s32 v51, $0xC8;
	[tilespmem:$0xA60] =	vst v58  }
0x13d: {  	v63 =	vld [tilespmem:$0xAE0];
	vm9 =	vlt.s32 v53, $0xC8;
	[tilespmem:$0xA70] =	vst v60;
	v62 =	vnsel vm8, $0xC8, v51  }
0x13e: {  	v9 =	vld [tilespmem:$0xAF0];
	vm10 =	vlt.s32 v55, $0xC8;
	v8 =	vnsel vm9, $0xC8, v53;
	[tilespmem:$0xA80] =	vst v62  }
0x13f: {  	v11 =	vld [tilespmem:$0xB00];
	vm11 =	vlt.s32 v57, $0xC8;
	v10 =	vnsel vm10, $0xC8, v55;
	[tilespmem:$0xA90] =	vst v8  }
0x140: {  	v13 =	vld [tilespmem:$0xB10];
	vm12 =	vlt.s32 v59, $0xC8;
	v12 =	vnsel vm11, $0xC8, v57;
	[tilespmem:$0xAA0] =	vst v10  }
0x141: {  	v15 =	vld [tilespmem:$0xB20];
	vm13 =	vlt.s32 v61, $0xC8;
	v14 =	vnsel vm12, $0xC8, v59;
	[tilespmem:$0xAB0] =	vst v12  }
0x142: {  	v17 =	vld [tilespmem:$0xB30];
	vm14 =	vlt.s32 v63, $0xC8;
	v16 =	vnsel vm13, $0xC8, v61;
	[tilespmem:$0xAC0] =	vst v14  }
0x143: {  	v19 =	vld [tilespmem:$0xB40];
	vm15 =	vlt.s32 v9, $0xC8;
	v18 =	vnsel vm14, $0xC8, v63;
	[tilespmem:$0xAD0] =	vst v16  }
0x144: {  	v21 =	vld [tilespmem:$0xB50];
	vm4 =	vlt.s32 v11, $0xC8;
	v20 =	vnsel vm15, $0xC8, v9;
	[tilespmem:$0xAE0] =	vst v18  }
0x145: {  	v23 =	vld [tilespmem:$0xB60];
	vm5 =	vlt.s32 v13, $0xC8;
	v22 =	vnsel vm4, $0xC8, v11;
	[tilespmem:$0xAF0] =	vst v20  }
0x146: {  	v25 =	vld [tilespmem:$0xB70];
	vm6 =	vlt.s32 v15, $0xC8;
	v24 =	vnsel vm5, $0xC8, v13;
	[tilespmem:$0xB00] =	vst v22  }
0x147: {  	v27 =	vld [tilespmem:$0xB80];
	vm7 =	vlt.s32 v17, $0xC8;
	v26 =	vnsel vm6, $0xC8, v15;
	[tilespmem:$0xB10] =	vst v24  }
0x148: {  	v29 =	vld [tilespmem:$0xB90];
	v28 =	vnsel vm7, $0xC8, v17;
	vm8 =	vlt.s32 v19, $0xC8;
	[tilespmem:$0xB20] =	vst v26  }
0x149: {  	v31 =	vld [tilespmem:$0xBA0];
	vm9 =	vlt.s32 v21, $0xC8;
	[tilespmem:$0xB30] =	vst v28;
	v30 =	vnsel vm8, $0xC8, v19  }
0x14a: {  	v33 =	vld [tilespmem:$0xBB0];
	vm10 =	vlt.s32 v23, $0xC8;
	v32 =	vnsel vm9, $0xC8, v21;
	[tilespmem:$0xB40] =	vst v30  }
0x14b: {  	v35 =	vld [tilespmem:$0xBC0];
	vm11 =	vlt.s32 v25, $0xC8;
	v34 =	vnsel vm10, $0xC8, v23;
	[tilespmem:$0xB50] =	vst v32  }
0x14c: {  	v37 =	vld [tilespmem:$0xBD0];
	vm12 =	vlt.s32 v27, $0xC8;
	v36 =	vnsel vm11, $0xC8, v25;
	[tilespmem:$0xB60] =	vst v34  }
0x14d: {  	v39 =	vld [tilespmem:$0xBE0];
	vm13 =	vlt.s32 v29, $0xC8;
	v38 =	vnsel vm12, $0xC8, v27;
	[tilespmem:$0xB70] =	vst v36  }
0x14e: {  	v41 =	vld [tilespmem:$0xBF0];
	vm14 =	vlt.s32 v31, $0xC8;
	v40 =	vnsel vm13, $0xC8, v29;
	[tilespmem:$0xB80] =	vst v38  }
0x14f: {  	v43 =	vld [tilespmem:$0xC00];
	v42 =	vnsel vm14, $0xC8, v31;
	[tilespmem:$0xB90] =	vst v40;
	vm15 =	vlt.s32 v33, $0xC8  }
0x150: {  	v45 =	vld [tilespmem:$0xC10];
	[tilespmem:$0xBA0] =	vst v42;
	vm4 =	vlt.s32 v35, $0xC8;
	v44 =	vnsel vm15, $0xC8, v33  }
0x151: {  	v47 =	vld [tilespmem:$0xC20];
	vm5 =	vlt.s32 v37, $0xC8;
	v46 =	vnsel vm4, $0xC8, v35;
	[tilespmem:$0xBB0] =	vst v44  }
0x152: {  	v49 =	vld [tilespmem:$0xC30];
	vm6 =	vlt.s32 v39, $0xC8;
	v48 =	vnsel vm5, $0xC8, v37;
	[tilespmem:$0xBC0] =	vst v46  }
0x153: {  	v51 =	vld [tilespmem:$0xC40];
	vm7 =	vlt.s32 v41, $0xC8;
	v50 =	vnsel vm6, $0xC8, v39;
	[tilespmem:$0xBD0] =	vst v48  }
0x154: {  	v53 =	vld [tilespmem:$0xC50];
	vm8 =	vlt.s32 v43, $0xC8;
	v52 =	vnsel vm7, $0xC8, v41;
	[tilespmem:$0xBE0] =	vst v50  }
0x155: {  	v55 =	vld [tilespmem:$0xC60];
	vm9 =	vlt.s32 v45, $0xC8;
	v54 =	vnsel vm8, $0xC8, v43;
	[tilespmem:$0xBF0] =	vst v52  }
0x156: {  	v57 =	vld [tilespmem:$0xC70];
	vm10 =	vlt.s32 v47, $0xC8;
	v56 =	vnsel vm9, $0xC8, v45;
	[tilespmem:$0xC00] =	vst v54  }
0x157: {  	vm11 =	vlt.s32 v49, $0xC8;
	v58 =	vnsel vm10, $0xC8, v47;
	[tilespmem:$0xC10] =	vst v56  }
0x158: {  	v59 =	vnsel vm11, $0xC8, v49;
	vm12 =	vlt.s32 v51, $0xC8;
	[tilespmem:$0xC20] =	vst v58  }
0x159: {  	vm13 =	vlt.s32 v53, $0xC8;
	[tilespmem:$0xC30] =	vst v59;
	v60 =	vnsel vm12, $0xC8, v51  }
0x15a: {  	vm14 =	vlt.s32 v55, $0xC8;
	v61 =	vnsel vm13, $0xC8, v53;
	[tilespmem:$0xC40] =	vst v60  }
0x15b: {  	vm15 =	vlt.s32 v57, $0xC8;
	v62 =	vnsel vm14, $0xC8, v55;
	[tilespmem:$0xC50] =	vst v61  }
0x15c: {  	v63 =	vnsel vm15, $0xC8, v57;
	[tilespmem:$0xC60] =	vst v62  }
0x15d: {  	[tilespmem:$0xC70] =	vst v63  }
0x15e: {  	[tilespmem:s19], [sflag:$0x1] =	stream.indirect.gather [hbm4b:s4+s17], $0x40, s3, s17, $0xb8;
	[tilespmem:$0x19FA8] =	vst v63  }
0x15f: {  	_ =	swait.ge [sflag:s20], $0x19000  }
0x160: {  	[sflag:s20] =	ssyncset.done $0x0  }
0x161: {  	[sflag:s20] =	ssyncadd.s32 $0xFFFE7000  }
0x162: {  	[tilespmem:s19], [sflag:$0x2] =	stream.indirect.gather.add.f32 [spmem:s2], $0x40, s17, s17, $0xb8;
	[tilespmem:$0x19FA8] =	vst v63  }
0x163: {  	_ =	swait.ge [sflag:s21], $0x19000  }
0x164: {  	[sflag:s21] =	ssyncset.done $0x0  }
.Ltmp3:
0x165: {  	[sflag:s21] =	ssyncadd.s32 $0xFFFE7000;
	(pc) =	sbr.rel .LBB2_4-.Ltmp3, $4  }
0x166: {  	[hbm4b:s10+s3] =	stream.linear.scatter [tilespmem:s19], [sflag:$0x3], $0x19000, $0x38;
	[tilespmem:$0x19FA8] =	vst v63  }
0x167: {  	_ =	swait.ge [sflag:s16], $0x19000  }
0x168: {  	[sflag:s16] =	ssyncset.done $0x0  }
0x169: {  	[sflag:s16] =	ssyncadd.s32 $0xFFFE7000  }
.LBB2_5:
0x16a: {  	_ =	sfence.sel $0x180000  }
0x16b: {  	[bflag:$0x0] =	sbarrier.arrive $0xFFFF  }
0x16c: {  	_ =	strace $0x90000047  }
0x16d: {  	s0 =	sadd.s32 @!p0 $0x100000, s0;
	[bflag:$0x2] =	sbarrier.arrive $0xFFFF  }
0x16e: {  	[sflag:s0] =	ssyncadd.tile.s32 @!p0 $0x1;
	_ =	shalt  }
.Lfunc_end2:
_tile_overlayer_lowered:
.L_overlay_start_2:
0x16f: {  	(tag) =	ssettag $0x2  }
0x170: {  	s0 =	rddreg [dreg:$0x0];
	s2 =	stileid.u32  }
0x171: {  	s1 =	rddreg [dreg:$0x1];
	p0 =	sne.s32 s2, $0x0  }
0x172: {  	s3 =	rddreg [dreg:$0x2];
	[bflag:$0x3] =	sbarrier.arrive $0xFFFF;
	s2 =	simm.s32 @!p0 $0x1C03  }
0x173: {  	[timem:s3], [sflag:s2] =	dma.local @!p0 [hbm:s0], s1  }
0x174: {  	s0 =	simm.s32 @!p0 $0x3  }
0x175: {  	_ =	swait.ge @!p0 [sflag:s0], s1  }
0x176: {  	s1 =	ssub.s32 @!p0 $0x0, s1;
	[sflag:s0] =	ssyncset.done @!p0 $0x0  }
0x177: {  	[sflag:s0] =	ssyncadd.s32 @!p0 s1  }
0x178: {  	[bflag:$0x3] =	sbarrier.arrive $0xFFFF  }
0x179: {  	_ =	shalt  }

</sc_bundles>
